<compile_context>
chip_gen: v7x
topology: tpu7x:2x2x1
jax: 0.10.2.dev20260603
libtpu: 0.0.44.dev20260713+nightly
codegen_flags: <defaults>
</compile_context>

<pallas_src>
import functools

import jax
import jax.numpy as jnp
from jax import lax
from jax.experimental import pallas as pl
from jax.experimental.pallas import tpu as pltpu
from jax.experimental.pallas import tpu_sc as plsc

BATCH = 16384
EMBED = 64
NUSERS = 100000
LANES = 16
NUM_WORKERS = 32
NCHUNK = BATCH // LANES
UNROLL = 8

SEG_STARTS = (0, 40448, 80896)
SEG_LENS = (40448, 40448, 19104)
SEG_BUF = 40448


def _mf_body(uid_hbm, vid_hbm, utT_hbm, vtT_hbm, part_hbm,
             idbuf, uvals, acc, buf_a, buf_b, sem_a, sem_b):
    wid = lax.axis_index("s") * 2 + lax.axis_index("c")
    iota = lax.iota(jnp.int32, LANES)
    zeros = jnp.zeros((LANES,), jnp.float32)

    def zero_acc(c8, carry):
        for k in range(UNROLL):
            acc[pl.ds((c8 * UNROLL + k) * LANES, LANES)] = zeros
        return carry

    lax.fori_loop(0, NCHUNK // UNROLL, zero_acc, 0)

    bufs = (buf_a, buf_b)
    sems = (sem_a, sem_b)

    for j2 in range(2):
        j = wid * 2 + j2
        for phase in range(2):
            tab = utT_hbm if phase == 0 else vtT_hbm
            ids = uid_hbm if phase == 0 else vid_hbm
            pltpu.sync_copy(ids, idbuf)
            copies = [None, None, None]
            copies[0] = pltpu.async_copy(
                tab.at[j, pl.ds(SEG_STARTS[0], SEG_LENS[0])],
                bufs[0].at[pl.ds(0, SEG_LENS[0])], sems[0])
            for s in range(3):
                copies[s].wait()
                if s < 2:
                    copies[s + 1] = pltpu.async_copy(
                        tab.at[j, pl.ds(SEG_STARTS[s + 1], SEG_LENS[s + 1])],
                        bufs[(s + 1) % 2].at[pl.ds(0, SEG_LENS[s + 1])],
                        sems[(s + 1) % 2])
                buf = bufs[s % 2]
                s0 = SEG_STARTS[s]
                slen = SEG_LENS[s]

                if phase == 0:
                    def chunk(c8, carry, buf=buf, s0=s0, slen=slen):
                        for k in range(UNROLL):
                            c = c8 * UNROLL + k
                            loc = idbuf[pl.ds(c * LANES, LANES)] - s0
                            m = (loc >= 0) & (loc < slen)
                            g = plsc.load_gather(
                                buf, [jnp.where(m, loc, 0)])
                            uv = uvals[pl.ds(c * LANES, LANES)]
                            uvals[pl.ds(c * LANES, LANES)] = (
                                jnp.where(m, g, uv))
                        return carry
                else:
                    def chunk(c8, carry, buf=buf, s0=s0, slen=slen):
                        for k in range(UNROLL):
                            c = c8 * UNROLL + k
                            loc = idbuf[pl.ds(c * LANES, LANES)] - s0
                            m = (loc >= 0) & (loc < slen)
                            g = plsc.load_gather(
                                buf, [jnp.where(m, loc, 0)])
                            uv = uvals[pl.ds(c * LANES, LANES)]
                            a = acc[pl.ds(c * LANES, LANES)]
                            acc[pl.ds(c * LANES, LANES)] = (
                                a + jnp.where(m, g * uv, 0.0))
                        return carry

                lax.fori_loop(0, NCHUNK // UNROLL, chunk, 0)

    pltpu.sync_copy(acc, part_hbm.at[pl.ds(wid * BATCH, BATCH)])


def _reduce_body(part_hbm, out_hbm, rows_v, out_v, sem):
    wid = lax.axis_index("s") * 2 + lax.axis_index("c")
    n = BATCH // NUM_WORKERS
    base = wid * n
    pltpu.async_copy(part_hbm.at[:, pl.ds(base, n)], rows_v, sem).wait()

    def chunk(c, carry):
        a = jnp.zeros((LANES,), jnp.float32)
        for r in range(NUM_WORKERS):
            a = a + rows_v[r, pl.ds(c * LANES, LANES)]
        out_v[pl.ds(c * LANES, LANES)] = a
        return carry

    lax.fori_loop(0, n // LANES, chunk, 0)
    pltpu.sync_copy(out_v, out_hbm.at[pl.ds(base, n)])


@jax.jit
def kernel(user_id, video_id, user_table, video_table):
    uid = user_id.astype(jnp.int32)
    vid = video_id.astype(jnp.int32)
    utT = user_table.T
    vtT = video_table.T
    mesh = plsc.VectorSubcoreMesh(core_axis_name="c", subcore_axis_name="s")
    params = pltpu.CompilerParams(
        needs_layout_passes=False, use_tc_tiling_on_sc=False)

    mf = functools.partial(
        pl.kernel,
        mesh=mesh,
        compiler_params=params,
        out_type=jax.ShapeDtypeStruct((NUM_WORKERS * BATCH,), jnp.float32),
        scratch_types=[
            pltpu.VMEM((BATCH,), jnp.int32),
            pltpu.VMEM((BATCH,), jnp.float32),
            pltpu.VMEM((BATCH,), jnp.float32),
            pltpu.VMEM((SEG_BUF,), jnp.float32),
            pltpu.VMEM((SEG_BUF,), jnp.float32),
            pltpu.SemaphoreType.DMA,
            pltpu.SemaphoreType.DMA,
        ],
    )(_mf_body)
    partials = mf(uid, vid, utT, vtT).reshape(NUM_WORKERS, BATCH)

    red = functools.partial(
        pl.kernel,
        mesh=mesh,
        compiler_params=params,
        out_type=jax.ShapeDtypeStruct((BATCH,), jnp.float32),
        scratch_types=[
            pltpu.VMEM((NUM_WORKERS, BATCH // NUM_WORKERS), jnp.float32),
            pltpu.VMEM((BATCH // NUM_WORKERS,), jnp.float32),
            pltpu.SemaphoreType.DMA,
        ],
    )(_reduce_body)
    return red(partials)

# --- scband reference (transcript-rebuilt; emitter-appended) ---
"""Pipeline reference for scband-implicit-matrix-factorization-73512660238670 (READ-ONLY COPY).

The authoritative reference and input builder live on the scoring server;
editing this copy changes nothing except your own understanding.
"""

import jax, jax.numpy as jnp
import numpy as np

NUM_USERS = 100000
NUM_VIDEOS = 100000
EMBED_DIM = 64
BATCH = 16384

def setup_inputs(seed: int = 0) -> dict:
    key = jax.random.key(seed)
    k1, k2, k3, k4 = jax.random.split(key, 4)
    user_id = jax.random.randint(k1, (BATCH,), 0, NUM_USERS, dtype=jnp.int64 if jax.config.jax_enable_x64 else jnp.int32)
    video_id = jax.random.randint(k2, (BATCH,), 0, NUM_VIDEOS, dtype=jnp.int64 if jax.config.jax_enable_x64 else jnp.int32)
    user_table = jax.random.normal(k3, (NUM_USERS, EMBED_DIM), dtype=jnp.float32)
    video_table = jax.random.normal(k4, (NUM_VIDEOS, EMBED_DIM), dtype=jnp.float32)
    return {"user_id": user_id, "video_id": video_id, "user_table": user_table, "video_table": video_table}

def reference(user_id, video_id, user_table, video_table):
    user_embed = jnp.take(user_table, user_id, axis=0)
    video_embed = jnp.take(video_table, video_id, axis=0)
    interaction = (user_embed * video_embed).sum(axis=-1)
    return interaction

if __name__ == "__main__":
    import jax
    _d = setup_inputs()
    print(jax.jit(kernel)(*tuple(_d.values())))

</pallas_src>

<mosaic_0001>
#map = affine_map<(d0, d1) -> (0)>
#map1 = affine_map<(d0, d1) -> (0, 0)>
module attributes {stable_mosaic.version = 14 : i64} {
  func.func @_mf_body(%arg0: i32, %arg1: i32, %arg2: memref<16384xi32, #tpu.memory_space<hbm>>, %arg3: memref<16384xi32, #tpu.memory_space<hbm>>, %arg4: memref<64x100000xf32, #tpu.memory_space<hbm>>, %arg5: memref<64x100000xf32, #tpu.memory_space<hbm>>, %arg6: memref<524288xf32, #tpu.memory_space<hbm>>, %arg7: memref<16384xi32, #tpu.memory_space<vmem>>, %arg8: memref<16384xf32, #tpu.memory_space<vmem>>, %arg9: memref<16384xf32, #tpu.memory_space<vmem>>, %arg10: memref<40448xf32, #tpu.memory_space<vmem>>, %arg11: memref<40448xf32, #tpu.memory_space<vmem>>, %arg12: memref<!tpu.dma_semaphore, #tpu.memory_space<semaphore_mem>>, %arg13: memref<!tpu.dma_semaphore, #tpu.memory_space<semaphore_mem>>) attributes {dimension_semantics = [#tpu.dimension_semantics<core_parallel>, #tpu.dimension_semantics<subcore_parallel>], iteration_bounds = array<i64: 2, 16>, scalar_prefetch = 0 : i64, scratch_operands = 7 : i64, tpu.core_type = #tpu.core_type<sc_vector_subcore>, window_params = [{transform_indices = #map}, {transform_indices = #map}, {transform_indices = #map1}, {transform_indices = #map1}, {transform_indices = #map}]} {
    %mul3A = arith.constant 2 : i32
    %mul3A_0 = arith.muli %arg1, %mul3A : i32
    %add3A = arith.addi %mul3A_0, %arg0 : i32
    %iota3A = tpu.iota {dimensions = array<i32: 0>} : vector<16xi32>
    %broadcast_in_dim3A = arith.constant 0.000000e+00 : f32
    %broadcast_in_dim3A_1 = vector.broadcast %broadcast_in_dim3A : f32 to vector<16xf32>
    %scan3A = arith.constant 0 : i32
    %scan3A_2 = arith.constant 0 : i32
    %scan3A_3 = arith.constant 128 : i32
    %scan3A_4 = arith.addi %scan3A_2, %scan3A_3 : i32
    %scan3A_5 = arith.constant 1 : i32
    scf.for %scan3A_327 = %scan3A_2 to %scan3A_4 step %scan3A_5  : i32 {
      %mul3A_328 = arith.constant 8 : i32
      %mul3A_329 = arith.muli %scan3A_327, %mul3A_328 : i32
      %add3A_330 = arith.constant 0 : i32
      %add3A_331 = arith.addi %mul3A_329, %add3A_330 : i32
      %mul3A_332 = arith.constant 16 : i32
      %mul3A_333 = arith.muli %add3A_331, %mul3A_332 : i32
      %swap3A = arith.index_cast %mul3A_333 : i32 to index
      %swap3A_334 = tpu.vector_load %arg9[%swap3A] {strides = array<i32>} : memref<16384xf32, #tpu.memory_space<vmem>>, vector<16xf32>,
      tpu.vector_store %arg9[%swap3A], %broadcast_in_dim3A_1 {strides = array<i32>} : memref<16384xf32, #tpu.memory_space<vmem>>, vector<16xf32>,
      %mul3A_335 = arith.constant 8 : i32
      %mul3A_336 = arith.muli %scan3A_327, %mul3A_335 : i32
      %add3A_337 = arith.constant 1 : i32
      %add3A_338 = arith.addi %mul3A_336, %add3A_337 : i32
      %mul3A_339 = arith.constant 16 : i32
      %mul3A_340 = arith.muli %add3A_338, %mul3A_339 : i32
      %swap3A_341 = arith.index_cast %mul3A_340 : i32 to index
      %swap3A_342 = tpu.vector_load %arg9[%swap3A_341] {strides = array<i32>} : memref<16384xf32, #tpu.memory_space<vmem>>, vector<16xf32>,
      tpu.vector_store %arg9[%swap3A_341], %broadcast_in_dim3A_1 {strides = array<i32>} : memref<16384xf32, #tpu.memory_space<vmem>>, vector<16xf32>,
      %mul3A_343 = arith.constant 8 : i32
      %mul3A_344 = arith.muli %scan3A_327, %mul3A_343 : i32
      %add3A_345 = arith.constant 2 : i32
      %add3A_346 = arith.addi %mul3A_344, %add3A_345 : i32
      %mul3A_347 = arith.constant 16 : i32
      %mul3A_348 = arith.muli %add3A_346, %mul3A_347 : i32
      %swap3A_349 = arith.index_cast %mul3A_348 : i32 to index
      %swap3A_350 = tpu.vector_load %arg9[%swap3A_349] {strides = array<i32>} : memref<16384xf32, #tpu.memory_space<vmem>>, vector<16xf32>,
      tpu.vector_store %arg9[%swap3A_349], %broadcast_in_dim3A_1 {strides = array<i32>} : memref<16384xf32, #tpu.memory_space<vmem>>, vector<16xf32>,
      %mul3A_351 = arith.constant 8 : i32
      %mul3A_352 = arith.muli %scan3A_327, %mul3A_351 : i32
      %add3A_353 = arith.constant 3 : i32
      %add3A_354 = arith.addi %mul3A_352, %add3A_353 : i32
      %mul3A_355 = arith.constant 16 : i32
      %mul3A_356 = arith.muli %add3A_354, %mul3A_355 : i32
      %swap3A_357 = arith.index_cast %mul3A_356 : i32 to index
      %swap3A_358 = tpu.vector_load %arg9[%swap3A_357] {strides = array<i32>} : memref<16384xf32, #tpu.memory_space<vmem>>, vector<16xf32>,
      tpu.vector_store %arg9[%swap3A_357], %broadcast_in_dim3A_1 {strides = array<i32>} : memref<16384xf32, #tpu.memory_space<vmem>>, vector<16xf32>,
      %mul3A_359 = arith.constant 8 : i32
      %mul3A_360 = arith.muli %scan3A_327, %mul3A_359 : i32
      %add3A_361 = arith.constant 4 : i32
      %add3A_362 = arith.addi %mul3A_360, %add3A_361 : i32
      %mul3A_363 = arith.constant 16 : i32
      %mul3A_364 = arith.muli %add3A_362, %mul3A_363 : i32
      %swap3A_365 = arith.index_cast %mul3A_364 : i32 to index
      %swap3A_366 = tpu.vector_load %arg9[%swap3A_365] {strides = array<i32>} : memref<16384xf32, #tpu.memory_space<vmem>>, vector<16xf32>,
      tpu.vector_store %arg9[%swap3A_365], %broadcast_in_dim3A_1 {strides = array<i32>} : memref<16384xf32, #tpu.memory_space<vmem>>, vector<16xf32>,
      %mul3A_367 = arith.constant 8 : i32
      %mul3A_368 = arith.muli %scan3A_327, %mul3A_367 : i32
      %add3A_369 = arith.constant 5 : i32
      %add3A_370 = arith.addi %mul3A_368, %add3A_369 : i32
      %mul3A_371 = arith.constant 16 : i32
      %mul3A_372 = arith.muli %add3A_370, %mul3A_371 : i32
      %swap3A_373 = arith.index_cast %mul3A_372 : i32 to index
      %swap3A_374 = tpu.vector_load %arg9[%swap3A_373] {strides = array<i32>} : memref<16384xf32, #tpu.memory_space<vmem>>, vector<16xf32>,
      tpu.vector_store %arg9[%swap3A_373], %broadcast_in_dim3A_1 {strides = array<i32>} : memref<16384xf32, #tpu.memory_space<vmem>>, vector<16xf32>,
      %mul3A_375 = arith.constant 8 : i32
      %mul3A_376 = arith.muli %scan3A_327, %mul3A_375 : i32
      %add3A_377 = arith.constant 6 : i32
      %add3A_378 = arith.addi %mul3A_376, %add3A_377 : i32
      %mul3A_379 = arith.constant 16 : i32
      %mul3A_380 = arith.muli %add3A_378, %mul3A_379 : i32
      %swap3A_381 = arith.index_cast %mul3A_380 : i32 to index
      %swap3A_382 = tpu.vector_load %arg9[%swap3A_381] {strides = array<i32>} : memref<16384xf32, #tpu.memory_space<vmem>>, vector<16xf32>,
      tpu.vector_store %arg9[%swap3A_381], %broadcast_in_dim3A_1 {strides = array<i32>} : memref<16384xf32, #tpu.memory_space<vmem>>, vector<16xf32>,
      %mul3A_383 = arith.constant 8 : i32
      %mul3A_384 = arith.muli %scan3A_327, %mul3A_383 : i32
      %add3A_385 = arith.constant 7 : i32
      %add3A_386 = arith.addi %mul3A_384, %add3A_385 : i32
      %mul3A_387 = arith.constant 16 : i32
      %mul3A_388 = arith.muli %add3A_386, %mul3A_387 : i32
      %swap3A_389 = arith.index_cast %mul3A_388 : i32 to index
      %swap3A_390 = tpu.vector_load %arg9[%swap3A_389] {strides = array<i32>} : memref<16384xf32, #tpu.memory_space<vmem>>, vector<16xf32>,
      tpu.vector_store %arg9[%swap3A_389], %broadcast_in_dim3A_1 {strides = array<i32>} : memref<16384xf32, #tpu.memory_space<vmem>>, vector<16xf32>,
    }
    %scan3A_6 = arith.constant 128 : i32
    %mul3A_7 = arith.constant 2 : i32
    %mul3A_8 = arith.muli %add3A, %mul3A_7 : i32
    %add3A_9 = arith.constant 0 : i32
    %add3A_10 = arith.addi %mul3A_8, %add3A_9 : i32
    "tpu.region"() ({
      %run_scoped3A = tpu.sem_alloc : memref<!tpu.dma_semaphore, #tpu.memory_space<semaphore_mem>>
      tpu.enqueue_dma source(%arg2 : memref<16384xi32, #tpu.memory_space<hbm>>) target(%arg7 : memref<16384xi32, #tpu.memory_space<vmem>>) target_semaphore(%run_scoped3A : memref<!tpu.dma_semaphore, #tpu.memory_space<semaphore_mem>>)
      tpu.wait_dma2 semaphore(%run_scoped3A : memref<!tpu.dma_semaphore, #tpu.memory_space<semaphore_mem>>) src(%arg2 : memref<16384xi32, #tpu.memory_space<hbm>>) dst(%arg7 : memref<16384xi32, #tpu.memory_space<vmem>>)
      tpu.yield
    }) : () -> ()
    %dma_start3A = arith.constant 0 : i32
    %dma_start3A_11 = tpu.memref_slice %arg10[%dma_start3A] : memref<40448xf32, #tpu.memory_space<vmem>> -> memref<40448xf32, #tpu.memory_space<vmem>>
    %dma_start3A_12 = arith.constant 0 : i32
    %dma_start3A_13 = tpu.memref_slice %arg4[%add3A_10, %dma_start3A_12] : memref<64x100000xf32, #tpu.memory_space<hbm>> -> memref<1x40448xf32, #tpu.memory_space<hbm>>
    %dma_start3A_14 = tpu.memref_squeeze %dma_start3A_13 : memref<1x40448xf32, #tpu.memory_space<hbm>> -> memref<40448xf32, #tpu.memory_space<hbm>>
    %dma_start3A_15 = arith.constant 0 : i32
    %dma_start3A_16 = tpu.memref_slice %arg10[%dma_start3A_15] : memref<40448xf32, #tpu.memory_space<vmem>> -> memref<40448xf32, #tpu.memory_space<vmem>>
    %dma_start3A_17 = arith.constant 0 : i32
    %dma_start3A_18 = tpu.memref_slice %arg4[%add3A_10, %dma_start3A_17] : memref<64x100000xf32, #tpu.memory_space<hbm>> -> memref<1x40448xf32, #tpu.memory_space<hbm>>
    %dma_start3A_19 = tpu.memref_squeeze %dma_start3A_18 : memref<1x40448xf32, #tpu.memory_space<hbm>> -> memref<40448xf32, #tpu.memory_space<hbm>>
    tpu.enqueue_dma source(%dma_start3A_19 : memref<40448xf32, #tpu.memory_space<hbm>>) target(%dma_start3A_16 : memref<40448xf32, #tpu.memory_space<vmem>>) target_semaphore(%arg12 : memref<!tpu.dma_semaphore, #tpu.memory_space<semaphore_mem>>)
    %dma_wait3A = arith.constant 0 : i32
    %dma_wait3A_20 = tpu.memref_slice %arg10[%dma_wait3A] : memref<40448xf32, #tpu.memory_space<vmem>> -> memref<40448xf32, #tpu.memory_space<vmem>>
    %dma_wait3A_21 = arith.constant 0 : i32
    %dma_wait3A_22 = tpu.memref_slice %arg4[%add3A_10, %dma_wait3A_21] : memref<64x100000xf32, #tpu.memory_space<hbm>> -> memref<1x40448xf32, #tpu.memory_space<hbm>>
    %dma_wait3A_23 = tpu.memref_squeeze %dma_wait3A_22 : memref<1x40448xf32, #tpu.memory_space<hbm>> -> memref<40448xf32, #tpu.memory_space<hbm>>
    %dma_wait3A_24 = arith.constant 0 : i32
    %dma_wait3A_25 = tpu.memref_slice %arg10[%dma_wait3A_24] : memref<40448xf32, #tpu.memory_space<vmem>> -> memref<40448xf32, #tpu.memory_space<vmem>>
    %dma_wait3A_26 = arith.constant 0 : i32
    %dma_wait3A_27 = tpu.memref_slice %arg4[%add3A_10, %dma_wait3A_26] : memref<64x100000xf32, #tpu.memory_space<hbm>> -> memref<1x40448xf32, #tpu.memory_space<hbm>>
    %dma_wait3A_28 = tpu.memref_squeeze %dma_wait3A_27 : memref<1x40448xf32, #tpu.memory_space<hbm>> -> memref<40448xf32, #tpu.memory_space<hbm>>
    tpu.wait_dma2 semaphore(%arg12 : memref<!tpu.dma_semaphore, #tpu.memory_space<semaphore_mem>>) src(%dma_wait3A_28 : memref<40448xf32, #tpu.memory_space<hbm>>) dst(%dma_wait3A_25 : memref<40448xf32, #tpu.memory_space<vmem>>)
    %dma_start3A_29 = arith.constant 0 : i32
    %dma_start3A_30 = tpu.memref_slice %arg11[%dma_start3A_29] : memref<40448xf32, #tpu.memory_space<vmem>> -> memref<40448xf32, #tpu.memory_space<vmem>>
    %dma_start3A_31 = arith.constant 40448 : i32
    %dma_start3A_32 = tpu.memref_slice %arg4[%add3A_10, %dma_start3A_31] : memref<64x100000xf32, #tpu.memory_space<hbm>> -> memref<1x40448xf32, #tpu.memory_space<hbm>>
    %dma_start3A_33 = tpu.memref_squeeze %dma_start3A_32 : memref<1x40448xf32, #tpu.memory_space<hbm>> -> memref<40448xf32, #tpu.memory_space<hbm>>
    %dma_start3A_34 = arith.constant 0 : i32
    %dma_start3A_35 = tpu.memref_slice %arg11[%dma_start3A_34] : memref<40448xf32, #tpu.memory_space<vmem>> -> memref<40448xf32, #tpu.memory_space<vmem>>
    %dma_start3A_36 = arith.constant 40448 : i32
    %dma_start3A_37 = tpu.memref_slice %arg4[%add3A_10, %dma_start3A_36] : memref<64x100000xf32, #tpu.memory_space<hbm>> -> memref<1x40448xf32, #tpu.memory_space<hbm>>
    %dma_start3A_38 = tpu.memref_squeeze %dma_start3A_37 : memref<1x40448xf32, #tpu.memory_space<hbm>> -> memref<40448xf32, #tpu.memory_space<hbm>>
    tpu.enqueue_dma source(%dma_start3A_38 : memref<40448xf32, #tpu.memory_space<hbm>>) target(%dma_start3A_35 : memref<40448xf32, #tpu.memory_space<vmem>>) target_semaphore(%arg13 : memref<!tpu.dma_semaphore, #tpu.memory_space<semaphore_mem>>)
    %scan3A_39 = arith.constant 0 : i32
    %scan3A_40 = arith.constant 0 : i32
    %scan3A_41 = arith.constant 128 : i32
    %scan3A_42 = arith.addi %scan3A_40, %scan3A_41 : i32
    %scan3A_43 = arith.constant 1 : i32
    scf.for %scan3A_327 = %scan3A_40 to %scan3A_42 step %scan3A_43  : i32 {
      %mul3A_328 = arith.constant 8 : i32
      %mul3A_329 = arith.muli %scan3A_327, %mul3A_328 : i32
      %add3A_330 = arith.constant 0 : i32
      %add3A_331 = arith.addi %mul3A_329, %add3A_330 : i32
      %mul3A_332 = arith.constant 16 : i32
      %mul3A_333 = arith.muli %add3A_331, %mul3A_332 : i32
      %get3A = arith.index_cast %mul3A_333 : i32 to index
      %get3A_334 = tpu.vector_load %arg7[%get3A] {strides = array<i32>} : memref<16384xi32, #tpu.memory_space<vmem>>, vector<16xi32>,
      %sub3A = arith.constant 0 : i32
      %sub3A_335 = vector.broadcast %sub3A : i32 to vector<16xi32>
      %sub3A_336 = arith.subi %get3A_334, %sub3A_335 : vector<16xi32>
      %ge3A = arith.constant 0 : i32
      %ge3A_337 = vector.broadcast %ge3A : i32 to vector<16xi32>
      %ge3A_338 = arith.cmpi sge, %sub3A_336, %ge3A_337 : vector<16xi32>
      %lt3A = arith.constant 40448 : i32
      %lt3A_339 = vector.broadcast %lt3A : i32 to vector<16xi32>
      %lt3A_340 = arith.cmpi slt, %sub3A_336, %lt3A_339 : vector<16xi32>
      %and3A = arith.andi %ge3A_338, %lt3A_340 : vector<16xi1>
      %jit3A = arith.constant 0 : i32
      %broadcast_in_dim3A_341 = vector.broadcast %jit3A : i32 to vector<16xi32>
      %select_n3A = arith.select %and3A, %sub3A_336, %broadcast_in_dim3A_341 : vector<16xi1>, vector<16xi32>
      %gather3A = tpu.vector_load_idx %arg10[%select_n3A] : memref<40448xf32, #tpu.memory_space<vmem>>[vector<16xi32>], vector<16xf32>,
      %mul3A_342 = arith.constant 16 : i32
      %mul3A_343 = arith.muli %add3A_331, %mul3A_342 : i32
      %get3A_344 = arith.index_cast %mul3A_343 : i32 to index
      %get3A_345 = tpu.vector_load %arg8[%get3A_344] {strides = array<i32>} : memref<16384xf32, #tpu.memory_space<vmem>>, vector<16xf32>,
      %select_n3A_346 = arith.select %and3A, %gather3A, %get3A_345 : vector<16xi1>, vector<16xf32>
      %mul3A_347 = arith.constant 16 : i32
      %mul3A_348 = arith.muli %add3A_331, %mul3A_347 : i32
      %swap3A = arith.index_cast %mul3A_348 : i32 to index
      %swap3A_349 = tpu.vector_load %arg8[%swap3A] {strides = array<i32>} : memref<16384xf32, #tpu.memory_space<vmem>>, vector<16xf32>,
      tpu.vector_store %arg8[%swap3A], %select_n3A_346 {strides = array<i32>} : memref<16384xf32, #tpu.memory_space<vmem>>, vector<16xf32>,
      %mul3A_350 = arith.constant 8 : i32
      %mul3A_351 = arith.muli %scan3A_327, %mul3A_350 : i32
      %add3A_352 = arith.constant 1 : i32
      %add3A_353 = arith.addi %mul3A_351, %add3A_352 : i32
      %mul3A_354 = arith.constant 16 : i32
      %mul3A_355 = arith.muli %add3A_353, %mul3A_354 : i32
      %get3A_356 = arith.index_cast %mul3A_355 : i32 to index
      %get3A_357 = tpu.vector_load %arg7[%get3A_356] {strides = array<i32>} : memref<16384xi32, #tpu.memory_space<vmem>>, vector<16xi32>,
      %sub3A_358 = arith.constant 0 : i32
      %sub3A_359 = vector.broadcast %sub3A_358 : i32 to vector<16xi32>
      %sub3A_360 = arith.subi %get3A_357, %sub3A_359 : vector<16xi32>
      %ge3A_361 = arith.constant 0 : i32
      %ge3A_362 = vector.broadcast %ge3A_361 : i32 to vector<16xi32>
      %ge3A_363 = arith.cmpi sge, %sub3A_360, %ge3A_362 : vector<16xi32>
      %lt3A_364 = arith.constant 40448 : i32
      %lt3A_365 = vector.broadcast %lt3A_364 : i32 to vector<16xi32>
      %lt3A_366 = arith.cmpi slt, %sub3A_360, %lt3A_365 : vector<16xi32>
      %and3A_367 = arith.andi %ge3A_363, %lt3A_366 : vector<16xi1>
      %jit3A_368 = arith.constant 0 : i32
      %broadcast_in_dim3A_369 = vector.broadcast %jit3A_368 : i32 to vector<16xi32>
      %select_n3A_370 = arith.select %and3A_367, %sub3A_360, %broadcast_in_dim3A_369 : vector<16xi1>, vector<16xi32>
      %gather3A_371 = tpu.vector_load_idx %arg10[%select_n3A_370] : memref<40448xf32, #tpu.memory_space<vmem>>[vector<16xi32>], vector<16xf32>,
      %mul3A_372 = arith.constant 16 : i32
      %mul3A_373 = arith.muli %add3A_353, %mul3A_372 : i32
      %get3A_374 = arith.index_cast %mul3A_373 : i32 to index
      %get3A_375 = tpu.vector_load %arg8[%get3A_374] {strides = array<i32>} : memref<16384xf32, #tpu.memory_space<vmem>>, vector<16xf32>,
      %select_n3A_376 = arith.select %and3A_367, %gather3A_371, %get3A_375 : vector<16xi1>, vector<16xf32>
      %mul3A_377 = arith.constant 16 : i32
      %mul3A_378 = arith.muli %add3A_353, %mul3A_377 : i32
      %swap3A_379 = arith.index_cast %mul3A_378 : i32 to index
      %swap3A_380 = tpu.vector_load %arg8[%swap3A_379] {strides = array<i32>} : memref<16384xf32, #tpu.memory_space<vmem>>, vector<16xf32>,
      tpu.vector_store %arg8[%swap3A_379], %select_n3A_376 {strides = array<i32>} : memref<16384xf32, #tpu.memory_space<vmem>>, vector<16xf32>,
      %mul3A_381 = arith.constant 8 : i32
      %mul3A_382 = arith.muli %scan3A_327, %mul3A_381 : i32
      %add3A_383 = arith.constant 2 : i32
      %add3A_384 = arith.addi %mul3A_382, %add3A_383 : i32
      %mul3A_385 = arith.constant 16 : i32
      %mul3A_386 = arith.muli %add3A_384, %mul3A_385 : i32
      %get3A_387 = arith.index_cast %mul3A_386 : i32 to index
      %get3A_388 = tpu.vector_load %arg7[%get3A_387] {strides = array<i32>} : memref<16384xi32, #tpu.memory_space<vmem>>, vector<16xi32>,
      %sub3A_389 = arith.constant 0 : i32
      %sub3A_390 = vector.broadcast %sub3A_389 : i32 to vector<16xi32>
      %sub3A_391 = arith.subi %get3A_388, %sub3A_390 : vector<16xi32>
      %ge3A_392 = arith.constant 0 : i32
      %ge3A_393 = vector.broadcast %ge3A_392 : i32 to vector<16xi32>
      %ge3A_394 = arith.cmpi sge, %sub3A_391, %ge3A_393 : vector<16xi32>
      %lt3A_395 = arith.constant 40448 : i32
      %lt3A_396 = vector.broadcast %lt3A_395 : i32 to vector<16xi32>
      %lt3A_397 = arith.cmpi slt, %sub3A_391, %lt3A_396 : vector<16xi32>
      %and3A_398 = arith.andi %ge3A_394, %lt3A_397 : vector<16xi1>
      %jit3A_399 = arith.constant 0 : i32
      %broadcast_in_dim3A_400 = vector.broadcast %jit3A_399 : i32 to vector<16xi32>
      %select_n3A_401 = arith.select %and3A_398, %sub3A_391, %broadcast_in_dim3A_400 : vector<16xi1>, vector<16xi32>
      %gather3A_402 = tpu.vector_load_idx %arg10[%select_n3A_401] : memref<40448xf32, #tpu.memory_space<vmem>>[vector<16xi32>], vector<16xf32>,
      %mul3A_403 = arith.constant 16 : i32
      %mul3A_404 = arith.muli %add3A_384, %mul3A_403 : i32
      %get3A_405 = arith.index_cast %mul3A_404 : i32 to index
      %get3A_406 = tpu.vector_load %arg8[%get3A_405] {strides = array<i32>} : memref<16384xf32, #tpu.memory_space<vmem>>, vector<16xf32>,
      %select_n3A_407 = arith.select %and3A_398, %gather3A_402, %get3A_406 : vector<16xi1>, vector<16xf32>
      %mul3A_408 = arith.constant 16 : i32
      %mul3A_409 = arith.muli %add3A_384, %mul3A_408 : i32
      %swap3A_410 = arith.index_cast %mul3A_409 : i32 to index
      %swap3A_411 = tpu.vector_load %arg8[%swap3A_410] {strides = array<i32>} : memref<16384xf32, #tpu.memory_space<vmem>>, vector<16xf32>,
      tpu.vector_store %arg8[%swap3A_410], %select_n3A_407 {strides = array<i32>} : memref<16384xf32, #tpu.memory_space<vmem>>, vector<16xf32>,
      %mul3A_412 = arith.constant 8 : i32
      %mul3A_413 = arith.muli %scan3A_327, %mul3A_412 : i32
      %add3A_414 = arith.constant 3 : i32
      %add3A_415 = arith.addi %mul3A_413, %add3A_414 : i32
      %mul3A_416 = arith.constant 16 : i32
      %mul3A_417 = arith.muli %add3A_415, %mul3A_416 : i32
      %get3A_418 = arith.index_cast %mul3A_417 : i32 to index
      %get3A_419 = tpu.vector_load %arg7[%get3A_418] {strides = array<i32>} : memref<16384xi32, #tpu.memory_space<vmem>>, vector<16xi32>,
      %sub3A_420 = arith.constant 0 : i32
      %sub3A_421 = vector.broadcast %sub3A_420 : i32 to vector<16xi32>
      %sub3A_422 = arith.subi %get3A_419, %sub3A_421 : vector<16xi32>
      %ge3A_423 = arith.constant 0 : i32
      %ge3A_424 = vector.broadcast %ge3A_423 : i32 to vector<16xi32>
      %ge3A_425 = arith.cmpi sge, %sub3A_422, %ge3A_424 : vector<16xi32>
      %lt3A_426 = arith.constant 40448 : i32
      %lt3A_427 = vector.broadcast %lt3A_426 : i32 to vector<16xi32>
      %lt3A_428 = arith.cmpi slt, %sub3A_422, %lt3A_427 : vector<16xi32>
      %and3A_429 = arith.andi %ge3A_425, %lt3A_428 : vector<16xi1>
      %jit3A_430 = arith.constant 0 : i32
      %broadcast_in_dim3A_431 = vector.broadcast %jit3A_430 : i32 to vector<16xi32>
      %select_n3A_432 = arith.select %and3A_429, %sub3A_422, %broadcast_in_dim3A_431 : vector<16xi1>, vector<16xi32>
      %gather3A_433 = tpu.vector_load_idx %arg10[%select_n3A_432] : memref<40448xf32, #tpu.memory_space<vmem>>[vector<16xi32>], vector<16xf32>,
      %mul3A_434 = arith.constant 16 : i32
      %mul3A_435 = arith.muli %add3A_415, %mul3A_434 : i32
      %get3A_436 = arith.index_cast %mul3A_435 : i32 to index
      %get3A_437 = tpu.vector_load %arg8[%get3A_436] {strides = array<i32>} : memref<16384xf32, #tpu.memory_space<vmem>>, vector<16xf32>,
      %select_n3A_438 = arith.select %and3A_429, %gather3A_433, %get3A_437 : vector<16xi1>, vector<16xf32>
      %mul3A_439 = arith.constant 16 : i32
      %mul3A_440 = arith.muli %add3A_415, %mul3A_439 : i32
      %swap3A_441 = arith.index_cast %mul3A_440 : i32 to index
      %swap3A_442 = tpu.vector_load %arg8[%swap3A_441] {strides = array<i32>} : memref<16384xf32, #tpu.memory_space<vmem>>, vector<16xf32>,
      tpu.vector_store %arg8[%swap3A_441], %select_n3A_438 {strides = array<i32>} : memref<16384xf32, #tpu.memory_space<vmem>>, vector<16xf32>,
      %mul3A_443 = arith.constant 8 : i32
      %mul3A_444 = arith.muli %scan3A_327, %mul3A_443 : i32
      %add3A_445 = arith.constant 4 : i32
      %add3A_446 = arith.addi %mul3A_444, %add3A_445 : i32
      %mul3A_447 = arith.constant 16 : i32
      %mul3A_448 = arith.muli %add3A_446, %mul3A_447 : i32
      %get3A_449 = arith.index_cast %mul3A_448 : i32 to index
      %get3A_450 = tpu.vector_load %arg7[%get3A_449] {strides = array<i32>} : memref<16384xi32, #tpu.memory_space<vmem>>, vector<16xi32>,
      %sub3A_451 = arith.constant 0 : i32
      %sub3A_452 = vector.broadcast %sub3A_451 : i32 to vector<16xi32>
      %sub3A_453 = arith.subi %get3A_450, %sub3A_452 : vector<16xi32>
      %ge3A_454 = arith.constant 0 : i32
      %ge3A_455 = vector.broadcast %ge3A_454 : i32 to vector<16xi32>
      %ge3A_456 = arith.cmpi sge, %sub3A_453, %ge3A_455 : vector<16xi32>
      %lt3A_457 = arith.constant 40448 : i32
      %lt3A_458 = vector.broadcast %lt3A_457 : i32 to vector<16xi32>
      %lt3A_459 = arith.cmpi slt, %sub3A_453, %lt3A_458 : vector<16xi32>
      %and3A_460 = arith.andi %ge3A_456, %lt3A_459 : vector<16xi1>
      %jit3A_461 = arith.constant 0 : i32
      %broadcast_in_dim3A_462 = vector.broadcast %jit3A_461 : i32 to vector<16xi32>
      %select_n3A_463 = arith.select %and3A_460, %sub3A_453, %broadcast_in_dim3A_462 : vector<16xi1>, vector<16xi32>
      %gather3A_464 = tpu.vector_load_idx %arg10[%select_n3A_463] : memref<40448xf32, #tpu.memory_space<vmem>>[vector<16xi32>], vector<16xf32>,
      %mul3A_465 = arith.constant 16 : i32
      %mul3A_466 = arith.muli %add3A_446, %mul3A_465 : i32
      %get3A_467 = arith.index_cast %mul3A_466 : i32 to index
      %get3A_468 = tpu.vector_load %arg8[%get3A_467] {strides = array<i32>} : memref<16384xf32, #tpu.memory_space<vmem>>, vector<16xf32>,
      %select_n3A_469 = arith.select %and3A_460, %gather3A_464, %get3A_468 : vector<16xi1>, vector<16xf32>
      %mul3A_470 = arith.constant 16 : i32
      %mul3A_471 = arith.muli %add3A_446, %mul3A_470 : i32
      %swap3A_472 = arith.index_cast %mul3A_471 : i32 to index
      %swap3A_473 = tpu.vector_load %arg8[%swap3A_472] {strides = array<i32>} : memref<16384xf32, #tpu.memory_space<vmem>>, vector<16xf32>,
      tpu.vector_store %arg8[%swap3A_472], %select_n3A_469 {strides = array<i32>} : memref<16384xf32, #tpu.memory_space<vmem>>, vector<16xf32>,
      %mul3A_474 = arith.constant 8 : i32
      %mul3A_475 = arith.muli %scan3A_327, %mul3A_474 : i32
      %add3A_476 = arith.constant 5 : i32
      %add3A_477 = arith.addi %mul3A_475, %add3A_476 : i32
      %mul3A_478 = arith.constant 16 : i32
      %mul3A_479 = arith.muli %add3A_477, %mul3A_478 : i32
      %get3A_480 = arith.index_cast %mul3A_479 : i32 to index
      %get3A_481 = tpu.vector_load %arg7[%get3A_480] {strides = array<i32>} : memref<16384xi32, #tpu.memory_space<vmem>>, vector<16xi32>,
      %sub3A_482 = arith.constant 0 : i32
      %sub3A_483 = vector.broadcast %sub3A_482 : i32 to vector<16xi32>
      %sub3A_484 = arith.subi %get3A_481, %sub3A_483 : vector<16xi32>
      %ge3A_485 = arith.constant 0 : i32
      %ge3A_486 = vector.broadcast %ge3A_485 : i32 to vector<16xi32>
      %ge3A_487 = arith.cmpi sge, %sub3A_484, %ge3A_486 : vector<16xi32>
      %lt3A_488 = arith.constant 40448 : i32
      %lt3A_489 = vector.broadcast %lt3A_488 : i32 to vector<16xi32>
      %lt3A_490 = arith.cmpi slt, %sub3A_484, %lt3A_489 : vector<16xi32>
      %and3A_491 = arith.andi %ge3A_487, %lt3A_490 : vector<16xi1>
      %jit3A_492 = arith.constant 0 : i32
      %broadcast_in_dim3A_493 = vector.broadcast %jit3A_492 : i32 to vector<16xi32>
      %select_n3A_494 = arith.select %and3A_491, %sub3A_484, %broadcast_in_dim3A_493 : vector<16xi1>, vector<16xi32>
      %gather3A_495 = tpu.vector_load_idx %arg10[%select_n3A_494] : memref<40448xf32, #tpu.memory_space<vmem>>[vector<16xi32>], vector<16xf32>,
      %mul3A_496 = arith.constant 16 : i32
      %mul3A_497 = arith.muli %add3A_477, %mul3A_496 : i32
      %get3A_498 = arith.index_cast %mul3A_497 : i32 to index
      %get3A_499 = tpu.vector_load %arg8[%get3A_498] {strides = array<i32>} : memref<16384xf32, #tpu.memory_space<vmem>>, vector<16xf32>,
      %select_n3A_500 = arith.select %and3A_491, %gather3A_495, %get3A_499 : vector<16xi1>, vector<16xf32>
      %mul3A_501 = arith.constant 16 : i32
      %mul3A_502 = arith.muli %add3A_477, %mul3A_501 : i32
      %swap3A_503 = arith.index_cast %mul3A_502 : i32 to index
      %swap3A_504 = tpu.vector_load %arg8[%swap3A_503] {strides = array<i32>} : memref<16384xf32, #tpu.memory_space<vmem>>, vector<16xf32>,
      tpu.vector_store %arg8[%swap3A_503], %select_n3A_500 {strides = array<i32>} : memref<16384xf32, #tpu.memory_space<vmem>>, vector<16xf32>,
      %mul3A_505 = arith.constant 8 : i32
      %mul3A_506 = arith.muli %scan3A_327, %mul3A_505 : i32
      %add3A_507 = arith.constant 6 : i32
      %add3A_508 = arith.addi %mul3A_506, %add3A_507 : i32
      %mul3A_509 = arith.constant 16 : i32
      %mul3A_510 = arith.muli %add3A_508, %mul3A_509 : i32
      %get3A_511 = arith.index_cast %mul3A_510 : i32 to index
      %get3A_512 = tpu.vector_load %arg7[%get3A_511] {strides = array<i32>} : memref<16384xi32, #tpu.memory_space<vmem>>, vector<16xi32>,
      %sub3A_513 = arith.constant 0 : i32
      %sub3A_514 = vector.broadcast %sub3A_513 : i32 to vector<16xi32>
      %sub3A_515 = arith.subi %get3A_512, %sub3A_514 : vector<16xi32>
      %ge3A_516 = arith.constant 0 : i32
      %ge3A_517 = vector.broadcast %ge3A_516 : i32 to vector<16xi32>
      %ge3A_518 = arith.cmpi sge, %sub3A_515, %ge3A_517 : vector<16xi32>
      %lt3A_519 = arith.constant 40448 : i32
      %lt3A_520 = vector.broadcast %lt3A_519 : i32 to vector<16xi32>
      %lt3A_521 = arith.cmpi slt, %sub3A_515, %lt3A_520 : vector<16xi32>
      %and3A_522 = arith.andi %ge3A_518, %lt3A_521 : vector<16xi1>
      %jit3A_523 = arith.constant 0 : i32
      %broadcast_in_dim3A_524 = vector.broadcast %jit3A_523 : i32 to vector<16xi32>
      %select_n3A_525 = arith.select %and3A_522, %sub3A_515, %broadcast_in_dim3A_524 : vector<16xi1>, vector<16xi32>
      %gather3A_526 = tpu.vector_load_idx %arg10[%select_n3A_525] : memref<40448xf32, #tpu.memory_space<vmem>>[vector<16xi32>], vector<16xf32>,
      %mul3A_527 = arith.constant 16 : i32
      %mul3A_528 = arith.muli %add3A_508, %mul3A_527 : i32
      %get3A_529 = arith.index_cast %mul3A_528 : i32 to index
      %get3A_530 = tpu.vector_load %arg8[%get3A_529] {strides = array<i32>} : memref<16384xf32, #tpu.memory_space<vmem>>, vector<16xf32>,
      %select_n3A_531 = arith.select %and3A_522, %gather3A_526, %get3A_530 : vector<16xi1>, vector<16xf32>
      %mul3A_532 = arith.constant 16 : i32
      %mul3A_533 = arith.muli %add3A_508, %mul3A_532 : i32
      %swap3A_534 = arith.index_cast %mul3A_533 : i32 to index
      %swap3A_535 = tpu.vector_load %arg8[%swap3A_534] {strides = array<i32>} : memref<16384xf32, #tpu.memory_space<vmem>>, vector<16xf32>,
      tpu.vector_store %arg8[%swap3A_534], %select_n3A_531 {strides = array<i32>} : memref<16384xf32, #tpu.memory_space<vmem>>, vector<16xf32>,
      %mul3A_536 = arith.constant 8 : i32
      %mul3A_537 = arith.muli %scan3A_327, %mul3A_536 : i32
      %add3A_538 = arith.constant 7 : i32
      %add3A_539 = arith.addi %mul3A_537, %add3A_538 : i32
      %mul3A_540 = arith.constant 16 : i32
      %mul3A_541 = arith.muli %add3A_539, %mul3A_540 : i32
      %get3A_542 = arith.index_cast %mul3A_541 : i32 to index
      %get3A_543 = tpu.vector_load %arg7[%get3A_542] {strides = array<i32>} : memref<16384xi32, #tpu.memory_space<vmem>>, vector<16xi32>,
      %sub3A_544 = arith.constant 0 : i32
      %sub3A_545 = vector.broadcast %sub3A_544 : i32 to vector<16xi32>
      %sub3A_546 = arith.subi %get3A_543, %sub3A_545 : vector<16xi32>
      %ge3A_547 = arith.constant 0 : i32
      %ge3A_548 = vector.broadcast %ge3A_547 : i32 to vector<16xi32>
      %ge3A_549 = arith.cmpi sge, %sub3A_546, %ge3A_548 : vector<16xi32>
      %lt3A_550 = arith.constant 40448 : i32
      %lt3A_551 = vector.broadcast %lt3A_550 : i32 to vector<16xi32>
      %lt3A_552 = arith.cmpi slt, %sub3A_546, %lt3A_551 : vector<16xi32>
      %and3A_553 = arith.andi %ge3A_549, %lt3A_552 : vector<16xi1>
      %jit3A_554 = arith.constant 0 : i32
      %broadcast_in_dim3A_555 = vector.broadcast %jit3A_554 : i32 to vector<16xi32>
      %select_n3A_556 = arith.select %and3A_553, %sub3A_546, %broadcast_in_dim3A_555 : vector<16xi1>, vector<16xi32>
      %gather3A_557 = tpu.vector_load_idx %arg10[%select_n3A_556] : memref<40448xf32, #tpu.memory_space<vmem>>[vector<16xi32>], vector<16xf32>,
      %mul3A_558 = arith.constant 16 : i32
      %mul3A_559 = arith.muli %add3A_539, %mul3A_558 : i32
      %get3A_560 = arith.index_cast %mul3A_559 : i32 to index
      %get3A_561 = tpu.vector_load %arg8[%get3A_560] {strides = array<i32>} : memref<16384xf32, #tpu.memory_space<vmem>>, vector<16xf32>,
      %select_n3A_562 = arith.select %and3A_553, %gather3A_557, %get3A_561 : vector<16xi1>, vector<16xf32>
      %mul3A_563 = arith.constant 16 : i32
      %mul3A_564 = arith.muli %add3A_539, %mul3A_563 : i32
      %swap3A_565 = arith.index_cast %mul3A_564 : i32 to index
      %swap3A_566 = tpu.vector_load %arg8[%swap3A_565] {strides = array<i32>} : memref<16384xf32, #tpu.memory_space<vmem>>, vector<16xf32>,
      tpu.vector_store %arg8[%swap3A_565], %select_n3A_562 {strides = array<i32>} : memref<16384xf32, #tpu.memory_space<vmem>>, vector<16xf32>,
    }
    %scan3A_44 = arith.constant 128 : i32
    %dma_wait3A_45 = arith.constant 0 : i32
    %dma_wait3A_46 = tpu.memref_slice %arg11[%dma_wait3A_45] : memref<40448xf32, #tpu.memory_space<vmem>> -> memref<40448xf32, #tpu.memory_space<vmem>>
    %dma_wait3A_47 = arith.constant 40448 : i32
    %dma_wait3A_48 = tpu.memref_slice %arg4[%add3A_10, %dma_wait3A_47] : memref<64x100000xf32, #tpu.memory_space<hbm>> -> memref<1x40448xf32, #tpu.memory_space<hbm>>
    %dma_wait3A_49 = tpu.memref_squeeze %dma_wait3A_48 : memref<1x40448xf32, #tpu.memory_space<hbm>> -> memref<40448xf32, #tpu.memory_space<hbm>>
    %dma_wait3A_50 = arith.constant 0 : i32
    %dma_wait3A_51 = tpu.memref_slice %arg11[%dma_wait3A_50] : memref<40448xf32, #tpu.memory_space<vmem>> -> memref<40448xf32, #tpu.memory_space<vmem>>
    %dma_wait3A_52 = arith.constant 40448 : i32
    %dma_wait3A_53 = tpu.memref_slice %arg4[%add3A_10, %dma_wait3A_52] : memref<64x100000xf32, #tpu.memory_space<hbm>> -> memref<1x40448xf32, #tpu.memory_space<hbm>>
    %dma_wait3A_54 = tpu.memref_squeeze %dma_wait3A_53 : memref<1x40448xf32, #tpu.memory_space<hbm>> -> memref<40448xf32, #tpu.memory_space<hbm>>
    tpu.wait_dma2 semaphore(%arg13 : memref<!tpu.dma_semaphore, #tpu.memory_space<semaphore_mem>>) src(%dma_wait3A_54 : memref<40448xf32, #tpu.memory_space<hbm>>) dst(%dma_wait3A_51 : memref<40448xf32, #tpu.memory_space<vmem>>)
    %dma_start3A_55 = arith.constant 0 : i32
    %dma_start3A_56 = tpu.memref_slice %arg10[%dma_start3A_55] : memref<40448xf32, #tpu.memory_space<vmem>> -> memref<19104xf32, #tpu.memory_space<vmem>>
    %dma_start3A_57 = arith.constant 80896 : i32
    %dma_start3A_58 = tpu.memref_slice %arg4[%add3A_10, %dma_start3A_57] : memref<64x100000xf32, #tpu.memory_space<hbm>> -> memref<1x19104xf32, #tpu.memory_space<hbm>>
    %dma_start3A_59 = tpu.memref_squeeze %dma_start3A_58 : memref<1x19104xf32, #tpu.memory_space<hbm>> -> memref<19104xf32, #tpu.memory_space<hbm>>
    %dma_start3A_60 = arith.constant 0 : i32
    %dma_start3A_61 = tpu.memref_slice %arg10[%dma_start3A_60] : memref<40448xf32, #tpu.memory_space<vmem>> -> memref<19104xf32, #tpu.memory_space<vmem>>
    %dma_start3A_62 = arith.constant 80896 : i32
    %dma_start3A_63 = tpu.memref_slice %arg4[%add3A_10, %dma_start3A_62] : memref<64x100000xf32, #tpu.memory_space<hbm>> -> memref<1x19104xf32, #tpu.memory_space<hbm>>
    %dma_start3A_64 = tpu.memref_squeeze %dma_start3A_63 : memref<1x19104xf32, #tpu.memory_space<hbm>> -> memref<19104xf32, #tpu.memory_space<hbm>>
    tpu.enqueue_dma source(%dma_start3A_64 : memref<19104xf32, #tpu.memory_space<hbm>>) target(%dma_start3A_61 : memref<19104xf32, #tpu.memory_space<vmem>>) target_semaphore(%arg12 : memref<!tpu.dma_semaphore, #tpu.memory_space<semaphore_mem>>)
    %scan3A_65 = arith.constant 0 : i32
    %scan3A_66 = arith.constant 0 : i32
    %scan3A_67 = arith.constant 128 : i32
    %scan3A_68 = arith.addi %scan3A_66, %scan3A_67 : i32
    %scan3A_69 = arith.constant 1 : i32
    scf.for %scan3A_327 = %scan3A_66 to %scan3A_68 step %scan3A_69  : i32 {
      %mul3A_328 = arith.constant 8 : i32
      %mul3A_329 = arith.muli %scan3A_327, %mul3A_328 : i32
      %add3A_330 = arith.constant 0 : i32
      %add3A_331 = arith.addi %mul3A_329, %add3A_330 : i32
      %mul3A_332 = arith.constant 16 : i32
      %mul3A_333 = arith.muli %add3A_331, %mul3A_332 : i32
      %get3A = arith.index_cast %mul3A_333 : i32 to index
      %get3A_334 = tpu.vector_load %arg7[%get3A] {strides = array<i32>} : memref<16384xi32, #tpu.memory_space<vmem>>, vector<16xi32>,
      %sub3A = arith.constant 40448 : i32
      %sub3A_335 = vector.broadcast %sub3A : i32 to vector<16xi32>
      %sub3A_336 = arith.subi %get3A_334, %sub3A_335 : vector<16xi32>
      %ge3A = arith.constant 0 : i32
      %ge3A_337 = vector.broadcast %ge3A : i32 to vector<16xi32>
      %ge3A_338 = arith.cmpi sge, %sub3A_336, %ge3A_337 : vector<16xi32>
      %lt3A = arith.constant 40448 : i32
      %lt3A_339 = vector.broadcast %lt3A : i32 to vector<16xi32>
      %lt3A_340 = arith.cmpi slt, %sub3A_336, %lt3A_339 : vector<16xi32>
      %and3A = arith.andi %ge3A_338, %lt3A_340 : vector<16xi1>
      %jit3A = arith.constant 0 : i32
      %broadcast_in_dim3A_341 = vector.broadcast %jit3A : i32 to vector<16xi32>
      %select_n3A = arith.select %and3A, %sub3A_336, %broadcast_in_dim3A_341 : vector<16xi1>, vector<16xi32>
      %gather3A = tpu.vector_load_idx %arg11[%select_n3A] : memref<40448xf32, #tpu.memory_space<vmem>>[vector<16xi32>], vector<16xf32>,
      %mul3A_342 = arith.constant 16 : i32
      %mul3A_343 = arith.muli %add3A_331, %mul3A_342 : i32
      %get3A_344 = arith.index_cast %mul3A_343 : i32 to index
      %get3A_345 = tpu.vector_load %arg8[%get3A_344] {strides = array<i32>} : memref<16384xf32, #tpu.memory_space<vmem>>, vector<16xf32>,
      %select_n3A_346 = arith.select %and3A, %gather3A, %get3A_345 : vector<16xi1>, vector<16xf32>
      %mul3A_347 = arith.constant 16 : i32
      %mul3A_348 = arith.muli %add3A_331, %mul3A_347 : i32
      %swap3A = arith.index_cast %mul3A_348 : i32 to index
      %swap3A_349 = tpu.vector_load %arg8[%swap3A] {strides = array<i32>} : memref<16384xf32, #tpu.memory_space<vmem>>, vector<16xf32>,
      tpu.vector_store %arg8[%swap3A], %select_n3A_346 {strides = array<i32>} : memref<16384xf32, #tpu.memory_space<vmem>>, vector<16xf32>,
      %mul3A_350 = arith.constant 8 : i32
      %mul3A_351 = arith.muli %scan3A_327, %mul3A_350 : i32
      %add3A_352 = arith.constant 1 : i32
      %add3A_353 = arith.addi %mul3A_351, %add3A_352 : i32
      %mul3A_354 = arith.constant 16 : i32
      %mul3A_355 = arith.muli %add3A_353, %mul3A_354 : i32
      %get3A_356 = arith.index_cast %mul3A_355 : i32 to index
      %get3A_357 = tpu.vector_load %arg7[%get3A_356] {strides = array<i32>} : memref<16384xi32, #tpu.memory_space<vmem>>, vector<16xi32>,
      %sub3A_358 = arith.constant 40448 : i32
      %sub3A_359 = vector.broadcast %sub3A_358 : i32 to vector<16xi32>
      %sub3A_360 = arith.subi %get3A_357, %sub3A_359 : vector<16xi32>
      %ge3A_361 = arith.constant 0 : i32
      %ge3A_362 = vector.broadcast %ge3A_361 : i32 to vector<16xi32>
      %ge3A_363 = arith.cmpi sge, %sub3A_360, %ge3A_362 : vector<16xi32>
      %lt3A_364 = arith.constant 40448 : i32
      %lt3A_365 = vector.broadcast %lt3A_364 : i32 to vector<16xi32>
      %lt3A_366 = arith.cmpi slt, %sub3A_360, %lt3A_365 : vector<16xi32>
      %and3A_367 = arith.andi %ge3A_363, %lt3A_366 : vector<16xi1>
      %jit3A_368 = arith.constant 0 : i32
      %broadcast_in_dim3A_369 = vector.broadcast %jit3A_368 : i32 to vector<16xi32>
      %select_n3A_370 = arith.select %and3A_367, %sub3A_360, %broadcast_in_dim3A_369 : vector<16xi1>, vector<16xi32>
      %gather3A_371 = tpu.vector_load_idx %arg11[%select_n3A_370] : memref<40448xf32, #tpu.memory_space<vmem>>[vector<16xi32>], vector<16xf32>,
      %mul3A_372 = arith.constant 16 : i32
      %mul3A_373 = arith.muli %add3A_353, %mul3A_372 : i32
      %get3A_374 = arith.index_cast %mul3A_373 : i32 to index
      %get3A_375 = tpu.vector_load %arg8[%get3A_374] {strides = array<i32>} : memref<16384xf32, #tpu.memory_space<vmem>>, vector<16xf32>,
      %select_n3A_376 = arith.select %and3A_367, %gather3A_371, %get3A_375 : vector<16xi1>, vector<16xf32>
      %mul3A_377 = arith.constant 16 : i32
      %mul3A_378 = arith.muli %add3A_353, %mul3A_377 : i32
      %swap3A_379 = arith.index_cast %mul3A_378 : i32 to index
      %swap3A_380 = tpu.vector_load %arg8[%swap3A_379] {strides = array<i32>} : memref<16384xf32, #tpu.memory_space<vmem>>, vector<16xf32>,
      tpu.vector_store %arg8[%swap3A_379], %select_n3A_376 {strides = array<i32>} : memref<16384xf32, #tpu.memory_space<vmem>>, vector<16xf32>,
      %mul3A_381 = arith.constant 8 : i32
      %mul3A_382 = arith.muli %scan3A_327, %mul3A_381 : i32
      %add3A_383 = arith.constant 2 : i32
      %add3A_384 = arith.addi %mul3A_382, %add3A_383 : i32
      %mul3A_385 = arith.constant 16 : i32
      %mul3A_386 = arith.muli %add3A_384, %mul3A_385 : i32
      %get3A_387 = arith.index_cast %mul3A_386 : i32 to index
      %get3A_388 = tpu.vector_load %arg7[%get3A_387] {strides = array<i32>} : memref<16384xi32, #tpu.memory_space<vmem>>, vector<16xi32>,
      %sub3A_389 = arith.constant 40448 : i32
      %sub3A_390 = vector.broadcast %sub3A_389 : i32 to vector<16xi32>
      %sub3A_391 = arith.subi %get3A_388, %sub3A_390 : vector<16xi32>
      %ge3A_392 = arith.constant 0 : i32
      %ge3A_393 = vector.broadcast %ge3A_392 : i32 to vector<16xi32>
      %ge3A_394 = arith.cmpi sge, %sub3A_391, %ge3A_393 : vector<16xi32>
      %lt3A_395 = arith.constant 40448 : i32
      %lt3A_396 = vector.broadcast %lt3A_395 : i32 to vector<16xi32>
      %lt3A_397 = arith.cmpi slt, %sub3A_391, %lt3A_396 : vector<16xi32>
      %and3A_398 = arith.andi %ge3A_394, %lt3A_397 : vector<16xi1>
      %jit3A_399 = arith.constant 0 : i32
      %broadcast_in_dim3A_400 = vector.broadcast %jit3A_399 : i32 to vector<16xi32>
      %select_n3A_401 = arith.select %and3A_398, %sub3A_391, %broadcast_in_dim3A_400 : vector<16xi1>, vector<16xi32>
      %gather3A_402 = tpu.vector_load_idx %arg11[%select_n3A_401] : memref<40448xf32, #tpu.memory_space<vmem>>[vector<16xi32>], vector<16xf32>,
      %mul3A_403 = arith.constant 16 : i32
      %mul3A_404 = arith.muli %add3A_384, %mul3A_403 : i32
      %get3A_405 = arith.index_cast %mul3A_404 : i32 to index
      %get3A_406 = tpu.vector_load %arg8[%get3A_405] {strides = array<i32>} : memref<16384xf32, #tpu.memory_space<vmem>>, vector<16xf32>,
      %select_n3A_407 = arith.select %and3A_398, %gather3A_402, %get3A_406 : vector<16xi1>, vector<16xf32>
      %mul3A_408 = arith.constant 16 : i32
      %mul3A_409 = arith.muli %add3A_384, %mul3A_408 : i32
      %swap3A_410 = arith.index_cast %mul3A_409 : i32 to index
      %swap3A_411 = tpu.vector_load %arg8[%swap3A_410] {strides = array<i32>} : memref<16384xf32, #tpu.memory_space<vmem>>, vector<16xf32>,
      tpu.vector_store %arg8[%swap3A_410], %select_n3A_407 {strides = array<i32>} : memref<16384xf32, #tpu.memory_space<vmem>>, vector<16xf32>,
      %mul3A_412 = arith.constant 8 : i32
      %mul3A_413 = arith.muli %scan3A_327, %mul3A_412 : i32
      %add3A_414 = arith.constant 3 : i32
      %add3A_415 = arith.addi %mul3A_413, %add3A_414 : i32
      %mul3A_416 = arith.constant 16 : i32
      %mul3A_417 = arith.muli %add3A_415, %mul3A_416 : i32
      %get3A_418 = arith.index_cast %mul3A_417 : i32 to index
      %get3A_419 = tpu.vector_load %arg7[%get3A_418] {strides = array<i32>} : memref<16384xi32, #tpu.memory_space<vmem>>, vector<16xi32>,
      %sub3A_420 = arith.constant 40448 : i32
      %sub3A_421 = vector.broadcast %sub3A_420 : i32 to vector<16xi32>
      %sub3A_422 = arith.subi %get3A_419, %sub3A_421 : vector<16xi32>
      %ge3A_423 = arith.constant 0 : i32
      %ge3A_424 = vector.broadcast %ge3A_423 : i32 to vector<16xi32>
      %ge3A_425 = arith.cmpi sge, %sub3A_422, %ge3A_424 : vector<16xi32>
      %lt3A_426 = arith.constant 40448 : i32
      %lt3A_427 = vector.broadcast %lt3A_426 : i32 to vector<16xi32>
      %lt3A_428 = arith.cmpi slt, %sub3A_422, %lt3A_427 : vector<16xi32>
      %and3A_429 = arith.andi %ge3A_425, %lt3A_428 : vector<16xi1>
      %jit3A_430 = arith.constant 0 : i32
      %broadcast_in_dim3A_431 = vector.broadcast %jit3A_430 : i32 to vector<16xi32>
      %select_n3A_432 = arith.select %and3A_429, %sub3A_422, %broadcast_in_dim3A_431 : vector<16xi1>, vector<16xi32>
      %gather3A_433 = tpu.vector_load_idx %arg11[%select_n3A_432] : memref<40448xf32, #tpu.memory_space<vmem>>[vector<16xi32>], vector<16xf32>,
      %mul3A_434 = arith.constant 16 : i32
      %mul3A_435 = arith.muli %add3A_415, %mul3A_434 : i32
      %get3A_436 = arith.index_cast %mul3A_435 : i32 to index
      %get3A_437 = tpu.vector_load %arg8[%get3A_436] {strides = array<i32>} : memref<16384xf32, #tpu.memory_space<vmem>>, vector<16xf32>,
      %select_n3A_438 = arith.select %and3A_429, %gather3A_433, %get3A_437 : vector<16xi1>, vector<16xf32>
      %mul3A_439 = arith.constant 16 : i32
      %mul3A_440 = arith.muli %add3A_415, %mul3A_439 : i32
      %swap3A_441 = arith.index_cast %mul3A_440 : i32 to index
      %swap3A_442 = tpu.vector_load %arg8[%swap3A_441] {strides = array<i32>} : memref<16384xf32, #tpu.memory_space<vmem>>, vector<16xf32>,
      tpu.vector_store %arg8[%swap3A_441], %select_n3A_438 {strides = array<i32>} : memref<16384xf32, #tpu.memory_space<vmem>>, vector<16xf32>,
      %mul3A_443 = arith.constant 8 : i32
      %mul3A_444 = arith.muli %scan3A_327, %mul3A_443 : i32
      %add3A_445 = arith.constant 4 : i32
      %add3A_446 = arith.addi %mul3A_444, %add3A_445 : i32
      %mul3A_447 = arith.constant 16 : i32
      %mul3A_448 = arith.muli %add3A_446, %mul3A_447 : i32
      %get3A_449 = arith.index_cast %mul3A_448 : i32 to index
      %get3A_450 = tpu.vector_load %arg7[%get3A_449] {strides = array<i32>} : memref<16384xi32, #tpu.memory_space<vmem>>, vector<16xi32>,
      %sub3A_451 = arith.constant 40448 : i32
      %sub3A_452 = vector.broadcast %sub3A_451 : i32 to vector<16xi32>
      %sub3A_453 = arith.subi %get3A_450, %sub3A_452 : vector<16xi32>
      %ge3A_454 = arith.constant 0 : i32
      %ge3A_455 = vector.broadcast %ge3A_454 : i32 to vector<16xi32>
      %ge3A_456 = arith.cmpi sge, %sub3A_453, %ge3A_455 : vector<16xi32>
      %lt3A_457 = arith.constant 40448 : i32
      %lt3A_458 = vector.broadcast %lt3A_457 : i32 to vector<16xi32>
      %lt3A_459 = arith.cmpi slt, %sub3A_453, %lt3A_458 : vector<16xi32>
      %and3A_460 = arith.andi %ge3A_456, %lt3A_459 : vector<16xi1>
      %jit3A_461 = arith.constant 0 : i32
      %broadcast_in_dim3A_462 = vector.broadcast %jit3A_461 : i32 to vector<16xi32>
      %select_n3A_463 = arith.select %and3A_460, %sub3A_453, %broadcast_in_dim3A_462 : vector<16xi1>, vector<16xi32>
      %gather3A_464 = tpu.vector_load_idx %arg11[%select_n3A_463] : memref<40448xf32, #tpu.memory_space<vmem>>[vector<16xi32>], vector<16xf32>,
      %mul3A_465 = arith.constant 16 : i32
      %mul3A_466 = arith.muli %add3A_446, %mul3A_465 : i32
      %get3A_467 = arith.index_cast %mul3A_466 : i32 to index
      %get3A_468 = tpu.vector_load %arg8[%get3A_467] {strides = array<i32>} : memref<16384xf32, #tpu.memory_space<vmem>>, vector<16xf32>,
      %select_n3A_469 = arith.select %and3A_460, %gather3A_464, %get3A_468 : vector<16xi1>, vector<16xf32>
      %mul3A_470 = arith.constant 16 : i32
      %mul3A_471 = arith.muli %add3A_446, %mul3A_470 : i32
      %swap3A_472 = arith.index_cast %mul3A_471 : i32 to index
      %swap3A_473 = tpu.vector_load %arg8[%swap3A_472] {strides = array<i32>} : memref<16384xf32, #tpu.memory_space<vmem>>, vector<16xf32>,
      tpu.vector_store %arg8[%swap3A_472], %select_n3A_469 {strides = array<i32>} : memref<16384xf32, #tpu.memory_space<vmem>>, vector<16xf32>,
      %mul3A_474 = arith.constant 8 : i32
      %mul3A_475 = arith.muli %scan3A_327, %mul3A_474 : i32
      %add3A_476 = arith.constant 5 : i32
      %add3A_477 = arith.addi %mul3A_475, %add3A_476 : i32
      %mul3A_478 = arith.constant 16 : i32
      %mul3A_479 = arith.muli %add3A_477, %mul3A_478 : i32
      %get3A_480 = arith.index_cast %mul3A_479 : i32 to index
      %get3A_481 = tpu.vector_load %arg7[%get3A_480] {strides = array<i32>} : memref<16384xi32, #tpu.memory_space<vmem>>, vector<16xi32>,
      %sub3A_482 = arith.constant 40448 : i32
      %sub3A_483 = vector.broadcast %sub3A_482 : i32 to vector<16xi32>
      %sub3A_484 = arith.subi %get3A_481, %sub3A_483 : vector<16xi32>
      %ge3A_485 = arith.constant 0 : i32
      %ge3A_486 = vector.broadcast %ge3A_485 : i32 to vector<16xi32>
      %ge3A_487 = arith.cmpi sge, %sub3A_484, %ge3A_486 : vector<16xi32>
      %lt3A_488 = arith.constant 40448 : i32
      %lt3A_489 = vector.broadcast %lt3A_488 : i32 to vector<16xi32>
      %lt3A_490 = arith.cmpi slt, %sub3A_484, %lt3A_489 : vector<16xi32>
      %and3A_491 = arith.andi %ge3A_487, %lt3A_490 : vector<16xi1>
      %jit3A_492 = arith.constant 0 : i32
      %broadcast_in_dim3A_493 = vector.broadcast %jit3A_492 : i32 to vector<16xi32>
      %select_n3A_494 = arith.select %and3A_491, %sub3A_484, %broadcast_in_dim3A_493 : vector<16xi1>, vector<16xi32>
      %gather3A_495 = tpu.vector_load_idx %arg11[%select_n3A_494] : memref<40448xf32, #tpu.memory_space<vmem>>[vector<16xi32>], vector<16xf32>,
      %mul3A_496 = arith.constant 16 : i32
      %mul3A_497 = arith.muli %add3A_477, %mul3A_496 : i32
      %get3A_498 = arith.index_cast %mul3A_497 : i32 to index
      %get3A_499 = tpu.vector_load %arg8[%get3A_498] {strides = array<i32>} : memref<16384xf32, #tpu.memory_space<vmem>>, vector<16xf32>,
      %select_n3A_500 = arith.select %and3A_491, %gather3A_495, %get3A_499 : vector<16xi1>, vector<16xf32>
      %mul3A_501 = arith.constant 16 : i32
      %mul3A_502 = arith.muli %add3A_477, %mul3A_501 : i32
      %swap3A_503 = arith.index_cast %mul3A_502 : i32 to index
      %swap3A_504 = tpu.vector_load %arg8[%swap3A_503] {strides = array<i32>} : memref<16384xf32, #tpu.memory_space<vmem>>, vector<16xf32>,
      tpu.vector_store %arg8[%swap3A_503], %select_n3A_500 {strides = array<i32>} : memref<16384xf32, #tpu.memory_space<vmem>>, vector<16xf32>,
      %mul3A_505 = arith.constant 8 : i32
      %mul3A_506 = arith.muli %scan3A_327, %mul3A_505 : i32
      %add3A_507 = arith.constant 6 : i32
      %add3A_508 = arith.addi %mul3A_506, %add3A_507 : i32
      %mul3A_509 = arith.constant 16 : i32
      %mul3A_510 = arith.muli %add3A_508, %mul3A_509 : i32
      %get3A_511 = arith.index_cast %mul3A_510 : i32 to index
      %get3A_512 = tpu.vector_load %arg7[%get3A_511] {strides = array<i32>} : memref<16384xi32, #tpu.memory_space<vmem>>, vector<16xi32>,
      %sub3A_513 = arith.constant 40448 : i32
      %sub3A_514 = vector.broadcast %sub3A_513 : i32 to vector<16xi32>
      %sub3A_515 = arith.subi %get3A_512, %sub3A_514 : vector<16xi32>
      %ge3A_516 = arith.constant 0 : i32
      %ge3A_517 = vector.broadcast %ge3A_516 : i32 to vector<16xi32>
      %ge3A_518 = arith.cmpi sge, %sub3A_515, %ge3A_517 : vector<16xi32>
      %lt3A_519 = arith.constant 40448 : i32
      %lt3A_520 = vector.broadcast %lt3A_519 : i32 to vector<16xi32>
      %lt3A_521 = arith.cmpi slt, %sub3A_515, %lt3A_520 : vector<16xi32>
      %and3A_522 = arith.andi %ge3A_518, %lt3A_521 : vector<16xi1>
      %jit3A_523 = arith.constant 0 : i32
      %broadcast_in_dim3A_524 = vector.broadcast %jit3A_523 : i32 to vector<16xi32>
      %select_n3A_525 = arith.select %and3A_522, %sub3A_515, %broadcast_in_dim3A_524 : vector<16xi1>, vector<16xi32>
      %gather3A_526 = tpu.vector_load_idx %arg11[%select_n3A_525] : memref<40448xf32, #tpu.memory_space<vmem>>[vector<16xi32>], vector<16xf32>,
      %mul3A_527 = arith.constant 16 : i32
      %mul3A_528 = arith.muli %add3A_508, %mul3A_527 : i32
      %get3A_529 = arith.index_cast %mul3A_528 : i32 to index
      %get3A_530 = tpu.vector_load %arg8[%get3A_529] {strides = array<i32>} : memref<16384xf32, #tpu.memory_space<vmem>>, vector<16xf32>,
      %select_n3A_531 = arith.select %and3A_522, %gather3A_526, %get3A_530 : vector<16xi1>, vector<16xf32>
      %mul3A_532 = arith.constant 16 : i32
      %mul3A_533 = arith.muli %add3A_508, %mul3A_532 : i32
      %swap3A_534 = arith.index_cast %mul3A_533 : i32 to index
      %swap3A_535 = tpu.vector_load %arg8[%swap3A_534] {strides = array<i32>} : memref<16384xf32, #tpu.memory_space<vmem>>, vector<16xf32>,
      tpu.vector_store %arg8[%swap3A_534], %select_n3A_531 {strides = array<i32>} : memref<16384xf32, #tpu.memory_space<vmem>>, vector<16xf32>,
      %mul3A_536 = arith.constant 8 : i32
      %mul3A_537 = arith.muli %scan3A_327, %mul3A_536 : i32
      %add3A_538 = arith.constant 7 : i32
      %add3A_539 = arith.addi %mul3A_537, %add3A_538 : i32
      %mul3A_540 = arith.constant 16 : i32
      %mul3A_541 = arith.muli %add3A_539, %mul3A_540 : i32
      %get3A_542 = arith.index_cast %mul3A_541 : i32 to index
      %get3A_543 = tpu.vector_load %arg7[%get3A_542] {strides = array<i32>} : memref<16384xi32, #tpu.memory_space<vmem>>, vector<16xi32>,
      %sub3A_544 = arith.constant 40448 : i32
      %sub3A_545 = vector.broadcast %sub3A_544 : i32 to vector<16xi32>
      %sub3A_546 = arith.subi %get3A_543, %sub3A_545 : vector<16xi32>
      %ge3A_547 = arith.constant 0 : i32
      %ge3A_548 = vector.broadcast %ge3A_547 : i32 to vector<16xi32>
      %ge3A_549 = arith.cmpi sge, %sub3A_546, %ge3A_548 : vector<16xi32>
      %lt3A_550 = arith.constant 40448 : i32
      %lt3A_551 = vector.broadcast %lt3A_550 : i32 to vector<16xi32>
      %lt3A_552 = arith.cmpi slt, %sub3A_546, %lt3A_551 : vector<16xi32>
      %and3A_553 = arith.andi %ge3A_549, %lt3A_552 : vector<16xi1>
      %jit3A_554 = arith.constant 0 : i32
      %broadcast_in_dim3A_555 = vector.broadcast %jit3A_554 : i32 to vector<16xi32>
      %select_n3A_556 = arith.select %and3A_553, %sub3A_546, %broadcast_in_dim3A_555 : vector<16xi1>, vector<16xi32>
      %gather3A_557 = tpu.vector_load_idx %arg11[%select_n3A_556] : memref<40448xf32, #tpu.memory_space<vmem>>[vector<16xi32>], vector<16xf32>,
      %mul3A_558 = arith.constant 16 : i32
      %mul3A_559 = arith.muli %add3A_539, %mul3A_558 : i32
      %get3A_560 = arith.index_cast %mul3A_559 : i32 to index
      %get3A_561 = tpu.vector_load %arg8[%get3A_560] {strides = array<i32>} : memref<16384xf32, #tpu.memory_space<vmem>>, vector<16xf32>,
      %select_n3A_562 = arith.select %and3A_553, %gather3A_557, %get3A_561 : vector<16xi1>, vector<16xf32>
      %mul3A_563 = arith.constant 16 : i32
      %mul3A_564 = arith.muli %add3A_539, %mul3A_563 : i32
      %swap3A_565 = arith.index_cast %mul3A_564 : i32 to index
      %swap3A_566 = tpu.vector_load %arg8[%swap3A_565] {strides = array<i32>} : memref<16384xf32, #tpu.memory_space<vmem>>, vector<16xf32>,
      tpu.vector_store %arg8[%swap3A_565], %select_n3A_562 {strides = array<i32>} : memref<16384xf32, #tpu.memory_space<vmem>>, vector<16xf32>,
    }
    %scan3A_70 = arith.constant 128 : i32
    %dma_wait3A_71 = arith.constant 0 : i32
    %dma_wait3A_72 = tpu.memref_slice %arg10[%dma_wait3A_71] : memref<40448xf32, #tpu.memory_space<vmem>> -> memref<19104xf32, #tpu.memory_space<vmem>>
    %dma_wait3A_73 = arith.constant 80896 : i32
    %dma_wait3A_74 = tpu.memref_slice %arg4[%add3A_10, %dma_wait3A_73] : memref<64x100000xf32, #tpu.memory_space<hbm>> -> memref<1x19104xf32, #tpu.memory_space<hbm>>
    %dma_wait3A_75 = tpu.memref_squeeze %dma_wait3A_74 : memref<1x19104xf32, #tpu.memory_space<hbm>> -> memref<19104xf32, #tpu.memory_space<hbm>>
    %dma_wait3A_76 = arith.constant 0 : i32
    %dma_wait3A_77 = tpu.memref_slice %arg10[%dma_wait3A_76] : memref<40448xf32, #tpu.memory_space<vmem>> -> memref<19104xf32, #tpu.memory_space<vmem>>
    %dma_wait3A_78 = arith.constant 80896 : i32
    %dma_wait3A_79 = tpu.memref_slice %arg4[%add3A_10, %dma_wait3A_78] : memref<64x100000xf32, #tpu.memory_space<hbm>> -> memref<1x19104xf32, #tpu.memory_space<hbm>>
    %dma_wait3A_80 = tpu.memref_squeeze %dma_wait3A_79 : memref<1x19104xf32, #tpu.memory_space<hbm>> -> memref<19104xf32, #tpu.memory_space<hbm>>
    tpu.wait_dma2 semaphore(%arg12 : memref<!tpu.dma_semaphore, #tpu.memory_space<semaphore_mem>>) src(%dma_wait3A_80 : memref<19104xf32, #tpu.memory_space<hbm>>) dst(%dma_wait3A_77 : memref<19104xf32, #tpu.memory_space<vmem>>)
    %scan3A_81 = arith.constant 0 : i32
    %scan3A_82 = arith.constant 0 : i32
    %scan3A_83 = arith.constant 128 : i32
    %scan3A_84 = arith.addi %scan3A_82, %scan3A_83 : i32
    %scan3A_85 = arith.constant 1 : i32
    scf.for %scan3A_327 = %scan3A_82 to %scan3A_84 step %scan3A_85  : i32 {
      %mul3A_328 = arith.constant 8 : i32
      %mul3A_329 = arith.muli %scan3A_327, %mul3A_328 : i32
      %add3A_330 = arith.constant 0 : i32
      %add3A_331 = arith.addi %mul3A_329, %add3A_330 : i32
      %mul3A_332 = arith.constant 16 : i32
      %mul3A_333 = arith.muli %add3A_331, %mul3A_332 : i32
      %get3A = arith.index_cast %mul3A_333 : i32 to index
      %get3A_334 = tpu.vector_load %arg7[%get3A] {strides = array<i32>} : memref<16384xi32, #tpu.memory_space<vmem>>, vector<16xi32>,
      %sub3A = arith.constant 80896 : i32
      %sub3A_335 = vector.broadcast %sub3A : i32 to vector<16xi32>
      %sub3A_336 = arith.subi %get3A_334, %sub3A_335 : vector<16xi32>
      %ge3A = arith.constant 0 : i32
      %ge3A_337 = vector.broadcast %ge3A : i32 to vector<16xi32>
      %ge3A_338 = arith.cmpi sge, %sub3A_336, %ge3A_337 : vector<16xi32>
      %lt3A = arith.constant 19104 : i32
      %lt3A_339 = vector.broadcast %lt3A : i32 to vector<16xi32>
      %lt3A_340 = arith.cmpi slt, %sub3A_336, %lt3A_339 : vector<16xi32>
      %and3A = arith.andi %ge3A_338, %lt3A_340 : vector<16xi1>
      %jit3A = arith.constant 0 : i32
      %broadcast_in_dim3A_341 = vector.broadcast %jit3A : i32 to vector<16xi32>
      %select_n3A = arith.select %and3A, %sub3A_336, %broadcast_in_dim3A_341 : vector<16xi1>, vector<16xi32>
      %gather3A = tpu.vector_load_idx %arg10[%select_n3A] : memref<40448xf32, #tpu.memory_space<vmem>>[vector<16xi32>], vector<16xf32>,
      %mul3A_342 = arith.constant 16 : i32
      %mul3A_343 = arith.muli %add3A_331, %mul3A_342 : i32
      %get3A_344 = arith.index_cast %mul3A_343 : i32 to index
      %get3A_345 = tpu.vector_load %arg8[%get3A_344] {strides = array<i32>} : memref<16384xf32, #tpu.memory_space<vmem>>, vector<16xf32>,
      %select_n3A_346 = arith.select %and3A, %gather3A, %get3A_345 : vector<16xi1>, vector<16xf32>
      %mul3A_347 = arith.constant 16 : i32
      %mul3A_348 = arith.muli %add3A_331, %mul3A_347 : i32
      %swap3A = arith.index_cast %mul3A_348 : i32 to index
      %swap3A_349 = tpu.vector_load %arg8[%swap3A] {strides = array<i32>} : memref<16384xf32, #tpu.memory_space<vmem>>, vector<16xf32>,
      tpu.vector_store %arg8[%swap3A], %select_n3A_346 {strides = array<i32>} : memref<16384xf32, #tpu.memory_space<vmem>>, vector<16xf32>,
      %mul3A_350 = arith.constant 8 : i32
      %mul3A_351 = arith.muli %scan3A_327, %mul3A_350 : i32
      %add3A_352 = arith.constant 1 : i32
      %add3A_353 = arith.addi %mul3A_351, %add3A_352 : i32
      %mul3A_354 = arith.constant 16 : i32
      %mul3A_355 = arith.muli %add3A_353, %mul3A_354 : i32
      %get3A_356 = arith.index_cast %mul3A_355 : i32 to index
      %get3A_357 = tpu.vector_load %arg7[%get3A_356] {strides = array<i32>} : memref<16384xi32, #tpu.memory_space<vmem>>, vector<16xi32>,
      %sub3A_358 = arith.constant 80896 : i32
      %sub3A_359 = vector.broadcast %sub3A_358 : i32 to vector<16xi32>
      %sub3A_360 = arith.subi %get3A_357, %sub3A_359 : vector<16xi32>
      %ge3A_361 = arith.constant 0 : i32
      %ge3A_362 = vector.broadcast %ge3A_361 : i32 to vector<16xi32>
      %ge3A_363 = arith.cmpi sge, %sub3A_360, %ge3A_362 : vector<16xi32>
      %lt3A_364 = arith.constant 19104 : i32
      %lt3A_365 = vector.broadcast %lt3A_364 : i32 to vector<16xi32>
      %lt3A_366 = arith.cmpi slt, %sub3A_360, %lt3A_365 : vector<16xi32>
      %and3A_367 = arith.andi %ge3A_363, %lt3A_366 : vector<16xi1>
      %jit3A_368 = arith.constant 0 : i32
      %broadcast_in_dim3A_369 = vector.broadcast %jit3A_368 : i32 to vector<16xi32>
      %select_n3A_370 = arith.select %and3A_367, %sub3A_360, %broadcast_in_dim3A_369 : vector<16xi1>, vector<16xi32>
      %gather3A_371 = tpu.vector_load_idx %arg10[%select_n3A_370] : memref<40448xf32, #tpu.memory_space<vmem>>[vector<16xi32>], vector<16xf32>,
      %mul3A_372 = arith.constant 16 : i32
      %mul3A_373 = arith.muli %add3A_353, %mul3A_372 : i32
      %get3A_374 = arith.index_cast %mul3A_373 : i32 to index
      %get3A_375 = tpu.vector_load %arg8[%get3A_374] {strides = array<i32>} : memref<16384xf32, #tpu.memory_space<vmem>>, vector<16xf32>,
      %select_n3A_376 = arith.select %and3A_367, %gather3A_371, %get3A_375 : vector<16xi1>, vector<16xf32>
      %mul3A_377 = arith.constant 16 : i32
      %mul3A_378 = arith.muli %add3A_353, %mul3A_377 : i32
      %swap3A_379 = arith.index_cast %mul3A_378 : i32 to index
      %swap3A_380 = tpu.vector_load %arg8[%swap3A_379] {strides = array<i32>} : memref<16384xf32, #tpu.memory_space<vmem>>, vector<16xf32>,
      tpu.vector_store %arg8[%swap3A_379], %select_n3A_376 {strides = array<i32>} : memref<16384xf32, #tpu.memory_space<vmem>>, vector<16xf32>,
      %mul3A_381 = arith.constant 8 : i32
      %mul3A_382 = arith.muli %scan3A_327, %mul3A_381 : i32
      %add3A_383 = arith.constant 2 : i32
      %add3A_384 = arith.addi %mul3A_382, %add3A_383 : i32
      %mul3A_385 = arith.constant 16 : i32
      %mul3A_386 = arith.muli %add3A_384, %mul3A_385 : i32
      %get3A_387 = arith.index_cast %mul3A_386 : i32 to index
      %get3A_388 = tpu.vector_load %arg7[%get3A_387] {strides = array<i32>} : memref<16384xi32, #tpu.memory_space<vmem>>, vector<16xi32>,
      %sub3A_389 = arith.constant 80896 : i32
      %sub3A_390 = vector.broadcast %sub3A_389 : i32 to vector<16xi32>
      %sub3A_391 = arith.subi %get3A_388, %sub3A_390 : vector<16xi32>
      %ge3A_392 = arith.constant 0 : i32
      %ge3A_393 = vector.broadcast %ge3A_392 : i32 to vector<16xi32>
      %ge3A_394 = arith.cmpi sge, %sub3A_391, %ge3A_393 : vector<16xi32>
      %lt3A_395 = arith.constant 19104 : i32
      %lt3A_396 = vector.broadcast %lt3A_395 : i32 to vector<16xi32>
      %lt3A_397 = arith.cmpi slt, %sub3A_391, %lt3A_396 : vector<16xi32>
      %and3A_398 = arith.andi %ge3A_394, %lt3A_397 : vector<16xi1>
      %jit3A_399 = arith.constant 0 : i32
      %broadcast_in_dim3A_400 = vector.broadcast %jit3A_399 : i32 to vector<16xi32>
      %select_n3A_401 = arith.select %and3A_398, %sub3A_391, %broadcast_in_dim3A_400 : vector<16xi1>, vector<16xi32>
      %gather3A_402 = tpu.vector_load_idx %arg10[%select_n3A_401] : memref<40448xf32, #tpu.memory_space<vmem>>[vector<16xi32>], vector<16xf32>,
      %mul3A_403 = arith.constant 16 : i32
      %mul3A_404 = arith.muli %add3A_384, %mul3A_403 : i32
      %get3A_405 = arith.index_cast %mul3A_404 : i32 to index
      %get3A_406 = tpu.vector_load %arg8[%get3A_405] {strides = array<i32>} : memref<16384xf32, #tpu.memory_space<vmem>>, vector<16xf32>,
      %select_n3A_407 = arith.select %and3A_398, %gather3A_402, %get3A_406 : vector<16xi1>, vector<16xf32>
      %mul3A_408 = arith.constant 16 : i32
      %mul3A_409 = arith.muli %add3A_384, %mul3A_408 : i32
      %swap3A_410 = arith.index_cast %mul3A_409 : i32 to index
      %swap3A_411 = tpu.vector_load %arg8[%swap3A_410] {strides = array<i32>} : memref<16384xf32, #tpu.memory_space<vmem>>, vector<16xf32>,
      tpu.vector_store %arg8[%swap3A_410], %select_n3A_407 {strides = array<i32>} : memref<16384xf32, #tpu.memory_space<vmem>>, vector<16xf32>,
      %mul3A_412 = arith.constant 8 : i32
      %mul3A_413 = arith.muli %scan3A_327, %mul3A_412 : i32
      %add3A_414 = arith.constant 3 : i32
      %add3A_415 = arith.addi %mul3A_413, %add3A_414 : i32
      %mul3A_416 = arith.constant 16 : i32
      %mul3A_417 = arith.muli %add3A_415, %mul3A_416 : i32
      %get3A_418 = arith.index_cast %mul3A_417 : i32 to index
      %get3A_419 = tpu.vector_load %arg7[%get3A_418] {strides = array<i32>} : memref<16384xi32, #tpu.memory_space<vmem>>, vector<16xi32>,
      %sub3A_420 = arith.constant 80896 : i32
      %sub3A_421 = vector.broadcast %sub3A_420 : i32 to vector<16xi32>
      %sub3A_422 = arith.subi %get3A_419, %sub3A_421 : vector<16xi32>
      %ge3A_423 = arith.constant 0 : i32
      %ge3A_424 = vector.broadcast %ge3A_423 : i32 to vector<16xi32>
      %ge3A_425 = arith.cmpi sge, %sub3A_422, %ge3A_424 : vector<16xi32>
      %lt3A_426 = arith.constant 19104 : i32
      %lt3A_427 = vector.broadcast %lt3A_426 : i32 to vector<16xi32>
      %lt3A_428 = arith.cmpi slt, %sub3A_422, %lt3A_427 : vector<16xi32>
      %and3A_429 = arith.andi %ge3A_425, %lt3A_428 : vector<16xi1>
      %jit3A_430 = arith.constant 0 : i32
      %broadcast_in_dim3A_431 = vector.broadcast %jit3A_430 : i32 to vector<16xi32>
      %select_n3A_432 = arith.select %and3A_429, %sub3A_422, %broadcast_in_dim3A_431 : vector<16xi1>, vector<16xi32>
      %gather3A_433 = tpu.vector_load_idx %arg10[%select_n3A_432] : memref<40448xf32, #tpu.memory_space<vmem>>[vector<16xi32>], vector<16xf32>,
      %mul3A_434 = arith.constant 16 : i32
      %mul3A_435 = arith.muli %add3A_415, %mul3A_434 : i32
      %get3A_436 = arith.index_cast %mul3A_435 : i32 to index
      %get3A_437 = tpu.vector_load %arg8[%get3A_436] {strides = array<i32>} : memref<16384xf32, #tpu.memory_space<vmem>>, vector<16xf32>,
      %select_n3A_438 = arith.select %and3A_429, %gather3A_433, %get3A_437 : vector<16xi1>, vector<16xf32>
      %mul3A_439 = arith.constant 16 : i32
      %mul3A_440 = arith.muli %add3A_415, %mul3A_439 : i32
      %swap3A_441 = arith.index_cast %mul3A_440 : i32 to index
      %swap3A_442 = tpu.vector_load %arg8[%swap3A_441] {strides = array<i32>} : memref<16384xf32, #tpu.memory_space<vmem>>, vector<16xf32>,
      tpu.vector_store %arg8[%swap3A_441], %select_n3A_438 {strides = array<i32>} : memref<16384xf32, #tpu.memory_space<vmem>>, vector<16xf32>,
      %mul3A_443 = arith.constant 8 : i32
      %mul3A_444 = arith.muli %scan3A_327, %mul3A_443 : i32
      %add3A_445 = arith.constant 4 : i32
      %add3A_446 = arith.addi %mul3A_444, %add3A_445 : i32
      %mul3A_447 = arith.constant 16 : i32
      %mul3A_448 = arith.muli %add3A_446, %mul3A_447 : i32
      %get3A_449 = arith.index_cast %mul3A_448 : i32 to index
      %get3A_450 = tpu.vector_load %arg7[%get3A_449] {strides = array<i32>} : memref<16384xi32, #tpu.memory_space<vmem>>, vector<16xi32>,
      %sub3A_451 = arith.constant 80896 : i32
      %sub3A_452 = vector.broadcast %sub3A_451 : i32 to vector<16xi32>
      %sub3A_453 = arith.subi %get3A_450, %sub3A_452 : vector<16xi32>
      %ge3A_454 = arith.constant 0 : i32
      %ge3A_455 = vector.broadcast %ge3A_454 : i32 to vector<16xi32>
      %ge3A_456 = arith.cmpi sge, %sub3A_453, %ge3A_455 : vector<16xi32>
      %lt3A_457 = arith.constant 19104 : i32
      %lt3A_458 = vector.broadcast %lt3A_457 : i32 to vector<16xi32>
      %lt3A_459 = arith.cmpi slt, %sub3A_453, %lt3A_458 : vector<16xi32>
      %and3A_460 = arith.andi %ge3A_456, %lt3A_459 : vector<16xi1>
      %jit3A_461 = arith.constant 0 : i32
      %broadcast_in_dim3A_462 = vector.broadcast %jit3A_461 : i32 to vector<16xi32>
      %select_n3A_463 = arith.select %and3A_460, %sub3A_453, %broadcast_in_dim3A_462 : vector<16xi1>, vector<16xi32>
      %gather3A_464 = tpu.vector_load_idx %arg10[%select_n3A_463] : memref<40448xf32, #tpu.memory_space<vmem>>[vector<16xi32>], vector<16xf32>,
      %mul3A_465 = arith.constant 16 : i32
      %mul3A_466 = arith.muli %add3A_446, %mul3A_465 : i32
      %get3A_467 = arith.index_cast %mul3A_466 : i32 to index
      %get3A_468 = tpu.vector_load %arg8[%get3A_467] {strides = array<i32>} : memref<16384xf32, #tpu.memory_space<vmem>>, vector<16xf32>,
      %select_n3A_469 = arith.select %and3A_460, %gather3A_464, %get3A_468 : vector<16xi1>, vector<16xf32>
      %mul3A_470 = arith.constant 16 : i32
      %mul3A_471 = arith.muli %add3A_446, %mul3A_470 : i32
      %swap3A_472 = arith.index_cast %mul3A_471 : i32 to index
      %swap3A_473 = tpu.vector_load %arg8[%swap3A_472] {strides = array<i32>} : memref<16384xf32, #tpu.memory_space<vmem>>, vector<16xf32>,
      tpu.vector_store %arg8[%swap3A_472], %select_n3A_469 {strides = array<i32>} : memref<16384xf32, #tpu.memory_space<vmem>>, vector<16xf32>,
      %mul3A_474 = arith.constant 8 : i32
      %mul3A_475 = arith.muli %scan3A_327, %mul3A_474 : i32
      %add3A_476 = arith.constant 5 : i32
      %add3A_477 = arith.addi %mul3A_475, %add3A_476 : i32
      %mul3A_478 = arith.constant 16 : i32
      %mul3A_479 = arith.muli %add3A_477, %mul3A_478 : i32
      %get3A_480 = arith.index_cast %mul3A_479 : i32 to index
      %get3A_481 = tpu.vector_load %arg7[%get3A_480] {strides = array<i32>} : memref<16384xi32, #tpu.memory_space<vmem>>, vector<16xi32>,
      %sub3A_482 = arith.constant 80896 : i32
      %sub3A_483 = vector.broadcast %sub3A_482 : i32 to vector<16xi32>
      %sub3A_484 = arith.subi %get3A_481, %sub3A_483 : vector<16xi32>
      %ge3A_485 = arith.constant 0 : i32
      %ge3A_486 = vector.broadcast %ge3A_485 : i32 to vector<16xi32>
      %ge3A_487 = arith.cmpi sge, %sub3A_484, %ge3A_486 : vector<16xi32>
      %lt3A_488 = arith.constant 19104 : i32
      %lt3A_489 = vector.broadcast %lt3A_488 : i32 to vector<16xi32>
      %lt3A_490 = arith.cmpi slt, %sub3A_484, %lt3A_489 : vector<16xi32>
      %and3A_491 = arith.andi %ge3A_487, %lt3A_490 : vector<16xi1>
      %jit3A_492 = arith.constant 0 : i32
      %broadcast_in_dim3A_493 = vector.broadcast %jit3A_492 : i32 to vector<16xi32>
      %select_n3A_494 = arith.select %and3A_491, %sub3A_484, %broadcast_in_dim3A_493 : vector<16xi1>, vector<16xi32>
      %gather3A_495 = tpu.vector_load_idx %arg10[%select_n3A_494] : memref<40448xf32, #tpu.memory_space<vmem>>[vector<16xi32>], vector<16xf32>,
      %mul3A_496 = arith.constant 16 : i32
      %mul3A_497 = arith.muli %add3A_477, %mul3A_496 : i32
      %get3A_498 = arith.index_cast %mul3A_497 : i32 to index
      %get3A_499 = tpu.vector_load %arg8[%get3A_498] {strides = array<i32>} : memref<16384xf32, #tpu.memory_space<vmem>>, vector<16xf32>,
      %select_n3A_500 = arith.select %and3A_491, %gather3A_495, %get3A_499 : vector<16xi1>, vector<16xf32>
      %mul3A_501 = arith.constant 16 : i32
      %mul3A_502 = arith.muli %add3A_477, %mul3A_501 : i32
      %swap3A_503 = arith.index_cast %mul3A_502 : i32 to index
      %swap3A_504 = tpu.vector_load %arg8[%swap3A_503] {strides = array<i32>} : memref<16384xf32, #tpu.memory_space<vmem>>, vector<16xf32>,
      tpu.vector_store %arg8[%swap3A_503], %select_n3A_500 {strides = array<i32>} : memref<16384xf32, #tpu.memory_space<vmem>>, vector<16xf32>,
      %mul3A_505 = arith.constant 8 : i32
      %mul3A_506 = arith.muli %scan3A_327, %mul3A_505 : i32
      %add3A_507 = arith.constant 6 : i32
      %add3A_508 = arith.addi %mul3A_506, %add3A_507 : i32
      %mul3A_509 = arith.constant 16 : i32
      %mul3A_510 = arith.muli %add3A_508, %mul3A_509 : i32
      %get3A_511 = arith.index_cast %mul3A_510 : i32 to index
      %get3A_512 = tpu.vector_load %arg7[%get3A_511] {strides = array<i32>} : memref<16384xi32, #tpu.memory_space<vmem>>, vector<16xi32>,
      %sub3A_513 = arith.constant 80896 : i32
      %sub3A_514 = vector.broadcast %sub3A_513 : i32 to vector<16xi32>
      %sub3A_515 = arith.subi %get3A_512, %sub3A_514 : vector<16xi32>
      %ge3A_516 = arith.constant 0 : i32
      %ge3A_517 = vector.broadcast %ge3A_516 : i32 to vector<16xi32>
      %ge3A_518 = arith.cmpi sge, %sub3A_515, %ge3A_517 : vector<16xi32>
      %lt3A_519 = arith.constant 19104 : i32
      %lt3A_520 = vector.broadcast %lt3A_519 : i32 to vector<16xi32>
      %lt3A_521 = arith.cmpi slt, %sub3A_515, %lt3A_520 : vector<16xi32>
      %and3A_522 = arith.andi %ge3A_518, %lt3A_521 : vector<16xi1>
      %jit3A_523 = arith.constant 0 : i32
      %broadcast_in_dim3A_524 = vector.broadcast %jit3A_523 : i32 to vector<16xi32>
      %select_n3A_525 = arith.select %and3A_522, %sub3A_515, %broadcast_in_dim3A_524 : vector<16xi1>, vector<16xi32>
      %gather3A_526 = tpu.vector_load_idx %arg10[%select_n3A_525] : memref<40448xf32, #tpu.memory_space<vmem>>[vector<16xi32>], vector<16xf32>,
      %mul3A_527 = arith.constant 16 : i32
      %mul3A_528 = arith.muli %add3A_508, %mul3A_527 : i32
      %get3A_529 = arith.index_cast %mul3A_528 : i32 to index
      %get3A_530 = tpu.vector_load %arg8[%get3A_529] {strides = array<i32>} : memref<16384xf32, #tpu.memory_space<vmem>>, vector<16xf32>,
      %select_n3A_531 = arith.select %and3A_522, %gather3A_526, %get3A_530 : vector<16xi1>, vector<16xf32>
      %mul3A_532 = arith.constant 16 : i32
      %mul3A_533 = arith.muli %add3A_508, %mul3A_532 : i32
      %swap3A_534 = arith.index_cast %mul3A_533 : i32 to index
      %swap3A_535 = tpu.vector_load %arg8[%swap3A_534] {strides = array<i32>} : memref<16384xf32, #tpu.memory_space<vmem>>, vector<16xf32>,
      tpu.vector_store %arg8[%swap3A_534], %select_n3A_531 {strides = array<i32>} : memref<16384xf32, #tpu.memory_space<vmem>>, vector<16xf32>,
      %mul3A_536 = arith.constant 8 : i32
      %mul3A_537 = arith.muli %scan3A_327, %mul3A_536 : i32
      %add3A_538 = arith.constant 7 : i32
      %add3A_539 = arith.addi %mul3A_537, %add3A_538 : i32
      %mul3A_540 = arith.constant 16 : i32
      %mul3A_541 = arith.muli %add3A_539, %mul3A_540 : i32
      %get3A_542 = arith.index_cast %mul3A_541 : i32 to index
      %get3A_543 = tpu.vector_load %arg7[%get3A_542] {strides = array<i32>} : memref<16384xi32, #tpu.memory_space<vmem>>, vector<16xi32>,
      %sub3A_544 = arith.constant 80896 : i32
      %sub3A_545 = vector.broadcast %sub3A_544 : i32 to vector<16xi32>
      %sub3A_546 = arith.subi %get3A_543, %sub3A_545 : vector<16xi32>
      %ge3A_547 = arith.constant 0 : i32
      %ge3A_548 = vector.broadcast %ge3A_547 : i32 to vector<16xi32>
      %ge3A_549 = arith.cmpi sge, %sub3A_546, %ge3A_548 : vector<16xi32>
      %lt3A_550 = arith.constant 19104 : i32
      %lt3A_551 = vector.broadcast %lt3A_550 : i32 to vector<16xi32>
      %lt3A_552 = arith.cmpi slt, %sub3A_546, %lt3A_551 : vector<16xi32>
      %and3A_553 = arith.andi %ge3A_549, %lt3A_552 : vector<16xi1>
      %jit3A_554 = arith.constant 0 : i32
      %broadcast_in_dim3A_555 = vector.broadcast %jit3A_554 : i32 to vector<16xi32>
      %select_n3A_556 = arith.select %and3A_553, %sub3A_546, %broadcast_in_dim3A_555 : vector<16xi1>, vector<16xi32>
      %gather3A_557 = tpu.vector_load_idx %arg10[%select_n3A_556] : memref<40448xf32, #tpu.memory_space<vmem>>[vector<16xi32>], vector<16xf32>,
      %mul3A_558 = arith.constant 16 : i32
      %mul3A_559 = arith.muli %add3A_539, %mul3A_558 : i32
      %get3A_560 = arith.index_cast %mul3A_559 : i32 to index
      %get3A_561 = tpu.vector_load %arg8[%get3A_560] {strides = array<i32>} : memref<16384xf32, #tpu.memory_space<vmem>>, vector<16xf32>,
      %select_n3A_562 = arith.select %and3A_553, %gather3A_557, %get3A_561 : vector<16xi1>, vector<16xf32>
      %mul3A_563 = arith.constant 16 : i32
      %mul3A_564 = arith.muli %add3A_539, %mul3A_563 : i32
      %swap3A_565 = arith.index_cast %mul3A_564 : i32 to index
      %swap3A_566 = tpu.vector_load %arg8[%swap3A_565] {strides = array<i32>} : memref<16384xf32, #tpu.memory_space<vmem>>, vector<16xf32>,
      tpu.vector_store %arg8[%swap3A_565], %select_n3A_562 {strides = array<i32>} : memref<16384xf32, #tpu.memory_space<vmem>>, vector<16xf32>,
    }
    %scan3A_86 = arith.constant 128 : i32
    "tpu.region"() ({
      %run_scoped3A = tpu.sem_alloc : memref<!tpu.dma_semaphore, #tpu.memory_space<semaphore_mem>>
      tpu.enqueue_dma source(%arg3 : memref<16384xi32, #tpu.memory_space<hbm>>) target(%arg7 : memref<16384xi32, #tpu.memory_space<vmem>>) target_semaphore(%run_scoped3A : memref<!tpu.dma_semaphore, #tpu.memory_space<semaphore_mem>>)
      tpu.wait_dma2 semaphore(%run_scoped3A : memref<!tpu.dma_semaphore, #tpu.memory_space<semaphore_mem>>) src(%arg3 : memref<16384xi32, #tpu.memory_space<hbm>>) dst(%arg7 : memref<16384xi32, #tpu.memory_space<vmem>>)
      tpu.yield
    }) : () -> ()
    %dma_start3A_87 = arith.constant 0 : i32
    %dma_start3A_88 = tpu.memref_slice %arg10[%dma_start3A_87] : memref<40448xf32, #tpu.memory_space<vmem>> -> memref<40448xf32, #tpu.memory_space<vmem>>
    %dma_start3A_89 = arith.constant 0 : i32
    %dma_start3A_90 = tpu.memref_slice %arg5[%add3A_10, %dma_start3A_89] : memref<64x100000xf32, #tpu.memory_space<hbm>> -> memref<1x40448xf32, #tpu.memory_space<hbm>>
    %dma_start3A_91 = tpu.memref_squeeze %dma_start3A_90 : memref<1x40448xf32, #tpu.memory_space<hbm>> -> memref<40448xf32, #tpu.memory_space<hbm>>
    %dma_start3A_92 = arith.constant 0 : i32
    %dma_start3A_93 = tpu.memref_slice %arg10[%dma_start3A_92] : memref<40448xf32, #tpu.memory_space<vmem>> -> memref<40448xf32, #tpu.memory_space<vmem>>
    %dma_start3A_94 = arith.constant 0 : i32
    %dma_start3A_95 = tpu.memref_slice %arg5[%add3A_10, %dma_start3A_94] : memref<64x100000xf32, #tpu.memory_space<hbm>> -> memref<1x40448xf32, #tpu.memory_space<hbm>>
    %dma_start3A_96 = tpu.memref_squeeze %dma_start3A_95 : memref<1x40448xf32, #tpu.memory_space<hbm>> -> memref<40448xf32, #tpu.memory_space<hbm>>
    tpu.enqueue_dma source(%dma_start3A_96 : memref<40448xf32, #tpu.memory_space<hbm>>) target(%dma_start3A_93 : memref<40448xf32, #tpu.memory_space<vmem>>) target_semaphore(%arg12 : memref<!tpu.dma_semaphore, #tpu.memory_space<semaphore_mem>>)
    %dma_wait3A_97 = arith.constant 0 : i32
    %dma_wait3A_98 = tpu.memref_slice %arg10[%dma_wait3A_97] : memref<40448xf32, #tpu.memory_space<vmem>> -> memref<40448xf32, #tpu.memory_space<vmem>>
    %dma_wait3A_99 = arith.constant 0 : i32
    %dma_wait3A_100 = tpu.memref_slice %arg5[%add3A_10, %dma_wait3A_99] : memref<64x100000xf32, #tpu.memory_space<hbm>> -> memref<1x40448xf32, #tpu.memory_space<hbm>>
    %dma_wait3A_101 = tpu.memref_squeeze %dma_wait3A_100 : memref<1x40448xf32, #tpu.memory_space<hbm>> -> memref<40448xf32, #tpu.memory_space<hbm>>
    %dma_wait3A_102 = arith.constant 0 : i32
    %dma_wait3A_103 = tpu.memref_slice %arg10[%dma_wait3A_102] : memref<40448xf32, #tpu.memory_space<vmem>> -> memref<40448xf32, #tpu.memory_space<vmem>>
    %dma_wait3A_104 = arith.constant 0 : i32
    %dma_wait3A_105 = tpu.memref_slice %arg5[%add3A_10, %dma_wait3A_104] : memref<64x100000xf32, #tpu.memory_space<hbm>> -> memref<1x40448xf32, #tpu.memory_space<hbm>>
    %dma_wait3A_106 = tpu.memref_squeeze %dma_wait3A_105 : memref<1x40448xf32, #tpu.memory_space<hbm>> -> memref<40448xf32, #tpu.memory_space<hbm>>
    tpu.wait_dma2 semaphore(%arg12 : memref<!tpu.dma_semaphore, #tpu.memory_space<semaphore_mem>>) src(%dma_wait3A_106 : memref<40448xf32, #tpu.memory_space<hbm>>) dst(%dma_wait3A_103 : memref<40448xf32, #tpu.memory_space<vmem>>)
    %dma_start3A_107 = arith.constant 0 : i32
    %dma_start3A_108 = tpu.memref_slice %arg11[%dma_start3A_107] : memref<40448xf32, #tpu.memory_space<vmem>> -> memref<40448xf32, #tpu.memory_space<vmem>>
    %dma_start3A_109 = arith.constant 40448 : i32
    %dma_start3A_110 = tpu.memref_slice %arg5[%add3A_10, %dma_start3A_109] : memref<64x100000xf32, #tpu.memory_space<hbm>> -> memref<1x40448xf32, #tpu.memory_space<hbm>>
    %dma_start3A_111 = tpu.memref_squeeze %dma_start3A_110 : memref<1x40448xf32, #tpu.memory_space<hbm>> -> memref<40448xf32, #tpu.memory_space<hbm>>
    %dma_start3A_112 = arith.constant 0 : i32
    %dma_start3A_113 = tpu.memref_slice %arg11[%dma_start3A_112] : memref<40448xf32, #tpu.memory_space<vmem>> -> memref<40448xf32, #tpu.memory_space<vmem>>
    %dma_start3A_114 = arith.constant 40448 : i32
    %dma_start3A_115 = tpu.memref_slice %arg5[%add3A_10, %dma_start3A_114] : memref<64x100000xf32, #tpu.memory_space<hbm>> -> memref<1x40448xf32, #tpu.memory_space<hbm>>
    %dma_start3A_116 = tpu.memref_squeeze %dma_start3A_115 : memref<1x40448xf32, #tpu.memory_space<hbm>> -> memref<40448xf32, #tpu.memory_space<hbm>>
    tpu.enqueue_dma source(%dma_start3A_116 : memref<40448xf32, #tpu.memory_space<hbm>>) target(%dma_start3A_113 : memref<40448xf32, #tpu.memory_space<vmem>>) target_semaphore(%arg13 : memref<!tpu.dma_semaphore, #tpu.memory_space<semaphore_mem>>)
    %scan3A_117 = arith.constant 0 : i32
    %scan3A_118 = arith.constant 0 : i32
    %scan3A_119 = arith.constant 128 : i32
    %scan3A_120 = arith.addi %scan3A_118, %scan3A_119 : i32
    %scan3A_121 = arith.constant 1 : i32
    scf.for %scan3A_327 = %scan3A_118 to %scan3A_120 step %scan3A_121  : i32 {
      %mul3A_328 = arith.constant 8 : i32
      %mul3A_329 = arith.muli %scan3A_327, %mul3A_328 : i32
      %add3A_330 = arith.constant 0 : i32
      %add3A_331 = arith.addi %mul3A_329, %add3A_330 : i32
      %mul3A_332 = arith.constant 16 : i32
      %mul3A_333 = arith.muli %add3A_331, %mul3A_332 : i32
      %get3A = arith.index_cast %mul3A_333 : i32 to index
      %get3A_334 = tpu.vector_load %arg7[%get3A] {strides = array<i32>} : memref<16384xi32, #tpu.memory_space<vmem>>, vector<16xi32>,
      %sub3A = arith.constant 0 : i32
      %sub3A_335 = vector.broadcast %sub3A : i32 to vector<16xi32>
      %sub3A_336 = arith.subi %get3A_334, %sub3A_335 : vector<16xi32>
      %ge3A = arith.constant 0 : i32
      %ge3A_337 = vector.broadcast %ge3A : i32 to vector<16xi32>
      %ge3A_338 = arith.cmpi sge, %sub3A_336, %ge3A_337 : vector<16xi32>
      %lt3A = arith.constant 40448 : i32
      %lt3A_339 = vector.broadcast %lt3A : i32 to vector<16xi32>
      %lt3A_340 = arith.cmpi slt, %sub3A_336, %lt3A_339 : vector<16xi32>
      %and3A = arith.andi %ge3A_338, %lt3A_340 : vector<16xi1>
      %jit3A = arith.constant 0 : i32
      %broadcast_in_dim3A_341 = vector.broadcast %jit3A : i32 to vector<16xi32>
      %select_n3A = arith.select %and3A, %sub3A_336, %broadcast_in_dim3A_341 : vector<16xi1>, vector<16xi32>
      %gather3A = tpu.vector_load_idx %arg10[%select_n3A] : memref<40448xf32, #tpu.memory_space<vmem>>[vector<16xi32>], vector<16xf32>,
      %mul3A_342 = arith.constant 16 : i32
      %mul3A_343 = arith.muli %add3A_331, %mul3A_342 : i32
      %get3A_344 = arith.index_cast %mul3A_343 : i32 to index
      %get3A_345 = tpu.vector_load %arg8[%get3A_344] {strides = array<i32>} : memref<16384xf32, #tpu.memory_space<vmem>>, vector<16xf32>,
      %mul3A_346 = arith.constant 16 : i32
      %mul3A_347 = arith.muli %add3A_331, %mul3A_346 : i32
      %get3A_348 = arith.index_cast %mul3A_347 : i32 to index
      %get3A_349 = tpu.vector_load %arg9[%get3A_348] {strides = array<i32>} : memref<16384xf32, #tpu.memory_space<vmem>>, vector<16xf32>,
      %mul3A_350 = arith.mulf %gather3A, %get3A_345 : vector<16xf32>
      %jit3A_351 = arith.constant 0.000000e+00 : f32
      %broadcast_in_dim3A_352 = vector.broadcast %jit3A_351 : f32 to vector<16xf32>
      %select_n3A_353 = arith.select %and3A, %mul3A_350, %broadcast_in_dim3A_352 : vector<16xi1>, vector<16xf32>
      %add3A_354 = arith.addf %get3A_349, %select_n3A_353 : vector<16xf32>
      %mul3A_355 = arith.constant 16 : i32
      %mul3A_356 = arith.muli %add3A_331, %mul3A_355 : i32
      %swap3A = arith.index_cast %mul3A_356 : i32 to index
      %swap3A_357 = tpu.vector_load %arg9[%swap3A] {strides = array<i32>} : memref<16384xf32, #tpu.memory_space<vmem>>, vector<16xf32>,
      tpu.vector_store %arg9[%swap3A], %add3A_354 {strides = array<i32>} : memref<16384xf32, #tpu.memory_space<vmem>>, vector<16xf32>,
      %mul3A_358 = arith.constant 8 : i32
      %mul3A_359 = arith.muli %scan3A_327, %mul3A_358 : i32
      %add3A_360 = arith.constant 1 : i32
      %add3A_361 = arith.addi %mul3A_359, %add3A_360 : i32
      %mul3A_362 = arith.constant 16 : i32
      %mul3A_363 = arith.muli %add3A_361, %mul3A_362 : i32
      %get3A_364 = arith.index_cast %mul3A_363 : i32 to index
      %get3A_365 = tpu.vector_load %arg7[%get3A_364] {strides = array<i32>} : memref<16384xi32, #tpu.memory_space<vmem>>, vector<16xi32>,
      %sub3A_366 = arith.constant 0 : i32
      %sub3A_367 = vector.broadcast %sub3A_366 : i32 to vector<16xi32>
      %sub3A_368 = arith.subi %get3A_365, %sub3A_367 : vector<16xi32>
      %ge3A_369 = arith.constant 0 : i32
      %ge3A_370 = vector.broadcast %ge3A_369 : i32 to vector<16xi32>
      %ge3A_371 = arith.cmpi sge, %sub3A_368, %ge3A_370 : vector<16xi32>
      %lt3A_372 = arith.constant 40448 : i32
      %lt3A_373 = vector.broadcast %lt3A_372 : i32 to vector<16xi32>
      %lt3A_374 = arith.cmpi slt, %sub3A_368, %lt3A_373 : vector<16xi32>
      %and3A_375 = arith.andi %ge3A_371, %lt3A_374 : vector<16xi1>
      %jit3A_376 = arith.constant 0 : i32
      %broadcast_in_dim3A_377 = vector.broadcast %jit3A_376 : i32 to vector<16xi32>
      %select_n3A_378 = arith.select %and3A_375, %sub3A_368, %broadcast_in_dim3A_377 : vector<16xi1>, vector<16xi32>
      %gather3A_379 = tpu.vector_load_idx %arg10[%select_n3A_378] : memref<40448xf32, #tpu.memory_space<vmem>>[vector<16xi32>], vector<16xf32>,
      %mul3A_380 = arith.constant 16 : i32
      %mul3A_381 = arith.muli %add3A_361, %mul3A_380 : i32
      %get3A_382 = arith.index_cast %mul3A_381 : i32 to index
      %get3A_383 = tpu.vector_load %arg8[%get3A_382] {strides = array<i32>} : memref<16384xf32, #tpu.memory_space<vmem>>, vector<16xf32>,
      %mul3A_384 = arith.constant 16 : i32
      %mul3A_385 = arith.muli %add3A_361, %mul3A_384 : i32
      %get3A_386 = arith.index_cast %mul3A_385 : i32 to index
      %get3A_387 = tpu.vector_load %arg9[%get3A_386] {strides = array<i32>} : memref<16384xf32, #tpu.memory_space<vmem>>, vector<16xf32>,
      %mul3A_388 = arith.mulf %gather3A_379, %get3A_383 : vector<16xf32>
      %jit3A_389 = arith.constant 0.000000e+00 : f32
      %broadcast_in_dim3A_390 = vector.broadcast %jit3A_389 : f32 to vector<16xf32>
      %select_n3A_391 = arith.select %and3A_375, %mul3A_388, %broadcast_in_dim3A_390 : vector<16xi1>, vector<16xf32>
      %add3A_392 = arith.addf %get3A_387, %select_n3A_391 : vector<16xf32>
      %mul3A_393 = arith.constant 16 : i32
      %mul3A_394 = arith.muli %add3A_361, %mul3A_393 : i32
      %swap3A_395 = arith.index_cast %mul3A_394 : i32 to index
      %swap3A_396 = tpu.vector_load %arg9[%swap3A_395] {strides = array<i32>} : memref<16384xf32, #tpu.memory_space<vmem>>, vector<16xf32>,
      tpu.vector_store %arg9[%swap3A_395], %add3A_392 {strides = array<i32>} : memref<16384xf32, #tpu.memory_space<vmem>>, vector<16xf32>,
      %mul3A_397 = arith.constant 8 : i32
      %mul3A_398 = arith.muli %scan3A_327, %mul3A_397 : i32
      %add3A_399 = arith.constant 2 : i32
      %add3A_400 = arith.addi %mul3A_398, %add3A_399 : i32
      %mul3A_401 = arith.constant 16 : i32
      %mul3A_402 = arith.muli %add3A_400, %mul3A_401 : i32
      %get3A_403 = arith.index_cast %mul3A_402 : i32 to index
      %get3A_404 = tpu.vector_load %arg7[%get3A_403] {strides = array<i32>} : memref<16384xi32, #tpu.memory_space<vmem>>, vector<16xi32>,
      %sub3A_405 = arith.constant 0 : i32
      %sub3A_406 = vector.broadcast %sub3A_405 : i32 to vector<16xi32>
      %sub3A_407 = arith.subi %get3A_404, %sub3A_406 : vector<16xi32>
      %ge3A_408 = arith.constant 0 : i32
      %ge3A_409 = vector.broadcast %ge3A_408 : i32 to vector<16xi32>
      %ge3A_410 = arith.cmpi sge, %sub3A_407, %ge3A_409 : vector<16xi32>
      %lt3A_411 = arith.constant 40448 : i32
      %lt3A_412 = vector.broadcast %lt3A_411 : i32 to vector<16xi32>
      %lt3A_413 = arith.cmpi slt, %sub3A_407, %lt3A_412 : vector<16xi32>
      %and3A_414 = arith.andi %ge3A_410, %lt3A_413 : vector<16xi1>
      %jit3A_415 = arith.constant 0 : i32
      %broadcast_in_dim3A_416 = vector.broadcast %jit3A_415 : i32 to vector<16xi32>
      %select_n3A_417 = arith.select %and3A_414, %sub3A_407, %broadcast_in_dim3A_416 : vector<16xi1>, vector<16xi32>
      %gather3A_418 = tpu.vector_load_idx %arg10[%select_n3A_417] : memref<40448xf32, #tpu.memory_space<vmem>>[vector<16xi32>], vector<16xf32>,
      %mul3A_419 = arith.constant 16 : i32
      %mul3A_420 = arith.muli %add3A_400, %mul3A_419 : i32
      %get3A_421 = arith.index_cast %mul3A_420 : i32 to index
      %get3A_422 = tpu.vector_load %arg8[%get3A_421] {strides = array<i32>} : memref<16384xf32, #tpu.memory_space<vmem>>, vector<16xf32>,
      %mul3A_423 = arith.constant 16 : i32
      %mul3A_424 = arith.muli %add3A_400, %mul3A_423 : i32
      %get3A_425 = arith.index_cast %mul3A_424 : i32 to index
      %get3A_426 = tpu.vector_load %arg9[%get3A_425] {strides = array<i32>} : memref<16384xf32, #tpu.memory_space<vmem>>, vector<16xf32>,
      %mul3A_427 = arith.mulf %gather3A_418, %get3A_422 : vector<16xf32>
      %jit3A_428 = arith.constant 0.000000e+00 : f32
      %broadcast_in_dim3A_429 = vector.broadcast %jit3A_428 : f32 to vector<16xf32>
      %select_n3A_430 = arith.select %and3A_414, %mul3A_427, %broadcast_in_dim3A_429 : vector<16xi1>, vector<16xf32>
      %add3A_431 = arith.addf %get3A_426, %select_n3A_430 : vector<16xf32>
      %mul3A_432 = arith.constant 16 : i32
      %mul3A_433 = arith.muli %add3A_400, %mul3A_432 : i32
      %swap3A_434 = arith.index_cast %mul3A_433 : i32 to index
      %swap3A_435 = tpu.vector_load %arg9[%swap3A_434] {strides = array<i32>} : memref<16384xf32, #tpu.memory_space<vmem>>, vector<16xf32>,
      tpu.vector_store %arg9[%swap3A_434], %add3A_431 {strides = array<i32>} : memref<16384xf32, #tpu.memory_space<vmem>>, vector<16xf32>,
      %mul3A_436 = arith.constant 8 : i32
      %mul3A_437 = arith.muli %scan3A_327, %mul3A_436 : i32
      %add3A_438 = arith.constant 3 : i32
      %add3A_439 = arith.addi %mul3A_437, %add3A_438 : i32
      %mul3A_440 = arith.constant 16 : i32
      %mul3A_441 = arith.muli %add3A_439, %mul3A_440 : i32
      %get3A_442 = arith.index_cast %mul3A_441 : i32 to index
      %get3A_443 = tpu.vector_load %arg7[%get3A_442] {strides = array<i32>} : memref<16384xi32, #tpu.memory_space<vmem>>, vector<16xi32>,
      %sub3A_444 = arith.constant 0 : i32
      %sub3A_445 = vector.broadcast %sub3A_444 : i32 to vector<16xi32>
      %sub3A_446 = arith.subi %get3A_443, %sub3A_445 : vector<16xi32>
      %ge3A_447 = arith.constant 0 : i32
      %ge3A_448 = vector.broadcast %ge3A_447 : i32 to vector<16xi32>
      %ge3A_449 = arith.cmpi sge, %sub3A_446, %ge3A_448 : vector<16xi32>
      %lt3A_450 = arith.constant 40448 : i32
      %lt3A_451 = vector.broadcast %lt3A_450 : i32 to vector<16xi32>
      %lt3A_452 = arith.cmpi slt, %sub3A_446, %lt3A_451 : vector<16xi32>
      %and3A_453 = arith.andi %ge3A_449, %lt3A_452 : vector<16xi1>
      %jit3A_454 = arith.constant 0 : i32
      %broadcast_in_dim3A_455 = vector.broadcast %jit3A_454 : i32 to vector<16xi32>
      %select_n3A_456 = arith.select %and3A_453, %sub3A_446, %broadcast_in_dim3A_455 : vector<16xi1>, vector<16xi32>
      %gather3A_457 = tpu.vector_load_idx %arg10[%select_n3A_456] : memref<40448xf32, #tpu.memory_space<vmem>>[vector<16xi32>], vector<16xf32>,
      %mul3A_458 = arith.constant 16 : i32
      %mul3A_459 = arith.muli %add3A_439, %mul3A_458 : i32
      %get3A_460 = arith.index_cast %mul3A_459 : i32 to index
      %get3A_461 = tpu.vector_load %arg8[%get3A_460] {strides = array<i32>} : memref<16384xf32, #tpu.memory_space<vmem>>, vector<16xf32>,
      %mul3A_462 = arith.constant 16 : i32
      %mul3A_463 = arith.muli %add3A_439, %mul3A_462 : i32
      %get3A_464 = arith.index_cast %mul3A_463 : i32 to index
      %get3A_465 = tpu.vector_load %arg9[%get3A_464] {strides = array<i32>} : memref<16384xf32, #tpu.memory_space<vmem>>, vector<16xf32>,
      %mul3A_466 = arith.mulf %gather3A_457, %get3A_461 : vector<16xf32>
      %jit3A_467 = arith.constant 0.000000e+00 : f32
      %broadcast_in_dim3A_468 = vector.broadcast %jit3A_467 : f32 to vector<16xf32>
      %select_n3A_469 = arith.select %and3A_453, %mul3A_466, %broadcast_in_dim3A_468 : vector<16xi1>, vector<16xf32>
      %add3A_470 = arith.addf %get3A_465, %select_n3A_469 : vector<16xf32>
      %mul3A_471 = arith.constant 16 : i32
      %mul3A_472 = arith.muli %add3A_439, %mul3A_471 : i32
      %swap3A_473 = arith.index_cast %mul3A_472 : i32 to index
      %swap3A_474 = tpu.vector_load %arg9[%swap3A_473] {strides = array<i32>} : memref<16384xf32, #tpu.memory_space<vmem>>, vector<16xf32>,
      tpu.vector_store %arg9[%swap3A_473], %add3A_470 {strides = array<i32>} : memref<16384xf32, #tpu.memory_space<vmem>>, vector<16xf32>,
      %mul3A_475 = arith.constant 8 : i32
      %mul3A_476 = arith.muli %scan3A_327, %mul3A_475 : i32
      %add3A_477 = arith.constant 4 : i32
      %add3A_478 = arith.addi %mul3A_476, %add3A_477 : i32
      %mul3A_479 = arith.constant 16 : i32
      %mul3A_480 = arith.muli %add3A_478, %mul3A_479 : i32
      %get3A_481 = arith.index_cast %mul3A_480 : i32 to index
      %get3A_482 = tpu.vector_load %arg7[%get3A_481] {strides = array<i32>} : memref<16384xi32, #tpu.memory_space<vmem>>, vector<16xi32>,
      %sub3A_483 = arith.constant 0 : i32
      %sub3A_484 = vector.broadcast %sub3A_483 : i32 to vector<16xi32>
      %sub3A_485 = arith.subi %get3A_482, %sub3A_484 : vector<16xi32>
      %ge3A_486 = arith.constant 0 : i32
      %ge3A_487 = vector.broadcast %ge3A_486 : i32 to vector<16xi32>
      %ge3A_488 = arith.cmpi sge, %sub3A_485, %ge3A_487 : vector<16xi32>
      %lt3A_489 = arith.constant 40448 : i32
      %lt3A_490 = vector.broadcast %lt3A_489 : i32 to vector<16xi32>
      %lt3A_491 = arith.cmpi slt, %sub3A_485, %lt3A_490 : vector<16xi32>
      %and3A_492 = arith.andi %ge3A_488, %lt3A_491 : vector<16xi1>
      %jit3A_493 = arith.constant 0 : i32
      %broadcast_in_dim3A_494 = vector.broadcast %jit3A_493 : i32 to vector<16xi32>
      %select_n3A_495 = arith.select %and3A_492, %sub3A_485, %broadcast_in_dim3A_494 : vector<16xi1>, vector<16xi32>
      %gather3A_496 = tpu.vector_load_idx %arg10[%select_n3A_495] : memref<40448xf32, #tpu.memory_space<vmem>>[vector<16xi32>], vector<16xf32>,
      %mul3A_497 = arith.constant 16 : i32
      %mul3A_498 = arith.muli %add3A_478, %mul3A_497 : i32
      %get3A_499 = arith.index_cast %mul3A_498 : i32 to index
      %get3A_500 = tpu.vector_load %arg8[%get3A_499] {strides = array<i32>} : memref<16384xf32, #tpu.memory_space<vmem>>, vector<16xf32>,
      %mul3A_501 = arith.constant 16 : i32
      %mul3A_502 = arith.muli %add3A_478, %mul3A_501 : i32
      %get3A_503 = arith.index_cast %mul3A_502 : i32 to index
      %get3A_504 = tpu.vector_load %arg9[%get3A_503] {strides = array<i32>} : memref<16384xf32, #tpu.memory_space<vmem>>, vector<16xf32>,
      %mul3A_505 = arith.mulf %gather3A_496, %get3A_500 : vector<16xf32>
      %jit3A_506 = arith.constant 0.000000e+00 : f32
      %broadcast_in_dim3A_507 = vector.broadcast %jit3A_506 : f32 to vector<16xf32>
      %select_n3A_508 = arith.select %and3A_492, %mul3A_505, %broadcast_in_dim3A_507 : vector<16xi1>, vector<16xf32>
      %add3A_509 = arith.addf %get3A_504, %select_n3A_508 : vector<16xf32>
      %mul3A_510 = arith.constant 16 : i32
      %mul3A_511 = arith.muli %add3A_478, %mul3A_510 : i32
      %swap3A_512 = arith.index_cast %mul3A_511 : i32 to index
      %swap3A_513 = tpu.vector_load %arg9[%swap3A_512] {strides = array<i32>} : memref<16384xf32, #tpu.memory_space<vmem>>, vector<16xf32>,
      tpu.vector_store %arg9[%swap3A_512], %add3A_509 {strides = array<i32>} : memref<16384xf32, #tpu.memory_space<vmem>>, vector<16xf32>,
      %mul3A_514 = arith.constant 8 : i32
      %mul3A_515 = arith.muli %scan3A_327, %mul3A_514 : i32
      %add3A_516 = arith.constant 5 : i32
      %add3A_517 = arith.addi %mul3A_515, %add3A_516 : i32
      %mul3A_518 = arith.constant 16 : i32
      %mul3A_519 = arith.muli %add3A_517, %mul3A_518 : i32
      %get3A_520 = arith.index_cast %mul3A_519 : i32 to index
      %get3A_521 = tpu.vector_load %arg7[%get3A_520] {strides = array<i32>} : memref<16384xi32, #tpu.memory_space<vmem>>, vector<16xi32>,
      %sub3A_522 = arith.constant 0 : i32
      %sub3A_523 = vector.broadcast %sub3A_522 : i32 to vector<16xi32>
      %sub3A_524 = arith.subi %get3A_521, %sub3A_523 : vector<16xi32>
      %ge3A_525 = arith.constant 0 : i32
      %ge3A_526 = vector.broadcast %ge3A_525 : i32 to vector<16xi32>
      %ge3A_527 = arith.cmpi sge, %sub3A_524, %ge3A_526 : vector<16xi32>
      %lt3A_528 = arith.constant 40448 : i32
      %lt3A_529 = vector.broadcast %lt3A_528 : i32 to vector<16xi32>
      %lt3A_530 = arith.cmpi slt, %sub3A_524, %lt3A_529 : vector<16xi32>
      %and3A_531 = arith.andi %ge3A_527, %lt3A_530 : vector<16xi1>
      %jit3A_532 = arith.constant 0 : i32
      %broadcast_in_dim3A_533 = vector.broadcast %jit3A_532 : i32 to vector<16xi32>
      %select_n3A_534 = arith.select %and3A_531, %sub3A_524, %broadcast_in_dim3A_533 : vector<16xi1>, vector<16xi32>
      %gather3A_535 = tpu.vector_load_idx %arg10[%select_n3A_534] : memref<40448xf32, #tpu.memory_space<vmem>>[vector<16xi32>], vector<16xf32>,
      %mul3A_536 = arith.constant 16 : i32
      %mul3A_537 = arith.muli %add3A_517, %mul3A_536 : i32
      %get3A_538 = arith.index_cast %mul3A_537 : i32 to index
      %get3A_539 = tpu.vector_load %arg8[%get3A_538] {strides = array<i32>} : memref<16384xf32, #tpu.memory_space<vmem>>, vector<16xf32>,
      %mul3A_540 = arith.constant 16 : i32
      %mul3A_541 = arith.muli %add3A_517, %mul3A_540 : i32
      %get3A_542 = arith.index_cast %mul3A_541 : i32 to index
      %get3A_543 = tpu.vector_load %arg9[%get3A_542] {strides = array<i32>} : memref<16384xf32, #tpu.memory_space<vmem>>, vector<16xf32>,
      %mul3A_544 = arith.mulf %gather3A_535, %get3A_539 : vector<16xf32>
      %jit3A_545 = arith.constant 0.000000e+00 : f32
      %broadcast_in_dim3A_546 = vector.broadcast %jit3A_545 : f32 to vector<16xf32>
      %select_n3A_547 = arith.select %and3A_531, %mul3A_544, %broadcast_in_dim3A_546 : vector<16xi1>, vector<16xf32>
      %add3A_548 = arith.addf %get3A_543, %select_n3A_547 : vector<16xf32>
      %mul3A_549 = arith.constant 16 : i32
      %mul3A_550 = arith.muli %add3A_517, %mul3A_549 : i32
      %swap3A_551 = arith.index_cast %mul3A_550 : i32 to index
      %swap3A_552 = tpu.vector_load %arg9[%swap3A_551] {strides = array<i32>} : memref<16384xf32, #tpu.memory_space<vmem>>, vector<16xf32>,
      tpu.vector_store %arg9[%swap3A_551], %add3A_548 {strides = array<i32>} : memref<16384xf32, #tpu.memory_space<vmem>>, vector<16xf32>,
      %mul3A_553 = arith.constant 8 : i32
      %mul3A_554 = arith.muli %scan3A_327, %mul3A_553 : i32
      %add3A_555 = arith.constant 6 : i32
      %add3A_556 = arith.addi %mul3A_554, %add3A_555 : i32
      %mul3A_557 = arith.constant 16 : i32
      %mul3A_558 = arith.muli %add3A_556, %mul3A_557 : i32
      %get3A_559 = arith.index_cast %mul3A_558 : i32 to index
      %get3A_560 = tpu.vector_load %arg7[%get3A_559] {strides = array<i32>} : memref<16384xi32, #tpu.memory_space<vmem>>, vector<16xi32>,
      %sub3A_561 = arith.constant 0 : i32
      %sub3A_562 = vector.broadcast %sub3A_561 : i32 to vector<16xi32>
      %sub3A_563 = arith.subi %get3A_560, %sub3A_562 : vector<16xi32>
      %ge3A_564 = arith.constant 0 : i32
      %ge3A_565 = vector.broadcast %ge3A_564 : i32 to vector<16xi32>
      %ge3A_566 = arith.cmpi sge, %sub3A_563, %ge3A_565 : vector<16xi32>
      %lt3A_567 = arith.constant 40448 : i32
      %lt3A_568 = vector.broadcast %lt3A_567 : i32 to vector<16xi32>
      %lt3A_569 = arith.cmpi slt, %sub3A_563, %lt3A_568 : vector<16xi32>
      %and3A_570 = arith.andi %ge3A_566, %lt3A_569 : vector<16xi1>
      %jit3A_571 = arith.constant 0 : i32
      %broadcast_in_dim3A_572 = vector.broadcast %jit3A_571 : i32 to vector<16xi32>
      %select_n3A_573 = arith.select %and3A_570, %sub3A_563, %broadcast_in_dim3A_572 : vector<16xi1>, vector<16xi32>
      %gather3A_574 = tpu.vector_load_idx %arg10[%select_n3A_573] : memref<40448xf32, #tpu.memory_space<vmem>>[vector<16xi32>], vector<16xf32>,
      %mul3A_575 = arith.constant 16 : i32
      %mul3A_576 = arith.muli %add3A_556, %mul3A_575 : i32
      %get3A_577 = arith.index_cast %mul3A_576 : i32 to index
      %get3A_578 = tpu.vector_load %arg8[%get3A_577] {strides = array<i32>} : memref<16384xf32, #tpu.memory_space<vmem>>, vector<16xf32>,
      %mul3A_579 = arith.constant 16 : i32
      %mul3A_580 = arith.muli %add3A_556, %mul3A_579 : i32
      %get3A_581 = arith.index_cast %mul3A_580 : i32 to index
      %get3A_582 = tpu.vector_load %arg9[%get3A_581] {strides = array<i32>} : memref<16384xf32, #tpu.memory_space<vmem>>, vector<16xf32>,
      %mul3A_583 = arith.mulf %gather3A_574, %get3A_578 : vector<16xf32>
      %jit3A_584 = arith.constant 0.000000e+00 : f32
      %broadcast_in_dim3A_585 = vector.broadcast %jit3A_584 : f32 to vector<16xf32>
      %select_n3A_586 = arith.select %and3A_570, %mul3A_583, %broadcast_in_dim3A_585 : vector<16xi1>, vector<16xf32>
      %add3A_587 = arith.addf %get3A_582, %select_n3A_586 : vector<16xf32>
      %mul3A_588 = arith.constant 16 : i32
      %mul3A_589 = arith.muli %add3A_556, %mul3A_588 : i32
      %swap3A_590 = arith.index_cast %mul3A_589 : i32 to index
      %swap3A_591 = tpu.vector_load %arg9[%swap3A_590] {strides = array<i32>} : memref<16384xf32, #tpu.memory_space<vmem>>, vector<16xf32>,
      tpu.vector_store %arg9[%swap3A_590], %add3A_587 {strides = array<i32>} : memref<16384xf32, #tpu.memory_space<vmem>>, vector<16xf32>,
      %mul3A_592 = arith.constant 8 : i32
      %mul3A_593 = arith.muli %scan3A_327, %mul3A_592 : i32
      %add3A_594 = arith.constant 7 : i32
      %add3A_595 = arith.addi %mul3A_593, %add3A_594 : i32
      %mul3A_596 = arith.constant 16 : i32
      %mul3A_597 = arith.muli %add3A_595, %mul3A_596 : i32
      %get3A_598 = arith.index_cast %mul3A_597 : i32 to index
      %get3A_599 = tpu.vector_load %arg7[%get3A_598] {strides = array<i32>} : memref<16384xi32, #tpu.memory_space<vmem>>, vector<16xi32>,
      %sub3A_600 = arith.constant 0 : i32
      %sub3A_601 = vector.broadcast %sub3A_600 : i32 to vector<16xi32>
      %sub3A_602 = arith.subi %get3A_599, %sub3A_601 : vector<16xi32>
      %ge3A_603 = arith.constant 0 : i32
      %ge3A_604 = vector.broadcast %ge3A_603 : i32 to vector<16xi32>
      %ge3A_605 = arith.cmpi sge, %sub3A_602, %ge3A_604 : vector<16xi32>
      %lt3A_606 = arith.constant 40448 : i32
      %lt3A_607 = vector.broadcast %lt3A_606 : i32 to vector<16xi32>
      %lt3A_608 = arith.cmpi slt, %sub3A_602, %lt3A_607 : vector<16xi32>
      %and3A_609 = arith.andi %ge3A_605, %lt3A_608 : vector<16xi1>
      %jit3A_610 = arith.constant 0 : i32
      %broadcast_in_dim3A_611 = vector.broadcast %jit3A_610 : i32 to vector<16xi32>
      %select_n3A_612 = arith.select %and3A_609, %sub3A_602, %broadcast_in_dim3A_611 : vector<16xi1>, vector<16xi32>
      %gather3A_613 = tpu.vector_load_idx %arg10[%select_n3A_612] : memref<40448xf32, #tpu.memory_space<vmem>>[vector<16xi32>], vector<16xf32>,
      %mul3A_614 = arith.constant 16 : i32
      %mul3A_615 = arith.muli %add3A_595, %mul3A_614 : i32
      %get3A_616 = arith.index_cast %mul3A_615 : i32 to index
      %get3A_617 = tpu.vector_load %arg8[%get3A_616] {strides = array<i32>} : memref<16384xf32, #tpu.memory_space<vmem>>, vector<16xf32>,
      %mul3A_618 = arith.constant 16 : i32
      %mul3A_619 = arith.muli %add3A_595, %mul3A_618 : i32
      %get3A_620 = arith.index_cast %mul3A_619 : i32 to index
      %get3A_621 = tpu.vector_load %arg9[%get3A_620] {strides = array<i32>} : memref<16384xf32, #tpu.memory_space<vmem>>, vector<16xf32>,
      %mul3A_622 = arith.mulf %gather3A_613, %get3A_617 : vector<16xf32>
      %jit3A_623 = arith.constant 0.000000e+00 : f32
      %broadcast_in_dim3A_624 = vector.broadcast %jit3A_623 : f32 to vector<16xf32>
      %select_n3A_625 = arith.select %and3A_609, %mul3A_622, %broadcast_in_dim3A_624 : vector<16xi1>, vector<16xf32>
      %add3A_626 = arith.addf %get3A_621, %select_n3A_625 : vector<16xf32>
      %mul3A_627 = arith.constant 16 : i32
      %mul3A_628 = arith.muli %add3A_595, %mul3A_627 : i32
      %swap3A_629 = arith.index_cast %mul3A_628 : i32 to index
      %swap3A_630 = tpu.vector_load %arg9[%swap3A_629] {strides = array<i32>} : memref<16384xf32, #tpu.memory_space<vmem>>, vector<16xf32>,
      tpu.vector_store %arg9[%swap3A_629], %add3A_626 {strides = array<i32>} : memref<16384xf32, #tpu.memory_space<vmem>>, vector<16xf32>,
    }
    %scan3A_122 = arith.constant 128 : i32
    %dma_wait3A_123 = arith.constant 0 : i32
    %dma_wait3A_124 = tpu.memref_slice %arg11[%dma_wait3A_123] : memref<40448xf32, #tpu.memory_space<vmem>> -> memref<40448xf32, #tpu.memory_space<vmem>>
    %dma_wait3A_125 = arith.constant 40448 : i32
    %dma_wait3A_126 = tpu.memref_slice %arg5[%add3A_10, %dma_wait3A_125] : memref<64x100000xf32, #tpu.memory_space<hbm>> -> memref<1x40448xf32, #tpu.memory_space<hbm>>
    %dma_wait3A_127 = tpu.memref_squeeze %dma_wait3A_126 : memref<1x40448xf32, #tpu.memory_space<hbm>> -> memref<40448xf32, #tpu.memory_space<hbm>>
    %dma_wait3A_128 = arith.constant 0 : i32
    %dma_wait3A_129 = tpu.memref_slice %arg11[%dma_wait3A_128] : memref<40448xf32, #tpu.memory_space<vmem>> -> memref<40448xf32, #tpu.memory_space<vmem>>
    %dma_wait3A_130 = arith.constant 40448 : i32
    %dma_wait3A_131 = tpu.memref_slice %arg5[%add3A_10, %dma_wait3A_130] : memref<64x100000xf32, #tpu.memory_space<hbm>> -> memref<1x40448xf32, #tpu.memory_space<hbm>>
    %dma_wait3A_132 = tpu.memref_squeeze %dma_wait3A_131 : memref<1x40448xf32, #tpu.memory_space<hbm>> -> memref<40448xf32, #tpu.memory_space<hbm>>
    tpu.wait_dma2 semaphore(%arg13 : memref<!tpu.dma_semaphore, #tpu.memory_space<semaphore_mem>>) src(%dma_wait3A_132 : memref<40448xf32, #tpu.memory_space<hbm>>) dst(%dma_wait3A_129 : memref<40448xf32, #tpu.memory_space<vmem>>)
    %dma_start3A_133 = arith.constant 0 : i32
    %dma_start3A_134 = tpu.memref_slice %arg10[%dma_start3A_133] : memref<40448xf32, #tpu.memory_space<vmem>> -> memref<19104xf32, #tpu.memory_space<vmem>>
    %dma_start3A_135 = arith.constant 80896 : i32
    %dma_start3A_136 = tpu.memref_slice %arg5[%add3A_10, %dma_start3A_135] : memref<64x100000xf32, #tpu.memory_space<hbm>> -> memref<1x19104xf32, #tpu.memory_space<hbm>>
    %dma_start3A_137 = tpu.memref_squeeze %dma_start3A_136 : memref<1x19104xf32, #tpu.memory_space<hbm>> -> memref<19104xf32, #tpu.memory_space<hbm>>
    %dma_start3A_138 = arith.constant 0 : i32
    %dma_start3A_139 = tpu.memref_slice %arg10[%dma_start3A_138] : memref<40448xf32, #tpu.memory_space<vmem>> -> memref<19104xf32, #tpu.memory_space<vmem>>
    %dma_start3A_140 = arith.constant 80896 : i32
    %dma_start3A_141 = tpu.memref_slice %arg5[%add3A_10, %dma_start3A_140] : memref<64x100000xf32, #tpu.memory_space<hbm>> -> memref<1x19104xf32, #tpu.memory_space<hbm>>
    %dma_start3A_142 = tpu.memref_squeeze %dma_start3A_141 : memref<1x19104xf32, #tpu.memory_space<hbm>> -> memref<19104xf32, #tpu.memory_space<hbm>>
    tpu.enqueue_dma source(%dma_start3A_142 : memref<19104xf32, #tpu.memory_space<hbm>>) target(%dma_start3A_139 : memref<19104xf32, #tpu.memory_space<vmem>>) target_semaphore(%arg12 : memref<!tpu.dma_semaphore, #tpu.memory_space<semaphore_mem>>)
    %scan3A_143 = arith.constant 0 : i32
    %scan3A_144 = arith.constant 0 : i32
    %scan3A_145 = arith.constant 128 : i32
    %scan3A_146 = arith.addi %scan3A_144, %scan3A_145 : i32
    %scan3A_147 = arith.constant 1 : i32
    scf.for %scan3A_327 = %scan3A_144 to %scan3A_146 step %scan3A_147  : i32 {
      %mul3A_328 = arith.constant 8 : i32
      %mul3A_329 = arith.muli %scan3A_327, %mul3A_328 : i32
      %add3A_330 = arith.constant 0 : i32
      %add3A_331 = arith.addi %mul3A_329, %add3A_330 : i32
      %mul3A_332 = arith.constant 16 : i32
      %mul3A_333 = arith.muli %add3A_331, %mul3A_332 : i32
      %get3A = arith.index_cast %mul3A_333 : i32 to index
      %get3A_334 = tpu.vector_load %arg7[%get3A] {strides = array<i32>} : memref<16384xi32, #tpu.memory_space<vmem>>, vector<16xi32>,
      %sub3A = arith.constant 40448 : i32
      %sub3A_335 = vector.broadcast %sub3A : i32 to vector<16xi32>
      %sub3A_336 = arith.subi %get3A_334, %sub3A_335 : vector<16xi32>
      %ge3A = arith.constant 0 : i32
      %ge3A_337 = vector.broadcast %ge3A : i32 to vector<16xi32>
      %ge3A_338 = arith.cmpi sge, %sub3A_336, %ge3A_337 : vector<16xi32>
      %lt3A = arith.constant 40448 : i32
      %lt3A_339 = vector.broadcast %lt3A : i32 to vector<16xi32>
      %lt3A_340 = arith.cmpi slt, %sub3A_336, %lt3A_339 : vector<16xi32>
      %and3A = arith.andi %ge3A_338, %lt3A_340 : vector<16xi1>
      %jit3A = arith.constant 0 : i32
      %broadcast_in_dim3A_341 = vector.broadcast %jit3A : i32 to vector<16xi32>
      %select_n3A = arith.select %and3A, %sub3A_336, %broadcast_in_dim3A_341 : vector<16xi1>, vector<16xi32>
      %gather3A = tpu.vector_load_idx %arg11[%select_n3A] : memref<40448xf32, #tpu.memory_space<vmem>>[vector<16xi32>], vector<16xf32>,
      %mul3A_342 = arith.constant 16 : i32
      %mul3A_343 = arith.muli %add3A_331, %mul3A_342 : i32
      %get3A_344 = arith.index_cast %mul3A_343 : i32 to index
      %get3A_345 = tpu.vector_load %arg8[%get3A_344] {strides = array<i32>} : memref<16384xf32, #tpu.memory_space<vmem>>, vector<16xf32>,
      %mul3A_346 = arith.constant 16 : i32
      %mul3A_347 = arith.muli %add3A_331, %mul3A_346 : i32
      %get3A_348 = arith.index_cast %mul3A_347 : i32 to index
      %get3A_349 = tpu.vector_load %arg9[%get3A_348] {strides = array<i32>} : memref<16384xf32, #tpu.memory_space<vmem>>, vector<16xf32>,
      %mul3A_350 = arith.mulf %gather3A, %get3A_345 : vector<16xf32>
      %jit3A_351 = arith.constant 0.000000e+00 : f32
      %broadcast_in_dim3A_352 = vector.broadcast %jit3A_351 : f32 to vector<16xf32>
      %select_n3A_353 = arith.select %and3A, %mul3A_350, %broadcast_in_dim3A_352 : vector<16xi1>, vector<16xf32>
      %add3A_354 = arith.addf %get3A_349, %select_n3A_353 : vector<16xf32>
      %mul3A_355 = arith.constant 16 : i32
      %mul3A_356 = arith.muli %add3A_331, %mul3A_355 : i32
      %swap3A = arith.index_cast %mul3A_356 : i32 to index
      %swap3A_357 = tpu.vector_load %arg9[%swap3A] {strides = array<i32>} : memref<16384xf32, #tpu.memory_space<vmem>>, vector<16xf32>,
      tpu.vector_store %arg9[%swap3A], %add3A_354 {strides = array<i32>} : memref<16384xf32, #tpu.memory_space<vmem>>, vector<16xf32>,
      %mul3A_358 = arith.constant 8 : i32
      %mul3A_359 = arith.muli %scan3A_327, %mul3A_358 : i32
      %add3A_360 = arith.constant 1 : i32
      %add3A_361 = arith.addi %mul3A_359, %add3A_360 : i32
      %mul3A_362 = arith.constant 16 : i32
      %mul3A_363 = arith.muli %add3A_361, %mul3A_362 : i32
      %get3A_364 = arith.index_cast %mul3A_363 : i32 to index
      %get3A_365 = tpu.vector_load %arg7[%get3A_364] {strides = array<i32>} : memref<16384xi32, #tpu.memory_space<vmem>>, vector<16xi32>,
      %sub3A_366 = arith.constant 40448 : i32
      %sub3A_367 = vector.broadcast %sub3A_366 : i32 to vector<16xi32>
      %sub3A_368 = arith.subi %get3A_365, %sub3A_367 : vector<16xi32>
      %ge3A_369 = arith.constant 0 : i32
      %ge3A_370 = vector.broadcast %ge3A_369 : i32 to vector<16xi32>
      %ge3A_371 = arith.cmpi sge, %sub3A_368, %ge3A_370 : vector<16xi32>
      %lt3A_372 = arith.constant 40448 : i32
      %lt3A_373 = vector.broadcast %lt3A_372 : i32 to vector<16xi32>
      %lt3A_374 = arith.cmpi slt, %sub3A_368, %lt3A_373 : vector<16xi32>
      %and3A_375 = arith.andi %ge3A_371, %lt3A_374 : vector<16xi1>
      %jit3A_376 = arith.constant 0 : i32
      %broadcast_in_dim3A_377 = vector.broadcast %jit3A_376 : i32 to vector<16xi32>
      %select_n3A_378 = arith.select %and3A_375, %sub3A_368, %broadcast_in_dim3A_377 : vector<16xi1>, vector<16xi32>
      %gather3A_379 = tpu.vector_load_idx %arg11[%select_n3A_378] : memref<40448xf32, #tpu.memory_space<vmem>>[vector<16xi32>], vector<16xf32>,
      %mul3A_380 = arith.constant 16 : i32
      %mul3A_381 = arith.muli %add3A_361, %mul3A_380 : i32
      %get3A_382 = arith.index_cast %mul3A_381 : i32 to index
      %get3A_383 = tpu.vector_load %arg8[%get3A_382] {strides = array<i32>} : memref<16384xf32, #tpu.memory_space<vmem>>, vector<16xf32>,
      %mul3A_384 = arith.constant 16 : i32
      %mul3A_385 = arith.muli %add3A_361, %mul3A_384 : i32
      %get3A_386 = arith.index_cast %mul3A_385 : i32 to index
      %get3A_387 = tpu.vector_load %arg9[%get3A_386] {strides = array<i32>} : memref<16384xf32, #tpu.memory_space<vmem>>, vector<16xf32>,
      %mul3A_388 = arith.mulf %gather3A_379, %get3A_383 : vector<16xf32>
      %jit3A_389 = arith.constant 0.000000e+00 : f32
      %broadcast_in_dim3A_390 = vector.broadcast %jit3A_389 : f32 to vector<16xf32>
      %select_n3A_391 = arith.select %and3A_375, %mul3A_388, %broadcast_in_dim3A_390 : vector<16xi1>, vector<16xf32>
      %add3A_392 = arith.addf %get3A_387, %select_n3A_391 : vector<16xf32>
      %mul3A_393 = arith.constant 16 : i32
      %mul3A_394 = arith.muli %add3A_361, %mul3A_393 : i32
      %swap3A_395 = arith.index_cast %mul3A_394 : i32 to index
      %swap3A_396 = tpu.vector_load %arg9[%swap3A_395] {strides = array<i32>} : memref<16384xf32, #tpu.memory_space<vmem>>, vector<16xf32>,
      tpu.vector_store %arg9[%swap3A_395], %add3A_392 {strides = array<i32>} : memref<16384xf32, #tpu.memory_space<vmem>>, vector<16xf32>,
      %mul3A_397 = arith.constant 8 : i32
      %mul3A_398 = arith.muli %scan3A_327, %mul3A_397 : i32
      %add3A_399 = arith.constant 2 : i32
      %add3A_400 = arith.addi %mul3A_398, %add3A_399 : i32
      %mul3A_401 = arith.constant 16 : i32
      %mul3A_402 = arith.muli %add3A_400, %mul3A_401 : i32
      %get3A_403 = arith.index_cast %mul3A_402 : i32 to index
      %get3A_404 = tpu.vector_load %arg7[%get3A_403] {strides = array<i32>} : memref<16384xi32, #tpu.memory_space<vmem>>, vector<16xi32>,
      %sub3A_405 = arith.constant 40448 : i32
      %sub3A_406 = vector.broadcast %sub3A_405 : i32 to vector<16xi32>
      %sub3A_407 = arith.subi %get3A_404, %sub3A_406 : vector<16xi32>
      %ge3A_408 = arith.constant 0 : i32
      %ge3A_409 = vector.broadcast %ge3A_408 : i32 to vector<16xi32>
      %ge3A_410 = arith.cmpi sge, %sub3A_407, %ge3A_409 : vector<16xi32>
      %lt3A_411 = arith.constant 40448 : i32
      %lt3A_412 = vector.broadcast %lt3A_411 : i32 to vector<16xi32>
      %lt3A_413 = arith.cmpi slt, %sub3A_407, %lt3A_412 : vector<16xi32>
      %and3A_414 = arith.andi %ge3A_410, %lt3A_413 : vector<16xi1>
      %jit3A_415 = arith.constant 0 : i32
      %broadcast_in_dim3A_416 = vector.broadcast %jit3A_415 : i32 to vector<16xi32>
      %select_n3A_417 = arith.select %and3A_414, %sub3A_407, %broadcast_in_dim3A_416 : vector<16xi1>, vector<16xi32>
      %gather3A_418 = tpu.vector_load_idx %arg11[%select_n3A_417] : memref<40448xf32, #tpu.memory_space<vmem>>[vector<16xi32>], vector<16xf32>,
      %mul3A_419 = arith.constant 16 : i32
      %mul3A_420 = arith.muli %add3A_400, %mul3A_419 : i32
      %get3A_421 = arith.index_cast %mul3A_420 : i32 to index
      %get3A_422 = tpu.vector_load %arg8[%get3A_421] {strides = array<i32>} : memref<16384xf32, #tpu.memory_space<vmem>>, vector<16xf32>,
      %mul3A_423 = arith.constant 16 : i32
      %mul3A_424 = arith.muli %add3A_400, %mul3A_423 : i32
      %get3A_425 = arith.index_cast %mul3A_424 : i32 to index
      %get3A_426 = tpu.vector_load %arg9[%get3A_425] {strides = array<i32>} : memref<16384xf32, #tpu.memory_space<vmem>>, vector<16xf32>,
      %mul3A_427 = arith.mulf %gather3A_418, %get3A_422 : vector<16xf32>
      %jit3A_428 = arith.constant 0.000000e+00 : f32
      %broadcast_in_dim3A_429 = vector.broadcast %jit3A_428 : f32 to vector<16xf32>
      %select_n3A_430 = arith.select %and3A_414, %mul3A_427, %broadcast_in_dim3A_429 : vector<16xi1>, vector<16xf32>
      %add3A_431 = arith.addf %get3A_426, %select_n3A_430 : vector<16xf32>
      %mul3A_432 = arith.constant 16 : i32
      %mul3A_433 = arith.muli %add3A_400, %mul3A_432 : i32
      %swap3A_434 = arith.index_cast %mul3A_433 : i32 to index
      %swap3A_435 = tpu.vector_load %arg9[%swap3A_434] {strides = array<i32>} : memref<16384xf32, #tpu.memory_space<vmem>>, vector<16xf32>,
      tpu.vector_store %arg9[%swap3A_434], %add3A_431 {strides = array<i32>} : memref<16384xf32, #tpu.memory_space<vmem>>, vector<16xf32>,
      %mul3A_436 = arith.constant 8 : i32
      %mul3A_437 = arith.muli %scan3A_327, %mul3A_436 : i32
      %add3A_438 = arith.constant 3 : i32
      %add3A_439 = arith.addi %mul3A_437, %add3A_438 : i32
      %mul3A_440 = arith.constant 16 : i32
      %mul3A_441 = arith.muli %add3A_439, %mul3A_440 : i32
      %get3A_442 = arith.index_cast %mul3A_441 : i32 to index
      %get3A_443 = tpu.vector_load %arg7[%get3A_442] {strides = array<i32>} : memref<16384xi32, #tpu.memory_space<vmem>>, vector<16xi32>,
      %sub3A_444 = arith.constant 40448 : i32
      %sub3A_445 = vector.broadcast %sub3A_444 : i32 to vector<16xi32>
      %sub3A_446 = arith.subi %get3A_443, %sub3A_445 : vector<16xi32>
      %ge3A_447 = arith.constant 0 : i32
      %ge3A_448 = vector.broadcast %ge3A_447 : i32 to vector<16xi32>
      %ge3A_449 = arith.cmpi sge, %sub3A_446, %ge3A_448 : vector<16xi32>
      %lt3A_450 = arith.constant 40448 : i32
      %lt3A_451 = vector.broadcast %lt3A_450 : i32 to vector<16xi32>
      %lt3A_452 = arith.cmpi slt, %sub3A_446, %lt3A_451 : vector<16xi32>
      %and3A_453 = arith.andi %ge3A_449, %lt3A_452 : vector<16xi1>
      %jit3A_454 = arith.constant 0 : i32
      %broadcast_in_dim3A_455 = vector.broadcast %jit3A_454 : i32 to vector<16xi32>
      %select_n3A_456 = arith.select %and3A_453, %sub3A_446, %broadcast_in_dim3A_455 : vector<16xi1>, vector<16xi32>
      %gather3A_457 = tpu.vector_load_idx %arg11[%select_n3A_456] : memref<40448xf32, #tpu.memory_space<vmem>>[vector<16xi32>], vector<16xf32>,
      %mul3A_458 = arith.constant 16 : i32
      %mul3A_459 = arith.muli %add3A_439, %mul3A_458 : i32
      %get3A_460 = arith.index_cast %mul3A_459 : i32 to index
      %get3A_461 = tpu.vector_load %arg8[%get3A_460] {strides = array<i32>} : memref<16384xf32, #tpu.memory_space<vmem>>, vector<16xf32>,
      %mul3A_462 = arith.constant 16 : i32
      %mul3A_463 = arith.muli %add3A_439, %mul3A_462 : i32
      %get3A_464 = arith.index_cast %mul3A_463 : i32 to index
      %get3A_465 = tpu.vector_load %arg9[%get3A_464] {strides = array<i32>} : memref<16384xf32, #tpu.memory_space<vmem>>, vector<16xf32>,
      %mul3A_466 = arith.mulf %gather3A_457, %get3A_461 : vector<16xf32>
      %jit3A_467 = arith.constant 0.000000e+00 : f32
      %broadcast_in_dim3A_468 = vector.broadcast %jit3A_467 : f32 to vector<16xf32>
      %select_n3A_469 = arith.select %and3A_453, %mul3A_466, %broadcast_in_dim3A_468 : vector<16xi1>, vector<16xf32>
      %add3A_470 = arith.addf %get3A_465, %select_n3A_469 : vector<16xf32>
      %mul3A_471 = arith.constant 16 : i32
      %mul3A_472 = arith.muli %add3A_439, %mul3A_471 : i32
      %swap3A_473 = arith.index_cast %mul3A_472 : i32 to index
      %swap3A_474 = tpu.vector_load %arg9[%swap3A_473] {strides = array<i32>} : memref<16384xf32, #tpu.memory_space<vmem>>, vector<16xf32>,
      tpu.vector_store %arg9[%swap3A_473], %add3A_470 {strides = array<i32>} : memref<16384xf32, #tpu.memory_space<vmem>>, vector<16xf32>,
      %mul3A_475 = arith.constant 8 : i32
      %mul3A_476 = arith.muli %scan3A_327, %mul3A_475 : i32
      %add3A_477 = arith.constant 4 : i32
      %add3A_478 = arith.addi %mul3A_476, %add3A_477 : i32
      %mul3A_479 = arith.constant 16 : i32
      %mul3A_480 = arith.muli %add3A_478, %mul3A_479 : i32
      %get3A_481 = arith.index_cast %mul3A_480 : i32 to index
      %get3A_482 = tpu.vector_load %arg7[%get3A_481] {strides = array<i32>} : memref<16384xi32, #tpu.memory_space<vmem>>, vector<16xi32>,
      %sub3A_483 = arith.constant 40448 : i32
      %sub3A_484 = vector.broadcast %sub3A_483 : i32 to vector<16xi32>
      %sub3A_485 = arith.subi %get3A_482, %sub3A_484 : vector<16xi32>
      %ge3A_486 = arith.constant 0 : i32
      %ge3A_487 = vector.broadcast %ge3A_486 : i32 to vector<16xi32>
      %ge3A_488 = arith.cmpi sge, %sub3A_485, %ge3A_487 : vector<16xi32>
      %lt3A_489 = arith.constant 40448 : i32
      %lt3A_490 = vector.broadcast %lt3A_489 : i32 to vector<16xi32>
      %lt3A_491 = arith.cmpi slt, %sub3A_485, %lt3A_490 : vector<16xi32>
      %and3A_492 = arith.andi %ge3A_488, %lt3A_491 : vector<16xi1>
      %jit3A_493 = arith.constant 0 : i32
      %broadcast_in_dim3A_494 = vector.broadcast %jit3A_493 : i32 to vector<16xi32>
      %select_n3A_495 = arith.select %and3A_492, %sub3A_485, %broadcast_in_dim3A_494 : vector<16xi1>, vector<16xi32>
      %gather3A_496 = tpu.vector_load_idx %arg11[%select_n3A_495] : memref<40448xf32, #tpu.memory_space<vmem>>[vector<16xi32>], vector<16xf32>,
      %mul3A_497 = arith.constant 16 : i32
      %mul3A_498 = arith.muli %add3A_478, %mul3A_497 : i32
      %get3A_499 = arith.index_cast %mul3A_498 : i32 to index
      %get3A_500 = tpu.vector_load %arg8[%get3A_499] {strides = array<i32>} : memref<16384xf32, #tpu.memory_space<vmem>>, vector<16xf32>,
      %mul3A_501 = arith.constant 16 : i32
      %mul3A_502 = arith.muli %add3A_478, %mul3A_501 : i32
      %get3A_503 = arith.index_cast %mul3A_502 : i32 to index
      %get3A_504 = tpu.vector_load %arg9[%get3A_503] {strides = array<i32>} : memref<16384xf32, #tpu.memory_space<vmem>>, vector<16xf32>,
      %mul3A_505 = arith.mulf %gather3A_496, %get3A_500 : vector<16xf32>
      %jit3A_506 = arith.constant 0.000000e+00 : f32
      %broadcast_in_dim3A_507 = vector.broadcast %jit3A_506 : f32 to vector<16xf32>
      %select_n3A_508 = arith.select %and3A_492, %mul3A_505, %broadcast_in_dim3A_507 : vector<16xi1>, vector<16xf32>
      %add3A_509 = arith.addf %get3A_504, %select_n3A_508 : vector<16xf32>
      %mul3A_510 = arith.constant 16 : i32
      %mul3A_511 = arith.muli %add3A_478, %mul3A_510 : i32
      %swap3A_512 = arith.index_cast %mul3A_511 : i32 to index
      %swap3A_513 = tpu.vector_load %arg9[%swap3A_512] {strides = array<i32>} : memref<16384xf32, #tpu.memory_space<vmem>>, vector<16xf32>,
      tpu.vector_store %arg9[%swap3A_512], %add3A_509 {strides = array<i32>} : memref<16384xf32, #tpu.memory_space<vmem>>, vector<16xf32>,
      %mul3A_514 = arith.constant 8 : i32
      %mul3A_515 = arith.muli %scan3A_327, %mul3A_514 : i32
      %add3A_516 = arith.constant 5 : i32
      %add3A_517 = arith.addi %mul3A_515, %add3A_516 : i32
      %mul3A_518 = arith.constant 16 : i32
      %mul3A_519 = arith.muli %add3A_517, %mul3A_518 : i32
      %get3A_520 = arith.index_cast %mul3A_519 : i32 to index
      %get3A_521 = tpu.vector_load %arg7[%get3A_520] {strides = array<i32>} : memref<16384xi32, #tpu.memory_space<vmem>>, vector<16xi32>,
      %sub3A_522 = arith.constant 40448 : i32
      %sub3A_523 = vector.broadcast %sub3A_522 : i32 to vector<16xi32>
      %sub3A_524 = arith.subi %get3A_521, %sub3A_523 : vector<16xi32>
      %ge3A_525 = arith.constant 0 : i32
      %ge3A_526 = vector.broadcast %ge3A_525 : i32 to vector<16xi32>
      %ge3A_527 = arith.cmpi sge, %sub3A_524, %ge3A_526 : vector<16xi32>
      %lt3A_528 = arith.constant 40448 : i32
      %lt3A_529 = vector.broadcast %lt3A_528 : i32 to vector<16xi32>
      %lt3A_530 = arith.cmpi slt, %sub3A_524, %lt3A_529 : vector<16xi32>
      %and3A_531 = arith.andi %ge3A_527, %lt3A_530 : vector<16xi1>
      %jit3A_532 = arith.constant 0 : i32
      %broadcast_in_dim3A_533 = vector.broadcast %jit3A_532 : i32 to vector<16xi32>
      %select_n3A_534 = arith.select %and3A_531, %sub3A_524, %broadcast_in_dim3A_533 : vector<16xi1>, vector<16xi32>
      %gather3A_535 = tpu.vector_load_idx %arg11[%select_n3A_534] : memref<40448xf32, #tpu.memory_space<vmem>>[vector<16xi32>], vector<16xf32>,
      %mul3A_536 = arith.constant 16 : i32
      %mul3A_537 = arith.muli %add3A_517, %mul3A_536 : i32
      %get3A_538 = arith.index_cast %mul3A_537 : i32 to index
      %get3A_539 = tpu.vector_load %arg8[%get3A_538] {strides = array<i32>} : memref<16384xf32, #tpu.memory_space<vmem>>, vector<16xf32>,
      %mul3A_540 = arith.constant 16 : i32
      %mul3A_541 = arith.muli %add3A_517, %mul3A_540 : i32
      %get3A_542 = arith.index_cast %mul3A_541 : i32 to index
      %get3A_543 = tpu.vector_load %arg9[%get3A_542] {strides = array<i32>} : memref<16384xf32, #tpu.memory_space<vmem>>, vector<16xf32>,
      %mul3A_544 = arith.mulf %gather3A_535, %get3A_539 : vector<16xf32>
      %jit3A_545 = arith.constant 0.000000e+00 : f32
      %broadcast_in_dim3A_546 = vector.broadcast %jit3A_545 : f32 to vector<16xf32>
      %select_n3A_547 = arith.select %and3A_531, %mul3A_544, %broadcast_in_dim3A_546 : vector<16xi1>, vector<16xf32>
      %add3A_548 = arith.addf %get3A_543, %select_n3A_547 : vector<16xf32>
      %mul3A_549 = arith.constant 16 : i32
      %mul3A_550 = arith.muli %add3A_517, %mul3A_549 : i32
      %swap3A_551 = arith.index_cast %mul3A_550 : i32 to index
      %swap3A_552 = tpu.vector_load %arg9[%swap3A_551] {strides = array<i32>} : memref<16384xf32, #tpu.memory_space<vmem>>, vector<16xf32>,
      tpu.vector_store %arg9[%swap3A_551], %add3A_548 {strides = array<i32>} : memref<16384xf32, #tpu.memory_space<vmem>>, vector<16xf32>,
      %mul3A_553 = arith.constant 8 : i32
      %mul3A_554 = arith.muli %scan3A_327, %mul3A_553 : i32
      %add3A_555 = arith.constant 6 : i32
      %add3A_556 = arith.addi %mul3A_554, %add3A_555 : i32
      %mul3A_557 = arith.constant 16 : i32
      %mul3A_558 = arith.muli %add3A_556, %mul3A_557 : i32
      %get3A_559 = arith.index_cast %mul3A_558 : i32 to index
      %get3A_560 = tpu.vector_load %arg7[%get3A_559] {strides = array<i32>} : memref<16384xi32, #tpu.memory_space<vmem>>, vector<16xi32>,
      %sub3A_561 = arith.constant 40448 : i32
      %sub3A_562 = vector.broadcast %sub3A_561 : i32 to vector<16xi32>
      %sub3A_563 = arith.subi %get3A_560, %sub3A_562 : vector<16xi32>
      %ge3A_564 = arith.constant 0 : i32
      %ge3A_565 = vector.broadcast %ge3A_564 : i32 to vector<16xi32>
      %ge3A_566 = arith.cmpi sge, %sub3A_563, %ge3A_565 : vector<16xi32>
      %lt3A_567 = arith.constant 40448 : i32
      %lt3A_568 = vector.broadcast %lt3A_567 : i32 to vector<16xi32>
      %lt3A_569 = arith.cmpi slt, %sub3A_563, %lt3A_568 : vector<16xi32>
      %and3A_570 = arith.andi %ge3A_566, %lt3A_569 : vector<16xi1>
      %jit3A_571 = arith.constant 0 : i32
      %broadcast_in_dim3A_572 = vector.broadcast %jit3A_571 : i32 to vector<16xi32>
      %select_n3A_573 = arith.select %and3A_570, %sub3A_563, %broadcast_in_dim3A_572 : vector<16xi1>, vector<16xi32>
      %gather3A_574 = tpu.vector_load_idx %arg11[%select_n3A_573] : memref<40448xf32, #tpu.memory_space<vmem>>[vector<16xi32>], vector<16xf32>,
      %mul3A_575 = arith.constant 16 : i32
      %mul3A_576 = arith.muli %add3A_556, %mul3A_575 : i32
      %get3A_577 = arith.index_cast %mul3A_576 : i32 to index
      %get3A_578 = tpu.vector_load %arg8[%get3A_577] {strides = array<i32>} : memref<16384xf32, #tpu.memory_space<vmem>>, vector<16xf32>,
      %mul3A_579 = arith.constant 16 : i32
      %mul3A_580 = arith.muli %add3A_556, %mul3A_579 : i32
      %get3A_581 = arith.index_cast %mul3A_580 : i32 to index
      %get3A_582 = tpu.vector_load %arg9[%get3A_581] {strides = array<i32>} : memref<16384xf32, #tpu.memory_space<vmem>>, vector<16xf32>,
      %mul3A_583 = arith.mulf %gather3A_574, %get3A_578 : vector<16xf32>
      %jit3A_584 = arith.constant 0.000000e+00 : f32
      %broadcast_in_dim3A_585 = vector.broadcast %jit3A_584 : f32 to vector<16xf32>
      %select_n3A_586 = arith.select %and3A_570, %mul3A_583, %broadcast_in_dim3A_585 : vector<16xi1>, vector<16xf32>
      %add3A_587 = arith.addf %get3A_582, %select_n3A_586 : vector<16xf32>
      %mul3A_588 = arith.constant 16 : i32
      %mul3A_589 = arith.muli %add3A_556, %mul3A_588 : i32
      %swap3A_590 = arith.index_cast %mul3A_589 : i32 to index
      %swap3A_591 = tpu.vector_load %arg9[%swap3A_590] {strides = array<i32>} : memref<16384xf32, #tpu.memory_space<vmem>>, vector<16xf32>,
      tpu.vector_store %arg9[%swap3A_590], %add3A_587 {strides = array<i32>} : memref<16384xf32, #tpu.memory_space<vmem>>, vector<16xf32>,
      %mul3A_592 = arith.constant 8 : i32
      %mul3A_593 = arith.muli %scan3A_327, %mul3A_592 : i32
      %add3A_594 = arith.constant 7 : i32
      %add3A_595 = arith.addi %mul3A_593, %add3A_594 : i32
      %mul3A_596 = arith.constant 16 : i32
      %mul3A_597 = arith.muli %add3A_595, %mul3A_596 : i32
      %get3A_598 = arith.index_cast %mul3A_597 : i32 to index
      %get3A_599 = tpu.vector_load %arg7[%get3A_598] {strides = array<i32>} : memref<16384xi32, #tpu.memory_space<vmem>>, vector<16xi32>,
      %sub3A_600 = arith.constant 40448 : i32
      %sub3A_601 = vector.broadcast %sub3A_600 : i32 to vector<16xi32>
      %sub3A_602 = arith.subi %get3A_599, %sub3A_601 : vector<16xi32>
      %ge3A_603 = arith.constant 0 : i32
      %ge3A_604 = vector.broadcast %ge3A_603 : i32 to vector<16xi32>
      %ge3A_605 = arith.cmpi sge, %sub3A_602, %ge3A_604 : vector<16xi32>
      %lt3A_606 = arith.constant 40448 : i32
      %lt3A_607 = vector.broadcast %lt3A_606 : i32 to vector<16xi32>
      %lt3A_608 = arith.cmpi slt, %sub3A_602, %lt3A_607 : vector<16xi32>
      %and3A_609 = arith.andi %ge3A_605, %lt3A_608 : vector<16xi1>
      %jit3A_610 = arith.constant 0 : i32
      %broadcast_in_dim3A_611 = vector.broadcast %jit3A_610 : i32 to vector<16xi32>
      %select_n3A_612 = arith.select %and3A_609, %sub3A_602, %broadcast_in_dim3A_611 : vector<16xi1>, vector<16xi32>
      %gather3A_613 = tpu.vector_load_idx %arg11[%select_n3A_612] : memref<40448xf32, #tpu.memory_space<vmem>>[vector<16xi32>], vector<16xf32>,
      %mul3A_614 = arith.constant 16 : i32
      %mul3A_615 = arith.muli %add3A_595, %mul3A_614 : i32
      %get3A_616 = arith.index_cast %mul3A_615 : i32 to index
      %get3A_617 = tpu.vector_load %arg8[%get3A_616] {strides = array<i32>} : memref<16384xf32, #tpu.memory_space<vmem>>, vector<16xf32>,
      %mul3A_618 = arith.constant 16 : i32
      %mul3A_619 = arith.muli %add3A_595, %mul3A_618 : i32
      %get3A_620 = arith.index_cast %mul3A_619 : i32 to index
      %get3A_621 = tpu.vector_load %arg9[%get3A_620] {strides = array<i32>} : memref<16384xf32, #tpu.memory_space<vmem>>, vector<16xf32>,
      %mul3A_622 = arith.mulf %gather3A_613, %get3A_617 : vector<16xf32>
      %jit3A_623 = arith.constant 0.000000e+00 : f32
      %broadcast_in_dim3A_624 = vector.broadcast %jit3A_623 : f32 to vector<16xf32>
      %select_n3A_625 = arith.select %and3A_609, %mul3A_622, %broadcast_in_dim3A_624 : vector<16xi1>, vector<16xf32>
      %add3A_626 = arith.addf %get3A_621, %select_n3A_625 : vector<16xf32>
      %mul3A_627 = arith.constant 16 : i32
      %mul3A_628 = arith.muli %add3A_595, %mul3A_627 : i32
      %swap3A_629 = arith.index_cast %mul3A_628 : i32 to index
      %swap3A_630 = tpu.vector_load %arg9[%swap3A_629] {strides = array<i32>} : memref<16384xf32, #tpu.memory_space<vmem>>, vector<16xf32>,
      tpu.vector_store %arg9[%swap3A_629], %add3A_626 {strides = array<i32>} : memref<16384xf32, #tpu.memory_space<vmem>>, vector<16xf32>,
    }
    %scan3A_148 = arith.constant 128 : i32
    %dma_wait3A_149 = arith.constant 0 : i32
    %dma_wait3A_150 = tpu.memref_slice %arg10[%dma_wait3A_149] : memref<40448xf32, #tpu.memory_space<vmem>> -> memref<19104xf32, #tpu.memory_space<vmem>>
    %dma_wait3A_151 = arith.constant 80896 : i32
    %dma_wait3A_152 = tpu.memref_slice %arg5[%add3A_10, %dma_wait3A_151] : memref<64x100000xf32, #tpu.memory_space<hbm>> -> memref<1x19104xf32, #tpu.memory_space<hbm>>
    %dma_wait3A_153 = tpu.memref_squeeze %dma_wait3A_152 : memref<1x19104xf32, #tpu.memory_space<hbm>> -> memref<19104xf32, #tpu.memory_space<hbm>>
    %dma_wait3A_154 = arith.constant 0 : i32
    %dma_wait3A_155 = tpu.memref_slice %arg10[%dma_wait3A_154] : memref<40448xf32, #tpu.memory_space<vmem>> -> memref<19104xf32, #tpu.memory_space<vmem>>
    %dma_wait3A_156 = arith.constant 80896 : i32
    %dma_wait3A_157 = tpu.memref_slice %arg5[%add3A_10, %dma_wait3A_156] : memref<64x100000xf32, #tpu.memory_space<hbm>> -> memref<1x19104xf32, #tpu.memory_space<hbm>>
    %dma_wait3A_158 = tpu.memref_squeeze %dma_wait3A_157 : memref<1x19104xf32, #tpu.memory_space<hbm>> -> memref<19104xf32, #tpu.memory_space<hbm>>
    tpu.wait_dma2 semaphore(%arg12 : memref<!tpu.dma_semaphore, #tpu.memory_space<semaphore_mem>>) src(%dma_wait3A_158 : memref<19104xf32, #tpu.memory_space<hbm>>) dst(%dma_wait3A_155 : memref<19104xf32, #tpu.memory_space<vmem>>)
    %scan3A_159 = arith.constant 0 : i32
    %scan3A_160 = arith.constant 0 : i32
    %scan3A_161 = arith.constant 128 : i32
    %scan3A_162 = arith.addi %scan3A_160, %scan3A_161 : i32
    %scan3A_163 = arith.constant 1 : i32
    scf.for %scan3A_327 = %scan3A_160 to %scan3A_162 step %scan3A_163  : i32 {
      %mul3A_328 = arith.constant 8 : i32
      %mul3A_329 = arith.muli %scan3A_327, %mul3A_328 : i32
      %add3A_330 = arith.constant 0 : i32
      %add3A_331 = arith.addi %mul3A_329, %add3A_330 : i32
      %mul3A_332 = arith.constant 16 : i32
      %mul3A_333 = arith.muli %add3A_331, %mul3A_332 : i32
      %get3A = arith.index_cast %mul3A_333 : i32 to index
      %get3A_334 = tpu.vector_load %arg7[%get3A] {strides = array<i32>} : memref<16384xi32, #tpu.memory_space<vmem>>, vector<16xi32>,
      %sub3A = arith.constant 80896 : i32
      %sub3A_335 = vector.broadcast %sub3A : i32 to vector<16xi32>
      %sub3A_336 = arith.subi %get3A_334, %sub3A_335 : vector<16xi32>
      %ge3A = arith.constant 0 : i32
      %ge3A_337 = vector.broadcast %ge3A : i32 to vector<16xi32>
      %ge3A_338 = arith.cmpi sge, %sub3A_336, %ge3A_337 : vector<16xi32>
      %lt3A = arith.constant 19104 : i32
      %lt3A_339 = vector.broadcast %lt3A : i32 to vector<16xi32>
      %lt3A_340 = arith.cmpi slt, %sub3A_336, %lt3A_339 : vector<16xi32>
      %and3A = arith.andi %ge3A_338, %lt3A_340 : vector<16xi1>
      %jit3A = arith.constant 0 : i32
      %broadcast_in_dim3A_341 = vector.broadcast %jit3A : i32 to vector<16xi32>
      %select_n3A = arith.select %and3A, %sub3A_336, %broadcast_in_dim3A_341 : vector<16xi1>, vector<16xi32>
      %gather3A = tpu.vector_load_idx %arg10[%select_n3A] : memref<40448xf32, #tpu.memory_space<vmem>>[vector<16xi32>], vector<16xf32>,
      %mul3A_342 = arith.constant 16 : i32
      %mul3A_343 = arith.muli %add3A_331, %mul3A_342 : i32
      %get3A_344 = arith.index_cast %mul3A_343 : i32 to index
      %get3A_345 = tpu.vector_load %arg8[%get3A_344] {strides = array<i32>} : memref<16384xf32, #tpu.memory_space<vmem>>, vector<16xf32>,
      %mul3A_346 = arith.constant 16 : i32
      %mul3A_347 = arith.muli %add3A_331, %mul3A_346 : i32
      %get3A_348 = arith.index_cast %mul3A_347 : i32 to index
      %get3A_349 = tpu.vector_load %arg9[%get3A_348] {strides = array<i32>} : memref<16384xf32, #tpu.memory_space<vmem>>, vector<16xf32>,
      %mul3A_350 = arith.mulf %gather3A, %get3A_345 : vector<16xf32>
      %jit3A_351 = arith.constant 0.000000e+00 : f32
      %broadcast_in_dim3A_352 = vector.broadcast %jit3A_351 : f32 to vector<16xf32>
      %select_n3A_353 = arith.select %and3A, %mul3A_350, %broadcast_in_dim3A_352 : vector<16xi1>, vector<16xf32>
      %add3A_354 = arith.addf %get3A_349, %select_n3A_353 : vector<16xf32>
      %mul3A_355 = arith.constant 16 : i32
      %mul3A_356 = arith.muli %add3A_331, %mul3A_355 : i32
      %swap3A = arith.index_cast %mul3A_356 : i32 to index
      %swap3A_357 = tpu.vector_load %arg9[%swap3A] {strides = array<i32>} : memref<16384xf32, #tpu.memory_space<vmem>>, vector<16xf32>,
      tpu.vector_store %arg9[%swap3A], %add3A_354 {strides = array<i32>} : memref<16384xf32, #tpu.memory_space<vmem>>, vector<16xf32>,
      %mul3A_358 = arith.constant 8 : i32
      %mul3A_359 = arith.muli %scan3A_327, %mul3A_358 : i32
      %add3A_360 = arith.constant 1 : i32
      %add3A_361 = arith.addi %mul3A_359, %add3A_360 : i32
      %mul3A_362 = arith.constant 16 : i32
      %mul3A_363 = arith.muli %add3A_361, %mul3A_362 : i32
      %get3A_364 = arith.index_cast %mul3A_363 : i32 to index
      %get3A_365 = tpu.vector_load %arg7[%get3A_364] {strides = array<i32>} : memref<16384xi32, #tpu.memory_space<vmem>>, vector<16xi32>,
      %sub3A_366 = arith.constant 80896 : i32
      %sub3A_367 = vector.broadcast %sub3A_366 : i32 to vector<16xi32>
      %sub3A_368 = arith.subi %get3A_365, %sub3A_367 : vector<16xi32>
      %ge3A_369 = arith.constant 0 : i32
      %ge3A_370 = vector.broadcast %ge3A_369 : i32 to vector<16xi32>
      %ge3A_371 = arith.cmpi sge, %sub3A_368, %ge3A_370 : vector<16xi32>
      %lt3A_372 = arith.constant 19104 : i32
      %lt3A_373 = vector.broadcast %lt3A_372 : i32 to vector<16xi32>
      %lt3A_374 = arith.cmpi slt, %sub3A_368, %lt3A_373 : vector<16xi32>
      %and3A_375 = arith.andi %ge3A_371, %lt3A_374 : vector<16xi1>
      %jit3A_376 = arith.constant 0 : i32
      %broadcast_in_dim3A_377 = vector.broadcast %jit3A_376 : i32 to vector<16xi32>
      %select_n3A_378 = arith.select %and3A_375, %sub3A_368, %broadcast_in_dim3A_377 : vector<16xi1>, vector<16xi32>
      %gather3A_379 = tpu.vector_load_idx %arg10[%select_n3A_378] : memref<40448xf32, #tpu.memory_space<vmem>>[vector<16xi32>], vector<16xf32>,
      %mul3A_380 = arith.constant 16 : i32
      %mul3A_381 = arith.muli %add3A_361, %mul3A_380 : i32
      %get3A_382 = arith.index_cast %mul3A_381 : i32 to index
      %get3A_383 = tpu.vector_load %arg8[%get3A_382] {strides = array<i32>} : memref<16384xf32, #tpu.memory_space<vmem>>, vector<16xf32>,
      %mul3A_384 = arith.constant 16 : i32
      %mul3A_385 = arith.muli %add3A_361, %mul3A_384 : i32
      %get3A_386 = arith.index_cast %mul3A_385 : i32 to index
      %get3A_387 = tpu.vector_load %arg9[%get3A_386] {strides = array<i32>} : memref<16384xf32, #tpu.memory_space<vmem>>, vector<16xf32>,
      %mul3A_388 = arith.mulf %gather3A_379, %get3A_383 : vector<16xf32>
      %jit3A_389 = arith.constant 0.000000e+00 : f32
      %broadcast_in_dim3A_390 = vector.broadcast %jit3A_389 : f32 to vector<16xf32>
      %select_n3A_391 = arith.select %and3A_375, %mul3A_388, %broadcast_in_dim3A_390 : vector<16xi1>, vector<16xf32>
      %add3A_392 = arith.addf %get3A_387, %select_n3A_391 : vector<16xf32>
      %mul3A_393 = arith.constant 16 : i32
      %mul3A_394 = arith.muli %add3A_361, %mul3A_393 : i32
      %swap3A_395 = arith.index_cast %mul3A_394 : i32 to index
      %swap3A_396 = tpu.vector_load %arg9[%swap3A_395] {strides = array<i32>} : memref<16384xf32, #tpu.memory_space<vmem>>, vector<16xf32>,
      tpu.vector_store %arg9[%swap3A_395], %add3A_392 {strides = array<i32>} : memref<16384xf32, #tpu.memory_space<vmem>>, vector<16xf32>,
      %mul3A_397 = arith.constant 8 : i32
      %mul3A_398 = arith.muli %scan3A_327, %mul3A_397 : i32
      %add3A_399 = arith.constant 2 : i32
      %add3A_400 = arith.addi %mul3A_398, %add3A_399 : i32
      %mul3A_401 = arith.constant 16 : i32
      %mul3A_402 = arith.muli %add3A_400, %mul3A_401 : i32
      %get3A_403 = arith.index_cast %mul3A_402 : i32 to index
      %get3A_404 = tpu.vector_load %arg7[%get3A_403] {strides = array<i32>} : memref<16384xi32, #tpu.memory_space<vmem>>, vector<16xi32>,
      %sub3A_405 = arith.constant 80896 : i32
      %sub3A_406 = vector.broadcast %sub3A_405 : i32 to vector<16xi32>
      %sub3A_407 = arith.subi %get3A_404, %sub3A_406 : vector<16xi32>
      %ge3A_408 = arith.constant 0 : i32
      %ge3A_409 = vector.broadcast %ge3A_408 : i32 to vector<16xi32>
      %ge3A_410 = arith.cmpi sge, %sub3A_407, %ge3A_409 : vector<16xi32>
      %lt3A_411 = arith.constant 19104 : i32
      %lt3A_412 = vector.broadcast %lt3A_411 : i32 to vector<16xi32>
      %lt3A_413 = arith.cmpi slt, %sub3A_407, %lt3A_412 : vector<16xi32>
      %and3A_414 = arith.andi %ge3A_410, %lt3A_413 : vector<16xi1>
      %jit3A_415 = arith.constant 0 : i32
      %broadcast_in_dim3A_416 = vector.broadcast %jit3A_415 : i32 to vector<16xi32>
      %select_n3A_417 = arith.select %and3A_414, %sub3A_407, %broadcast_in_dim3A_416 : vector<16xi1>, vector<16xi32>
      %gather3A_418 = tpu.vector_load_idx %arg10[%select_n3A_417] : memref<40448xf32, #tpu.memory_space<vmem>>[vector<16xi32>], vector<16xf32>,
      %mul3A_419 = arith.constant 16 : i32
      %mul3A_420 = arith.muli %add3A_400, %mul3A_419 : i32
      %get3A_421 = arith.index_cast %mul3A_420 : i32 to index
      %get3A_422 = tpu.vector_load %arg8[%get3A_421] {strides = array<i32>} : memref<16384xf32, #tpu.memory_space<vmem>>, vector<16xf32>,
      %mul3A_423 = arith.constant 16 : i32
      %mul3A_424 = arith.muli %add3A_400, %mul3A_423 : i32
      %get3A_425 = arith.index_cast %mul3A_424 : i32 to index
      %get3A_426 = tpu.vector_load %arg9[%get3A_425] {strides = array<i32>} : memref<16384xf32, #tpu.memory_space<vmem>>, vector<16xf32>,
      %mul3A_427 = arith.mulf %gather3A_418, %get3A_422 : vector<16xf32>
      %jit3A_428 = arith.constant 0.000000e+00 : f32
      %broadcast_in_dim3A_429 = vector.broadcast %jit3A_428 : f32 to vector<16xf32>
      %select_n3A_430 = arith.select %and3A_414, %mul3A_427, %broadcast_in_dim3A_429 : vector<16xi1>, vector<16xf32>
      %add3A_431 = arith.addf %get3A_426, %select_n3A_430 : vector<16xf32>
      %mul3A_432 = arith.constant 16 : i32
      %mul3A_433 = arith.muli %add3A_400, %mul3A_432 : i32
      %swap3A_434 = arith.index_cast %mul3A_433 : i32 to index
      %swap3A_435 = tpu.vector_load %arg9[%swap3A_434] {strides = array<i32>} : memref<16384xf32, #tpu.memory_space<vmem>>, vector<16xf32>,
      tpu.vector_store %arg9[%swap3A_434], %add3A_431 {strides = array<i32>} : memref<16384xf32, #tpu.memory_space<vmem>>, vector<16xf32>,
      %mul3A_436 = arith.constant 8 : i32
      %mul3A_437 = arith.muli %scan3A_327, %mul3A_436 : i32
      %add3A_438 = arith.constant 3 : i32
      %add3A_439 = arith.addi %mul3A_437, %add3A_438 : i32
      %mul3A_440 = arith.constant 16 : i32
      %mul3A_441 = arith.muli %add3A_439, %mul3A_440 : i32
      %get3A_442 = arith.index_cast %mul3A_441 : i32 to index
      %get3A_443 = tpu.vector_load %arg7[%get3A_442] {strides = array<i32>} : memref<16384xi32, #tpu.memory_space<vmem>>, vector<16xi32>,
      %sub3A_444 = arith.constant 80896 : i32
      %sub3A_445 = vector.broadcast %sub3A_444 : i32 to vector<16xi32>
      %sub3A_446 = arith.subi %get3A_443, %sub3A_445 : vector<16xi32>
      %ge3A_447 = arith.constant 0 : i32
      %ge3A_448 = vector.broadcast %ge3A_447 : i32 to vector<16xi32>
      %ge3A_449 = arith.cmpi sge, %sub3A_446, %ge3A_448 : vector<16xi32>
      %lt3A_450 = arith.constant 19104 : i32
      %lt3A_451 = vector.broadcast %lt3A_450 : i32 to vector<16xi32>
      %lt3A_452 = arith.cmpi slt, %sub3A_446, %lt3A_451 : vector<16xi32>
      %and3A_453 = arith.andi %ge3A_449, %lt3A_452 : vector<16xi1>
      %jit3A_454 = arith.constant 0 : i32
      %broadcast_in_dim3A_455 = vector.broadcast %jit3A_454 : i32 to vector<16xi32>
      %select_n3A_456 = arith.select %and3A_453, %sub3A_446, %broadcast_in_dim3A_455 : vector<16xi1>, vector<16xi32>
      %gather3A_457 = tpu.vector_load_idx %arg10[%select_n3A_456] : memref<40448xf32, #tpu.memory_space<vmem>>[vector<16xi32>], vector<16xf32>,
      %mul3A_458 = arith.constant 16 : i32
      %mul3A_459 = arith.muli %add3A_439, %mul3A_458 : i32
      %get3A_460 = arith.index_cast %mul3A_459 : i32 to index
      %get3A_461 = tpu.vector_load %arg8[%get3A_460] {strides = array<i32>} : memref<16384xf32, #tpu.memory_space<vmem>>, vector<16xf32>,
      %mul3A_462 = arith.constant 16 : i32
      %mul3A_463 = arith.muli %add3A_439, %mul3A_462 : i32
      %get3A_464 = arith.index_cast %mul3A_463 : i32 to index
      %get3A_465 = tpu.vector_load %arg9[%get3A_464] {strides = array<i32>} : memref<16384xf32, #tpu.memory_space<vmem>>, vector<16xf32>,
      %mul3A_466 = arith.mulf %gather3A_457, %get3A_461 : vector<16xf32>
      %jit3A_467 = arith.constant 0.000000e+00 : f32
      %broadcast_in_dim3A_468 = vector.broadcast %jit3A_467 : f32 to vector<16xf32>
      %select_n3A_469 = arith.select %and3A_453, %mul3A_466, %broadcast_in_dim3A_468 : vector<16xi1>, vector<16xf32>
      %add3A_470 = arith.addf %get3A_465, %select_n3A_469 : vector<16xf32>
      %mul3A_471 = arith.constant 16 : i32
      %mul3A_472 = arith.muli %add3A_439, %mul3A_471 : i32
      %swap3A_473 = arith.index_cast %mul3A_472 : i32 to index
      %swap3A_474 = tpu.vector_load %arg9[%swap3A_473] {strides = array<i32>} : memref<16384xf32, #tpu.memory_space<vmem>>, vector<16xf32>,
      tpu.vector_store %arg9[%swap3A_473], %add3A_470 {strides = array<i32>} : memref<16384xf32, #tpu.memory_space<vmem>>, vector<16xf32>,
      %mul3A_475 = arith.constant 8 : i32
      %mul3A_476 = arith.muli %scan3A_327, %mul3A_475 : i32
      %add3A_477 = arith.constant 4 : i32
      %add3A_478 = arith.addi %mul3A_476, %add3A_477 : i32
      %mul3A_479 = arith.constant 16 : i32
      %mul3A_480 = arith.muli %add3A_478, %mul3A_479 : i32
      %get3A_481 = arith.index_cast %mul3A_480 : i32 to index
      %get3A_482 = tpu.vector_load %arg7[%get3A_481] {strides = array<i32>} : memref<16384xi32, #tpu.memory_space<vmem>>, vector<16xi32>,
      %sub3A_483 = arith.constant 80896 : i32
      %sub3A_484 = vector.broadcast %sub3A_483 : i32 to vector<16xi32>
      %sub3A_485 = arith.subi %get3A_482, %sub3A_484 : vector<16xi32>
      %ge3A_486 = arith.constant 0 : i32
      %ge3A_487 = vector.broadcast %ge3A_486 : i32 to vector<16xi32>
      %ge3A_488 = arith.cmpi sge, %sub3A_485, %ge3A_487 : vector<16xi32>
      %lt3A_489 = arith.constant 19104 : i32
      %lt3A_490 = vector.broadcast %lt3A_489 : i32 to vector<16xi32>
      %lt3A_491 = arith.cmpi slt, %sub3A_485, %lt3A_490 : vector<16xi32>
      %and3A_492 = arith.andi %ge3A_488, %lt3A_491 : vector<16xi1>
      %jit3A_493 = arith.constant 0 : i32
      %broadcast_in_dim3A_494 = vector.broadcast %jit3A_493 : i32 to vector<16xi32>
      %select_n3A_495 = arith.select %and3A_492, %sub3A_485, %broadcast_in_dim3A_494 : vector<16xi1>, vector<16xi32>
      %gather3A_496 = tpu.vector_load_idx %arg10[%select_n3A_495] : memref<40448xf32, #tpu.memory_space<vmem>>[vector<16xi32>], vector<16xf32>,
      %mul3A_497 = arith.constant 16 : i32
      %mul3A_498 = arith.muli %add3A_478, %mul3A_497 : i32
      %get3A_499 = arith.index_cast %mul3A_498 : i32 to index
      %get3A_500 = tpu.vector_load %arg8[%get3A_499] {strides = array<i32>} : memref<16384xf32, #tpu.memory_space<vmem>>, vector<16xf32>,
      %mul3A_501 = arith.constant 16 : i32
      %mul3A_502 = arith.muli %add3A_478, %mul3A_501 : i32
      %get3A_503 = arith.index_cast %mul3A_502 : i32 to index
      %get3A_504 = tpu.vector_load %arg9[%get3A_503] {strides = array<i32>} : memref<16384xf32, #tpu.memory_space<vmem>>, vector<16xf32>,
      %mul3A_505 = arith.mulf %gather3A_496, %get3A_500 : vector<16xf32>
      %jit3A_506 = arith.constant 0.000000e+00 : f32
      %broadcast_in_dim3A_507 = vector.broadcast %jit3A_506 : f32 to vector<16xf32>
      %select_n3A_508 = arith.select %and3A_492, %mul3A_505, %broadcast_in_dim3A_507 : vector<16xi1>, vector<16xf32>
      %add3A_509 = arith.addf %get3A_504, %select_n3A_508 : vector<16xf32>
      %mul3A_510 = arith.constant 16 : i32
      %mul3A_511 = arith.muli %add3A_478, %mul3A_510 : i32
      %swap3A_512 = arith.index_cast %mul3A_511 : i32 to index
      %swap3A_513 = tpu.vector_load %arg9[%swap3A_512] {strides = array<i32>} : memref<16384xf32, #tpu.memory_space<vmem>>, vector<16xf32>,
      tpu.vector_store %arg9[%swap3A_512], %add3A_509 {strides = array<i32>} : memref<16384xf32, #tpu.memory_space<vmem>>, vector<16xf32>,
      %mul3A_514 = arith.constant 8 : i32
      %mul3A_515 = arith.muli %scan3A_327, %mul3A_514 : i32
      %add3A_516 = arith.constant 5 : i32
      %add3A_517 = arith.addi %mul3A_515, %add3A_516 : i32
      %mul3A_518 = arith.constant 16 : i32
      %mul3A_519 = arith.muli %add3A_517, %mul3A_518 : i32
      %get3A_520 = arith.index_cast %mul3A_519 : i32 to index
      %get3A_521 = tpu.vector_load %arg7[%get3A_520] {strides = array<i32>} : memref<16384xi32, #tpu.memory_space<vmem>>, vector<16xi32>,
      %sub3A_522 = arith.constant 80896 : i32
      %sub3A_523 = vector.broadcast %sub3A_522 : i32 to vector<16xi32>
      %sub3A_524 = arith.subi %get3A_521, %sub3A_523 : vector<16xi32>
      %ge3A_525 = arith.constant 0 : i32
      %ge3A_526 = vector.broadcast %ge3A_525 : i32 to vector<16xi32>
      %ge3A_527 = arith.cmpi sge, %sub3A_524, %ge3A_526 : vector<16xi32>
      %lt3A_528 = arith.constant 19104 : i32
      %lt3A_529 = vector.broadcast %lt3A_528 : i32 to vector<16xi32>
      %lt3A_530 = arith.cmpi slt, %sub3A_524, %lt3A_529 : vector<16xi32>
      %and3A_531 = arith.andi %ge3A_527, %lt3A_530 : vector<16xi1>
      %jit3A_532 = arith.constant 0 : i32
      %broadcast_in_dim3A_533 = vector.broadcast %jit3A_532 : i32 to vector<16xi32>
      %select_n3A_534 = arith.select %and3A_531, %sub3A_524, %broadcast_in_dim3A_533 : vector<16xi1>, vector<16xi32>
      %gather3A_535 = tpu.vector_load_idx %arg10[%select_n3A_534] : memref<40448xf32, #tpu.memory_space<vmem>>[vector<16xi32>], vector<16xf32>,
      %mul3A_536 = arith.constant 16 : i32
      %mul3A_537 = arith.muli %add3A_517, %mul3A_536 : i32
      %get3A_538 = arith.index_cast %mul3A_537 : i32 to index
      %get3A_539 = tpu.vector_load %arg8[%get3A_538] {strides = array<i32>} : memref<16384xf32, #tpu.memory_space<vmem>>, vector<16xf32>,
      %mul3A_540 = arith.constant 16 : i32
      %mul3A_541 = arith.muli %add3A_517, %mul3A_540 : i32
      %get3A_542 = arith.index_cast %mul3A_541 : i32 to index
      %get3A_543 = tpu.vector_load %arg9[%get3A_542] {strides = array<i32>} : memref<16384xf32, #tpu.memory_space<vmem>>, vector<16xf32>,
      %mul3A_544 = arith.mulf %gather3A_535, %get3A_539 : vector<16xf32>
      %jit3A_545 = arith.constant 0.000000e+00 : f32
      %broadcast_in_dim3A_546 = vector.broadcast %jit3A_545 : f32 to vector<16xf32>
      %select_n3A_547 = arith.select %and3A_531, %mul3A_544, %broadcast_in_dim3A_546 : vector<16xi1>, vector<16xf32>
      %add3A_548 = arith.addf %get3A_543, %select_n3A_547 : vector<16xf32>
      %mul3A_549 = arith.constant 16 : i32
      %mul3A_550 = arith.muli %add3A_517, %mul3A_549 : i32
      %swap3A_551 = arith.index_cast %mul3A_550 : i32 to index
      %swap3A_552 = tpu.vector_load %arg9[%swap3A_551] {strides = array<i32>} : memref<16384xf32, #tpu.memory_space<vmem>>, vector<16xf32>,
      tpu.vector_store %arg9[%swap3A_551], %add3A_548 {strides = array<i32>} : memref<16384xf32, #tpu.memory_space<vmem>>, vector<16xf32>,
      %mul3A_553 = arith.constant 8 : i32
      %mul3A_554 = arith.muli %scan3A_327, %mul3A_553 : i32
      %add3A_555 = arith.constant 6 : i32
      %add3A_556 = arith.addi %mul3A_554, %add3A_555 : i32
      %mul3A_557 = arith.constant 16 : i32
      %mul3A_558 = arith.muli %add3A_556, %mul3A_557 : i32
      %get3A_559 = arith.index_cast %mul3A_558 : i32 to index
      %get3A_560 = tpu.vector_load %arg7[%get3A_559] {strides = array<i32>} : memref<16384xi32, #tpu.memory_space<vmem>>, vector<16xi32>,
      %sub3A_561 = arith.constant 80896 : i32
      %sub3A_562 = vector.broadcast %sub3A_561 : i32 to vector<16xi32>
      %sub3A_563 = arith.subi %get3A_560, %sub3A_562 : vector<16xi32>
      %ge3A_564 = arith.constant 0 : i32
      %ge3A_565 = vector.broadcast %ge3A_564 : i32 to vector<16xi32>
      %ge3A_566 = arith.cmpi sge, %sub3A_563, %ge3A_565 : vector<16xi32>
      %lt3A_567 = arith.constant 19104 : i32
      %lt3A_568 = vector.broadcast %lt3A_567 : i32 to vector<16xi32>
      %lt3A_569 = arith.cmpi slt, %sub3A_563, %lt3A_568 : vector<16xi32>
      %and3A_570 = arith.andi %ge3A_566, %lt3A_569 : vector<16xi1>
      %jit3A_571 = arith.constant 0 : i32
      %broadcast_in_dim3A_572 = vector.broadcast %jit3A_571 : i32 to vector<16xi32>
      %select_n3A_573 = arith.select %and3A_570, %sub3A_563, %broadcast_in_dim3A_572 : vector<16xi1>, vector<16xi32>
      %gather3A_574 = tpu.vector_load_idx %arg10[%select_n3A_573] : memref<40448xf32, #tpu.memory_space<vmem>>[vector<16xi32>], vector<16xf32>,
      %mul3A_575 = arith.constant 16 : i32
      %mul3A_576 = arith.muli %add3A_556, %mul3A_575 : i32
      %get3A_577 = arith.index_cast %mul3A_576 : i32 to index
      %get3A_578 = tpu.vector_load %arg8[%get3A_577] {strides = array<i32>} : memref<16384xf32, #tpu.memory_space<vmem>>, vector<16xf32>,
      %mul3A_579 = arith.constant 16 : i32
      %mul3A_580 = arith.muli %add3A_556, %mul3A_579 : i32
      %get3A_581 = arith.index_cast %mul3A_580 : i32 to index
      %get3A_582 = tpu.vector_load %arg9[%get3A_581] {strides = array<i32>} : memref<16384xf32, #tpu.memory_space<vmem>>, vector<16xf32>,
      %mul3A_583 = arith.mulf %gather3A_574, %get3A_578 : vector<16xf32>
      %jit3A_584 = arith.constant 0.000000e+00 : f32
      %broadcast_in_dim3A_585 = vector.broadcast %jit3A_584 : f32 to vector<16xf32>
      %select_n3A_586 = arith.select %and3A_570, %mul3A_583, %broadcast_in_dim3A_585 : vector<16xi1>, vector<16xf32>
      %add3A_587 = arith.addf %get3A_582, %select_n3A_586 : vector<16xf32>
      %mul3A_588 = arith.constant 16 : i32
      %mul3A_589 = arith.muli %add3A_556, %mul3A_588 : i32
      %swap3A_590 = arith.index_cast %mul3A_589 : i32 to index
      %swap3A_591 = tpu.vector_load %arg9[%swap3A_590] {strides = array<i32>} : memref<16384xf32, #tpu.memory_space<vmem>>, vector<16xf32>,
      tpu.vector_store %arg9[%swap3A_590], %add3A_587 {strides = array<i32>} : memref<16384xf32, #tpu.memory_space<vmem>>, vector<16xf32>,
      %mul3A_592 = arith.constant 8 : i32
      %mul3A_593 = arith.muli %scan3A_327, %mul3A_592 : i32
      %add3A_594 = arith.constant 7 : i32
      %add3A_595 = arith.addi %mul3A_593, %add3A_594 : i32
      %mul3A_596 = arith.constant 16 : i32
      %mul3A_597 = arith.muli %add3A_595, %mul3A_596 : i32
      %get3A_598 = arith.index_cast %mul3A_597 : i32 to index
      %get3A_599 = tpu.vector_load %arg7[%get3A_598] {strides = array<i32>} : memref<16384xi32, #tpu.memory_space<vmem>>, vector<16xi32>,
      %sub3A_600 = arith.constant 80896 : i32
      %sub3A_601 = vector.broadcast %sub3A_600 : i32 to vector<16xi32>
      %sub3A_602 = arith.subi %get3A_599, %sub3A_601 : vector<16xi32>
      %ge3A_603 = arith.constant 0 : i32
      %ge3A_604 = vector.broadcast %ge3A_603 : i32 to vector<16xi32>
      %ge3A_605 = arith.cmpi sge, %sub3A_602, %ge3A_604 : vector<16xi32>
      %lt3A_606 = arith.constant 19104 : i32
      %lt3A_607 = vector.broadcast %lt3A_606 : i32 to vector<16xi32>
      %lt3A_608 = arith.cmpi slt, %sub3A_602, %lt3A_607 : vector<16xi32>
      %and3A_609 = arith.andi %ge3A_605, %lt3A_608 : vector<16xi1>
      %jit3A_610 = arith.constant 0 : i32
      %broadcast_in_dim3A_611 = vector.broadcast %jit3A_610 : i32 to vector<16xi32>
      %select_n3A_612 = arith.select %and3A_609, %sub3A_602, %broadcast_in_dim3A_611 : vector<16xi1>, vector<16xi32>
      %gather3A_613 = tpu.vector_load_idx %arg10[%select_n3A_612] : memref<40448xf32, #tpu.memory_space<vmem>>[vector<16xi32>], vector<16xf32>,
      %mul3A_614 = arith.constant 16 : i32
      %mul3A_615 = arith.muli %add3A_595, %mul3A_614 : i32
      %get3A_616 = arith.index_cast %mul3A_615 : i32 to index
      %get3A_617 = tpu.vector_load %arg8[%get3A_616] {strides = array<i32>} : memref<16384xf32, #tpu.memory_space<vmem>>, vector<16xf32>,
      %mul3A_618 = arith.constant 16 : i32
      %mul3A_619 = arith.muli %add3A_595, %mul3A_618 : i32
      %get3A_620 = arith.index_cast %mul3A_619 : i32 to index
      %get3A_621 = tpu.vector_load %arg9[%get3A_620] {strides = array<i32>} : memref<16384xf32, #tpu.memory_space<vmem>>, vector<16xf32>,
      %mul3A_622 = arith.mulf %gather3A_613, %get3A_617 : vector<16xf32>
      %jit3A_623 = arith.constant 0.000000e+00 : f32
      %broadcast_in_dim3A_624 = vector.broadcast %jit3A_623 : f32 to vector<16xf32>
      %select_n3A_625 = arith.select %and3A_609, %mul3A_622, %broadcast_in_dim3A_624 : vector<16xi1>, vector<16xf32>
      %add3A_626 = arith.addf %get3A_621, %select_n3A_625 : vector<16xf32>
      %mul3A_627 = arith.constant 16 : i32
      %mul3A_628 = arith.muli %add3A_595, %mul3A_627 : i32
      %swap3A_629 = arith.index_cast %mul3A_628 : i32 to index
      %swap3A_630 = tpu.vector_load %arg9[%swap3A_629] {strides = array<i32>} : memref<16384xf32, #tpu.memory_space<vmem>>, vector<16xf32>,
      tpu.vector_store %arg9[%swap3A_629], %add3A_626 {strides = array<i32>} : memref<16384xf32, #tpu.memory_space<vmem>>, vector<16xf32>,
    }
    %scan3A_164 = arith.constant 128 : i32
    %mul3A_165 = arith.constant 2 : i32
    %mul3A_166 = arith.muli %add3A, %mul3A_165 : i32
    %add3A_167 = arith.constant 1 : i32
    %add3A_168 = arith.addi %mul3A_166, %add3A_167 : i32
    "tpu.region"() ({
      %run_scoped3A = tpu.sem_alloc : memref<!tpu.dma_semaphore, #tpu.memory_space<semaphore_mem>>
      tpu.enqueue_dma source(%arg2 : memref<16384xi32, #tpu.memory_space<hbm>>) target(%arg7 : memref<16384xi32, #tpu.memory_space<vmem>>) target_semaphore(%run_scoped3A : memref<!tpu.dma_semaphore, #tpu.memory_space<semaphore_mem>>)
      tpu.wait_dma2 semaphore(%run_scoped3A : memref<!tpu.dma_semaphore, #tpu.memory_space<semaphore_mem>>) src(%arg2 : memref<16384xi32, #tpu.memory_space<hbm>>) dst(%arg7 : memref<16384xi32, #tpu.memory_space<vmem>>)
      tpu.yield
    }) : () -> ()
    %dma_start3A_169 = arith.constant 0 : i32
    %dma_start3A_170 = tpu.memref_slice %arg10[%dma_start3A_169] : memref<40448xf32, #tpu.memory_space<vmem>> -> memref<40448xf32, #tpu.memory_space<vmem>>
    %dma_start3A_171 = arith.constant 0 : i32
    %dma_start3A_172 = tpu.memref_slice %arg4[%add3A_168, %dma_start3A_171] : memref<64x100000xf32, #tpu.memory_space<hbm>> -> memref<1x40448xf32, #tpu.memory_space<hbm>>
    %dma_start3A_173 = tpu.memref_squeeze %dma_start3A_172 : memref<1x40448xf32, #tpu.memory_space<hbm>> -> memref<40448xf32, #tpu.memory_space<hbm>>
    %dma_start3A_174 = arith.constant 0 : i32
    %dma_start3A_175 = tpu.memref_slice %arg10[%dma_start3A_174] : memref<40448xf32, #tpu.memory_space<vmem>> -> memref<40448xf32, #tpu.memory_space<vmem>>
    %dma_start3A_176 = arith.constant 0 : i32
    %dma_start3A_177 = tpu.memref_slice %arg4[%add3A_168, %dma_start3A_176] : memref<64x100000xf32, #tpu.memory_space<hbm>> -> memref<1x40448xf32, #tpu.memory_space<hbm>>
    %dma_start3A_178 = tpu.memref_squeeze %dma_start3A_177 : memref<1x40448xf32, #tpu.memory_space<hbm>> -> memref<40448xf32, #tpu.memory_space<hbm>>
    tpu.enqueue_dma source(%dma_start3A_178 : memref<40448xf32, #tpu.memory_space<hbm>>) target(%dma_start3A_175 : memref<40448xf32, #tpu.memory_space<vmem>>) target_semaphore(%arg12 : memref<!tpu.dma_semaphore, #tpu.memory_space<semaphore_mem>>)
    %dma_wait3A_179 = arith.constant 0 : i32
    %dma_wait3A_180 = tpu.memref_slice %arg10[%dma_wait3A_179] : memref<40448xf32, #tpu.memory_space<vmem>> -> memref<40448xf32, #tpu.memory_space<vmem>>
    %dma_wait3A_181 = arith.constant 0 : i32
    %dma_wait3A_182 = tpu.memref_slice %arg4[%add3A_168, %dma_wait3A_181] : memref<64x100000xf32, #tpu.memory_space<hbm>> -> memref<1x40448xf32, #tpu.memory_space<hbm>>
    %dma_wait3A_183 = tpu.memref_squeeze %dma_wait3A_182 : memref<1x40448xf32, #tpu.memory_space<hbm>> -> memref<40448xf32, #tpu.memory_space<hbm>>
    %dma_wait3A_184 = arith.constant 0 : i32
    %dma_wait3A_185 = tpu.memref_slice %arg10[%dma_wait3A_184] : memref<40448xf32, #tpu.memory_space<vmem>> -> memref<40448xf32, #tpu.memory_space<vmem>>
    %dma_wait3A_186 = arith.constant 0 : i32
    %dma_wait3A_187 = tpu.memref_slice %arg4[%add3A_168, %dma_wait3A_186] : memref<64x100000xf32, #tpu.memory_space<hbm>> -> memref<1x40448xf32, #tpu.memory_space<hbm>>
    %dma_wait3A_188 = tpu.memref_squeeze %dma_wait3A_187 : memref<1x40448xf32, #tpu.memory_space<hbm>> -> memref<40448xf32, #tpu.memory_space<hbm>>
    tpu.wait_dma2 semaphore(%arg12 : memref<!tpu.dma_semaphore, #tpu.memory_space<semaphore_mem>>) src(%dma_wait3A_188 : memref<40448xf32, #tpu.memory_space<hbm>>) dst(%dma_wait3A_185 : memref<40448xf32, #tpu.memory_space<vmem>>)
    %dma_start3A_189 = arith.constant 0 : i32
    %dma_start3A_190 = tpu.memref_slice %arg11[%dma_start3A_189] : memref<40448xf32, #tpu.memory_space<vmem>> -> memref<40448xf32, #tpu.memory_space<vmem>>
    %dma_start3A_191 = arith.constant 40448 : i32
    %dma_start3A_192 = tpu.memref_slice %arg4[%add3A_168, %dma_start3A_191] : memref<64x100000xf32, #tpu.memory_space<hbm>> -> memref<1x40448xf32, #tpu.memory_space<hbm>>
    %dma_start3A_193 = tpu.memref_squeeze %dma_start3A_192 : memref<1x40448xf32, #tpu.memory_space<hbm>> -> memref<40448xf32, #tpu.memory_space<hbm>>
    %dma_start3A_194 = arith.constant 0 : i32
    %dma_start3A_195 = tpu.memref_slice %arg11[%dma_start3A_194] : memref<40448xf32, #tpu.memory_space<vmem>> -> memref<40448xf32, #tpu.memory_space<vmem>>
    %dma_start3A_196 = arith.constant 40448 : i32
    %dma_start3A_197 = tpu.memref_slice %arg4[%add3A_168, %dma_start3A_196] : memref<64x100000xf32, #tpu.memory_space<hbm>> -> memref<1x40448xf32, #tpu.memory_space<hbm>>
    %dma_start3A_198 = tpu.memref_squeeze %dma_start3A_197 : memref<1x40448xf32, #tpu.memory_space<hbm>> -> memref<40448xf32, #tpu.memory_space<hbm>>
    tpu.enqueue_dma source(%dma_start3A_198 : memref<40448xf32, #tpu.memory_space<hbm>>) target(%dma_start3A_195 : memref<40448xf32, #tpu.memory_space<vmem>>) target_semaphore(%arg13 : memref<!tpu.dma_semaphore, #tpu.memory_space<semaphore_mem>>)
    %scan3A_199 = arith.constant 0 : i32
    %scan3A_200 = arith.constant 0 : i32
    %scan3A_201 = arith.constant 128 : i32
    %scan3A_202 = arith.addi %scan3A_200, %scan3A_201 : i32
    %scan3A_203 = arith.constant 1 : i32
    scf.for %scan3A_327 = %scan3A_200 to %scan3A_202 step %scan3A_203  : i32 {
      %mul3A_328 = arith.constant 8 : i32
      %mul3A_329 = arith.muli %scan3A_327, %mul3A_328 : i32
      %add3A_330 = arith.constant 0 : i32
      %add3A_331 = arith.addi %mul3A_329, %add3A_330 : i32
      %mul3A_332 = arith.constant 16 : i32
      %mul3A_333 = arith.muli %add3A_331, %mul3A_332 : i32
      %get3A = arith.index_cast %mul3A_333 : i32 to index
      %get3A_334 = tpu.vector_load %arg7[%get3A] {strides = array<i32>} : memref<16384xi32, #tpu.memory_space<vmem>>, vector<16xi32>,
      %sub3A = arith.constant 0 : i32
      %sub3A_335 = vector.broadcast %sub3A : i32 to vector<16xi32>
      %sub3A_336 = arith.subi %get3A_334, %sub3A_335 : vector<16xi32>
      %ge3A = arith.constant 0 : i32
      %ge3A_337 = vector.broadcast %ge3A : i32 to vector<16xi32>
      %ge3A_338 = arith.cmpi sge, %sub3A_336, %ge3A_337 : vector<16xi32>
      %lt3A = arith.constant 40448 : i32
      %lt3A_339 = vector.broadcast %lt3A : i32 to vector<16xi32>
      %lt3A_340 = arith.cmpi slt, %sub3A_336, %lt3A_339 : vector<16xi32>
      %and3A = arith.andi %ge3A_338, %lt3A_340 : vector<16xi1>
      %jit3A = arith.constant 0 : i32
      %broadcast_in_dim3A_341 = vector.broadcast %jit3A : i32 to vector<16xi32>
      %select_n3A = arith.select %and3A, %sub3A_336, %broadcast_in_dim3A_341 : vector<16xi1>, vector<16xi32>
      %gather3A = tpu.vector_load_idx %arg10[%select_n3A] : memref<40448xf32, #tpu.memory_space<vmem>>[vector<16xi32>], vector<16xf32>,
      %mul3A_342 = arith.constant 16 : i32
      %mul3A_343 = arith.muli %add3A_331, %mul3A_342 : i32
      %get3A_344 = arith.index_cast %mul3A_343 : i32 to index
      %get3A_345 = tpu.vector_load %arg8[%get3A_344] {strides = array<i32>} : memref<16384xf32, #tpu.memory_space<vmem>>, vector<16xf32>,
      %select_n3A_346 = arith.select %and3A, %gather3A, %get3A_345 : vector<16xi1>, vector<16xf32>
      %mul3A_347 = arith.constant 16 : i32
      %mul3A_348 = arith.muli %add3A_331, %mul3A_347 : i32
      %swap3A = arith.index_cast %mul3A_348 : i32 to index
      %swap3A_349 = tpu.vector_load %arg8[%swap3A] {strides = array<i32>} : memref<16384xf32, #tpu.memory_space<vmem>>, vector<16xf32>,
      tpu.vector_store %arg8[%swap3A], %select_n3A_346 {strides = array<i32>} : memref<16384xf32, #tpu.memory_space<vmem>>, vector<16xf32>,
      %mul3A_350 = arith.constant 8 : i32
      %mul3A_351 = arith.muli %scan3A_327, %mul3A_350 : i32
      %add3A_352 = arith.constant 1 : i32
      %add3A_353 = arith.addi %mul3A_351, %add3A_352 : i32
      %mul3A_354 = arith.constant 16 : i32
      %mul3A_355 = arith.muli %add3A_353, %mul3A_354 : i32
      %get3A_356 = arith.index_cast %mul3A_355 : i32 to index
      %get3A_357 = tpu.vector_load %arg7[%get3A_356] {strides = array<i32>} : memref<16384xi32, #tpu.memory_space<vmem>>, vector<16xi32>,
      %sub3A_358 = arith.constant 0 : i32
      %sub3A_359 = vector.broadcast %sub3A_358 : i32 to vector<16xi32>
      %sub3A_360 = arith.subi %get3A_357, %sub3A_359 : vector<16xi32>
      %ge3A_361 = arith.constant 0 : i32
      %ge3A_362 = vector.broadcast %ge3A_361 : i32 to vector<16xi32>
      %ge3A_363 = arith.cmpi sge, %sub3A_360, %ge3A_362 : vector<16xi32>
      %lt3A_364 = arith.constant 40448 : i32
      %lt3A_365 = vector.broadcast %lt3A_364 : i32 to vector<16xi32>
      %lt3A_366 = arith.cmpi slt, %sub3A_360, %lt3A_365 : vector<16xi32>
      %and3A_367 = arith.andi %ge3A_363, %lt3A_366 : vector<16xi1>
      %jit3A_368 = arith.constant 0 : i32
      %broadcast_in_dim3A_369 = vector.broadcast %jit3A_368 : i32 to vector<16xi32>
      %select_n3A_370 = arith.select %and3A_367, %sub3A_360, %broadcast_in_dim3A_369 : vector<16xi1>, vector<16xi32>
      %gather3A_371 = tpu.vector_load_idx %arg10[%select_n3A_370] : memref<40448xf32, #tpu.memory_space<vmem>>[vector<16xi32>], vector<16xf32>,
      %mul3A_372 = arith.constant 16 : i32
      %mul3A_373 = arith.muli %add3A_353, %mul3A_372 : i32
      %get3A_374 = arith.index_cast %mul3A_373 : i32 to index
      %get3A_375 = tpu.vector_load %arg8[%get3A_374] {strides = array<i32>} : memref<16384xf32, #tpu.memory_space<vmem>>, vector<16xf32>,
      %select_n3A_376 = arith.select %and3A_367, %gather3A_371, %get3A_375 : vector<16xi1>, vector<16xf32>
      %mul3A_377 = arith.constant 16 : i32
      %mul3A_378 = arith.muli %add3A_353, %mul3A_377 : i32
      %swap3A_379 = arith.index_cast %mul3A_378 : i32 to index
      %swap3A_380 = tpu.vector_load %arg8[%swap3A_379] {strides = array<i32>} : memref<16384xf32, #tpu.memory_space<vmem>>, vector<16xf32>,
      tpu.vector_store %arg8[%swap3A_379], %select_n3A_376 {strides = array<i32>} : memref<16384xf32, #tpu.memory_space<vmem>>, vector<16xf32>,
      %mul3A_381 = arith.constant 8 : i32
      %mul3A_382 = arith.muli %scan3A_327, %mul3A_381 : i32
      %add3A_383 = arith.constant 2 : i32
      %add3A_384 = arith.addi %mul3A_382, %add3A_383 : i32
      %mul3A_385 = arith.constant 16 : i32
      %mul3A_386 = arith.muli %add3A_384, %mul3A_385 : i32
      %get3A_387 = arith.index_cast %mul3A_386 : i32 to index
      %get3A_388 = tpu.vector_load %arg7[%get3A_387] {strides = array<i32>} : memref<16384xi32, #tpu.memory_space<vmem>>, vector<16xi32>,
      %sub3A_389 = arith.constant 0 : i32
      %sub3A_390 = vector.broadcast %sub3A_389 : i32 to vector<16xi32>
      %sub3A_391 = arith.subi %get3A_388, %sub3A_390 : vector<16xi32>
      %ge3A_392 = arith.constant 0 : i32
      %ge3A_393 = vector.broadcast %ge3A_392 : i32 to vector<16xi32>
      %ge3A_394 = arith.cmpi sge, %sub3A_391, %ge3A_393 : vector<16xi32>
      %lt3A_395 = arith.constant 40448 : i32
      %lt3A_396 = vector.broadcast %lt3A_395 : i32 to vector<16xi32>
      %lt3A_397 = arith.cmpi slt, %sub3A_391, %lt3A_396 : vector<16xi32>
      %and3A_398 = arith.andi %ge3A_394, %lt3A_397 : vector<16xi1>
      %jit3A_399 = arith.constant 0 : i32
      %broadcast_in_dim3A_400 = vector.broadcast %jit3A_399 : i32 to vector<16xi32>
      %select_n3A_401 = arith.select %and3A_398, %sub3A_391, %broadcast_in_dim3A_400 : vector<16xi1>, vector<16xi32>
      %gather3A_402 = tpu.vector_load_idx %arg10[%select_n3A_401] : memref<40448xf32, #tpu.memory_space<vmem>>[vector<16xi32>], vector<16xf32>,
      %mul3A_403 = arith.constant 16 : i32
      %mul3A_404 = arith.muli %add3A_384, %mul3A_403 : i32
      %get3A_405 = arith.index_cast %mul3A_404 : i32 to index
      %get3A_406 = tpu.vector_load %arg8[%get3A_405] {strides = array<i32>} : memref<16384xf32, #tpu.memory_space<vmem>>, vector<16xf32>,
      %select_n3A_407 = arith.select %and3A_398, %gather3A_402, %get3A_406 : vector<16xi1>, vector<16xf32>
      %mul3A_408 = arith.constant 16 : i32
      %mul3A_409 = arith.muli %add3A_384, %mul3A_408 : i32
      %swap3A_410 = arith.index_cast %mul3A_409 : i32 to index
      %swap3A_411 = tpu.vector_load %arg8[%swap3A_410] {strides = array<i32>} : memref<16384xf32, #tpu.memory_space<vmem>>, vector<16xf32>,
      tpu.vector_store %arg8[%swap3A_410], %select_n3A_407 {strides = array<i32>} : memref<16384xf32, #tpu.memory_space<vmem>>, vector<16xf32>,
      %mul3A_412 = arith.constant 8 : i32
      %mul3A_413 = arith.muli %scan3A_327, %mul3A_412 : i32
      %add3A_414 = arith.constant 3 : i32
      %add3A_415 = arith.addi %mul3A_413, %add3A_414 : i32
      %mul3A_416 = arith.constant 16 : i32
      %mul3A_417 = arith.muli %add3A_415, %mul3A_416 : i32
      %get3A_418 = arith.index_cast %mul3A_417 : i32 to index
      %get3A_419 = tpu.vector_load %arg7[%get3A_418] {strides = array<i32>} : memref<16384xi32, #tpu.memory_space<vmem>>, vector<16xi32>,
      %sub3A_420 = arith.constant 0 : i32
      %sub3A_421 = vector.broadcast %sub3A_420 : i32 to vector<16xi32>
      %sub3A_422 = arith.subi %get3A_419, %sub3A_421 : vector<16xi32>
      %ge3A_423 = arith.constant 0 : i32
      %ge3A_424 = vector.broadcast %ge3A_423 : i32 to vector<16xi32>
      %ge3A_425 = arith.cmpi sge, %sub3A_422, %ge3A_424 : vector<16xi32>
      %lt3A_426 = arith.constant 40448 : i32
      %lt3A_427 = vector.broadcast %lt3A_426 : i32 to vector<16xi32>
      %lt3A_428 = arith.cmpi slt, %sub3A_422, %lt3A_427 : vector<16xi32>
      %and3A_429 = arith.andi %ge3A_425, %lt3A_428 : vector<16xi1>
      %jit3A_430 = arith.constant 0 : i32
      %broadcast_in_dim3A_431 = vector.broadcast %jit3A_430 : i32 to vector<16xi32>
      %select_n3A_432 = arith.select %and3A_429, %sub3A_422, %broadcast_in_dim3A_431 : vector<16xi1>, vector<16xi32>
      %gather3A_433 = tpu.vector_load_idx %arg10[%select_n3A_432] : memref<40448xf32, #tpu.memory_space<vmem>>[vector<16xi32>], vector<16xf32>,
      %mul3A_434 = arith.constant 16 : i32
      %mul3A_435 = arith.muli %add3A_415, %mul3A_434 : i32
      %get3A_436 = arith.index_cast %mul3A_435 : i32 to index
      %get3A_437 = tpu.vector_load %arg8[%get3A_436] {strides = array<i32>} : memref<16384xf32, #tpu.memory_space<vmem>>, vector<16xf32>,
      %select_n3A_438 = arith.select %and3A_429, %gather3A_433, %get3A_437 : vector<16xi1>, vector<16xf32>
      %mul3A_439 = arith.constant 16 : i32
      %mul3A_440 = arith.muli %add3A_415, %mul3A_439 : i32
      %swap3A_441 = arith.index_cast %mul3A_440 : i32 to index
      %swap3A_442 = tpu.vector_load %arg8[%swap3A_441] {strides = array<i32>} : memref<16384xf32, #tpu.memory_space<vmem>>, vector<16xf32>,
      tpu.vector_store %arg8[%swap3A_441], %select_n3A_438 {strides = array<i32>} : memref<16384xf32, #tpu.memory_space<vmem>>, vector<16xf32>,
      %mul3A_443 = arith.constant 8 : i32
      %mul3A_444 = arith.muli %scan3A_327, %mul3A_443 : i32
      %add3A_445 = arith.constant 4 : i32
      %add3A_446 = arith.addi %mul3A_444, %add3A_445 : i32
      %mul3A_447 = arith.constant 16 : i32
      %mul3A_448 = arith.muli %add3A_446, %mul3A_447 : i32
      %get3A_449 = arith.index_cast %mul3A_448 : i32 to index
      %get3A_450 = tpu.vector_load %arg7[%get3A_449] {strides = array<i32>} : memref<16384xi32, #tpu.memory_space<vmem>>, vector<16xi32>,
      %sub3A_451 = arith.constant 0 : i32
      %sub3A_452 = vector.broadcast %sub3A_451 : i32 to vector<16xi32>
      %sub3A_453 = arith.subi %get3A_450, %sub3A_452 : vector<16xi32>
      %ge3A_454 = arith.constant 0 : i32
      %ge3A_455 = vector.broadcast %ge3A_454 : i32 to vector<16xi32>
      %ge3A_456 = arith.cmpi sge, %sub3A_453, %ge3A_455 : vector<16xi32>
      %lt3A_457 = arith.constant 40448 : i32
      %lt3A_458 = vector.broadcast %lt3A_457 : i32 to vector<16xi32>
      %lt3A_459 = arith.cmpi slt, %sub3A_453, %lt3A_458 : vector<16xi32>
      %and3A_460 = arith.andi %ge3A_456, %lt3A_459 : vector<16xi1>
      %jit3A_461 = arith.constant 0 : i32
      %broadcast_in_dim3A_462 = vector.broadcast %jit3A_461 : i32 to vector<16xi32>
      %select_n3A_463 = arith.select %and3A_460, %sub3A_453, %broadcast_in_dim3A_462 : vector<16xi1>, vector<16xi32>
      %gather3A_464 = tpu.vector_load_idx %arg10[%select_n3A_463] : memref<40448xf32, #tpu.memory_space<vmem>>[vector<16xi32>], vector<16xf32>,
      %mul3A_465 = arith.constant 16 : i32
      %mul3A_466 = arith.muli %add3A_446, %mul3A_465 : i32
      %get3A_467 = arith.index_cast %mul3A_466 : i32 to index
      %get3A_468 = tpu.vector_load %arg8[%get3A_467] {strides = array<i32>} : memref<16384xf32, #tpu.memory_space<vmem>>, vector<16xf32>,
      %select_n3A_469 = arith.select %and3A_460, %gather3A_464, %get3A_468 : vector<16xi1>, vector<16xf32>
      %mul3A_470 = arith.constant 16 : i32
      %mul3A_471 = arith.muli %add3A_446, %mul3A_470 : i32
      %swap3A_472 = arith.index_cast %mul3A_471 : i32 to index
      %swap3A_473 = tpu.vector_load %arg8[%swap3A_472] {strides = array<i32>} : memref<16384xf32, #tpu.memory_space<vmem>>, vector<16xf32>,
      tpu.vector_store %arg8[%swap3A_472], %select_n3A_469 {strides = array<i32>} : memref<16384xf32, #tpu.memory_space<vmem>>, vector<16xf32>,
      %mul3A_474 = arith.constant 8 : i32
      %mul3A_475 = arith.muli %scan3A_327, %mul3A_474 : i32
      %add3A_476 = arith.constant 5 : i32
      %add3A_477 = arith.addi %mul3A_475, %add3A_476 : i32
      %mul3A_478 = arith.constant 16 : i32
      %mul3A_479 = arith.muli %add3A_477, %mul3A_478 : i32
      %get3A_480 = arith.index_cast %mul3A_479 : i32 to index
      %get3A_481 = tpu.vector_load %arg7[%get3A_480] {strides = array<i32>} : memref<16384xi32, #tpu.memory_space<vmem>>, vector<16xi32>,
      %sub3A_482 = arith.constant 0 : i32
      %sub3A_483 = vector.broadcast %sub3A_482 : i32 to vector<16xi32>
      %sub3A_484 = arith.subi %get3A_481, %sub3A_483 : vector<16xi32>
      %ge3A_485 = arith.constant 0 : i32
      %ge3A_486 = vector.broadcast %ge3A_485 : i32 to vector<16xi32>
      %ge3A_487 = arith.cmpi sge, %sub3A_484, %ge3A_486 : vector<16xi32>
      %lt3A_488 = arith.constant 40448 : i32
      %lt3A_489 = vector.broadcast %lt3A_488 : i32 to vector<16xi32>
      %lt3A_490 = arith.cmpi slt, %sub3A_484, %lt3A_489 : vector<16xi32>
      %and3A_491 = arith.andi %ge3A_487, %lt3A_490 : vector<16xi1>
      %jit3A_492 = arith.constant 0 : i32
      %broadcast_in_dim3A_493 = vector.broadcast %jit3A_492 : i32 to vector<16xi32>
      %select_n3A_494 = arith.select %and3A_491, %sub3A_484, %broadcast_in_dim3A_493 : vector<16xi1>, vector<16xi32>
      %gather3A_495 = tpu.vector_load_idx %arg10[%select_n3A_494] : memref<40448xf32, #tpu.memory_space<vmem>>[vector<16xi32>], vector<16xf32>,
      %mul3A_496 = arith.constant 16 : i32
      %mul3A_497 = arith.muli %add3A_477, %mul3A_496 : i32
      %get3A_498 = arith.index_cast %mul3A_497 : i32 to index
      %get3A_499 = tpu.vector_load %arg8[%get3A_498] {strides = array<i32>} : memref<16384xf32, #tpu.memory_space<vmem>>, vector<16xf32>,
      %select_n3A_500 = arith.select %and3A_491, %gather3A_495, %get3A_499 : vector<16xi1>, vector<16xf32>
      %mul3A_501 = arith.constant 16 : i32
      %mul3A_502 = arith.muli %add3A_477, %mul3A_501 : i32
      %swap3A_503 = arith.index_cast %mul3A_502 : i32 to index
      %swap3A_504 = tpu.vector_load %arg8[%swap3A_503] {strides = array<i32>} : memref<16384xf32, #tpu.memory_space<vmem>>, vector<16xf32>,
      tpu.vector_store %arg8[%swap3A_503], %select_n3A_500 {strides = array<i32>} : memref<16384xf32, #tpu.memory_space<vmem>>, vector<16xf32>,
      %mul3A_505 = arith.constant 8 : i32
      %mul3A_506 = arith.muli %scan3A_327, %mul3A_505 : i32
      %add3A_507 = arith.constant 6 : i32
      %add3A_508 = arith.addi %mul3A_506, %add3A_507 : i32
      %mul3A_509 = arith.constant 16 : i32
      %mul3A_510 = arith.muli %add3A_508, %mul3A_509 : i32
      %get3A_511 = arith.index_cast %mul3A_510 : i32 to index
      %get3A_512 = tpu.vector_load %arg7[%get3A_511] {strides = array<i32>} : memref<16384xi32, #tpu.memory_space<vmem>>, vector<16xi32>,
      %sub3A_513 = arith.constant 0 : i32
      %sub3A_514 = vector.broadcast %sub3A_513 : i32 to vector<16xi32>
      %sub3A_515 = arith.subi %get3A_512, %sub3A_514 : vector<16xi32>
      %ge3A_516 = arith.constant 0 : i32
      %ge3A_517 = vector.broadcast %ge3A_516 : i32 to vector<16xi32>
      %ge3A_518 = arith.cmpi sge, %sub3A_515, %ge3A_517 : vector<16xi32>
      %lt3A_519 = arith.constant 40448 : i32
      %lt3A_520 = vector.broadcast %lt3A_519 : i32 to vector<16xi32>
      %lt3A_521 = arith.cmpi slt, %sub3A_515, %lt3A_520 : vector<16xi32>
      %and3A_522 = arith.andi %ge3A_518, %lt3A_521 : vector<16xi1>
      %jit3A_523 = arith.constant 0 : i32
      %broadcast_in_dim3A_524 = vector.broadcast %jit3A_523 : i32 to vector<16xi32>
      %select_n3A_525 = arith.select %and3A_522, %sub3A_515, %broadcast_in_dim3A_524 : vector<16xi1>, vector<16xi32>
      %gather3A_526 = tpu.vector_load_idx %arg10[%select_n3A_525] : memref<40448xf32, #tpu.memory_space<vmem>>[vector<16xi32>], vector<16xf32>,
      %mul3A_527 = arith.constant 16 : i32
      %mul3A_528 = arith.muli %add3A_508, %mul3A_527 : i32
      %get3A_529 = arith.index_cast %mul3A_528 : i32 to index
      %get3A_530 = tpu.vector_load %arg8[%get3A_529] {strides = array<i32>} : memref<16384xf32, #tpu.memory_space<vmem>>, vector<16xf32>,
      %select_n3A_531 = arith.select %and3A_522, %gather3A_526, %get3A_530 : vector<16xi1>, vector<16xf32>
      %mul3A_532 = arith.constant 16 : i32
      %mul3A_533 = arith.muli %add3A_508, %mul3A_532 : i32
      %swap3A_534 = arith.index_cast %mul3A_533 : i32 to index
      %swap3A_535 = tpu.vector_load %arg8[%swap3A_534] {strides = array<i32>} : memref<16384xf32, #tpu.memory_space<vmem>>, vector<16xf32>,
      tpu.vector_store %arg8[%swap3A_534], %select_n3A_531 {strides = array<i32>} : memref<16384xf32, #tpu.memory_space<vmem>>, vector<16xf32>,
      %mul3A_536 = arith.constant 8 : i32
      %mul3A_537 = arith.muli %scan3A_327, %mul3A_536 : i32
      %add3A_538 = arith.constant 7 : i32
      %add3A_539 = arith.addi %mul3A_537, %add3A_538 : i32
      %mul3A_540 = arith.constant 16 : i32
      %mul3A_541 = arith.muli %add3A_539, %mul3A_540 : i32
      %get3A_542 = arith.index_cast %mul3A_541 : i32 to index
      %get3A_543 = tpu.vector_load %arg7[%get3A_542] {strides = array<i32>} : memref<16384xi32, #tpu.memory_space<vmem>>, vector<16xi32>,
      %sub3A_544 = arith.constant 0 : i32
      %sub3A_545 = vector.broadcast %sub3A_544 : i32 to vector<16xi32>
      %sub3A_546 = arith.subi %get3A_543, %sub3A_545 : vector<16xi32>
      %ge3A_547 = arith.constant 0 : i32
      %ge3A_548 = vector.broadcast %ge3A_547 : i32 to vector<16xi32>
      %ge3A_549 = arith.cmpi sge, %sub3A_546, %ge3A_548 : vector<16xi32>
      %lt3A_550 = arith.constant 40448 : i32
      %lt3A_551 = vector.broadcast %lt3A_550 : i32 to vector<16xi32>
      %lt3A_552 = arith.cmpi slt, %sub3A_546, %lt3A_551 : vector<16xi32>
      %and3A_553 = arith.andi %ge3A_549, %lt3A_552 : vector<16xi1>
      %jit3A_554 = arith.constant 0 : i32
      %broadcast_in_dim3A_555 = vector.broadcast %jit3A_554 : i32 to vector<16xi32>
      %select_n3A_556 = arith.select %and3A_553, %sub3A_546, %broadcast_in_dim3A_555 : vector<16xi1>, vector<16xi32>
      %gather3A_557 = tpu.vector_load_idx %arg10[%select_n3A_556] : memref<40448xf32, #tpu.memory_space<vmem>>[vector<16xi32>], vector<16xf32>,
      %mul3A_558 = arith.constant 16 : i32
      %mul3A_559 = arith.muli %add3A_539, %mul3A_558 : i32
      %get3A_560 = arith.index_cast %mul3A_559 : i32 to index
      %get3A_561 = tpu.vector_load %arg8[%get3A_560] {strides = array<i32>} : memref<16384xf32, #tpu.memory_space<vmem>>, vector<16xf32>,
      %select_n3A_562 = arith.select %and3A_553, %gather3A_557, %get3A_561 : vector<16xi1>, vector<16xf32>
      %mul3A_563 = arith.constant 16 : i32
      %mul3A_564 = arith.muli %add3A_539, %mul3A_563 : i32
      %swap3A_565 = arith.index_cast %mul3A_564 : i32 to index
      %swap3A_566 = tpu.vector_load %arg8[%swap3A_565] {strides = array<i32>} : memref<16384xf32, #tpu.memory_space<vmem>>, vector<16xf32>,
      tpu.vector_store %arg8[%swap3A_565], %select_n3A_562 {strides = array<i32>} : memref<16384xf32, #tpu.memory_space<vmem>>, vector<16xf32>,
    }
    %scan3A_204 = arith.constant 128 : i32
    %dma_wait3A_205 = arith.constant 0 : i32
    %dma_wait3A_206 = tpu.memref_slice %arg11[%dma_wait3A_205] : memref<40448xf32, #tpu.memory_space<vmem>> -> memref<40448xf32, #tpu.memory_space<vmem>>
    %dma_wait3A_207 = arith.constant 40448 : i32
    %dma_wait3A_208 = tpu.memref_slice %arg4[%add3A_168, %dma_wait3A_207] : memref<64x100000xf32, #tpu.memory_space<hbm>> -> memref<1x40448xf32, #tpu.memory_space<hbm>>
    %dma_wait3A_209 = tpu.memref_squeeze %dma_wait3A_208 : memref<1x40448xf32, #tpu.memory_space<hbm>> -> memref<40448xf32, #tpu.memory_space<hbm>>
    %dma_wait3A_210 = arith.constant 0 : i32
    %dma_wait3A_211 = tpu.memref_slice %arg11[%dma_wait3A_210] : memref<40448xf32, #tpu.memory_space<vmem>> -> memref<40448xf32, #tpu.memory_space<vmem>>
    %dma_wait3A_212 = arith.constant 40448 : i32
    %dma_wait3A_213 = tpu.memref_slice %arg4[%add3A_168, %dma_wait3A_212] : memref<64x100000xf32, #tpu.memory_space<hbm>> -> memref<1x40448xf32, #tpu.memory_space<hbm>>
    %dma_wait3A_214 = tpu.memref_squeeze %dma_wait3A_213 : memref<1x40448xf32, #tpu.memory_space<hbm>> -> memref<40448xf32, #tpu.memory_space<hbm>>
    tpu.wait_dma2 semaphore(%arg13 : memref<!tpu.dma_semaphore, #tpu.memory_space<semaphore_mem>>) src(%dma_wait3A_214 : memref<40448xf32, #tpu.memory_space<hbm>>) dst(%dma_wait3A_211 : memref<40448xf32, #tpu.memory_space<vmem>>)
    %dma_start3A_215 = arith.constant 0 : i32
    %dma_start3A_216 = tpu.memref_slice %arg10[%dma_start3A_215] : memref<40448xf32, #tpu.memory_space<vmem>> -> memref<19104xf32, #tpu.memory_space<vmem>>
    %dma_start3A_217 = arith.constant 80896 : i32
    %dma_start3A_218 = tpu.memref_slice %arg4[%add3A_168, %dma_start3A_217] : memref<64x100000xf32, #tpu.memory_space<hbm>> -> memref<1x19104xf32, #tpu.memory_space<hbm>>
    %dma_start3A_219 = tpu.memref_squeeze %dma_start3A_218 : memref<1x19104xf32, #tpu.memory_space<hbm>> -> memref<19104xf32, #tpu.memory_space<hbm>>
    %dma_start3A_220 = arith.constant 0 : i32
    %dma_start3A_221 = tpu.memref_slice %arg10[%dma_start3A_220] : memref<40448xf32, #tpu.memory_space<vmem>> -> memref<19104xf32, #tpu.memory_space<vmem>>
    %dma_start3A_222 = arith.constant 80896 : i32
    %dma_start3A_223 = tpu.memref_slice %arg4[%add3A_168, %dma_start3A_222] : memref<64x100000xf32, #tpu.memory_space<hbm>> -> memref<1x19104xf32, #tpu.memory_space<hbm>>
    %dma_start3A_224 = tpu.memref_squeeze %dma_start3A_223 : memref<1x19104xf32, #tpu.memory_space<hbm>> -> memref<19104xf32, #tpu.memory_space<hbm>>
    tpu.enqueue_dma source(%dma_start3A_224 : memref<19104xf32, #tpu.memory_space<hbm>>) target(%dma_start3A_221 : memref<19104xf32, #tpu.memory_space<vmem>>) target_semaphore(%arg12 : memref<!tpu.dma_semaphore, #tpu.memory_space<semaphore_mem>>)
    %scan3A_225 = arith.constant 0 : i32
    %scan3A_226 = arith.constant 0 : i32
    %scan3A_227 = arith.constant 128 : i32
    %scan3A_228 = arith.addi %scan3A_226, %scan3A_227 : i32
    %scan3A_229 = arith.constant 1 : i32
    scf.for %scan3A_327 = %scan3A_226 to %scan3A_228 step %scan3A_229  : i32 {
      %mul3A_328 = arith.constant 8 : i32
      %mul3A_329 = arith.muli %scan3A_327, %mul3A_328 : i32
      %add3A_330 = arith.constant 0 : i32
      %add3A_331 = arith.addi %mul3A_329, %add3A_330 : i32
      %mul3A_332 = arith.constant 16 : i32
      %mul3A_333 = arith.muli %add3A_331, %mul3A_332 : i32
      %get3A = arith.index_cast %mul3A_333 : i32 to index
      %get3A_334 = tpu.vector_load %arg7[%get3A] {strides = array<i32>} : memref<16384xi32, #tpu.memory_space<vmem>>, vector<16xi32>,
      %sub3A = arith.constant 40448 : i32
      %sub3A_335 = vector.broadcast %sub3A : i32 to vector<16xi32>
      %sub3A_336 = arith.subi %get3A_334, %sub3A_335 : vector<16xi32>
      %ge3A = arith.constant 0 : i32
      %ge3A_337 = vector.broadcast %ge3A : i32 to vector<16xi32>
      %ge3A_338 = arith.cmpi sge, %sub3A_336, %ge3A_337 : vector<16xi32>
      %lt3A = arith.constant 40448 : i32
      %lt3A_339 = vector.broadcast %lt3A : i32 to vector<16xi32>
      %lt3A_340 = arith.cmpi slt, %sub3A_336, %lt3A_339 : vector<16xi32>
      %and3A = arith.andi %ge3A_338, %lt3A_340 : vector<16xi1>
      %jit3A = arith.constant 0 : i32
      %broadcast_in_dim3A_341 = vector.broadcast %jit3A : i32 to vector<16xi32>
      %select_n3A = arith.select %and3A, %sub3A_336, %broadcast_in_dim3A_341 : vector<16xi1>, vector<16xi32>
      %gather3A = tpu.vector_load_idx %arg11[%select_n3A] : memref<40448xf32, #tpu.memory_space<vmem>>[vector<16xi32>], vector<16xf32>,
      %mul3A_342 = arith.constant 16 : i32
      %mul3A_343 = arith.muli %add3A_331, %mul3A_342 : i32
      %get3A_344 = arith.index_cast %mul3A_343 : i32 to index
      %get3A_345 = tpu.vector_load %arg8[%get3A_344] {strides = array<i32>} : memref<16384xf32, #tpu.memory_space<vmem>>, vector<16xf32>,
      %select_n3A_346 = arith.select %and3A, %gather3A, %get3A_345 : vector<16xi1>, vector<16xf32>
      %mul3A_347 = arith.constant 16 : i32
      %mul3A_348 = arith.muli %add3A_331, %mul3A_347 : i32
      %swap3A = arith.index_cast %mul3A_348 : i32 to index
      %swap3A_349 = tpu.vector_load %arg8[%swap3A] {strides = array<i32>} : memref<16384xf32, #tpu.memory_space<vmem>>, vector<16xf32>,
      tpu.vector_store %arg8[%swap3A], %select_n3A_346 {strides = array<i32>} : memref<16384xf32, #tpu.memory_space<vmem>>, vector<16xf32>,
      %mul3A_350 = arith.constant 8 : i32
      %mul3A_351 = arith.muli %scan3A_327, %mul3A_350 : i32
      %add3A_352 = arith.constant 1 : i32
      %add3A_353 = arith.addi %mul3A_351, %add3A_352 : i32
      %mul3A_354 = arith.constant 16 : i32
      %mul3A_355 = arith.muli %add3A_353, %mul3A_354 : i32
      %get3A_356 = arith.index_cast %mul3A_355 : i32 to index
      %get3A_357 = tpu.vector_load %arg7[%get3A_356] {strides = array<i32>} : memref<16384xi32, #tpu.memory_space<vmem>>, vector<16xi32>,
      %sub3A_358 = arith.constant 40448 : i32
      %sub3A_359 = vector.broadcast %sub3A_358 : i32 to vector<16xi32>
      %sub3A_360 = arith.subi %get3A_357, %sub3A_359 : vector<16xi32>
      %ge3A_361 = arith.constant 0 : i32
      %ge3A_362 = vector.broadcast %ge3A_361 : i32 to vector<16xi32>
      %ge3A_363 = arith.cmpi sge, %sub3A_360, %ge3A_362 : vector<16xi32>
      %lt3A_364 = arith.constant 40448 : i32
      %lt3A_365 = vector.broadcast %lt3A_364 : i32 to vector<16xi32>
      %lt3A_366 = arith.cmpi slt, %sub3A_360, %lt3A_365 : vector<16xi32>
      %and3A_367 = arith.andi %ge3A_363, %lt3A_366 : vector<16xi1>
      %jit3A_368 = arith.constant 0 : i32
      %broadcast_in_dim3A_369 = vector.broadcast %jit3A_368 : i32 to vector<16xi32>
      %select_n3A_370 = arith.select %and3A_367, %sub3A_360, %broadcast_in_dim3A_369 : vector<16xi1>, vector<16xi32>
      %gather3A_371 = tpu.vector_load_idx %arg11[%select_n3A_370] : memref<40448xf32, #tpu.memory_space<vmem>>[vector<16xi32>], vector<16xf32>,
      %mul3A_372 = arith.constant 16 : i32
      %mul3A_373 = arith.muli %add3A_353, %mul3A_372 : i32
      %get3A_374 = arith.index_cast %mul3A_373 : i32 to index
      %get3A_375 = tpu.vector_load %arg8[%get3A_374] {strides = array<i32>} : memref<16384xf32, #tpu.memory_space<vmem>>, vector<16xf32>,
      %select_n3A_376 = arith.select %and3A_367, %gather3A_371, %get3A_375 : vector<16xi1>, vector<16xf32>
      %mul3A_377 = arith.constant 16 : i32
      %mul3A_378 = arith.muli %add3A_353, %mul3A_377 : i32
      %swap3A_379 = arith.index_cast %mul3A_378 : i32 to index
      %swap3A_380 = tpu.vector_load %arg8[%swap3A_379] {strides = array<i32>} : memref<16384xf32, #tpu.memory_space<vmem>>, vector<16xf32>,
      tpu.vector_store %arg8[%swap3A_379], %select_n3A_376 {strides = array<i32>} : memref<16384xf32, #tpu.memory_space<vmem>>, vector<16xf32>,
      %mul3A_381 = arith.constant 8 : i32
      %mul3A_382 = arith.muli %scan3A_327, %mul3A_381 : i32
      %add3A_383 = arith.constant 2 : i32
      %add3A_384 = arith.addi %mul3A_382, %add3A_383 : i32
      %mul3A_385 = arith.constant 16 : i32
      %mul3A_386 = arith.muli %add3A_384, %mul3A_385 : i32
      %get3A_387 = arith.index_cast %mul3A_386 : i32 to index
      %get3A_388 = tpu.vector_load %arg7[%get3A_387] {strides = array<i32>} : memref<16384xi32, #tpu.memory_space<vmem>>, vector<16xi32>,
      %sub3A_389 = arith.constant 40448 : i32
      %sub3A_390 = vector.broadcast %sub3A_389 : i32 to vector<16xi32>
      %sub3A_391 = arith.subi %get3A_388, %sub3A_390 : vector<16xi32>
      %ge3A_392 = arith.constant 0 : i32
      %ge3A_393 = vector.broadcast %ge3A_392 : i32 to vector<16xi32>
      %ge3A_394 = arith.cmpi sge, %sub3A_391, %ge3A_393 : vector<16xi32>
      %lt3A_395 = arith.constant 40448 : i32
      %lt3A_396 = vector.broadcast %lt3A_395 : i32 to vector<16xi32>
      %lt3A_397 = arith.cmpi slt, %sub3A_391, %lt3A_396 : vector<16xi32>
      %and3A_398 = arith.andi %ge3A_394, %lt3A_397 : vector<16xi1>
      %jit3A_399 = arith.constant 0 : i32
      %broadcast_in_dim3A_400 = vector.broadcast %jit3A_399 : i32 to vector<16xi32>
      %select_n3A_401 = arith.select %and3A_398, %sub3A_391, %broadcast_in_dim3A_400 : vector<16xi1>, vector<16xi32>
      %gather3A_402 = tpu.vector_load_idx %arg11[%select_n3A_401] : memref<40448xf32, #tpu.memory_space<vmem>>[vector<16xi32>], vector<16xf32>,
      %mul3A_403 = arith.constant 16 : i32
      %mul3A_404 = arith.muli %add3A_384, %mul3A_403 : i32
      %get3A_405 = arith.index_cast %mul3A_404 : i32 to index
      %get3A_406 = tpu.vector_load %arg8[%get3A_405] {strides = array<i32>} : memref<16384xf32, #tpu.memory_space<vmem>>, vector<16xf32>,
      %select_n3A_407 = arith.select %and3A_398, %gather3A_402, %get3A_406 : vector<16xi1>, vector<16xf32>
      %mul3A_408 = arith.constant 16 : i32
      %mul3A_409 = arith.muli %add3A_384, %mul3A_408 : i32
      %swap3A_410 = arith.index_cast %mul3A_409 : i32 to index
      %swap3A_411 = tpu.vector_load %arg8[%swap3A_410] {strides = array<i32>} : memref<16384xf32, #tpu.memory_space<vmem>>, vector<16xf32>,
      tpu.vector_store %arg8[%swap3A_410], %select_n3A_407 {strides = array<i32>} : memref<16384xf32, #tpu.memory_space<vmem>>, vector<16xf32>,
      %mul3A_412 = arith.constant 8 : i32
      %mul3A_413 = arith.muli %scan3A_327, %mul3A_412 : i32
      %add3A_414 = arith.constant 3 : i32
      %add3A_415 = arith.addi %mul3A_413, %add3A_414 : i32
      %mul3A_416 = arith.constant 16 : i32
      %mul3A_417 = arith.muli %add3A_415, %mul3A_416 : i32
      %get3A_418 = arith.index_cast %mul3A_417 : i32 to index
      %get3A_419 = tpu.vector_load %arg7[%get3A_418] {strides = array<i32>} : memref<16384xi32, #tpu.memory_space<vmem>>, vector<16xi32>,
      %sub3A_420 = arith.constant 40448 : i32
      %sub3A_421 = vector.broadcast %sub3A_420 : i32 to vector<16xi32>
      %sub3A_422 = arith.subi %get3A_419, %sub3A_421 : vector<16xi32>
      %ge3A_423 = arith.constant 0 : i32
      %ge3A_424 = vector.broadcast %ge3A_423 : i32 to vector<16xi32>
      %ge3A_425 = arith.cmpi sge, %sub3A_422, %ge3A_424 : vector<16xi32>
      %lt3A_426 = arith.constant 40448 : i32
      %lt3A_427 = vector.broadcast %lt3A_426 : i32 to vector<16xi32>
      %lt3A_428 = arith.cmpi slt, %sub3A_422, %lt3A_427 : vector<16xi32>
      %and3A_429 = arith.andi %ge3A_425, %lt3A_428 : vector<16xi1>
      %jit3A_430 = arith.constant 0 : i32
      %broadcast_in_dim3A_431 = vector.broadcast %jit3A_430 : i32 to vector<16xi32>
      %select_n3A_432 = arith.select %and3A_429, %sub3A_422, %broadcast_in_dim3A_431 : vector<16xi1>, vector<16xi32>
      %gather3A_433 = tpu.vector_load_idx %arg11[%select_n3A_432] : memref<40448xf32, #tpu.memory_space<vmem>>[vector<16xi32>], vector<16xf32>,
      %mul3A_434 = arith.constant 16 : i32
      %mul3A_435 = arith.muli %add3A_415, %mul3A_434 : i32
      %get3A_436 = arith.index_cast %mul3A_435 : i32 to index
      %get3A_437 = tpu.vector_load %arg8[%get3A_436] {strides = array<i32>} : memref<16384xf32, #tpu.memory_space<vmem>>, vector<16xf32>,
      %select_n3A_438 = arith.select %and3A_429, %gather3A_433, %get3A_437 : vector<16xi1>, vector<16xf32>
      %mul3A_439 = arith.constant 16 : i32
      %mul3A_440 = arith.muli %add3A_415, %mul3A_439 : i32
      %swap3A_441 = arith.index_cast %mul3A_440 : i32 to index
      %swap3A_442 = tpu.vector_load %arg8[%swap3A_441] {strides = array<i32>} : memref<16384xf32, #tpu.memory_space<vmem>>, vector<16xf32>,
      tpu.vector_store %arg8[%swap3A_441], %select_n3A_438 {strides = array<i32>} : memref<16384xf32, #tpu.memory_space<vmem>>, vector<16xf32>,
      %mul3A_443 = arith.constant 8 : i32
      %mul3A_444 = arith.muli %scan3A_327, %mul3A_443 : i32
      %add3A_445 = arith.constant 4 : i32
      %add3A_446 = arith.addi %mul3A_444, %add3A_445 : i32
      %mul3A_447 = arith.constant 16 : i32
      %mul3A_448 = arith.muli %add3A_446, %mul3A_447 : i32
      %get3A_449 = arith.index_cast %mul3A_448 : i32 to index
      %get3A_450 = tpu.vector_load %arg7[%get3A_449] {strides = array<i32>} : memref<16384xi32, #tpu.memory_space<vmem>>, vector<16xi32>,
      %sub3A_451 = arith.constant 40448 : i32
      %sub3A_452 = vector.broadcast %sub3A_451 : i32 to vector<16xi32>
      %sub3A_453 = arith.subi %get3A_450, %sub3A_452 : vector<16xi32>
      %ge3A_454 = arith.constant 0 : i32
      %ge3A_455 = vector.broadcast %ge3A_454 : i32 to vector<16xi32>
      %ge3A_456 = arith.cmpi sge, %sub3A_453, %ge3A_455 : vector<16xi32>
      %lt3A_457 = arith.constant 40448 : i32
      %lt3A_458 = vector.broadcast %lt3A_457 : i32 to vector<16xi32>
      %lt3A_459 = arith.cmpi slt, %sub3A_453, %lt3A_458 : vector<16xi32>
      %and3A_460 = arith.andi %ge3A_456, %lt3A_459 : vector<16xi1>
      %jit3A_461 = arith.constant 0 : i32
      %broadcast_in_dim3A_462 = vector.broadcast %jit3A_461 : i32 to vector<16xi32>
      %select_n3A_463 = arith.select %and3A_460, %sub3A_453, %broadcast_in_dim3A_462 : vector<16xi1>, vector<16xi32>
      %gather3A_464 = tpu.vector_load_idx %arg11[%select_n3A_463] : memref<40448xf32, #tpu.memory_space<vmem>>[vector<16xi32>], vector<16xf32>,
      %mul3A_465 = arith.constant 16 : i32
      %mul3A_466 = arith.muli %add3A_446, %mul3A_465 : i32
      %get3A_467 = arith.index_cast %mul3A_466 : i32 to index
      %get3A_468 = tpu.vector_load %arg8[%get3A_467] {strides = array<i32>} : memref<16384xf32, #tpu.memory_space<vmem>>, vector<16xf32>,
      %select_n3A_469 = arith.select %and3A_460, %gather3A_464, %get3A_468 : vector<16xi1>, vector<16xf32>
      %mul3A_470 = arith.constant 16 : i32
      %mul3A_471 = arith.muli %add3A_446, %mul3A_470 : i32
      %swap3A_472 = arith.index_cast %mul3A_471 : i32 to index
      %swap3A_473 = tpu.vector_load %arg8[%swap3A_472] {strides = array<i32>} : memref<16384xf32, #tpu.memory_space<vmem>>, vector<16xf32>,
      tpu.vector_store %arg8[%swap3A_472], %select_n3A_469 {strides = array<i32>} : memref<16384xf32, #tpu.memory_space<vmem>>, vector<16xf32>,
      %mul3A_474 = arith.constant 8 : i32
      %mul3A_475 = arith.muli %scan3A_327, %mul3A_474 : i32
      %add3A_476 = arith.constant 5 : i32
      %add3A_477 = arith.addi %mul3A_475, %add3A_476 : i32
      %mul3A_478 = arith.constant 16 : i32
      %mul3A_479 = arith.muli %add3A_477, %mul3A_478 : i32
      %get3A_480 = arith.index_cast %mul3A_479 : i32 to index
      %get3A_481 = tpu.vector_load %arg7[%get3A_480] {strides = array<i32>} : memref<16384xi32, #tpu.memory_space<vmem>>, vector<16xi32>,
      %sub3A_482 = arith.constant 40448 : i32
      %sub3A_483 = vector.broadcast %sub3A_482 : i32 to vector<16xi32>
      %sub3A_484 = arith.subi %get3A_481, %sub3A_483 : vector<16xi32>
      %ge3A_485 = arith.constant 0 : i32
      %ge3A_486 = vector.broadcast %ge3A_485 : i32 to vector<16xi32>
      %ge3A_487 = arith.cmpi sge, %sub3A_484, %ge3A_486 : vector<16xi32>
      %lt3A_488 = arith.constant 40448 : i32
      %lt3A_489 = vector.broadcast %lt3A_488 : i32 to vector<16xi32>
      %lt3A_490 = arith.cmpi slt, %sub3A_484, %lt3A_489 : vector<16xi32>
      %and3A_491 = arith.andi %ge3A_487, %lt3A_490 : vector<16xi1>
      %jit3A_492 = arith.constant 0 : i32
      %broadcast_in_dim3A_493 = vector.broadcast %jit3A_492 : i32 to vector<16xi32>
      %select_n3A_494 = arith.select %and3A_491, %sub3A_484, %broadcast_in_dim3A_493 : vector<16xi1>, vector<16xi32>
      %gather3A_495 = tpu.vector_load_idx %arg11[%select_n3A_494] : memref<40448xf32, #tpu.memory_space<vmem>>[vector<16xi32>], vector<16xf32>,
      %mul3A_496 = arith.constant 16 : i32
      %mul3A_497 = arith.muli %add3A_477, %mul3A_496 : i32
      %get3A_498 = arith.index_cast %mul3A_497 : i32 to index
      %get3A_499 = tpu.vector_load %arg8[%get3A_498] {strides = array<i32>} : memref<16384xf32, #tpu.memory_space<vmem>>, vector<16xf32>,
      %select_n3A_500 = arith.select %and3A_491, %gather3A_495, %get3A_499 : vector<16xi1>, vector<16xf32>
      %mul3A_501 = arith.constant 16 : i32
      %mul3A_502 = arith.muli %add3A_477, %mul3A_501 : i32
      %swap3A_503 = arith.index_cast %mul3A_502 : i32 to index
      %swap3A_504 = tpu.vector_load %arg8[%swap3A_503] {strides = array<i32>} : memref<16384xf32, #tpu.memory_space<vmem>>, vector<16xf32>,
      tpu.vector_store %arg8[%swap3A_503], %select_n3A_500 {strides = array<i32>} : memref<16384xf32, #tpu.memory_space<vmem>>, vector<16xf32>,
      %mul3A_505 = arith.constant 8 : i32
      %mul3A_506 = arith.muli %scan3A_327, %mul3A_505 : i32
      %add3A_507 = arith.constant 6 : i32
      %add3A_508 = arith.addi %mul3A_506, %add3A_507 : i32
      %mul3A_509 = arith.constant 16 : i32
      %mul3A_510 = arith.muli %add3A_508, %mul3A_509 : i32
      %get3A_511 = arith.index_cast %mul3A_510 : i32 to index
      %get3A_512 = tpu.vector_load %arg7[%get3A_511] {strides = array<i32>} : memref<16384xi32, #tpu.memory_space<vmem>>, vector<16xi32>,
      %sub3A_513 = arith.constant 40448 : i32
      %sub3A_514 = vector.broadcast %sub3A_513 : i32 to vector<16xi32>
      %sub3A_515 = arith.subi %get3A_512, %sub3A_514 : vector<16xi32>
      %ge3A_516 = arith.constant 0 : i32
      %ge3A_517 = vector.broadcast %ge3A_516 : i32 to vector<16xi32>
      %ge3A_518 = arith.cmpi sge, %sub3A_515, %ge3A_517 : vector<16xi32>
      %lt3A_519 = arith.constant 40448 : i32
      %lt3A_520 = vector.broadcast %lt3A_519 : i32 to vector<16xi32>
      %lt3A_521 = arith.cmpi slt, %sub3A_515, %lt3A_520 : vector<16xi32>
      %and3A_522 = arith.andi %ge3A_518, %lt3A_521 : vector<16xi1>
      %jit3A_523 = arith.constant 0 : i32
      %broadcast_in_dim3A_524 = vector.broadcast %jit3A_523 : i32 to vector<16xi32>
      %select_n3A_525 = arith.select %and3A_522, %sub3A_515, %broadcast_in_dim3A_524 : vector<16xi1>, vector<16xi32>
      %gather3A_526 = tpu.vector_load_idx %arg11[%select_n3A_525] : memref<40448xf32, #tpu.memory_space<vmem>>[vector<16xi32>], vector<16xf32>,
      %mul3A_527 = arith.constant 16 : i32
      %mul3A_528 = arith.muli %add3A_508, %mul3A_527 : i32
      %get3A_529 = arith.index_cast %mul3A_528 : i32 to index
      %get3A_530 = tpu.vector_load %arg8[%get3A_529] {strides = array<i32>} : memref<16384xf32, #tpu.memory_space<vmem>>, vector<16xf32>,
      %select_n3A_531 = arith.select %and3A_522, %gather3A_526, %get3A_530 : vector<16xi1>, vector<16xf32>
      %mul3A_532 = arith.constant 16 : i32
      %mul3A_533 = arith.muli %add3A_508, %mul3A_532 : i32
      %swap3A_534 = arith.index_cast %mul3A_533 : i32 to index
      %swap3A_535 = tpu.vector_load %arg8[%swap3A_534] {strides = array<i32>} : memref<16384xf32, #tpu.memory_space<vmem>>, vector<16xf32>,
      tpu.vector_store %arg8[%swap3A_534], %select_n3A_531 {strides = array<i32>} : memref<16384xf32, #tpu.memory_space<vmem>>, vector<16xf32>,
      %mul3A_536 = arith.constant 8 : i32
      %mul3A_537 = arith.muli %scan3A_327, %mul3A_536 : i32
      %add3A_538 = arith.constant 7 : i32
      %add3A_539 = arith.addi %mul3A_537, %add3A_538 : i32
      %mul3A_540 = arith.constant 16 : i32
      %mul3A_541 = arith.muli %add3A_539, %mul3A_540 : i32
      %get3A_542 = arith.index_cast %mul3A_541 : i32 to index
      %get3A_543 = tpu.vector_load %arg7[%get3A_542] {strides = array<i32>} : memref<16384xi32, #tpu.memory_space<vmem>>, vector<16xi32>,
      %sub3A_544 = arith.constant 40448 : i32
      %sub3A_545 = vector.broadcast %sub3A_544 : i32 to vector<16xi32>
      %sub3A_546 = arith.subi %get3A_543, %sub3A_545 : vector<16xi32>
      %ge3A_547 = arith.constant 0 : i32
      %ge3A_548 = vector.broadcast %ge3A_547 : i32 to vector<16xi32>
      %ge3A_549 = arith.cmpi sge, %sub3A_546, %ge3A_548 : vector<16xi32>
      %lt3A_550 = arith.constant 40448 : i32
      %lt3A_551 = vector.broadcast %lt3A_550 : i32 to vector<16xi32>
      %lt3A_552 = arith.cmpi slt, %sub3A_546, %lt3A_551 : vector<16xi32>
      %and3A_553 = arith.andi %ge3A_549, %lt3A_552 : vector<16xi1>
      %jit3A_554 = arith.constant 0 : i32
      %broadcast_in_dim3A_555 = vector.broadcast %jit3A_554 : i32 to vector<16xi32>
      %select_n3A_556 = arith.select %and3A_553, %sub3A_546, %broadcast_in_dim3A_555 : vector<16xi1>, vector<16xi32>
      %gather3A_557 = tpu.vector_load_idx %arg11[%select_n3A_556] : memref<40448xf32, #tpu.memory_space<vmem>>[vector<16xi32>], vector<16xf32>,
      %mul3A_558 = arith.constant 16 : i32
      %mul3A_559 = arith.muli %add3A_539, %mul3A_558 : i32
      %get3A_560 = arith.index_cast %mul3A_559 : i32 to index
      %get3A_561 = tpu.vector_load %arg8[%get3A_560] {strides = array<i32>} : memref<16384xf32, #tpu.memory_space<vmem>>, vector<16xf32>,
      %select_n3A_562 = arith.select %and3A_553, %gather3A_557, %get3A_561 : vector<16xi1>, vector<16xf32>
      %mul3A_563 = arith.constant 16 : i32
      %mul3A_564 = arith.muli %add3A_539, %mul3A_563 : i32
      %swap3A_565 = arith.index_cast %mul3A_564 : i32 to index
      %swap3A_566 = tpu.vector_load %arg8[%swap3A_565] {strides = array<i32>} : memref<16384xf32, #tpu.memory_space<vmem>>, vector<16xf32>,
      tpu.vector_store %arg8[%swap3A_565], %select_n3A_562 {strides = array<i32>} : memref<16384xf32, #tpu.memory_space<vmem>>, vector<16xf32>,
    }
    %scan3A_230 = arith.constant 128 : i32
    %dma_wait3A_231 = arith.constant 0 : i32
    %dma_wait3A_232 = tpu.memref_slice %arg10[%dma_wait3A_231] : memref<40448xf32, #tpu.memory_space<vmem>> -> memref<19104xf32, #tpu.memory_space<vmem>>
    %dma_wait3A_233 = arith.constant 80896 : i32
    %dma_wait3A_234 = tpu.memref_slice %arg4[%add3A_168, %dma_wait3A_233] : memref<64x100000xf32, #tpu.memory_space<hbm>> -> memref<1x19104xf32, #tpu.memory_space<hbm>>
    %dma_wait3A_235 = tpu.memref_squeeze %dma_wait3A_234 : memref<1x19104xf32, #tpu.memory_space<hbm>> -> memref<19104xf32, #tpu.memory_space<hbm>>
    %dma_wait3A_236 = arith.constant 0 : i32
    %dma_wait3A_237 = tpu.memref_slice %arg10[%dma_wait3A_236] : memref<40448xf32, #tpu.memory_space<vmem>> -> memref<19104xf32, #tpu.memory_space<vmem>>
    %dma_wait3A_238 = arith.constant 80896 : i32
    %dma_wait3A_239 = tpu.memref_slice %arg4[%add3A_168, %dma_wait3A_238] : memref<64x100000xf32, #tpu.memory_space<hbm>> -> memref<1x19104xf32, #tpu.memory_space<hbm>>
    %dma_wait3A_240 = tpu.memref_squeeze %dma_wait3A_239 : memref<1x19104xf32, #tpu.memory_space<hbm>> -> memref<19104xf32, #tpu.memory_space<hbm>>
    tpu.wait_dma2 semaphore(%arg12 : memref<!tpu.dma_semaphore, #tpu.memory_space<semaphore_mem>>) src(%dma_wait3A_240 : memref<19104xf32, #tpu.memory_space<hbm>>) dst(%dma_wait3A_237 : memref<19104xf32, #tpu.memory_space<vmem>>)
    %scan3A_241 = arith.constant 0 : i32
    %scan3A_242 = arith.constant 0 : i32
    %scan3A_243 = arith.constant 128 : i32
    %scan3A_244 = arith.addi %scan3A_242, %scan3A_243 : i32
    %scan3A_245 = arith.constant 1 : i32
    scf.for %scan3A_327 = %scan3A_242 to %scan3A_244 step %scan3A_245  : i32 {
      %mul3A_328 = arith.constant 8 : i32
      %mul3A_329 = arith.muli %scan3A_327, %mul3A_328 : i32
      %add3A_330 = arith.constant 0 : i32
      %add3A_331 = arith.addi %mul3A_329, %add3A_330 : i32
      %mul3A_332 = arith.constant 16 : i32
      %mul3A_333 = arith.muli %add3A_331, %mul3A_332 : i32
      %get3A = arith.index_cast %mul3A_333 : i32 to index
      %get3A_334 = tpu.vector_load %arg7[%get3A] {strides = array<i32>} : memref<16384xi32, #tpu.memory_space<vmem>>, vector<16xi32>,
      %sub3A = arith.constant 80896 : i32
      %sub3A_335 = vector.broadcast %sub3A : i32 to vector<16xi32>
      %sub3A_336 = arith.subi %get3A_334, %sub3A_335 : vector<16xi32>
      %ge3A = arith.constant 0 : i32
      %ge3A_337 = vector.broadcast %ge3A : i32 to vector<16xi32>
      %ge3A_338 = arith.cmpi sge, %sub3A_336, %ge3A_337 : vector<16xi32>
      %lt3A = arith.constant 19104 : i32
      %lt3A_339 = vector.broadcast %lt3A : i32 to vector<16xi32>
      %lt3A_340 = arith.cmpi slt, %sub3A_336, %lt3A_339 : vector<16xi32>
      %and3A = arith.andi %ge3A_338, %lt3A_340 : vector<16xi1>
      %jit3A = arith.constant 0 : i32
      %broadcast_in_dim3A_341 = vector.broadcast %jit3A : i32 to vector<16xi32>
      %select_n3A = arith.select %and3A, %sub3A_336, %broadcast_in_dim3A_341 : vector<16xi1>, vector<16xi32>
      %gather3A = tpu.vector_load_idx %arg10[%select_n3A] : memref<40448xf32, #tpu.memory_space<vmem>>[vector<16xi32>], vector<16xf32>,
      %mul3A_342 = arith.constant 16 : i32
      %mul3A_343 = arith.muli %add3A_331, %mul3A_342 : i32
      %get3A_344 = arith.index_cast %mul3A_343 : i32 to index
      %get3A_345 = tpu.vector_load %arg8[%get3A_344] {strides = array<i32>} : memref<16384xf32, #tpu.memory_space<vmem>>, vector<16xf32>,
      %select_n3A_346 = arith.select %and3A, %gather3A, %get3A_345 : vector<16xi1>, vector<16xf32>
      %mul3A_347 = arith.constant 16 : i32
      %mul3A_348 = arith.muli %add3A_331, %mul3A_347 : i32
      %swap3A = arith.index_cast %mul3A_348 : i32 to index
      %swap3A_349 = tpu.vector_load %arg8[%swap3A] {strides = array<i32>} : memref<16384xf32, #tpu.memory_space<vmem>>, vector<16xf32>,
      tpu.vector_store %arg8[%swap3A], %select_n3A_346 {strides = array<i32>} : memref<16384xf32, #tpu.memory_space<vmem>>, vector<16xf32>,
      %mul3A_350 = arith.constant 8 : i32
      %mul3A_351 = arith.muli %scan3A_327, %mul3A_350 : i32
      %add3A_352 = arith.constant 1 : i32
      %add3A_353 = arith.addi %mul3A_351, %add3A_352 : i32
      %mul3A_354 = arith.constant 16 : i32
      %mul3A_355 = arith.muli %add3A_353, %mul3A_354 : i32
      %get3A_356 = arith.index_cast %mul3A_355 : i32 to index
      %get3A_357 = tpu.vector_load %arg7[%get3A_356] {strides = array<i32>} : memref<16384xi32, #tpu.memory_space<vmem>>, vector<16xi32>,
      %sub3A_358 = arith.constant 80896 : i32
      %sub3A_359 = vector.broadcast %sub3A_358 : i32 to vector<16xi32>
      %sub3A_360 = arith.subi %get3A_357, %sub3A_359 : vector<16xi32>
      %ge3A_361 = arith.constant 0 : i32
      %ge3A_362 = vector.broadcast %ge3A_361 : i32 to vector<16xi32>
      %ge3A_363 = arith.cmpi sge, %sub3A_360, %ge3A_362 : vector<16xi32>
      %lt3A_364 = arith.constant 19104 : i32
      %lt3A_365 = vector.broadcast %lt3A_364 : i32 to vector<16xi32>
      %lt3A_366 = arith.cmpi slt, %sub3A_360, %lt3A_365 : vector<16xi32>
      %and3A_367 = arith.andi %ge3A_363, %lt3A_366 : vector<16xi1>
      %jit3A_368 = arith.constant 0 : i32
      %broadcast_in_dim3A_369 = vector.broadcast %jit3A_368 : i32 to vector<16xi32>
      %select_n3A_370 = arith.select %and3A_367, %sub3A_360, %broadcast_in_dim3A_369 : vector<16xi1>, vector<16xi32>
      %gather3A_371 = tpu.vector_load_idx %arg10[%select_n3A_370] : memref<40448xf32, #tpu.memory_space<vmem>>[vector<16xi32>], vector<16xf32>,
      %mul3A_372 = arith.constant 16 : i32
      %mul3A_373 = arith.muli %add3A_353, %mul3A_372 : i32
      %get3A_374 = arith.index_cast %mul3A_373 : i32 to index
      %get3A_375 = tpu.vector_load %arg8[%get3A_374] {strides = array<i32>} : memref<16384xf32, #tpu.memory_space<vmem>>, vector<16xf32>,
      %select_n3A_376 = arith.select %and3A_367, %gather3A_371, %get3A_375 : vector<16xi1>, vector<16xf32>
      %mul3A_377 = arith.constant 16 : i32
      %mul3A_378 = arith.muli %add3A_353, %mul3A_377 : i32
      %swap3A_379 = arith.index_cast %mul3A_378 : i32 to index
      %swap3A_380 = tpu.vector_load %arg8[%swap3A_379] {strides = array<i32>} : memref<16384xf32, #tpu.memory_space<vmem>>, vector<16xf32>,
      tpu.vector_store %arg8[%swap3A_379], %select_n3A_376 {strides = array<i32>} : memref<16384xf32, #tpu.memory_space<vmem>>, vector<16xf32>,
      %mul3A_381 = arith.constant 8 : i32
      %mul3A_382 = arith.muli %scan3A_327, %mul3A_381 : i32
      %add3A_383 = arith.constant 2 : i32
      %add3A_384 = arith.addi %mul3A_382, %add3A_383 : i32
      %mul3A_385 = arith.constant 16 : i32
      %mul3A_386 = arith.muli %add3A_384, %mul3A_385 : i32
      %get3A_387 = arith.index_cast %mul3A_386 : i32 to index
      %get3A_388 = tpu.vector_load %arg7[%get3A_387] {strides = array<i32>} : memref<16384xi32, #tpu.memory_space<vmem>>, vector<16xi32>,
      %sub3A_389 = arith.constant 80896 : i32
      %sub3A_390 = vector.broadcast %sub3A_389 : i32 to vector<16xi32>
      %sub3A_391 = arith.subi %get3A_388, %sub3A_390 : vector<16xi32>
      %ge3A_392 = arith.constant 0 : i32
      %ge3A_393 = vector.broadcast %ge3A_392 : i32 to vector<16xi32>
      %ge3A_394 = arith.cmpi sge, %sub3A_391, %ge3A_393 : vector<16xi32>
      %lt3A_395 = arith.constant 19104 : i32
      %lt3A_396 = vector.broadcast %lt3A_395 : i32 to vector<16xi32>
      %lt3A_397 = arith.cmpi slt, %sub3A_391, %lt3A_396 : vector<16xi32>
      %and3A_398 = arith.andi %ge3A_394, %lt3A_397 : vector<16xi1>
      %jit3A_399 = arith.constant 0 : i32
      %broadcast_in_dim3A_400 = vector.broadcast %jit3A_399 : i32 to vector<16xi32>
      %select_n3A_401 = arith.select %and3A_398, %sub3A_391, %broadcast_in_dim3A_400 : vector<16xi1>, vector<16xi32>
      %gather3A_402 = tpu.vector_load_idx %arg10[%select_n3A_401] : memref<40448xf32, #tpu.memory_space<vmem>>[vector<16xi32>], vector<16xf32>,
      %mul3A_403 = arith.constant 16 : i32
      %mul3A_404 = arith.muli %add3A_384, %mul3A_403 : i32
      %get3A_405 = arith.index_cast %mul3A_404 : i32 to index
      %get3A_406 = tpu.vector_load %arg8[%get3A_405] {strides = array<i32>} : memref<16384xf32, #tpu.memory_space<vmem>>, vector<16xf32>,
      %select_n3A_407 = arith.select %and3A_398, %gather3A_402, %get3A_406 : vector<16xi1>, vector<16xf32>
      %mul3A_408 = arith.constant 16 : i32
      %mul3A_409 = arith.muli %add3A_384, %mul3A_408 : i32
      %swap3A_410 = arith.index_cast %mul3A_409 : i32 to index
      %swap3A_411 = tpu.vector_load %arg8[%swap3A_410] {strides = array<i32>} : memref<16384xf32, #tpu.memory_space<vmem>>, vector<16xf32>,
      tpu.vector_store %arg8[%swap3A_410], %select_n3A_407 {strides = array<i32>} : memref<16384xf32, #tpu.memory_space<vmem>>, vector<16xf32>,
      %mul3A_412 = arith.constant 8 : i32
      %mul3A_413 = arith.muli %scan3A_327, %mul3A_412 : i32
      %add3A_414 = arith.constant 3 : i32
      %add3A_415 = arith.addi %mul3A_413, %add3A_414 : i32
      %mul3A_416 = arith.constant 16 : i32
      %mul3A_417 = arith.muli %add3A_415, %mul3A_416 : i32
      %get3A_418 = arith.index_cast %mul3A_417 : i32 to index
      %get3A_419 = tpu.vector_load %arg7[%get3A_418] {strides = array<i32>} : memref<16384xi32, #tpu.memory_space<vmem>>, vector<16xi32>,
      %sub3A_420 = arith.constant 80896 : i32
      %sub3A_421 = vector.broadcast %sub3A_420 : i32 to vector<16xi32>
      %sub3A_422 = arith.subi %get3A_419, %sub3A_421 : vector<16xi32>
      %ge3A_423 = arith.constant 0 : i32
      %ge3A_424 = vector.broadcast %ge3A_423 : i32 to vector<16xi32>
      %ge3A_425 = arith.cmpi sge, %sub3A_422, %ge3A_424 : vector<16xi32>
      %lt3A_426 = arith.constant 19104 : i32
      %lt3A_427 = vector.broadcast %lt3A_426 : i32 to vector<16xi32>
      %lt3A_428 = arith.cmpi slt, %sub3A_422, %lt3A_427 : vector<16xi32>
      %and3A_429 = arith.andi %ge3A_425, %lt3A_428 : vector<16xi1>
      %jit3A_430 = arith.constant 0 : i32
      %broadcast_in_dim3A_431 = vector.broadcast %jit3A_430 : i32 to vector<16xi32>
      %select_n3A_432 = arith.select %and3A_429, %sub3A_422, %broadcast_in_dim3A_431 : vector<16xi1>, vector<16xi32>
      %gather3A_433 = tpu.vector_load_idx %arg10[%select_n3A_432] : memref<40448xf32, #tpu.memory_space<vmem>>[vector<16xi32>], vector<16xf32>,
      %mul3A_434 = arith.constant 16 : i32
      %mul3A_435 = arith.muli %add3A_415, %mul3A_434 : i32
      %get3A_436 = arith.index_cast %mul3A_435 : i32 to index
      %get3A_437 = tpu.vector_load %arg8[%get3A_436] {strides = array<i32>} : memref<16384xf32, #tpu.memory_space<vmem>>, vector<16xf32>,
      %select_n3A_438 = arith.select %and3A_429, %gather3A_433, %get3A_437 : vector<16xi1>, vector<16xf32>
      %mul3A_439 = arith.constant 16 : i32
      %mul3A_440 = arith.muli %add3A_415, %mul3A_439 : i32
      %swap3A_441 = arith.index_cast %mul3A_440 : i32 to index
      %swap3A_442 = tpu.vector_load %arg8[%swap3A_441] {strides = array<i32>} : memref<16384xf32, #tpu.memory_space<vmem>>, vector<16xf32>,
      tpu.vector_store %arg8[%swap3A_441], %select_n3A_438 {strides = array<i32>} : memref<16384xf32, #tpu.memory_space<vmem>>, vector<16xf32>,
      %mul3A_443 = arith.constant 8 : i32
      %mul3A_444 = arith.muli %scan3A_327, %mul3A_443 : i32
      %add3A_445 = arith.constant 4 : i32
      %add3A_446 = arith.addi %mul3A_444, %add3A_445 : i32
      %mul3A_447 = arith.constant 16 : i32
      %mul3A_448 = arith.muli %add3A_446, %mul3A_447 : i32
      %get3A_449 = arith.index_cast %mul3A_448 : i32 to index
      %get3A_450 = tpu.vector_load %arg7[%get3A_449] {strides = array<i32>} : memref<16384xi32, #tpu.memory_space<vmem>>, vector<16xi32>,
      %sub3A_451 = arith.constant 80896 : i32
      %sub3A_452 = vector.broadcast %sub3A_451 : i32 to vector<16xi32>
      %sub3A_453 = arith.subi %get3A_450, %sub3A_452 : vector<16xi32>
      %ge3A_454 = arith.constant 0 : i32
      %ge3A_455 = vector.broadcast %ge3A_454 : i32 to vector<16xi32>
      %ge3A_456 = arith.cmpi sge, %sub3A_453, %ge3A_455 : vector<16xi32>
      %lt3A_457 = arith.constant 19104 : i32
      %lt3A_458 = vector.broadcast %lt3A_457 : i32 to vector<16xi32>
      %lt3A_459 = arith.cmpi slt, %sub3A_453, %lt3A_458 : vector<16xi32>
      %and3A_460 = arith.andi %ge3A_456, %lt3A_459 : vector<16xi1>
      %jit3A_461 = arith.constant 0 : i32
      %broadcast_in_dim3A_462 = vector.broadcast %jit3A_461 : i32 to vector<16xi32>
      %select_n3A_463 = arith.select %and3A_460, %sub3A_453, %broadcast_in_dim3A_462 : vector<16xi1>, vector<16xi32>
      %gather3A_464 = tpu.vector_load_idx %arg10[%select_n3A_463] : memref<40448xf32, #tpu.memory_space<vmem>>[vector<16xi32>], vector<16xf32>,
      %mul3A_465 = arith.constant 16 : i32
      %mul3A_466 = arith.muli %add3A_446, %mul3A_465 : i32
      %get3A_467 = arith.index_cast %mul3A_466 : i32 to index
      %get3A_468 = tpu.vector_load %arg8[%get3A_467] {strides = array<i32>} : memref<16384xf32, #tpu.memory_space<vmem>>, vector<16xf32>,
      %select_n3A_469 = arith.select %and3A_460, %gather3A_464, %get3A_468 : vector<16xi1>, vector<16xf32>
      %mul3A_470 = arith.constant 16 : i32
      %mul3A_471 = arith.muli %add3A_446, %mul3A_470 : i32
      %swap3A_472 = arith.index_cast %mul3A_471 : i32 to index
      %swap3A_473 = tpu.vector_load %arg8[%swap3A_472] {strides = array<i32>} : memref<16384xf32, #tpu.memory_space<vmem>>, vector<16xf32>,
      tpu.vector_store %arg8[%swap3A_472], %select_n3A_469 {strides = array<i32>} : memref<16384xf32, #tpu.memory_space<vmem>>, vector<16xf32>,
      %mul3A_474 = arith.constant 8 : i32
      %mul3A_475 = arith.muli %scan3A_327, %mul3A_474 : i32
      %add3A_476 = arith.constant 5 : i32
      %add3A_477 = arith.addi %mul3A_475, %add3A_476 : i32
      %mul3A_478 = arith.constant 16 : i32
      %mul3A_479 = arith.muli %add3A_477, %mul3A_478 : i32
      %get3A_480 = arith.index_cast %mul3A_479 : i32 to index
      %get3A_481 = tpu.vector_load %arg7[%get3A_480] {strides = array<i32>} : memref<16384xi32, #tpu.memory_space<vmem>>, vector<16xi32>,
      %sub3A_482 = arith.constant 80896 : i32
      %sub3A_483 = vector.broadcast %sub3A_482 : i32 to vector<16xi32>
      %sub3A_484 = arith.subi %get3A_481, %sub3A_483 : vector<16xi32>
      %ge3A_485 = arith.constant 0 : i32
      %ge3A_486 = vector.broadcast %ge3A_485 : i32 to vector<16xi32>
      %ge3A_487 = arith.cmpi sge, %sub3A_484, %ge3A_486 : vector<16xi32>
      %lt3A_488 = arith.constant 19104 : i32
      %lt3A_489 = vector.broadcast %lt3A_488 : i32 to vector<16xi32>
      %lt3A_490 = arith.cmpi slt, %sub3A_484, %lt3A_489 : vector<16xi32>
      %and3A_491 = arith.andi %ge3A_487, %lt3A_490 : vector<16xi1>
      %jit3A_492 = arith.constant 0 : i32
      %broadcast_in_dim3A_493 = vector.broadcast %jit3A_492 : i32 to vector<16xi32>
      %select_n3A_494 = arith.select %and3A_491, %sub3A_484, %broadcast_in_dim3A_493 : vector<16xi1>, vector<16xi32>
      %gather3A_495 = tpu.vector_load_idx %arg10[%select_n3A_494] : memref<40448xf32, #tpu.memory_space<vmem>>[vector<16xi32>], vector<16xf32>,
      %mul3A_496 = arith.constant 16 : i32
      %mul3A_497 = arith.muli %add3A_477, %mul3A_496 : i32
      %get3A_498 = arith.index_cast %mul3A_497 : i32 to index
      %get3A_499 = tpu.vector_load %arg8[%get3A_498] {strides = array<i32>} : memref<16384xf32, #tpu.memory_space<vmem>>, vector<16xf32>,
      %select_n3A_500 = arith.select %and3A_491, %gather3A_495, %get3A_499 : vector<16xi1>, vector<16xf32>
      %mul3A_501 = arith.constant 16 : i32
      %mul3A_502 = arith.muli %add3A_477, %mul3A_501 : i32
      %swap3A_503 = arith.index_cast %mul3A_502 : i32 to index
      %swap3A_504 = tpu.vector_load %arg8[%swap3A_503] {strides = array<i32>} : memref<16384xf32, #tpu.memory_space<vmem>>, vector<16xf32>,
      tpu.vector_store %arg8[%swap3A_503], %select_n3A_500 {strides = array<i32>} : memref<16384xf32, #tpu.memory_space<vmem>>, vector<16xf32>,
      %mul3A_505 = arith.constant 8 : i32
      %mul3A_506 = arith.muli %scan3A_327, %mul3A_505 : i32
      %add3A_507 = arith.constant 6 : i32
      %add3A_508 = arith.addi %mul3A_506, %add3A_507 : i32
      %mul3A_509 = arith.constant 16 : i32
      %mul3A_510 = arith.muli %add3A_508, %mul3A_509 : i32
      %get3A_511 = arith.index_cast %mul3A_510 : i32 to index
      %get3A_512 = tpu.vector_load %arg7[%get3A_511] {strides = array<i32>} : memref<16384xi32, #tpu.memory_space<vmem>>, vector<16xi32>,
      %sub3A_513 = arith.constant 80896 : i32
      %sub3A_514 = vector.broadcast %sub3A_513 : i32 to vector<16xi32>
      %sub3A_515 = arith.subi %get3A_512, %sub3A_514 : vector<16xi32>
      %ge3A_516 = arith.constant 0 : i32
      %ge3A_517 = vector.broadcast %ge3A_516 : i32 to vector<16xi32>
      %ge3A_518 = arith.cmpi sge, %sub3A_515, %ge3A_517 : vector<16xi32>
      %lt3A_519 = arith.constant 19104 : i32
      %lt3A_520 = vector.broadcast %lt3A_519 : i32 to vector<16xi32>
      %lt3A_521 = arith.cmpi slt, %sub3A_515, %lt3A_520 : vector<16xi32>
      %and3A_522 = arith.andi %ge3A_518, %lt3A_521 : vector<16xi1>
      %jit3A_523 = arith.constant 0 : i32
      %broadcast_in_dim3A_524 = vector.broadcast %jit3A_523 : i32 to vector<16xi32>
      %select_n3A_525 = arith.select %and3A_522, %sub3A_515, %broadcast_in_dim3A_524 : vector<16xi1>, vector<16xi32>
      %gather3A_526 = tpu.vector_load_idx %arg10[%select_n3A_525] : memref<40448xf32, #tpu.memory_space<vmem>>[vector<16xi32>], vector<16xf32>,
      %mul3A_527 = arith.constant 16 : i32
      %mul3A_528 = arith.muli %add3A_508, %mul3A_527 : i32
      %get3A_529 = arith.index_cast %mul3A_528 : i32 to index
      %get3A_530 = tpu.vector_load %arg8[%get3A_529] {strides = array<i32>} : memref<16384xf32, #tpu.memory_space<vmem>>, vector<16xf32>,
      %select_n3A_531 = arith.select %and3A_522, %gather3A_526, %get3A_530 : vector<16xi1>, vector<16xf32>
      %mul3A_532 = arith.constant 16 : i32
      %mul3A_533 = arith.muli %add3A_508, %mul3A_532 : i32
      %swap3A_534 = arith.index_cast %mul3A_533 : i32 to index
      %swap3A_535 = tpu.vector_load %arg8[%swap3A_534] {strides = array<i32>} : memref<16384xf32, #tpu.memory_space<vmem>>, vector<16xf32>,
      tpu.vector_store %arg8[%swap3A_534], %select_n3A_531 {strides = array<i32>} : memref<16384xf32, #tpu.memory_space<vmem>>, vector<16xf32>,
      %mul3A_536 = arith.constant 8 : i32
      %mul3A_537 = arith.muli %scan3A_327, %mul3A_536 : i32
      %add3A_538 = arith.constant 7 : i32
      %add3A_539 = arith.addi %mul3A_537, %add3A_538 : i32
      %mul3A_540 = arith.constant 16 : i32
      %mul3A_541 = arith.muli %add3A_539, %mul3A_540 : i32
      %get3A_542 = arith.index_cast %mul3A_541 : i32 to index
      %get3A_543 = tpu.vector_load %arg7[%get3A_542] {strides = array<i32>} : memref<16384xi32, #tpu.memory_space<vmem>>, vector<16xi32>,
      %sub3A_544 = arith.constant 80896 : i32
      %sub3A_545 = vector.broadcast %sub3A_544 : i32 to vector<16xi32>
      %sub3A_546 = arith.subi %get3A_543, %sub3A_545 : vector<16xi32>
      %ge3A_547 = arith.constant 0 : i32
      %ge3A_548 = vector.broadcast %ge3A_547 : i32 to vector<16xi32>
      %ge3A_549 = arith.cmpi sge, %sub3A_546, %ge3A_548 : vector<16xi32>
      %lt3A_550 = arith.constant 19104 : i32
      %lt3A_551 = vector.broadcast %lt3A_550 : i32 to vector<16xi32>
      %lt3A_552 = arith.cmpi slt, %sub3A_546, %lt3A_551 : vector<16xi32>
      %and3A_553 = arith.andi %ge3A_549, %lt3A_552 : vector<16xi1>
      %jit3A_554 = arith.constant 0 : i32
      %broadcast_in_dim3A_555 = vector.broadcast %jit3A_554 : i32 to vector<16xi32>
      %select_n3A_556 = arith.select %and3A_553, %sub3A_546, %broadcast_in_dim3A_555 : vector<16xi1>, vector<16xi32>
      %gather3A_557 = tpu.vector_load_idx %arg10[%select_n3A_556] : memref<40448xf32, #tpu.memory_space<vmem>>[vector<16xi32>], vector<16xf32>,
      %mul3A_558 = arith.constant 16 : i32
      %mul3A_559 = arith.muli %add3A_539, %mul3A_558 : i32
      %get3A_560 = arith.index_cast %mul3A_559 : i32 to index
      %get3A_561 = tpu.vector_load %arg8[%get3A_560] {strides = array<i32>} : memref<16384xf32, #tpu.memory_space<vmem>>, vector<16xf32>,
      %select_n3A_562 = arith.select %and3A_553, %gather3A_557, %get3A_561 : vector<16xi1>, vector<16xf32>
      %mul3A_563 = arith.constant 16 : i32
      %mul3A_564 = arith.muli %add3A_539, %mul3A_563 : i32
      %swap3A_565 = arith.index_cast %mul3A_564 : i32 to index
      %swap3A_566 = tpu.vector_load %arg8[%swap3A_565] {strides = array<i32>} : memref<16384xf32, #tpu.memory_space<vmem>>, vector<16xf32>,
      tpu.vector_store %arg8[%swap3A_565], %select_n3A_562 {strides = array<i32>} : memref<16384xf32, #tpu.memory_space<vmem>>, vector<16xf32>,
    }
    %scan3A_246 = arith.constant 128 : i32
    "tpu.region"() ({
      %run_scoped3A = tpu.sem_alloc : memref<!tpu.dma_semaphore, #tpu.memory_space<semaphore_mem>>
      tpu.enqueue_dma source(%arg3 : memref<16384xi32, #tpu.memory_space<hbm>>) target(%arg7 : memref<16384xi32, #tpu.memory_space<vmem>>) target_semaphore(%run_scoped3A : memref<!tpu.dma_semaphore, #tpu.memory_space<semaphore_mem>>)
      tpu.wait_dma2 semaphore(%run_scoped3A : memref<!tpu.dma_semaphore, #tpu.memory_space<semaphore_mem>>) src(%arg3 : memref<16384xi32, #tpu.memory_space<hbm>>) dst(%arg7 : memref<16384xi32, #tpu.memory_space<vmem>>)
      tpu.yield
    }) : () -> ()
    %dma_start3A_247 = arith.constant 0 : i32
    %dma_start3A_248 = tpu.memref_slice %arg10[%dma_start3A_247] : memref<40448xf32, #tpu.memory_space<vmem>> -> memref<40448xf32, #tpu.memory_space<vmem>>
    %dma_start3A_249 = arith.constant 0 : i32
    %dma_start3A_250 = tpu.memref_slice %arg5[%add3A_168, %dma_start3A_249] : memref<64x100000xf32, #tpu.memory_space<hbm>> -> memref<1x40448xf32, #tpu.memory_space<hbm>>
    %dma_start3A_251 = tpu.memref_squeeze %dma_start3A_250 : memref<1x40448xf32, #tpu.memory_space<hbm>> -> memref<40448xf32, #tpu.memory_space<hbm>>
    %dma_start3A_252 = arith.constant 0 : i32
    %dma_start3A_253 = tpu.memref_slice %arg10[%dma_start3A_252] : memref<40448xf32, #tpu.memory_space<vmem>> -> memref<40448xf32, #tpu.memory_space<vmem>>
    %dma_start3A_254 = arith.constant 0 : i32
    %dma_start3A_255 = tpu.memref_slice %arg5[%add3A_168, %dma_start3A_254] : memref<64x100000xf32, #tpu.memory_space<hbm>> -> memref<1x40448xf32, #tpu.memory_space<hbm>>
    %dma_start3A_256 = tpu.memref_squeeze %dma_start3A_255 : memref<1x40448xf32, #tpu.memory_space<hbm>> -> memref<40448xf32, #tpu.memory_space<hbm>>
    tpu.enqueue_dma source(%dma_start3A_256 : memref<40448xf32, #tpu.memory_space<hbm>>) target(%dma_start3A_253 : memref<40448xf32, #tpu.memory_space<vmem>>) target_semaphore(%arg12 : memref<!tpu.dma_semaphore, #tpu.memory_space<semaphore_mem>>)
    %dma_wait3A_257 = arith.constant 0 : i32
    %dma_wait3A_258 = tpu.memref_slice %arg10[%dma_wait3A_257] : memref<40448xf32, #tpu.memory_space<vmem>> -> memref<40448xf32, #tpu.memory_space<vmem>>
    %dma_wait3A_259 = arith.constant 0 : i32
    %dma_wait3A_260 = tpu.memref_slice %arg5[%add3A_168, %dma_wait3A_259] : memref<64x100000xf32, #tpu.memory_space<hbm>> -> memref<1x40448xf32, #tpu.memory_space<hbm>>
    %dma_wait3A_261 = tpu.memref_squeeze %dma_wait3A_260 : memref<1x40448xf32, #tpu.memory_space<hbm>> -> memref<40448xf32, #tpu.memory_space<hbm>>
    %dma_wait3A_262 = arith.constant 0 : i32
    %dma_wait3A_263 = tpu.memref_slice %arg10[%dma_wait3A_262] : memref<40448xf32, #tpu.memory_space<vmem>> -> memref<40448xf32, #tpu.memory_space<vmem>>
    %dma_wait3A_264 = arith.constant 0 : i32
    %dma_wait3A_265 = tpu.memref_slice %arg5[%add3A_168, %dma_wait3A_264] : memref<64x100000xf32, #tpu.memory_space<hbm>> -> memref<1x40448xf32, #tpu.memory_space<hbm>>
    %dma_wait3A_266 = tpu.memref_squeeze %dma_wait3A_265 : memref<1x40448xf32, #tpu.memory_space<hbm>> -> memref<40448xf32, #tpu.memory_space<hbm>>
    tpu.wait_dma2 semaphore(%arg12 : memref<!tpu.dma_semaphore, #tpu.memory_space<semaphore_mem>>) src(%dma_wait3A_266 : memref<40448xf32, #tpu.memory_space<hbm>>) dst(%dma_wait3A_263 : memref<40448xf32, #tpu.memory_space<vmem>>)
    %dma_start3A_267 = arith.constant 0 : i32
    %dma_start3A_268 = tpu.memref_slice %arg11[%dma_start3A_267] : memref<40448xf32, #tpu.memory_space<vmem>> -> memref<40448xf32, #tpu.memory_space<vmem>>
    %dma_start3A_269 = arith.constant 40448 : i32
    %dma_start3A_270 = tpu.memref_slice %arg5[%add3A_168, %dma_start3A_269] : memref<64x100000xf32, #tpu.memory_space<hbm>> -> memref<1x40448xf32, #tpu.memory_space<hbm>>
    %dma_start3A_271 = tpu.memref_squeeze %dma_start3A_270 : memref<1x40448xf32, #tpu.memory_space<hbm>> -> memref<40448xf32, #tpu.memory_space<hbm>>
    %dma_start3A_272 = arith.constant 0 : i32
    %dma_start3A_273 = tpu.memref_slice %arg11[%dma_start3A_272] : memref<40448xf32, #tpu.memory_space<vmem>> -> memref<40448xf32, #tpu.memory_space<vmem>>
    %dma_start3A_274 = arith.constant 40448 : i32
    %dma_start3A_275 = tpu.memref_slice %arg5[%add3A_168, %dma_start3A_274] : memref<64x100000xf32, #tpu.memory_space<hbm>> -> memref<1x40448xf32, #tpu.memory_space<hbm>>
    %dma_start3A_276 = tpu.memref_squeeze %dma_start3A_275 : memref<1x40448xf32, #tpu.memory_space<hbm>> -> memref<40448xf32, #tpu.memory_space<hbm>>
    tpu.enqueue_dma source(%dma_start3A_276 : memref<40448xf32, #tpu.memory_space<hbm>>) target(%dma_start3A_273 : memref<40448xf32, #tpu.memory_space<vmem>>) target_semaphore(%arg13 : memref<!tpu.dma_semaphore, #tpu.memory_space<semaphore_mem>>)
    %scan3A_277 = arith.constant 0 : i32
    %scan3A_278 = arith.constant 0 : i32
    %scan3A_279 = arith.constant 128 : i32
    %scan3A_280 = arith.addi %scan3A_278, %scan3A_279 : i32
    %scan3A_281 = arith.constant 1 : i32
    scf.for %scan3A_327 = %scan3A_278 to %scan3A_280 step %scan3A_281  : i32 {
      %mul3A_328 = arith.constant 8 : i32
      %mul3A_329 = arith.muli %scan3A_327, %mul3A_328 : i32
      %add3A_330 = arith.constant 0 : i32
      %add3A_331 = arith.addi %mul3A_329, %add3A_330 : i32
      %mul3A_332 = arith.constant 16 : i32
      %mul3A_333 = arith.muli %add3A_331, %mul3A_332 : i32
      %get3A = arith.index_cast %mul3A_333 : i32 to index
      %get3A_334 = tpu.vector_load %arg7[%get3A] {strides = array<i32>} : memref<16384xi32, #tpu.memory_space<vmem>>, vector<16xi32>,
      %sub3A = arith.constant 0 : i32
      %sub3A_335 = vector.broadcast %sub3A : i32 to vector<16xi32>
      %sub3A_336 = arith.subi %get3A_334, %sub3A_335 : vector<16xi32>
      %ge3A = arith.constant 0 : i32
      %ge3A_337 = vector.broadcast %ge3A : i32 to vector<16xi32>
      %ge3A_338 = arith.cmpi sge, %sub3A_336, %ge3A_337 : vector<16xi32>
      %lt3A = arith.constant 40448 : i32
      %lt3A_339 = vector.broadcast %lt3A : i32 to vector<16xi32>
      %lt3A_340 = arith.cmpi slt, %sub3A_336, %lt3A_339 : vector<16xi32>
      %and3A = arith.andi %ge3A_338, %lt3A_340 : vector<16xi1>
      %jit3A = arith.constant 0 : i32
      %broadcast_in_dim3A_341 = vector.broadcast %jit3A : i32 to vector<16xi32>
      %select_n3A = arith.select %and3A, %sub3A_336, %broadcast_in_dim3A_341 : vector<16xi1>, vector<16xi32>
      %gather3A = tpu.vector_load_idx %arg10[%select_n3A] : memref<40448xf32, #tpu.memory_space<vmem>>[vector<16xi32>], vector<16xf32>,
      %mul3A_342 = arith.constant 16 : i32
      %mul3A_343 = arith.muli %add3A_331, %mul3A_342 : i32
      %get3A_344 = arith.index_cast %mul3A_343 : i32 to index
      %get3A_345 = tpu.vector_load %arg8[%get3A_344] {strides = array<i32>} : memref<16384xf32, #tpu.memory_space<vmem>>, vector<16xf32>,
      %mul3A_346 = arith.constant 16 : i32
      %mul3A_347 = arith.muli %add3A_331, %mul3A_346 : i32
      %get3A_348 = arith.index_cast %mul3A_347 : i32 to index
      %get3A_349 = tpu.vector_load %arg9[%get3A_348] {strides = array<i32>} : memref<16384xf32, #tpu.memory_space<vmem>>, vector<16xf32>,
      %mul3A_350 = arith.mulf %gather3A, %get3A_345 : vector<16xf32>
      %jit3A_351 = arith.constant 0.000000e+00 : f32
      %broadcast_in_dim3A_352 = vector.broadcast %jit3A_351 : f32 to vector<16xf32>
      %select_n3A_353 = arith.select %and3A, %mul3A_350, %broadcast_in_dim3A_352 : vector<16xi1>, vector<16xf32>
      %add3A_354 = arith.addf %get3A_349, %select_n3A_353 : vector<16xf32>
      %mul3A_355 = arith.constant 16 : i32
      %mul3A_356 = arith.muli %add3A_331, %mul3A_355 : i32
      %swap3A = arith.index_cast %mul3A_356 : i32 to index
      %swap3A_357 = tpu.vector_load %arg9[%swap3A] {strides = array<i32>} : memref<16384xf32, #tpu.memory_space<vmem>>, vector<16xf32>,
      tpu.vector_store %arg9[%swap3A], %add3A_354 {strides = array<i32>} : memref<16384xf32, #tpu.memory_space<vmem>>, vector<16xf32>,
      %mul3A_358 = arith.constant 8 : i32
      %mul3A_359 = arith.muli %scan3A_327, %mul3A_358 : i32
      %add3A_360 = arith.constant 1 : i32
      %add3A_361 = arith.addi %mul3A_359, %add3A_360 : i32
      %mul3A_362 = arith.constant 16 : i32
      %mul3A_363 = arith.muli %add3A_361, %mul3A_362 : i32
      %get3A_364 = arith.index_cast %mul3A_363 : i32 to index
      %get3A_365 = tpu.vector_load %arg7[%get3A_364] {strides = array<i32>} : memref<16384xi32, #tpu.memory_space<vmem>>, vector<16xi32>,
      %sub3A_366 = arith.constant 0 : i32
      %sub3A_367 = vector.broadcast %sub3A_366 : i32 to vector<16xi32>
      %sub3A_368 = arith.subi %get3A_365, %sub3A_367 : vector<16xi32>
      %ge3A_369 = arith.constant 0 : i32
      %ge3A_370 = vector.broadcast %ge3A_369 : i32 to vector<16xi32>
      %ge3A_371 = arith.cmpi sge, %sub3A_368, %ge3A_370 : vector<16xi32>
      %lt3A_372 = arith.constant 40448 : i32
      %lt3A_373 = vector.broadcast %lt3A_372 : i32 to vector<16xi32>
      %lt3A_374 = arith.cmpi slt, %sub3A_368, %lt3A_373 : vector<16xi32>
      %and3A_375 = arith.andi %ge3A_371, %lt3A_374 : vector<16xi1>
      %jit3A_376 = arith.constant 0 : i32
      %broadcast_in_dim3A_377 = vector.broadcast %jit3A_376 : i32 to vector<16xi32>
      %select_n3A_378 = arith.select %and3A_375, %sub3A_368, %broadcast_in_dim3A_377 : vector<16xi1>, vector<16xi32>
      %gather3A_379 = tpu.vector_load_idx %arg10[%select_n3A_378] : memref<40448xf32, #tpu.memory_space<vmem>>[vector<16xi32>], vector<16xf32>,
      %mul3A_380 = arith.constant 16 : i32
      %mul3A_381 = arith.muli %add3A_361, %mul3A_380 : i32
      %get3A_382 = arith.index_cast %mul3A_381 : i32 to index
      %get3A_383 = tpu.vector_load %arg8[%get3A_382] {strides = array<i32>} : memref<16384xf32, #tpu.memory_space<vmem>>, vector<16xf32>,
      %mul3A_384 = arith.constant 16 : i32
      %mul3A_385 = arith.muli %add3A_361, %mul3A_384 : i32
      %get3A_386 = arith.index_cast %mul3A_385 : i32 to index
      %get3A_387 = tpu.vector_load %arg9[%get3A_386] {strides = array<i32>} : memref<16384xf32, #tpu.memory_space<vmem>>, vector<16xf32>,
      %mul3A_388 = arith.mulf %gather3A_379, %get3A_383 : vector<16xf32>
      %jit3A_389 = arith.constant 0.000000e+00 : f32
      %broadcast_in_dim3A_390 = vector.broadcast %jit3A_389 : f32 to vector<16xf32>
      %select_n3A_391 = arith.select %and3A_375, %mul3A_388, %broadcast_in_dim3A_390 : vector<16xi1>, vector<16xf32>
      %add3A_392 = arith.addf %get3A_387, %select_n3A_391 : vector<16xf32>
      %mul3A_393 = arith.constant 16 : i32
      %mul3A_394 = arith.muli %add3A_361, %mul3A_393 : i32
      %swap3A_395 = arith.index_cast %mul3A_394 : i32 to index
      %swap3A_396 = tpu.vector_load %arg9[%swap3A_395] {strides = array<i32>} : memref<16384xf32, #tpu.memory_space<vmem>>, vector<16xf32>,
      tpu.vector_store %arg9[%swap3A_395], %add3A_392 {strides = array<i32>} : memref<16384xf32, #tpu.memory_space<vmem>>, vector<16xf32>,
      %mul3A_397 = arith.constant 8 : i32
      %mul3A_398 = arith.muli %scan3A_327, %mul3A_397 : i32
      %add3A_399 = arith.constant 2 : i32
      %add3A_400 = arith.addi %mul3A_398, %add3A_399 : i32
      %mul3A_401 = arith.constant 16 : i32
      %mul3A_402 = arith.muli %add3A_400, %mul3A_401 : i32
      %get3A_403 = arith.index_cast %mul3A_402 : i32 to index
      %get3A_404 = tpu.vector_load %arg7[%get3A_403] {strides = array<i32>} : memref<16384xi32, #tpu.memory_space<vmem>>, vector<16xi32>,
      %sub3A_405 = arith.constant 0 : i32
      %sub3A_406 = vector.broadcast %sub3A_405 : i32 to vector<16xi32>
      %sub3A_407 = arith.subi %get3A_404, %sub3A_406 : vector<16xi32>
      %ge3A_408 = arith.constant 0 : i32
      %ge3A_409 = vector.broadcast %ge3A_408 : i32 to vector<16xi32>
      %ge3A_410 = arith.cmpi sge, %sub3A_407, %ge3A_409 : vector<16xi32>
      %lt3A_411 = arith.constant 40448 : i32
      %lt3A_412 = vector.broadcast %lt3A_411 : i32 to vector<16xi32>
      %lt3A_413 = arith.cmpi slt, %sub3A_407, %lt3A_412 : vector<16xi32>
      %and3A_414 = arith.andi %ge3A_410, %lt3A_413 : vector<16xi1>
      %jit3A_415 = arith.constant 0 : i32
      %broadcast_in_dim3A_416 = vector.broadcast %jit3A_415 : i32 to vector<16xi32>
      %select_n3A_417 = arith.select %and3A_414, %sub3A_407, %broadcast_in_dim3A_416 : vector<16xi1>, vector<16xi32>
      %gather3A_418 = tpu.vector_load_idx %arg10[%select_n3A_417] : memref<40448xf32, #tpu.memory_space<vmem>>[vector<16xi32>], vector<16xf32>,
      %mul3A_419 = arith.constant 16 : i32
      %mul3A_420 = arith.muli %add3A_400, %mul3A_419 : i32
      %get3A_421 = arith.index_cast %mul3A_420 : i32 to index
      %get3A_422 = tpu.vector_load %arg8[%get3A_421] {strides = array<i32>} : memref<16384xf32, #tpu.memory_space<vmem>>, vector<16xf32>,
      %mul3A_423 = arith.constant 16 : i32
      %mul3A_424 = arith.muli %add3A_400, %mul3A_423 : i32
      %get3A_425 = arith.index_cast %mul3A_424 : i32 to index
      %get3A_426 = tpu.vector_load %arg9[%get3A_425] {strides = array<i32>} : memref<16384xf32, #tpu.memory_space<vmem>>, vector<16xf32>,
      %mul3A_427 = arith.mulf %gather3A_418, %get3A_422 : vector<16xf32>
      %jit3A_428 = arith.constant 0.000000e+00 : f32
      %broadcast_in_dim3A_429 = vector.broadcast %jit3A_428 : f32 to vector<16xf32>
      %select_n3A_430 = arith.select %and3A_414, %mul3A_427, %broadcast_in_dim3A_429 : vector<16xi1>, vector<16xf32>
      %add3A_431 = arith.addf %get3A_426, %select_n3A_430 : vector<16xf32>
      %mul3A_432 = arith.constant 16 : i32
      %mul3A_433 = arith.muli %add3A_400, %mul3A_432 : i32
      %swap3A_434 = arith.index_cast %mul3A_433 : i32 to index
      %swap3A_435 = tpu.vector_load %arg9[%swap3A_434] {strides = array<i32>} : memref<16384xf32, #tpu.memory_space<vmem>>, vector<16xf32>,
      tpu.vector_store %arg9[%swap3A_434], %add3A_431 {strides = array<i32>} : memref<16384xf32, #tpu.memory_space<vmem>>, vector<16xf32>,
      %mul3A_436 = arith.constant 8 : i32
      %mul3A_437 = arith.muli %scan3A_327, %mul3A_436 : i32
      %add3A_438 = arith.constant 3 : i32
      %add3A_439 = arith.addi %mul3A_437, %add3A_438 : i32
      %mul3A_440 = arith.constant 16 : i32
      %mul3A_441 = arith.muli %add3A_439, %mul3A_440 : i32
      %get3A_442 = arith.index_cast %mul3A_441 : i32 to index
      %get3A_443 = tpu.vector_load %arg7[%get3A_442] {strides = array<i32>} : memref<16384xi32, #tpu.memory_space<vmem>>, vector<16xi32>,
      %sub3A_444 = arith.constant 0 : i32
      %sub3A_445 = vector.broadcast %sub3A_444 : i32 to vector<16xi32>
      %sub3A_446 = arith.subi %get3A_443, %sub3A_445 : vector<16xi32>
      %ge3A_447 = arith.constant 0 : i32
      %ge3A_448 = vector.broadcast %ge3A_447 : i32 to vector<16xi32>
      %ge3A_449 = arith.cmpi sge, %sub3A_446, %ge3A_448 : vector<16xi32>
      %lt3A_450 = arith.constant 40448 : i32
      %lt3A_451 = vector.broadcast %lt3A_450 : i32 to vector<16xi32>
      %lt3A_452 = arith.cmpi slt, %sub3A_446, %lt3A_451 : vector<16xi32>
      %and3A_453 = arith.andi %ge3A_449, %lt3A_452 : vector<16xi1>
      %jit3A_454 = arith.constant 0 : i32
      %broadcast_in_dim3A_455 = vector.broadcast %jit3A_454 : i32 to vector<16xi32>
      %select_n3A_456 = arith.select %and3A_453, %sub3A_446, %broadcast_in_dim3A_455 : vector<16xi1>, vector<16xi32>
      %gather3A_457 = tpu.vector_load_idx %arg10[%select_n3A_456] : memref<40448xf32, #tpu.memory_space<vmem>>[vector<16xi32>], vector<16xf32>,
      %mul3A_458 = arith.constant 16 : i32
      %mul3A_459 = arith.muli %add3A_439, %mul3A_458 : i32
      %get3A_460 = arith.index_cast %mul3A_459 : i32 to index
      %get3A_461 = tpu.vector_load %arg8[%get3A_460] {strides = array<i32>} : memref<16384xf32, #tpu.memory_space<vmem>>, vector<16xf32>,
      %mul3A_462 = arith.constant 16 : i32
      %mul3A_463 = arith.muli %add3A_439, %mul3A_462 : i32
      %get3A_464 = arith.index_cast %mul3A_463 : i32 to index
      %get3A_465 = tpu.vector_load %arg9[%get3A_464] {strides = array<i32>} : memref<16384xf32, #tpu.memory_space<vmem>>, vector<16xf32>,
      %mul3A_466 = arith.mulf %gather3A_457, %get3A_461 : vector<16xf32>
      %jit3A_467 = arith.constant 0.000000e+00 : f32
      %broadcast_in_dim3A_468 = vector.broadcast %jit3A_467 : f32 to vector<16xf32>
      %select_n3A_469 = arith.select %and3A_453, %mul3A_466, %broadcast_in_dim3A_468 : vector<16xi1>, vector<16xf32>
      %add3A_470 = arith.addf %get3A_465, %select_n3A_469 : vector<16xf32>
      %mul3A_471 = arith.constant 16 : i32
      %mul3A_472 = arith.muli %add3A_439, %mul3A_471 : i32
      %swap3A_473 = arith.index_cast %mul3A_472 : i32 to index
      %swap3A_474 = tpu.vector_load %arg9[%swap3A_473] {strides = array<i32>} : memref<16384xf32, #tpu.memory_space<vmem>>, vector<16xf32>,
      tpu.vector_store %arg9[%swap3A_473], %add3A_470 {strides = array<i32>} : memref<16384xf32, #tpu.memory_space<vmem>>, vector<16xf32>,
      %mul3A_475 = arith.constant 8 : i32
      %mul3A_476 = arith.muli %scan3A_327, %mul3A_475 : i32
      %add3A_477 = arith.constant 4 : i32
      %add3A_478 = arith.addi %mul3A_476, %add3A_477 : i32
      %mul3A_479 = arith.constant 16 : i32
      %mul3A_480 = arith.muli %add3A_478, %mul3A_479 : i32
      %get3A_481 = arith.index_cast %mul3A_480 : i32 to index
      %get3A_482 = tpu.vector_load %arg7[%get3A_481] {strides = array<i32>} : memref<16384xi32, #tpu.memory_space<vmem>>, vector<16xi32>,
      %sub3A_483 = arith.constant 0 : i32
      %sub3A_484 = vector.broadcast %sub3A_483 : i32 to vector<16xi32>
      %sub3A_485 = arith.subi %get3A_482, %sub3A_484 : vector<16xi32>
      %ge3A_486 = arith.constant 0 : i32
      %ge3A_487 = vector.broadcast %ge3A_486 : i32 to vector<16xi32>
      %ge3A_488 = arith.cmpi sge, %sub3A_485, %ge3A_487 : vector<16xi32>
      %lt3A_489 = arith.constant 40448 : i32
      %lt3A_490 = vector.broadcast %lt3A_489 : i32 to vector<16xi32>
      %lt3A_491 = arith.cmpi slt, %sub3A_485, %lt3A_490 : vector<16xi32>
      %and3A_492 = arith.andi %ge3A_488, %lt3A_491 : vector<16xi1>
      %jit3A_493 = arith.constant 0 : i32
      %broadcast_in_dim3A_494 = vector.broadcast %jit3A_493 : i32 to vector<16xi32>
      %select_n3A_495 = arith.select %and3A_492, %sub3A_485, %broadcast_in_dim3A_494 : vector<16xi1>, vector<16xi32>
      %gather3A_496 = tpu.vector_load_idx %arg10[%select_n3A_495] : memref<40448xf32, #tpu.memory_space<vmem>>[vector<16xi32>], vector<16xf32>,
      %mul3A_497 = arith.constant 16 : i32
      %mul3A_498 = arith.muli %add3A_478, %mul3A_497 : i32
      %get3A_499 = arith.index_cast %mul3A_498 : i32 to index
      %get3A_500 = tpu.vector_load %arg8[%get3A_499] {strides = array<i32>} : memref<16384xf32, #tpu.memory_space<vmem>>, vector<16xf32>,
      %mul3A_501 = arith.constant 16 : i32
      %mul3A_502 = arith.muli %add3A_478, %mul3A_501 : i32
      %get3A_503 = arith.index_cast %mul3A_502 : i32 to index
      %get3A_504 = tpu.vector_load %arg9[%get3A_503] {strides = array<i32>} : memref<16384xf32, #tpu.memory_space<vmem>>, vector<16xf32>,
      %mul3A_505 = arith.mulf %gather3A_496, %get3A_500 : vector<16xf32>
      %jit3A_506 = arith.constant 0.000000e+00 : f32
      %broadcast_in_dim3A_507 = vector.broadcast %jit3A_506 : f32 to vector<16xf32>
      %select_n3A_508 = arith.select %and3A_492, %mul3A_505, %broadcast_in_dim3A_507 : vector<16xi1>, vector<16xf32>
      %add3A_509 = arith.addf %get3A_504, %select_n3A_508 : vector<16xf32>
      %mul3A_510 = arith.constant 16 : i32
      %mul3A_511 = arith.muli %add3A_478, %mul3A_510 : i32
      %swap3A_512 = arith.index_cast %mul3A_511 : i32 to index
      %swap3A_513 = tpu.vector_load %arg9[%swap3A_512] {strides = array<i32>} : memref<16384xf32, #tpu.memory_space<vmem>>, vector<16xf32>,
      tpu.vector_store %arg9[%swap3A_512], %add3A_509 {strides = array<i32>} : memref<16384xf32, #tpu.memory_space<vmem>>, vector<16xf32>,
      %mul3A_514 = arith.constant 8 : i32
      %mul3A_515 = arith.muli %scan3A_327, %mul3A_514 : i32
      %add3A_516 = arith.constant 5 : i32
      %add3A_517 = arith.addi %mul3A_515, %add3A_516 : i32
      %mul3A_518 = arith.constant 16 : i32
      %mul3A_519 = arith.muli %add3A_517, %mul3A_518 : i32
      %get3A_520 = arith.index_cast %mul3A_519 : i32 to index
      %get3A_521 = tpu.vector_load %arg7[%get3A_520] {strides = array<i32>} : memref<16384xi32, #tpu.memory_space<vmem>>, vector<16xi32>,
      %sub3A_522 = arith.constant 0 : i32
      %sub3A_523 = vector.broadcast %sub3A_522 : i32 to vector<16xi32>
      %sub3A_524 = arith.subi %get3A_521, %sub3A_523 : vector<16xi32>
      %ge3A_525 = arith.constant 0 : i32
      %ge3A_526 = vector.broadcast %ge3A_525 : i32 to vector<16xi32>
      %ge3A_527 = arith.cmpi sge, %sub3A_524, %ge3A_526 : vector<16xi32>
      %lt3A_528 = arith.constant 40448 : i32
      %lt3A_529 = vector.broadcast %lt3A_528 : i32 to vector<16xi32>
      %lt3A_530 = arith.cmpi slt, %sub3A_524, %lt3A_529 : vector<16xi32>
      %and3A_531 = arith.andi %ge3A_527, %lt3A_530 : vector<16xi1>
      %jit3A_532 = arith.constant 0 : i32
      %broadcast_in_dim3A_533 = vector.broadcast %jit3A_532 : i32 to vector<16xi32>
      %select_n3A_534 = arith.select %and3A_531, %sub3A_524, %broadcast_in_dim3A_533 : vector<16xi1>, vector<16xi32>
      %gather3A_535 = tpu.vector_load_idx %arg10[%select_n3A_534] : memref<40448xf32, #tpu.memory_space<vmem>>[vector<16xi32>], vector<16xf32>,
      %mul3A_536 = arith.constant 16 : i32
      %mul3A_537 = arith.muli %add3A_517, %mul3A_536 : i32
      %get3A_538 = arith.index_cast %mul3A_537 : i32 to index
      %get3A_539 = tpu.vector_load %arg8[%get3A_538] {strides = array<i32>} : memref<16384xf32, #tpu.memory_space<vmem>>, vector<16xf32>,
      %mul3A_540 = arith.constant 16 : i32
      %mul3A_541 = arith.muli %add3A_517, %mul3A_540 : i32
      %get3A_542 = arith.index_cast %mul3A_541 : i32 to index
      %get3A_543 = tpu.vector_load %arg9[%get3A_542] {strides = array<i32>} : memref<16384xf32, #tpu.memory_space<vmem>>, vector<16xf32>,
      %mul3A_544 = arith.mulf %gather3A_535, %get3A_539 : vector<16xf32>
      %jit3A_545 = arith.constant 0.000000e+00 : f32
      %broadcast_in_dim3A_546 = vector.broadcast %jit3A_545 : f32 to vector<16xf32>
      %select_n3A_547 = arith.select %and3A_531, %mul3A_544, %broadcast_in_dim3A_546 : vector<16xi1>, vector<16xf32>
      %add3A_548 = arith.addf %get3A_543, %select_n3A_547 : vector<16xf32>
      %mul3A_549 = arith.constant 16 : i32
      %mul3A_550 = arith.muli %add3A_517, %mul3A_549 : i32
      %swap3A_551 = arith.index_cast %mul3A_550 : i32 to index
      %swap3A_552 = tpu.vector_load %arg9[%swap3A_551] {strides = array<i32>} : memref<16384xf32, #tpu.memory_space<vmem>>, vector<16xf32>,
      tpu.vector_store %arg9[%swap3A_551], %add3A_548 {strides = array<i32>} : memref<16384xf32, #tpu.memory_space<vmem>>, vector<16xf32>,
      %mul3A_553 = arith.constant 8 : i32
      %mul3A_554 = arith.muli %scan3A_327, %mul3A_553 : i32
      %add3A_555 = arith.constant 6 : i32
      %add3A_556 = arith.addi %mul3A_554, %add3A_555 : i32
      %mul3A_557 = arith.constant 16 : i32
      %mul3A_558 = arith.muli %add3A_556, %mul3A_557 : i32
      %get3A_559 = arith.index_cast %mul3A_558 : i32 to index
      %get3A_560 = tpu.vector_load %arg7[%get3A_559] {strides = array<i32>} : memref<16384xi32, #tpu.memory_space<vmem>>, vector<16xi32>,
      %sub3A_561 = arith.constant 0 : i32
      %sub3A_562 = vector.broadcast %sub3A_561 : i32 to vector<16xi32>
      %sub3A_563 = arith.subi %get3A_560, %sub3A_562 : vector<16xi32>
      %ge3A_564 = arith.constant 0 : i32
      %ge3A_565 = vector.broadcast %ge3A_564 : i32 to vector<16xi32>
      %ge3A_566 = arith.cmpi sge, %sub3A_563, %ge3A_565 : vector<16xi32>
      %lt3A_567 = arith.constant 40448 : i32
      %lt3A_568 = vector.broadcast %lt3A_567 : i32 to vector<16xi32>
      %lt3A_569 = arith.cmpi slt, %sub3A_563, %lt3A_568 : vector<16xi32>
      %and3A_570 = arith.andi %ge3A_566, %lt3A_569 : vector<16xi1>
      %jit3A_571 = arith.constant 0 : i32
      %broadcast_in_dim3A_572 = vector.broadcast %jit3A_571 : i32 to vector<16xi32>
      %select_n3A_573 = arith.select %and3A_570, %sub3A_563, %broadcast_in_dim3A_572 : vector<16xi1>, vector<16xi32>
      %gather3A_574 = tpu.vector_load_idx %arg10[%select_n3A_573] : memref<40448xf32, #tpu.memory_space<vmem>>[vector<16xi32>], vector<16xf32>,
      %mul3A_575 = arith.constant 16 : i32
      %mul3A_576 = arith.muli %add3A_556, %mul3A_575 : i32
      %get3A_577 = arith.index_cast %mul3A_576 : i32 to index
      %get3A_578 = tpu.vector_load %arg8[%get3A_577] {strides = array<i32>} : memref<16384xf32, #tpu.memory_space<vmem>>, vector<16xf32>,
      %mul3A_579 = arith.constant 16 : i32
      %mul3A_580 = arith.muli %add3A_556, %mul3A_579 : i32
      %get3A_581 = arith.index_cast %mul3A_580 : i32 to index
      %get3A_582 = tpu.vector_load %arg9[%get3A_581] {strides = array<i32>} : memref<16384xf32, #tpu.memory_space<vmem>>, vector<16xf32>,
      %mul3A_583 = arith.mulf %gather3A_574, %get3A_578 : vector<16xf32>
      %jit3A_584 = arith.constant 0.000000e+00 : f32
      %broadcast_in_dim3A_585 = vector.broadcast %jit3A_584 : f32 to vector<16xf32>
      %select_n3A_586 = arith.select %and3A_570, %mul3A_583, %broadcast_in_dim3A_585 : vector<16xi1>, vector<16xf32>
      %add3A_587 = arith.addf %get3A_582, %select_n3A_586 : vector<16xf32>
      %mul3A_588 = arith.constant 16 : i32
      %mul3A_589 = arith.muli %add3A_556, %mul3A_588 : i32
      %swap3A_590 = arith.index_cast %mul3A_589 : i32 to index
      %swap3A_591 = tpu.vector_load %arg9[%swap3A_590] {strides = array<i32>} : memref<16384xf32, #tpu.memory_space<vmem>>, vector<16xf32>,
      tpu.vector_store %arg9[%swap3A_590], %add3A_587 {strides = array<i32>} : memref<16384xf32, #tpu.memory_space<vmem>>, vector<16xf32>,
      %mul3A_592 = arith.constant 8 : i32
      %mul3A_593 = arith.muli %scan3A_327, %mul3A_592 : i32
      %add3A_594 = arith.constant 7 : i32
      %add3A_595 = arith.addi %mul3A_593, %add3A_594 : i32
      %mul3A_596 = arith.constant 16 : i32
      %mul3A_597 = arith.muli %add3A_595, %mul3A_596 : i32
      %get3A_598 = arith.index_cast %mul3A_597 : i32 to index
      %get3A_599 = tpu.vector_load %arg7[%get3A_598] {strides = array<i32>} : memref<16384xi32, #tpu.memory_space<vmem>>, vector<16xi32>,
      %sub3A_600 = arith.constant 0 : i32
      %sub3A_601 = vector.broadcast %sub3A_600 : i32 to vector<16xi32>
      %sub3A_602 = arith.subi %get3A_599, %sub3A_601 : vector<16xi32>
      %ge3A_603 = arith.constant 0 : i32
      %ge3A_604 = vector.broadcast %ge3A_603 : i32 to vector<16xi32>
      %ge3A_605 = arith.cmpi sge, %sub3A_602, %ge3A_604 : vector<16xi32>
      %lt3A_606 = arith.constant 40448 : i32
      %lt3A_607 = vector.broadcast %lt3A_606 : i32 to vector<16xi32>
      %lt3A_608 = arith.cmpi slt, %sub3A_602, %lt3A_607 : vector<16xi32>
      %and3A_609 = arith.andi %ge3A_605, %lt3A_608 : vector<16xi1>
      %jit3A_610 = arith.constant 0 : i32
      %broadcast_in_dim3A_611 = vector.broadcast %jit3A_610 : i32 to vector<16xi32>
      %select_n3A_612 = arith.select %and3A_609, %sub3A_602, %broadcast_in_dim3A_611 : vector<16xi1>, vector<16xi32>
      %gather3A_613 = tpu.vector_load_idx %arg10[%select_n3A_612] : memref<40448xf32, #tpu.memory_space<vmem>>[vector<16xi32>], vector<16xf32>,
      %mul3A_614 = arith.constant 16 : i32
      %mul3A_615 = arith.muli %add3A_595, %mul3A_614 : i32
      %get3A_616 = arith.index_cast %mul3A_615 : i32 to index
      %get3A_617 = tpu.vector_load %arg8[%get3A_616] {strides = array<i32>} : memref<16384xf32, #tpu.memory_space<vmem>>, vector<16xf32>,
      %mul3A_618 = arith.constant 16 : i32
      %mul3A_619 = arith.muli %add3A_595, %mul3A_618 : i32
      %get3A_620 = arith.index_cast %mul3A_619 : i32 to index
      %get3A_621 = tpu.vector_load %arg9[%get3A_620] {strides = array<i32>} : memref<16384xf32, #tpu.memory_space<vmem>>, vector<16xf32>,
      %mul3A_622 = arith.mulf %gather3A_613, %get3A_617 : vector<16xf32>
      %jit3A_623 = arith.constant 0.000000e+00 : f32
      %broadcast_in_dim3A_624 = vector.broadcast %jit3A_623 : f32 to vector<16xf32>
      %select_n3A_625 = arith.select %and3A_609, %mul3A_622, %broadcast_in_dim3A_624 : vector<16xi1>, vector<16xf32>
      %add3A_626 = arith.addf %get3A_621, %select_n3A_625 : vector<16xf32>
      %mul3A_627 = arith.constant 16 : i32
      %mul3A_628 = arith.muli %add3A_595, %mul3A_627 : i32
      %swap3A_629 = arith.index_cast %mul3A_628 : i32 to index
      %swap3A_630 = tpu.vector_load %arg9[%swap3A_629] {strides = array<i32>} : memref<16384xf32, #tpu.memory_space<vmem>>, vector<16xf32>,
      tpu.vector_store %arg9[%swap3A_629], %add3A_626 {strides = array<i32>} : memref<16384xf32, #tpu.memory_space<vmem>>, vector<16xf32>,
    }
    %scan3A_282 = arith.constant 128 : i32
    %dma_wait3A_283 = arith.constant 0 : i32
    %dma_wait3A_284 = tpu.memref_slice %arg11[%dma_wait3A_283] : memref<40448xf32, #tpu.memory_space<vmem>> -> memref<40448xf32, #tpu.memory_space<vmem>>
    %dma_wait3A_285 = arith.constant 40448 : i32
    %dma_wait3A_286 = tpu.memref_slice %arg5[%add3A_168, %dma_wait3A_285] : memref<64x100000xf32, #tpu.memory_space<hbm>> -> memref<1x40448xf32, #tpu.memory_space<hbm>>
    %dma_wait3A_287 = tpu.memref_squeeze %dma_wait3A_286 : memref<1x40448xf32, #tpu.memory_space<hbm>> -> memref<40448xf32, #tpu.memory_space<hbm>>
    %dma_wait3A_288 = arith.constant 0 : i32
    %dma_wait3A_289 = tpu.memref_slice %arg11[%dma_wait3A_288] : memref<40448xf32, #tpu.memory_space<vmem>> -> memref<40448xf32, #tpu.memory_space<vmem>>
    %dma_wait3A_290 = arith.constant 40448 : i32
    %dma_wait3A_291 = tpu.memref_slice %arg5[%add3A_168, %dma_wait3A_290] : memref<64x100000xf32, #tpu.memory_space<hbm>> -> memref<1x40448xf32, #tpu.memory_space<hbm>>
    %dma_wait3A_292 = tpu.memref_squeeze %dma_wait3A_291 : memref<1x40448xf32, #tpu.memory_space<hbm>> -> memref<40448xf32, #tpu.memory_space<hbm>>
    tpu.wait_dma2 semaphore(%arg13 : memref<!tpu.dma_semaphore, #tpu.memory_space<semaphore_mem>>) src(%dma_wait3A_292 : memref<40448xf32, #tpu.memory_space<hbm>>) dst(%dma_wait3A_289 : memref<40448xf32, #tpu.memory_space<vmem>>)
    %dma_start3A_293 = arith.constant 0 : i32
    %dma_start3A_294 = tpu.memref_slice %arg10[%dma_start3A_293] : memref<40448xf32, #tpu.memory_space<vmem>> -> memref<19104xf32, #tpu.memory_space<vmem>>
    %dma_start3A_295 = arith.constant 80896 : i32
    %dma_start3A_296 = tpu.memref_slice %arg5[%add3A_168, %dma_start3A_295] : memref<64x100000xf32, #tpu.memory_space<hbm>> -> memref<1x19104xf32, #tpu.memory_space<hbm>>
    %dma_start3A_297 = tpu.memref_squeeze %dma_start3A_296 : memref<1x19104xf32, #tpu.memory_space<hbm>> -> memref<19104xf32, #tpu.memory_space<hbm>>
    %dma_start3A_298 = arith.constant 0 : i32
    %dma_start3A_299 = tpu.memref_slice %arg10[%dma_start3A_298] : memref<40448xf32, #tpu.memory_space<vmem>> -> memref<19104xf32, #tpu.memory_space<vmem>>
    %dma_start3A_300 = arith.constant 80896 : i32
    %dma_start3A_301 = tpu.memref_slice %arg5[%add3A_168, %dma_start3A_300] : memref<64x100000xf32, #tpu.memory_space<hbm>> -> memref<1x19104xf32, #tpu.memory_space<hbm>>
    %dma_start3A_302 = tpu.memref_squeeze %dma_start3A_301 : memref<1x19104xf32, #tpu.memory_space<hbm>> -> memref<19104xf32, #tpu.memory_space<hbm>>
    tpu.enqueue_dma source(%dma_start3A_302 : memref<19104xf32, #tpu.memory_space<hbm>>) target(%dma_start3A_299 : memref<19104xf32, #tpu.memory_space<vmem>>) target_semaphore(%arg12 : memref<!tpu.dma_semaphore, #tpu.memory_space<semaphore_mem>>)
    %scan3A_303 = arith.constant 0 : i32
    %scan3A_304 = arith.constant 0 : i32
    %scan3A_305 = arith.constant 128 : i32
    %scan3A_306 = arith.addi %scan3A_304, %scan3A_305 : i32
    %scan3A_307 = arith.constant 1 : i32
    scf.for %scan3A_327 = %scan3A_304 to %scan3A_306 step %scan3A_307  : i32 {
      %mul3A_328 = arith.constant 8 : i32
      %mul3A_329 = arith.muli %scan3A_327, %mul3A_328 : i32
      %add3A_330 = arith.constant 0 : i32
      %add3A_331 = arith.addi %mul3A_329, %add3A_330 : i32
      %mul3A_332 = arith.constant 16 : i32
      %mul3A_333 = arith.muli %add3A_331, %mul3A_332 : i32
      %get3A = arith.index_cast %mul3A_333 : i32 to index
      %get3A_334 = tpu.vector_load %arg7[%get3A] {strides = array<i32>} : memref<16384xi32, #tpu.memory_space<vmem>>, vector<16xi32>,
      %sub3A = arith.constant 40448 : i32
      %sub3A_335 = vector.broadcast %sub3A : i32 to vector<16xi32>
      %sub3A_336 = arith.subi %get3A_334, %sub3A_335 : vector<16xi32>
      %ge3A = arith.constant 0 : i32
      %ge3A_337 = vector.broadcast %ge3A : i32 to vector<16xi32>
      %ge3A_338 = arith.cmpi sge, %sub3A_336, %ge3A_337 : vector<16xi32>
      %lt3A = arith.constant 40448 : i32
      %lt3A_339 = vector.broadcast %lt3A : i32 to vector<16xi32>
      %lt3A_340 = arith.cmpi slt, %sub3A_336, %lt3A_339 : vector<16xi32>
      %and3A = arith.andi %ge3A_338, %lt3A_340 : vector<16xi1>
      %jit3A = arith.constant 0 : i32
      %broadcast_in_dim3A_341 = vector.broadcast %jit3A : i32 to vector<16xi32>
      %select_n3A = arith.select %and3A, %sub3A_336, %broadcast_in_dim3A_341 : vector<16xi1>, vector<16xi32>
      %gather3A = tpu.vector_load_idx %arg11[%select_n3A] : memref<40448xf32, #tpu.memory_space<vmem>>[vector<16xi32>], vector<16xf32>,
      %mul3A_342 = arith.constant 16 : i32
      %mul3A_343 = arith.muli %add3A_331, %mul3A_342 : i32
      %get3A_344 = arith.index_cast %mul3A_343 : i32 to index
      %get3A_345 = tpu.vector_load %arg8[%get3A_344] {strides = array<i32>} : memref<16384xf32, #tpu.memory_space<vmem>>, vector<16xf32>,
      %mul3A_346 = arith.constant 16 : i32
      %mul3A_347 = arith.muli %add3A_331, %mul3A_346 : i32
      %get3A_348 = arith.index_cast %mul3A_347 : i32 to index
      %get3A_349 = tpu.vector_load %arg9[%get3A_348] {strides = array<i32>} : memref<16384xf32, #tpu.memory_space<vmem>>, vector<16xf32>,
      %mul3A_350 = arith.mulf %gather3A, %get3A_345 : vector<16xf32>
      %jit3A_351 = arith.constant 0.000000e+00 : f32
      %broadcast_in_dim3A_352 = vector.broadcast %jit3A_351 : f32 to vector<16xf32>
      %select_n3A_353 = arith.select %and3A, %mul3A_350, %broadcast_in_dim3A_352 : vector<16xi1>, vector<16xf32>
      %add3A_354 = arith.addf %get3A_349, %select_n3A_353 : vector<16xf32>
      %mul3A_355 = arith.constant 16 : i32
      %mul3A_356 = arith.muli %add3A_331, %mul3A_355 : i32
      %swap3A = arith.index_cast %mul3A_356 : i32 to index
      %swap3A_357 = tpu.vector_load %arg9[%swap3A] {strides = array<i32>} : memref<16384xf32, #tpu.memory_space<vmem>>, vector<16xf32>,
      tpu.vector_store %arg9[%swap3A], %add3A_354 {strides = array<i32>} : memref<16384xf32, #tpu.memory_space<vmem>>, vector<16xf32>,
      %mul3A_358 = arith.constant 8 : i32
      %mul3A_359 = arith.muli %scan3A_327, %mul3A_358 : i32
      %add3A_360 = arith.constant 1 : i32
      %add3A_361 = arith.addi %mul3A_359, %add3A_360 : i32
      %mul3A_362 = arith.constant 16 : i32
      %mul3A_363 = arith.muli %add3A_361, %mul3A_362 : i32
      %get3A_364 = arith.index_cast %mul3A_363 : i32 to index
      %get3A_365 = tpu.vector_load %arg7[%get3A_364] {strides = array<i32>} : memref<16384xi32, #tpu.memory_space<vmem>>, vector<16xi32>,
      %sub3A_366 = arith.constant 40448 : i32
      %sub3A_367 = vector.broadcast %sub3A_366 : i32 to vector<16xi32>
      %sub3A_368 = arith.subi %get3A_365, %sub3A_367 : vector<16xi32>
      %ge3A_369 = arith.constant 0 : i32
      %ge3A_370 = vector.broadcast %ge3A_369 : i32 to vector<16xi32>
      %ge3A_371 = arith.cmpi sge, %sub3A_368, %ge3A_370 : vector<16xi32>
      %lt3A_372 = arith.constant 40448 : i32
      %lt3A_373 = vector.broadcast %lt3A_372 : i32 to vector<16xi32>
      %lt3A_374 = arith.cmpi slt, %sub3A_368, %lt3A_373 : vector<16xi32>
      %and3A_375 = arith.andi %ge3A_371, %lt3A_374 : vector<16xi1>
      %jit3A_376 = arith.constant 0 : i32
      %broadcast_in_dim3A_377 = vector.broadcast %jit3A_376 : i32 to vector<16xi32>
      %select_n3A_378 = arith.select %and3A_375, %sub3A_368, %broadcast_in_dim3A_377 : vector<16xi1>, vector<16xi32>
      %gather3A_379 = tpu.vector_load_idx %arg11[%select_n3A_378] : memref<40448xf32, #tpu.memory_space<vmem>>[vector<16xi32>], vector<16xf32>,
      %mul3A_380 = arith.constant 16 : i32
      %mul3A_381 = arith.muli %add3A_361, %mul3A_380 : i32
      %get3A_382 = arith.index_cast %mul3A_381 : i32 to index
      %get3A_383 = tpu.vector_load %arg8[%get3A_382] {strides = array<i32>} : memref<16384xf32, #tpu.memory_space<vmem>>, vector<16xf32>,
      %mul3A_384 = arith.constant 16 : i32
      %mul3A_385 = arith.muli %add3A_361, %mul3A_384 : i32
      %get3A_386 = arith.index_cast %mul3A_385 : i32 to index
      %get3A_387 = tpu.vector_load %arg9[%get3A_386] {strides = array<i32>} : memref<16384xf32, #tpu.memory_space<vmem>>, vector<16xf32>,
      %mul3A_388 = arith.mulf %gather3A_379, %get3A_383 : vector<16xf32>
      %jit3A_389 = arith.constant 0.000000e+00 : f32
      %broadcast_in_dim3A_390 = vector.broadcast %jit3A_389 : f32 to vector<16xf32>
      %select_n3A_391 = arith.select %and3A_375, %mul3A_388, %broadcast_in_dim3A_390 : vector<16xi1>, vector<16xf32>
      %add3A_392 = arith.addf %get3A_387, %select_n3A_391 : vector<16xf32>
      %mul3A_393 = arith.constant 16 : i32
      %mul3A_394 = arith.muli %add3A_361, %mul3A_393 : i32
      %swap3A_395 = arith.index_cast %mul3A_394 : i32 to index
      %swap3A_396 = tpu.vector_load %arg9[%swap3A_395] {strides = array<i32>} : memref<16384xf32, #tpu.memory_space<vmem>>, vector<16xf32>,
      tpu.vector_store %arg9[%swap3A_395], %add3A_392 {strides = array<i32>} : memref<16384xf32, #tpu.memory_space<vmem>>, vector<16xf32>,
      %mul3A_397 = arith.constant 8 : i32
      %mul3A_398 = arith.muli %scan3A_327, %mul3A_397 : i32
      %add3A_399 = arith.constant 2 : i32
      %add3A_400 = arith.addi %mul3A_398, %add3A_399 : i32
      %mul3A_401 = arith.constant 16 : i32
      %mul3A_402 = arith.muli %add3A_400, %mul3A_401 : i32
      %get3A_403 = arith.index_cast %mul3A_402 : i32 to index
      %get3A_404 = tpu.vector_load %arg7[%get3A_403] {strides = array<i32>} : memref<16384xi32, #tpu.memory_space<vmem>>, vector<16xi32>,
      %sub3A_405 = arith.constant 40448 : i32
      %sub3A_406 = vector.broadcast %sub3A_405 : i32 to vector<16xi32>
      %sub3A_407 = arith.subi %get3A_404, %sub3A_406 : vector<16xi32>
      %ge3A_408 = arith.constant 0 : i32
      %ge3A_409 = vector.broadcast %ge3A_408 : i32 to vector<16xi32>
      %ge3A_410 = arith.cmpi sge, %sub3A_407, %ge3A_409 : vector<16xi32>
      %lt3A_411 = arith.constant 40448 : i32
      %lt3A_412 = vector.broadcast %lt3A_411 : i32 to vector<16xi32>
      %lt3A_413 = arith.cmpi slt, %sub3A_407, %lt3A_412 : vector<16xi32>
      %and3A_414 = arith.andi %ge3A_410, %lt3A_413 : vector<16xi1>
      %jit3A_415 = arith.constant 0 : i32
      %broadcast_in_dim3A_416 = vector.broadcast %jit3A_415 : i32 to vector<16xi32>
      %select_n3A_417 = arith.select %and3A_414, %sub3A_407, %broadcast_in_dim3A_416 : vector<16xi1>, vector<16xi32>
      %gather3A_418 = tpu.vector_load_idx %arg11[%select_n3A_417] : memref<40448xf32, #tpu.memory_space<vmem>>[vector<16xi32>], vector<16xf32>,
      %mul3A_419 = arith.constant 16 : i32
      %mul3A_420 = arith.muli %add3A_400, %mul3A_419 : i32
      %get3A_421 = arith.index_cast %mul3A_420 : i32 to index
      %get3A_422 = tpu.vector_load %arg8[%get3A_421] {strides = array<i32>} : memref<16384xf32, #tpu.memory_space<vmem>>, vector<16xf32>,
      %mul3A_423 = arith.constant 16 : i32
      %mul3A_424 = arith.muli %add3A_400, %mul3A_423 : i32
      %get3A_425 = arith.index_cast %mul3A_424 : i32 to index
      %get3A_426 = tpu.vector_load %arg9[%get3A_425] {strides = array<i32>} : memref<16384xf32, #tpu.memory_space<vmem>>, vector<16xf32>,
      %mul3A_427 = arith.mulf %gather3A_418, %get3A_422 : vector<16xf32>
      %jit3A_428 = arith.constant 0.000000e+00 : f32
      %broadcast_in_dim3A_429 = vector.broadcast %jit3A_428 : f32 to vector<16xf32>
      %select_n3A_430 = arith.select %and3A_414, %mul3A_427, %broadcast_in_dim3A_429 : vector<16xi1>, vector<16xf32>
      %add3A_431 = arith.addf %get3A_426, %select_n3A_430 : vector<16xf32>
      %mul3A_432 = arith.constant 16 : i32
      %mul3A_433 = arith.muli %add3A_400, %mul3A_432 : i32
      %swap3A_434 = arith.index_cast %mul3A_433 : i32 to index
      %swap3A_435 = tpu.vector_load %arg9[%swap3A_434] {strides = array<i32>} : memref<16384xf32, #tpu.memory_space<vmem>>, vector<16xf32>,
      tpu.vector_store %arg9[%swap3A_434], %add3A_431 {strides = array<i32>} : memref<16384xf32, #tpu.memory_space<vmem>>, vector<16xf32>,
      %mul3A_436 = arith.constant 8 : i32
      %mul3A_437 = arith.muli %scan3A_327, %mul3A_436 : i32
      %add3A_438 = arith.constant 3 : i32
      %add3A_439 = arith.addi %mul3A_437, %add3A_438 : i32
      %mul3A_440 = arith.constant 16 : i32
      %mul3A_441 = arith.muli %add3A_439, %mul3A_440 : i32
      %get3A_442 = arith.index_cast %mul3A_441 : i32 to index
      %get3A_443 = tpu.vector_load %arg7[%get3A_442] {strides = array<i32>} : memref<16384xi32, #tpu.memory_space<vmem>>, vector<16xi32>,
      %sub3A_444 = arith.constant 40448 : i32
      %sub3A_445 = vector.broadcast %sub3A_444 : i32 to vector<16xi32>
      %sub3A_446 = arith.subi %get3A_443, %sub3A_445 : vector<16xi32>
      %ge3A_447 = arith.constant 0 : i32
      %ge3A_448 = vector.broadcast %ge3A_447 : i32 to vector<16xi32>
      %ge3A_449 = arith.cmpi sge, %sub3A_446, %ge3A_448 : vector<16xi32>
      %lt3A_450 = arith.constant 40448 : i32
      %lt3A_451 = vector.broadcast %lt3A_450 : i32 to vector<16xi32>
      %lt3A_452 = arith.cmpi slt, %sub3A_446, %lt3A_451 : vector<16xi32>
      %and3A_453 = arith.andi %ge3A_449, %lt3A_452 : vector<16xi1>
      %jit3A_454 = arith.constant 0 : i32
      %broadcast_in_dim3A_455 = vector.broadcast %jit3A_454 : i32 to vector<16xi32>
      %select_n3A_456 = arith.select %and3A_453, %sub3A_446, %broadcast_in_dim3A_455 : vector<16xi1>, vector<16xi32>
      %gather3A_457 = tpu.vector_load_idx %arg11[%select_n3A_456] : memref<40448xf32, #tpu.memory_space<vmem>>[vector<16xi32>], vector<16xf32>,
      %mul3A_458 = arith.constant 16 : i32
      %mul3A_459 = arith.muli %add3A_439, %mul3A_458 : i32
      %get3A_460 = arith.index_cast %mul3A_459 : i32 to index
      %get3A_461 = tpu.vector_load %arg8[%get3A_460] {strides = array<i32>} : memref<16384xf32, #tpu.memory_space<vmem>>, vector<16xf32>,
      %mul3A_462 = arith.constant 16 : i32
      %mul3A_463 = arith.muli %add3A_439, %mul3A_462 : i32
      %get3A_464 = arith.index_cast %mul3A_463 : i32 to index
      %get3A_465 = tpu.vector_load %arg9[%get3A_464] {strides = array<i32>} : memref<16384xf32, #tpu.memory_space<vmem>>, vector<16xf32>,
      %mul3A_466 = arith.mulf %gather3A_457, %get3A_461 : vector<16xf32>
      %jit3A_467 = arith.constant 0.000000e+00 : f32
      %broadcast_in_dim3A_468 = vector.broadcast %jit3A_467 : f32 to vector<16xf32>
      %select_n3A_469 = arith.select %and3A_453, %mul3A_466, %broadcast_in_dim3A_468 : vector<16xi1>, vector<16xf32>
      %add3A_470 = arith.addf %get3A_465, %select_n3A_469 : vector<16xf32>
      %mul3A_471 = arith.constant 16 : i32
      %mul3A_472 = arith.muli %add3A_439, %mul3A_471 : i32
      %swap3A_473 = arith.index_cast %mul3A_472 : i32 to index
      %swap3A_474 = tpu.vector_load %arg9[%swap3A_473] {strides = array<i32>} : memref<16384xf32, #tpu.memory_space<vmem>>, vector<16xf32>,
      tpu.vector_store %arg9[%swap3A_473], %add3A_470 {strides = array<i32>} : memref<16384xf32, #tpu.memory_space<vmem>>, vector<16xf32>,
      %mul3A_475 = arith.constant 8 : i32
      %mul3A_476 = arith.muli %scan3A_327, %mul3A_475 : i32
      %add3A_477 = arith.constant 4 : i32
      %add3A_478 = arith.addi %mul3A_476, %add3A_477 : i32
      %mul3A_479 = arith.constant 16 : i32
      %mul3A_480 = arith.muli %add3A_478, %mul3A_479 : i32
      %get3A_481 = arith.index_cast %mul3A_480 : i32 to index
      %get3A_482 = tpu.vector_load %arg7[%get3A_481] {strides = array<i32>} : memref<16384xi32, #tpu.memory_space<vmem>>, vector<16xi32>,
      %sub3A_483 = arith.constant 40448 : i32
      %sub3A_484 = vector.broadcast %sub3A_483 : i32 to vector<16xi32>
      %sub3A_485 = arith.subi %get3A_482, %sub3A_484 : vector<16xi32>
      %ge3A_486 = arith.constant 0 : i32
      %ge3A_487 = vector.broadcast %ge3A_486 : i32 to vector<16xi32>
      %ge3A_488 = arith.cmpi sge, %sub3A_485, %ge3A_487 : vector<16xi32>
      %lt3A_489 = arith.constant 40448 : i32
      %lt3A_490 = vector.broadcast %lt3A_489 : i32 to vector<16xi32>
      %lt3A_491 = arith.cmpi slt, %sub3A_485, %lt3A_490 : vector<16xi32>
      %and3A_492 = arith.andi %ge3A_488, %lt3A_491 : vector<16xi1>
      %jit3A_493 = arith.constant 0 : i32
      %broadcast_in_dim3A_494 = vector.broadcast %jit3A_493 : i32 to vector<16xi32>
      %select_n3A_495 = arith.select %and3A_492, %sub3A_485, %broadcast_in_dim3A_494 : vector<16xi1>, vector<16xi32>
      %gather3A_496 = tpu.vector_load_idx %arg11[%select_n3A_495] : memref<40448xf32, #tpu.memory_space<vmem>>[vector<16xi32>], vector<16xf32>,
      %mul3A_497 = arith.constant 16 : i32
      %mul3A_498 = arith.muli %add3A_478, %mul3A_497 : i32
      %get3A_499 = arith.index_cast %mul3A_498 : i32 to index
      %get3A_500 = tpu.vector_load %arg8[%get3A_499] {strides = array<i32>} : memref<16384xf32, #tpu.memory_space<vmem>>, vector<16xf32>,
      %mul3A_501 = arith.constant 16 : i32
      %mul3A_502 = arith.muli %add3A_478, %mul3A_501 : i32
      %get3A_503 = arith.index_cast %mul3A_502 : i32 to index
      %get3A_504 = tpu.vector_load %arg9[%get3A_503] {strides = array<i32>} : memref<16384xf32, #tpu.memory_space<vmem>>, vector<16xf32>,
      %mul3A_505 = arith.mulf %gather3A_496, %get3A_500 : vector<16xf32>
      %jit3A_506 = arith.constant 0.000000e+00 : f32
      %broadcast_in_dim3A_507 = vector.broadcast %jit3A_506 : f32 to vector<16xf32>
      %select_n3A_508 = arith.select %and3A_492, %mul3A_505, %broadcast_in_dim3A_507 : vector<16xi1>, vector<16xf32>
      %add3A_509 = arith.addf %get3A_504, %select_n3A_508 : vector<16xf32>
      %mul3A_510 = arith.constant 16 : i32
      %mul3A_511 = arith.muli %add3A_478, %mul3A_510 : i32
      %swap3A_512 = arith.index_cast %mul3A_511 : i32 to index
      %swap3A_513 = tpu.vector_load %arg9[%swap3A_512] {strides = array<i32>} : memref<16384xf32, #tpu.memory_space<vmem>>, vector<16xf32>,
      tpu.vector_store %arg9[%swap3A_512], %add3A_509 {strides = array<i32>} : memref<16384xf32, #tpu.memory_space<vmem>>, vector<16xf32>,
      %mul3A_514 = arith.constant 8 : i32
      %mul3A_515 = arith.muli %scan3A_327, %mul3A_514 : i32
      %add3A_516 = arith.constant 5 : i32
      %add3A_517 = arith.addi %mul3A_515, %add3A_516 : i32
      %mul3A_518 = arith.constant 16 : i32
      %mul3A_519 = arith.muli %add3A_517, %mul3A_518 : i32
      %get3A_520 = arith.index_cast %mul3A_519 : i32 to index
      %get3A_521 = tpu.vector_load %arg7[%get3A_520] {strides = array<i32>} : memref<16384xi32, #tpu.memory_space<vmem>>, vector<16xi32>,
      %sub3A_522 = arith.constant 40448 : i32
      %sub3A_523 = vector.broadcast %sub3A_522 : i32 to vector<16xi32>
      %sub3A_524 = arith.subi %get3A_521, %sub3A_523 : vector<16xi32>
      %ge3A_525 = arith.constant 0 : i32
      %ge3A_526 = vector.broadcast %ge3A_525 : i32 to vector<16xi32>
      %ge3A_527 = arith.cmpi sge, %sub3A_524, %ge3A_526 : vector<16xi32>
      %lt3A_528 = arith.constant 40448 : i32
      %lt3A_529 = vector.broadcast %lt3A_528 : i32 to vector<16xi32>
      %lt3A_530 = arith.cmpi slt, %sub3A_524, %lt3A_529 : vector<16xi32>
      %and3A_531 = arith.andi %ge3A_527, %lt3A_530 : vector<16xi1>
      %jit3A_532 = arith.constant 0 : i32
      %broadcast_in_dim3A_533 = vector.broadcast %jit3A_532 : i32 to vector<16xi32>
      %select_n3A_534 = arith.select %and3A_531, %sub3A_524, %broadcast_in_dim3A_533 : vector<16xi1>, vector<16xi32>
      %gather3A_535 = tpu.vector_load_idx %arg11[%select_n3A_534] : memref<40448xf32, #tpu.memory_space<vmem>>[vector<16xi32>], vector<16xf32>,
      %mul3A_536 = arith.constant 16 : i32
      %mul3A_537 = arith.muli %add3A_517, %mul3A_536 : i32
      %get3A_538 = arith.index_cast %mul3A_537 : i32 to index
      %get3A_539 = tpu.vector_load %arg8[%get3A_538] {strides = array<i32>} : memref<16384xf32, #tpu.memory_space<vmem>>, vector<16xf32>,
      %mul3A_540 = arith.constant 16 : i32
      %mul3A_541 = arith.muli %add3A_517, %mul3A_540 : i32
      %get3A_542 = arith.index_cast %mul3A_541 : i32 to index
      %get3A_543 = tpu.vector_load %arg9[%get3A_542] {strides = array<i32>} : memref<16384xf32, #tpu.memory_space<vmem>>, vector<16xf32>,
      %mul3A_544 = arith.mulf %gather3A_535, %get3A_539 : vector<16xf32>
      %jit3A_545 = arith.constant 0.000000e+00 : f32
      %broadcast_in_dim3A_546 = vector.broadcast %jit3A_545 : f32 to vector<16xf32>
      %select_n3A_547 = arith.select %and3A_531, %mul3A_544, %broadcast_in_dim3A_546 : vector<16xi1>, vector<16xf32>
      %add3A_548 = arith.addf %get3A_543, %select_n3A_547 : vector<16xf32>
      %mul3A_549 = arith.constant 16 : i32
      %mul3A_550 = arith.muli %add3A_517, %mul3A_549 : i32
      %swap3A_551 = arith.index_cast %mul3A_550 : i32 to index
      %swap3A_552 = tpu.vector_load %arg9[%swap3A_551] {strides = array<i32>} : memref<16384xf32, #tpu.memory_space<vmem>>, vector<16xf32>,
      tpu.vector_store %arg9[%swap3A_551], %add3A_548 {strides = array<i32>} : memref<16384xf32, #tpu.memory_space<vmem>>, vector<16xf32>,
      %mul3A_553 = arith.constant 8 : i32
      %mul3A_554 = arith.muli %scan3A_327, %mul3A_553 : i32
      %add3A_555 = arith.constant 6 : i32
      %add3A_556 = arith.addi %mul3A_554, %add3A_555 : i32
      %mul3A_557 = arith.constant 16 : i32
      %mul3A_558 = arith.muli %add3A_556, %mul3A_557 : i32
      %get3A_559 = arith.index_cast %mul3A_558 : i32 to index
      %get3A_560 = tpu.vector_load %arg7[%get3A_559] {strides = array<i32>} : memref<16384xi32, #tpu.memory_space<vmem>>, vector<16xi32>,
      %sub3A_561 = arith.constant 40448 : i32
      %sub3A_562 = vector.broadcast %sub3A_561 : i32 to vector<16xi32>
      %sub3A_563 = arith.subi %get3A_560, %sub3A_562 : vector<16xi32>
      %ge3A_564 = arith.constant 0 : i32
      %ge3A_565 = vector.broadcast %ge3A_564 : i32 to vector<16xi32>
      %ge3A_566 = arith.cmpi sge, %sub3A_563, %ge3A_565 : vector<16xi32>
      %lt3A_567 = arith.constant 40448 : i32
      %lt3A_568 = vector.broadcast %lt3A_567 : i32 to vector<16xi32>
      %lt3A_569 = arith.cmpi slt, %sub3A_563, %lt3A_568 : vector<16xi32>
      %and3A_570 = arith.andi %ge3A_566, %lt3A_569 : vector<16xi1>
      %jit3A_571 = arith.constant 0 : i32
      %broadcast_in_dim3A_572 = vector.broadcast %jit3A_571 : i32 to vector<16xi32>
      %select_n3A_573 = arith.select %and3A_570, %sub3A_563, %broadcast_in_dim3A_572 : vector<16xi1>, vector<16xi32>
      %gather3A_574 = tpu.vector_load_idx %arg11[%select_n3A_573] : memref<40448xf32, #tpu.memory_space<vmem>>[vector<16xi32>], vector<16xf32>,
      %mul3A_575 = arith.constant 16 : i32
      %mul3A_576 = arith.muli %add3A_556, %mul3A_575 : i32
      %get3A_577 = arith.index_cast %mul3A_576 : i32 to index
      %get3A_578 = tpu.vector_load %arg8[%get3A_577] {strides = array<i32>} : memref<16384xf32, #tpu.memory_space<vmem>>, vector<16xf32>,
      %mul3A_579 = arith.constant 16 : i32
      %mul3A_580 = arith.muli %add3A_556, %mul3A_579 : i32
      %get3A_581 = arith.index_cast %mul3A_580 : i32 to index
      %get3A_582 = tpu.vector_load %arg9[%get3A_581] {strides = array<i32>} : memref<16384xf32, #tpu.memory_space<vmem>>, vector<16xf32>,
      %mul3A_583 = arith.mulf %gather3A_574, %get3A_578 : vector<16xf32>
      %jit3A_584 = arith.constant 0.000000e+00 : f32
      %broadcast_in_dim3A_585 = vector.broadcast %jit3A_584 : f32 to vector<16xf32>
      %select_n3A_586 = arith.select %and3A_570, %mul3A_583, %broadcast_in_dim3A_585 : vector<16xi1>, vector<16xf32>
      %add3A_587 = arith.addf %get3A_582, %select_n3A_586 : vector<16xf32>
      %mul3A_588 = arith.constant 16 : i32
      %mul3A_589 = arith.muli %add3A_556, %mul3A_588 : i32
      %swap3A_590 = arith.index_cast %mul3A_589 : i32 to index
      %swap3A_591 = tpu.vector_load %arg9[%swap3A_590] {strides = array<i32>} : memref<16384xf32, #tpu.memory_space<vmem>>, vector<16xf32>,
      tpu.vector_store %arg9[%swap3A_590], %add3A_587 {strides = array<i32>} : memref<16384xf32, #tpu.memory_space<vmem>>, vector<16xf32>,
      %mul3A_592 = arith.constant 8 : i32
      %mul3A_593 = arith.muli %scan3A_327, %mul3A_592 : i32
      %add3A_594 = arith.constant 7 : i32
      %add3A_595 = arith.addi %mul3A_593, %add3A_594 : i32
      %mul3A_596 = arith.constant 16 : i32
      %mul3A_597 = arith.muli %add3A_595, %mul3A_596 : i32
      %get3A_598 = arith.index_cast %mul3A_597 : i32 to index
      %get3A_599 = tpu.vector_load %arg7[%get3A_598] {strides = array<i32>} : memref<16384xi32, #tpu.memory_space<vmem>>, vector<16xi32>,
      %sub3A_600 = arith.constant 40448 : i32
      %sub3A_601 = vector.broadcast %sub3A_600 : i32 to vector<16xi32>
      %sub3A_602 = arith.subi %get3A_599, %sub3A_601 : vector<16xi32>
      %ge3A_603 = arith.constant 0 : i32
      %ge3A_604 = vector.broadcast %ge3A_603 : i32 to vector<16xi32>
      %ge3A_605 = arith.cmpi sge, %sub3A_602, %ge3A_604 : vector<16xi32>
      %lt3A_606 = arith.constant 40448 : i32
      %lt3A_607 = vector.broadcast %lt3A_606 : i32 to vector<16xi32>
      %lt3A_608 = arith.cmpi slt, %sub3A_602, %lt3A_607 : vector<16xi32>
      %and3A_609 = arith.andi %ge3A_605, %lt3A_608 : vector<16xi1>
      %jit3A_610 = arith.constant 0 : i32
      %broadcast_in_dim3A_611 = vector.broadcast %jit3A_610 : i32 to vector<16xi32>
      %select_n3A_612 = arith.select %and3A_609, %sub3A_602, %broadcast_in_dim3A_611 : vector<16xi1>, vector<16xi32>
      %gather3A_613 = tpu.vector_load_idx %arg11[%select_n3A_612] : memref<40448xf32, #tpu.memory_space<vmem>>[vector<16xi32>], vector<16xf32>,
      %mul3A_614 = arith.constant 16 : i32
      %mul3A_615 = arith.muli %add3A_595, %mul3A_614 : i32
      %get3A_616 = arith.index_cast %mul3A_615 : i32 to index
      %get3A_617 = tpu.vector_load %arg8[%get3A_616] {strides = array<i32>} : memref<16384xf32, #tpu.memory_space<vmem>>, vector<16xf32>,
      %mul3A_618 = arith.constant 16 : i32
      %mul3A_619 = arith.muli %add3A_595, %mul3A_618 : i32
      %get3A_620 = arith.index_cast %mul3A_619 : i32 to index
      %get3A_621 = tpu.vector_load %arg9[%get3A_620] {strides = array<i32>} : memref<16384xf32, #tpu.memory_space<vmem>>, vector<16xf32>,
      %mul3A_622 = arith.mulf %gather3A_613, %get3A_617 : vector<16xf32>
      %jit3A_623 = arith.constant 0.000000e+00 : f32
      %broadcast_in_dim3A_624 = vector.broadcast %jit3A_623 : f32 to vector<16xf32>
      %select_n3A_625 = arith.select %and3A_609, %mul3A_622, %broadcast_in_dim3A_624 : vector<16xi1>, vector<16xf32>
      %add3A_626 = arith.addf %get3A_621, %select_n3A_625 : vector<16xf32>
      %mul3A_627 = arith.constant 16 : i32
      %mul3A_628 = arith.muli %add3A_595, %mul3A_627 : i32
      %swap3A_629 = arith.index_cast %mul3A_628 : i32 to index
      %swap3A_630 = tpu.vector_load %arg9[%swap3A_629] {strides = array<i32>} : memref<16384xf32, #tpu.memory_space<vmem>>, vector<16xf32>,
      tpu.vector_store %arg9[%swap3A_629], %add3A_626 {strides = array<i32>} : memref<16384xf32, #tpu.memory_space<vmem>>, vector<16xf32>,
    }
    %scan3A_308 = arith.constant 128 : i32
    %dma_wait3A_309 = arith.constant 0 : i32
    %dma_wait3A_310 = tpu.memref_slice %arg10[%dma_wait3A_309] : memref<40448xf32, #tpu.memory_space<vmem>> -> memref<19104xf32, #tpu.memory_space<vmem>>
    %dma_wait3A_311 = arith.constant 80896 : i32
    %dma_wait3A_312 = tpu.memref_slice %arg5[%add3A_168, %dma_wait3A_311] : memref<64x100000xf32, #tpu.memory_space<hbm>> -> memref<1x19104xf32, #tpu.memory_space<hbm>>
    %dma_wait3A_313 = tpu.memref_squeeze %dma_wait3A_312 : memref<1x19104xf32, #tpu.memory_space<hbm>> -> memref<19104xf32, #tpu.memory_space<hbm>>
    %dma_wait3A_314 = arith.constant 0 : i32
    %dma_wait3A_315 = tpu.memref_slice %arg10[%dma_wait3A_314] : memref<40448xf32, #tpu.memory_space<vmem>> -> memref<19104xf32, #tpu.memory_space<vmem>>
    %dma_wait3A_316 = arith.constant 80896 : i32
    %dma_wait3A_317 = tpu.memref_slice %arg5[%add3A_168, %dma_wait3A_316] : memref<64x100000xf32, #tpu.memory_space<hbm>> -> memref<1x19104xf32, #tpu.memory_space<hbm>>
    %dma_wait3A_318 = tpu.memref_squeeze %dma_wait3A_317 : memref<1x19104xf32, #tpu.memory_space<hbm>> -> memref<19104xf32, #tpu.memory_space<hbm>>
    tpu.wait_dma2 semaphore(%arg12 : memref<!tpu.dma_semaphore, #tpu.memory_space<semaphore_mem>>) src(%dma_wait3A_318 : memref<19104xf32, #tpu.memory_space<hbm>>) dst(%dma_wait3A_315 : memref<19104xf32, #tpu.memory_space<vmem>>)
    %scan3A_319 = arith.constant 0 : i32
    %scan3A_320 = arith.constant 0 : i32
    %scan3A_321 = arith.constant 128 : i32
    %scan3A_322 = arith.addi %scan3A_320, %scan3A_321 : i32
    %scan3A_323 = arith.constant 1 : i32
    scf.for %scan3A_327 = %scan3A_320 to %scan3A_322 step %scan3A_323  : i32 {
      %mul3A_328 = arith.constant 8 : i32
      %mul3A_329 = arith.muli %scan3A_327, %mul3A_328 : i32
      %add3A_330 = arith.constant 0 : i32
      %add3A_331 = arith.addi %mul3A_329, %add3A_330 : i32
      %mul3A_332 = arith.constant 16 : i32
      %mul3A_333 = arith.muli %add3A_331, %mul3A_332 : i32
      %get3A = arith.index_cast %mul3A_333 : i32 to index
      %get3A_334 = tpu.vector_load %arg7[%get3A] {strides = array<i32>} : memref<16384xi32, #tpu.memory_space<vmem>>, vector<16xi32>,
      %sub3A = arith.constant 80896 : i32
      %sub3A_335 = vector.broadcast %sub3A : i32 to vector<16xi32>
      %sub3A_336 = arith.subi %get3A_334, %sub3A_335 : vector<16xi32>
      %ge3A = arith.constant 0 : i32
      %ge3A_337 = vector.broadcast %ge3A : i32 to vector<16xi32>
      %ge3A_338 = arith.cmpi sge, %sub3A_336, %ge3A_337 : vector<16xi32>
      %lt3A = arith.constant 19104 : i32
      %lt3A_339 = vector.broadcast %lt3A : i32 to vector<16xi32>
      %lt3A_340 = arith.cmpi slt, %sub3A_336, %lt3A_339 : vector<16xi32>
      %and3A = arith.andi %ge3A_338, %lt3A_340 : vector<16xi1>
      %jit3A = arith.constant 0 : i32
      %broadcast_in_dim3A_341 = vector.broadcast %jit3A : i32 to vector<16xi32>
      %select_n3A = arith.select %and3A, %sub3A_336, %broadcast_in_dim3A_341 : vector<16xi1>, vector<16xi32>
      %gather3A = tpu.vector_load_idx %arg10[%select_n3A] : memref<40448xf32, #tpu.memory_space<vmem>>[vector<16xi32>], vector<16xf32>,
      %mul3A_342 = arith.constant 16 : i32
      %mul3A_343 = arith.muli %add3A_331, %mul3A_342 : i32
      %get3A_344 = arith.index_cast %mul3A_343 : i32 to index
      %get3A_345 = tpu.vector_load %arg8[%get3A_344] {strides = array<i32>} : memref<16384xf32, #tpu.memory_space<vmem>>, vector<16xf32>,
      %mul3A_346 = arith.constant 16 : i32
      %mul3A_347 = arith.muli %add3A_331, %mul3A_346 : i32
      %get3A_348 = arith.index_cast %mul3A_347 : i32 to index
      %get3A_349 = tpu.vector_load %arg9[%get3A_348] {strides = array<i32>} : memref<16384xf32, #tpu.memory_space<vmem>>, vector<16xf32>,
      %mul3A_350 = arith.mulf %gather3A, %get3A_345 : vector<16xf32>
      %jit3A_351 = arith.constant 0.000000e+00 : f32
      %broadcast_in_dim3A_352 = vector.broadcast %jit3A_351 : f32 to vector<16xf32>
      %select_n3A_353 = arith.select %and3A, %mul3A_350, %broadcast_in_dim3A_352 : vector<16xi1>, vector<16xf32>
      %add3A_354 = arith.addf %get3A_349, %select_n3A_353 : vector<16xf32>
      %mul3A_355 = arith.constant 16 : i32
      %mul3A_356 = arith.muli %add3A_331, %mul3A_355 : i32
      %swap3A = arith.index_cast %mul3A_356 : i32 to index
      %swap3A_357 = tpu.vector_load %arg9[%swap3A] {strides = array<i32>} : memref<16384xf32, #tpu.memory_space<vmem>>, vector<16xf32>,
      tpu.vector_store %arg9[%swap3A], %add3A_354 {strides = array<i32>} : memref<16384xf32, #tpu.memory_space<vmem>>, vector<16xf32>,
      %mul3A_358 = arith.constant 8 : i32
      %mul3A_359 = arith.muli %scan3A_327, %mul3A_358 : i32
      %add3A_360 = arith.constant 1 : i32
      %add3A_361 = arith.addi %mul3A_359, %add3A_360 : i32
      %mul3A_362 = arith.constant 16 : i32
      %mul3A_363 = arith.muli %add3A_361, %mul3A_362 : i32
      %get3A_364 = arith.index_cast %mul3A_363 : i32 to index
      %get3A_365 = tpu.vector_load %arg7[%get3A_364] {strides = array<i32>} : memref<16384xi32, #tpu.memory_space<vmem>>, vector<16xi32>,
      %sub3A_366 = arith.constant 80896 : i32
      %sub3A_367 = vector.broadcast %sub3A_366 : i32 to vector<16xi32>
      %sub3A_368 = arith.subi %get3A_365, %sub3A_367 : vector<16xi32>
      %ge3A_369 = arith.constant 0 : i32
      %ge3A_370 = vector.broadcast %ge3A_369 : i32 to vector<16xi32>
      %ge3A_371 = arith.cmpi sge, %sub3A_368, %ge3A_370 : vector<16xi32>
      %lt3A_372 = arith.constant 19104 : i32
      %lt3A_373 = vector.broadcast %lt3A_372 : i32 to vector<16xi32>
      %lt3A_374 = arith.cmpi slt, %sub3A_368, %lt3A_373 : vector<16xi32>
      %and3A_375 = arith.andi %ge3A_371, %lt3A_374 : vector<16xi1>
      %jit3A_376 = arith.constant 0 : i32
      %broadcast_in_dim3A_377 = vector.broadcast %jit3A_376 : i32 to vector<16xi32>
      %select_n3A_378 = arith.select %and3A_375, %sub3A_368, %broadcast_in_dim3A_377 : vector<16xi1>, vector<16xi32>
      %gather3A_379 = tpu.vector_load_idx %arg10[%select_n3A_378] : memref<40448xf32, #tpu.memory_space<vmem>>[vector<16xi32>], vector<16xf32>,
      %mul3A_380 = arith.constant 16 : i32
      %mul3A_381 = arith.muli %add3A_361, %mul3A_380 : i32
      %get3A_382 = arith.index_cast %mul3A_381 : i32 to index
      %get3A_383 = tpu.vector_load %arg8[%get3A_382] {strides = array<i32>} : memref<16384xf32, #tpu.memory_space<vmem>>, vector<16xf32>,
      %mul3A_384 = arith.constant 16 : i32
      %mul3A_385 = arith.muli %add3A_361, %mul3A_384 : i32
      %get3A_386 = arith.index_cast %mul3A_385 : i32 to index
      %get3A_387 = tpu.vector_load %arg9[%get3A_386] {strides = array<i32>} : memref<16384xf32, #tpu.memory_space<vmem>>, vector<16xf32>,
      %mul3A_388 = arith.mulf %gather3A_379, %get3A_383 : vector<16xf32>
      %jit3A_389 = arith.constant 0.000000e+00 : f32
      %broadcast_in_dim3A_390 = vector.broadcast %jit3A_389 : f32 to vector<16xf32>
      %select_n3A_391 = arith.select %and3A_375, %mul3A_388, %broadcast_in_dim3A_390 : vector<16xi1>, vector<16xf32>
      %add3A_392 = arith.addf %get3A_387, %select_n3A_391 : vector<16xf32>
      %mul3A_393 = arith.constant 16 : i32
      %mul3A_394 = arith.muli %add3A_361, %mul3A_393 : i32
      %swap3A_395 = arith.index_cast %mul3A_394 : i32 to index
      %swap3A_396 = tpu.vector_load %arg9[%swap3A_395] {strides = array<i32>} : memref<16384xf32, #tpu.memory_space<vmem>>, vector<16xf32>,
      tpu.vector_store %arg9[%swap3A_395], %add3A_392 {strides = array<i32>} : memref<16384xf32, #tpu.memory_space<vmem>>, vector<16xf32>,
      %mul3A_397 = arith.constant 8 : i32
      %mul3A_398 = arith.muli %scan3A_327, %mul3A_397 : i32
      %add3A_399 = arith.constant 2 : i32
      %add3A_400 = arith.addi %mul3A_398, %add3A_399 : i32
      %mul3A_401 = arith.constant 16 : i32
      %mul3A_402 = arith.muli %add3A_400, %mul3A_401 : i32
      %get3A_403 = arith.index_cast %mul3A_402 : i32 to index
      %get3A_404 = tpu.vector_load %arg7[%get3A_403] {strides = array<i32>} : memref<16384xi32, #tpu.memory_space<vmem>>, vector<16xi32>,
      %sub3A_405 = arith.constant 80896 : i32
      %sub3A_406 = vector.broadcast %sub3A_405 : i32 to vector<16xi32>
      %sub3A_407 = arith.subi %get3A_404, %sub3A_406 : vector<16xi32>
      %ge3A_408 = arith.constant 0 : i32
      %ge3A_409 = vector.broadcast %ge3A_408 : i32 to vector<16xi32>
      %ge3A_410 = arith.cmpi sge, %sub3A_407, %ge3A_409 : vector<16xi32>
      %lt3A_411 = arith.constant 19104 : i32
      %lt3A_412 = vector.broadcast %lt3A_411 : i32 to vector<16xi32>
      %lt3A_413 = arith.cmpi slt, %sub3A_407, %lt3A_412 : vector<16xi32>
      %and3A_414 = arith.andi %ge3A_410, %lt3A_413 : vector<16xi1>
      %jit3A_415 = arith.constant 0 : i32
      %broadcast_in_dim3A_416 = vector.broadcast %jit3A_415 : i32 to vector<16xi32>
      %select_n3A_417 = arith.select %and3A_414, %sub3A_407, %broadcast_in_dim3A_416 : vector<16xi1>, vector<16xi32>
      %gather3A_418 = tpu.vector_load_idx %arg10[%select_n3A_417] : memref<40448xf32, #tpu.memory_space<vmem>>[vector<16xi32>], vector<16xf32>,
      %mul3A_419 = arith.constant 16 : i32
      %mul3A_420 = arith.muli %add3A_400, %mul3A_419 : i32
      %get3A_421 = arith.index_cast %mul3A_420 : i32 to index
      %get3A_422 = tpu.vector_load %arg8[%get3A_421] {strides = array<i32>} : memref<16384xf32, #tpu.memory_space<vmem>>, vector<16xf32>,
      %mul3A_423 = arith.constant 16 : i32
      %mul3A_424 = arith.muli %add3A_400, %mul3A_423 : i32
      %get3A_425 = arith.index_cast %mul3A_424 : i32 to index
      %get3A_426 = tpu.vector_load %arg9[%get3A_425] {strides = array<i32>} : memref<16384xf32, #tpu.memory_space<vmem>>, vector<16xf32>,
      %mul3A_427 = arith.mulf %gather3A_418, %get3A_422 : vector<16xf32>
      %jit3A_428 = arith.constant 0.000000e+00 : f32
      %broadcast_in_dim3A_429 = vector.broadcast %jit3A_428 : f32 to vector<16xf32>
      %select_n3A_430 = arith.select %and3A_414, %mul3A_427, %broadcast_in_dim3A_429 : vector<16xi1>, vector<16xf32>
      %add3A_431 = arith.addf %get3A_426, %select_n3A_430 : vector<16xf32>
      %mul3A_432 = arith.constant 16 : i32
      %mul3A_433 = arith.muli %add3A_400, %mul3A_432 : i32
      %swap3A_434 = arith.index_cast %mul3A_433 : i32 to index
      %swap3A_435 = tpu.vector_load %arg9[%swap3A_434] {strides = array<i32>} : memref<16384xf32, #tpu.memory_space<vmem>>, vector<16xf32>,
      tpu.vector_store %arg9[%swap3A_434], %add3A_431 {strides = array<i32>} : memref<16384xf32, #tpu.memory_space<vmem>>, vector<16xf32>,
      %mul3A_436 = arith.constant 8 : i32
      %mul3A_437 = arith.muli %scan3A_327, %mul3A_436 : i32
      %add3A_438 = arith.constant 3 : i32
      %add3A_439 = arith.addi %mul3A_437, %add3A_438 : i32
      %mul3A_440 = arith.constant 16 : i32
      %mul3A_441 = arith.muli %add3A_439, %mul3A_440 : i32
      %get3A_442 = arith.index_cast %mul3A_441 : i32 to index
      %get3A_443 = tpu.vector_load %arg7[%get3A_442] {strides = array<i32>} : memref<16384xi32, #tpu.memory_space<vmem>>, vector<16xi32>,
      %sub3A_444 = arith.constant 80896 : i32
      %sub3A_445 = vector.broadcast %sub3A_444 : i32 to vector<16xi32>
      %sub3A_446 = arith.subi %get3A_443, %sub3A_445 : vector<16xi32>
      %ge3A_447 = arith.constant 0 : i32
      %ge3A_448 = vector.broadcast %ge3A_447 : i32 to vector<16xi32>
      %ge3A_449 = arith.cmpi sge, %sub3A_446, %ge3A_448 : vector<16xi32>
      %lt3A_450 = arith.constant 19104 : i32
      %lt3A_451 = vector.broadcast %lt3A_450 : i32 to vector<16xi32>
      %lt3A_452 = arith.cmpi slt, %sub3A_446, %lt3A_451 : vector<16xi32>
      %and3A_453 = arith.andi %ge3A_449, %lt3A_452 : vector<16xi1>
      %jit3A_454 = arith.constant 0 : i32
      %broadcast_in_dim3A_455 = vector.broadcast %jit3A_454 : i32 to vector<16xi32>
      %select_n3A_456 = arith.select %and3A_453, %sub3A_446, %broadcast_in_dim3A_455 : vector<16xi1>, vector<16xi32>
      %gather3A_457 = tpu.vector_load_idx %arg10[%select_n3A_456] : memref<40448xf32, #tpu.memory_space<vmem>>[vector<16xi32>], vector<16xf32>,
      %mul3A_458 = arith.constant 16 : i32
      %mul3A_459 = arith.muli %add3A_439, %mul3A_458 : i32
      %get3A_460 = arith.index_cast %mul3A_459 : i32 to index
      %get3A_461 = tpu.vector_load %arg8[%get3A_460] {strides = array<i32>} : memref<16384xf32, #tpu.memory_space<vmem>>, vector<16xf32>,
      %mul3A_462 = arith.constant 16 : i32
      %mul3A_463 = arith.muli %add3A_439, %mul3A_462 : i32
      %get3A_464 = arith.index_cast %mul3A_463 : i32 to index
      %get3A_465 = tpu.vector_load %arg9[%get3A_464] {strides = array<i32>} : memref<16384xf32, #tpu.memory_space<vmem>>, vector<16xf32>,
      %mul3A_466 = arith.mulf %gather3A_457, %get3A_461 : vector<16xf32>
      %jit3A_467 = arith.constant 0.000000e+00 : f32
      %broadcast_in_dim3A_468 = vector.broadcast %jit3A_467 : f32 to vector<16xf32>
      %select_n3A_469 = arith.select %and3A_453, %mul3A_466, %broadcast_in_dim3A_468 : vector<16xi1>, vector<16xf32>
      %add3A_470 = arith.addf %get3A_465, %select_n3A_469 : vector<16xf32>
      %mul3A_471 = arith.constant 16 : i32
      %mul3A_472 = arith.muli %add3A_439, %mul3A_471 : i32
      %swap3A_473 = arith.index_cast %mul3A_472 : i32 to index
      %swap3A_474 = tpu.vector_load %arg9[%swap3A_473] {strides = array<i32>} : memref<16384xf32, #tpu.memory_space<vmem>>, vector<16xf32>,
      tpu.vector_store %arg9[%swap3A_473], %add3A_470 {strides = array<i32>} : memref<16384xf32, #tpu.memory_space<vmem>>, vector<16xf32>,
      %mul3A_475 = arith.constant 8 : i32
      %mul3A_476 = arith.muli %scan3A_327, %mul3A_475 : i32
      %add3A_477 = arith.constant 4 : i32
      %add3A_478 = arith.addi %mul3A_476, %add3A_477 : i32
      %mul3A_479 = arith.constant 16 : i32
      %mul3A_480 = arith.muli %add3A_478, %mul3A_479 : i32
      %get3A_481 = arith.index_cast %mul3A_480 : i32 to index
      %get3A_482 = tpu.vector_load %arg7[%get3A_481] {strides = array<i32>} : memref<16384xi32, #tpu.memory_space<vmem>>, vector<16xi32>,
      %sub3A_483 = arith.constant 80896 : i32
      %sub3A_484 = vector.broadcast %sub3A_483 : i32 to vector<16xi32>
      %sub3A_485 = arith.subi %get3A_482, %sub3A_484 : vector<16xi32>
      %ge3A_486 = arith.constant 0 : i32
      %ge3A_487 = vector.broadcast %ge3A_486 : i32 to vector<16xi32>
      %ge3A_488 = arith.cmpi sge, %sub3A_485, %ge3A_487 : vector<16xi32>
      %lt3A_489 = arith.constant 19104 : i32
      %lt3A_490 = vector.broadcast %lt3A_489 : i32 to vector<16xi32>
      %lt3A_491 = arith.cmpi slt, %sub3A_485, %lt3A_490 : vector<16xi32>
      %and3A_492 = arith.andi %ge3A_488, %lt3A_491 : vector<16xi1>
      %jit3A_493 = arith.constant 0 : i32
      %broadcast_in_dim3A_494 = vector.broadcast %jit3A_493 : i32 to vector<16xi32>
      %select_n3A_495 = arith.select %and3A_492, %sub3A_485, %broadcast_in_dim3A_494 : vector<16xi1>, vector<16xi32>
      %gather3A_496 = tpu.vector_load_idx %arg10[%select_n3A_495] : memref<40448xf32, #tpu.memory_space<vmem>>[vector<16xi32>], vector<16xf32>,
      %mul3A_497 = arith.constant 16 : i32
      %mul3A_498 = arith.muli %add3A_478, %mul3A_497 : i32
      %get3A_499 = arith.index_cast %mul3A_498 : i32 to index
      %get3A_500 = tpu.vector_load %arg8[%get3A_499] {strides = array<i32>} : memref<16384xf32, #tpu.memory_space<vmem>>, vector<16xf32>,
      %mul3A_501 = arith.constant 16 : i32
      %mul3A_502 = arith.muli %add3A_478, %mul3A_501 : i32
      %get3A_503 = arith.index_cast %mul3A_502 : i32 to index
      %get3A_504 = tpu.vector_load %arg9[%get3A_503] {strides = array<i32>} : memref<16384xf32, #tpu.memory_space<vmem>>, vector<16xf32>,
      %mul3A_505 = arith.mulf %gather3A_496, %get3A_500 : vector<16xf32>
      %jit3A_506 = arith.constant 0.000000e+00 : f32
      %broadcast_in_dim3A_507 = vector.broadcast %jit3A_506 : f32 to vector<16xf32>
      %select_n3A_508 = arith.select %and3A_492, %mul3A_505, %broadcast_in_dim3A_507 : vector<16xi1>, vector<16xf32>
      %add3A_509 = arith.addf %get3A_504, %select_n3A_508 : vector<16xf32>
      %mul3A_510 = arith.constant 16 : i32
      %mul3A_511 = arith.muli %add3A_478, %mul3A_510 : i32
      %swap3A_512 = arith.index_cast %mul3A_511 : i32 to index
      %swap3A_513 = tpu.vector_load %arg9[%swap3A_512] {strides = array<i32>} : memref<16384xf32, #tpu.memory_space<vmem>>, vector<16xf32>,
      tpu.vector_store %arg9[%swap3A_512], %add3A_509 {strides = array<i32>} : memref<16384xf32, #tpu.memory_space<vmem>>, vector<16xf32>,
      %mul3A_514 = arith.constant 8 : i32
      %mul3A_515 = arith.muli %scan3A_327, %mul3A_514 : i32
      %add3A_516 = arith.constant 5 : i32
      %add3A_517 = arith.addi %mul3A_515, %add3A_516 : i32
      %mul3A_518 = arith.constant 16 : i32
      %mul3A_519 = arith.muli %add3A_517, %mul3A_518 : i32
      %get3A_520 = arith.index_cast %mul3A_519 : i32 to index
      %get3A_521 = tpu.vector_load %arg7[%get3A_520] {strides = array<i32>} : memref<16384xi32, #tpu.memory_space<vmem>>, vector<16xi32>,
      %sub3A_522 = arith.constant 80896 : i32
      %sub3A_523 = vector.broadcast %sub3A_522 : i32 to vector<16xi32>
      %sub3A_524 = arith.subi %get3A_521, %sub3A_523 : vector<16xi32>
      %ge3A_525 = arith.constant 0 : i32
      %ge3A_526 = vector.broadcast %ge3A_525 : i32 to vector<16xi32>
      %ge3A_527 = arith.cmpi sge, %sub3A_524, %ge3A_526 : vector<16xi32>
      %lt3A_528 = arith.constant 19104 : i32
      %lt3A_529 = vector.broadcast %lt3A_528 : i32 to vector<16xi32>
      %lt3A_530 = arith.cmpi slt, %sub3A_524, %lt3A_529 : vector<16xi32>
      %and3A_531 = arith.andi %ge3A_527, %lt3A_530 : vector<16xi1>
      %jit3A_532 = arith.constant 0 : i32
      %broadcast_in_dim3A_533 = vector.broadcast %jit3A_532 : i32 to vector<16xi32>
      %select_n3A_534 = arith.select %and3A_531, %sub3A_524, %broadcast_in_dim3A_533 : vector<16xi1>, vector<16xi32>
      %gather3A_535 = tpu.vector_load_idx %arg10[%select_n3A_534] : memref<40448xf32, #tpu.memory_space<vmem>>[vector<16xi32>], vector<16xf32>,
      %mul3A_536 = arith.constant 16 : i32
      %mul3A_537 = arith.muli %add3A_517, %mul3A_536 : i32
      %get3A_538 = arith.index_cast %mul3A_537 : i32 to index
      %get3A_539 = tpu.vector_load %arg8[%get3A_538] {strides = array<i32>} : memref<16384xf32, #tpu.memory_space<vmem>>, vector<16xf32>,
      %mul3A_540 = arith.constant 16 : i32
      %mul3A_541 = arith.muli %add3A_517, %mul3A_540 : i32
      %get3A_542 = arith.index_cast %mul3A_541 : i32 to index
      %get3A_543 = tpu.vector_load %arg9[%get3A_542] {strides = array<i32>} : memref<16384xf32, #tpu.memory_space<vmem>>, vector<16xf32>,
      %mul3A_544 = arith.mulf %gather3A_535, %get3A_539 : vector<16xf32>
      %jit3A_545 = arith.constant 0.000000e+00 : f32
      %broadcast_in_dim3A_546 = vector.broadcast %jit3A_545 : f32 to vector<16xf32>
      %select_n3A_547 = arith.select %and3A_531, %mul3A_544, %broadcast_in_dim3A_546 : vector<16xi1>, vector<16xf32>
      %add3A_548 = arith.addf %get3A_543, %select_n3A_547 : vector<16xf32>
      %mul3A_549 = arith.constant 16 : i32
      %mul3A_550 = arith.muli %add3A_517, %mul3A_549 : i32
      %swap3A_551 = arith.index_cast %mul3A_550 : i32 to index
      %swap3A_552 = tpu.vector_load %arg9[%swap3A_551] {strides = array<i32>} : memref<16384xf32, #tpu.memory_space<vmem>>, vector<16xf32>,
      tpu.vector_store %arg9[%swap3A_551], %add3A_548 {strides = array<i32>} : memref<16384xf32, #tpu.memory_space<vmem>>, vector<16xf32>,
      %mul3A_553 = arith.constant 8 : i32
      %mul3A_554 = arith.muli %scan3A_327, %mul3A_553 : i32
      %add3A_555 = arith.constant 6 : i32
      %add3A_556 = arith.addi %mul3A_554, %add3A_555 : i32
      %mul3A_557 = arith.constant 16 : i32
      %mul3A_558 = arith.muli %add3A_556, %mul3A_557 : i32
      %get3A_559 = arith.index_cast %mul3A_558 : i32 to index
      %get3A_560 = tpu.vector_load %arg7[%get3A_559] {strides = array<i32>} : memref<16384xi32, #tpu.memory_space<vmem>>, vector<16xi32>,
      %sub3A_561 = arith.constant 80896 : i32
      %sub3A_562 = vector.broadcast %sub3A_561 : i32 to vector<16xi32>
      %sub3A_563 = arith.subi %get3A_560, %sub3A_562 : vector<16xi32>
      %ge3A_564 = arith.constant 0 : i32
      %ge3A_565 = vector.broadcast %ge3A_564 : i32 to vector<16xi32>
      %ge3A_566 = arith.cmpi sge, %sub3A_563, %ge3A_565 : vector<16xi32>
      %lt3A_567 = arith.constant 19104 : i32
      %lt3A_568 = vector.broadcast %lt3A_567 : i32 to vector<16xi32>
      %lt3A_569 = arith.cmpi slt, %sub3A_563, %lt3A_568 : vector<16xi32>
      %and3A_570 = arith.andi %ge3A_566, %lt3A_569 : vector<16xi1>
      %jit3A_571 = arith.constant 0 : i32
      %broadcast_in_dim3A_572 = vector.broadcast %jit3A_571 : i32 to vector<16xi32>
      %select_n3A_573 = arith.select %and3A_570, %sub3A_563, %broadcast_in_dim3A_572 : vector<16xi1>, vector<16xi32>
      %gather3A_574 = tpu.vector_load_idx %arg10[%select_n3A_573] : memref<40448xf32, #tpu.memory_space<vmem>>[vector<16xi32>], vector<16xf32>,
      %mul3A_575 = arith.constant 16 : i32
      %mul3A_576 = arith.muli %add3A_556, %mul3A_575 : i32
      %get3A_577 = arith.index_cast %mul3A_576 : i32 to index
      %get3A_578 = tpu.vector_load %arg8[%get3A_577] {strides = array<i32>} : memref<16384xf32, #tpu.memory_space<vmem>>, vector<16xf32>,
      %mul3A_579 = arith.constant 16 : i32
      %mul3A_580 = arith.muli %add3A_556, %mul3A_579 : i32
      %get3A_581 = arith.index_cast %mul3A_580 : i32 to index
      %get3A_582 = tpu.vector_load %arg9[%get3A_581] {strides = array<i32>} : memref<16384xf32, #tpu.memory_space<vmem>>, vector<16xf32>,
      %mul3A_583 = arith.mulf %gather3A_574, %get3A_578 : vector<16xf32>
      %jit3A_584 = arith.constant 0.000000e+00 : f32
      %broadcast_in_dim3A_585 = vector.broadcast %jit3A_584 : f32 to vector<16xf32>
      %select_n3A_586 = arith.select %and3A_570, %mul3A_583, %broadcast_in_dim3A_585 : vector<16xi1>, vector<16xf32>
      %add3A_587 = arith.addf %get3A_582, %select_n3A_586 : vector<16xf32>
      %mul3A_588 = arith.constant 16 : i32
      %mul3A_589 = arith.muli %add3A_556, %mul3A_588 : i32
      %swap3A_590 = arith.index_cast %mul3A_589 : i32 to index
      %swap3A_591 = tpu.vector_load %arg9[%swap3A_590] {strides = array<i32>} : memref<16384xf32, #tpu.memory_space<vmem>>, vector<16xf32>,
      tpu.vector_store %arg9[%swap3A_590], %add3A_587 {strides = array<i32>} : memref<16384xf32, #tpu.memory_space<vmem>>, vector<16xf32>,
      %mul3A_592 = arith.constant 8 : i32
      %mul3A_593 = arith.muli %scan3A_327, %mul3A_592 : i32
      %add3A_594 = arith.constant 7 : i32
      %add3A_595 = arith.addi %mul3A_593, %add3A_594 : i32
      %mul3A_596 = arith.constant 16 : i32
      %mul3A_597 = arith.muli %add3A_595, %mul3A_596 : i32
      %get3A_598 = arith.index_cast %mul3A_597 : i32 to index
      %get3A_599 = tpu.vector_load %arg7[%get3A_598] {strides = array<i32>} : memref<16384xi32, #tpu.memory_space<vmem>>, vector<16xi32>,
      %sub3A_600 = arith.constant 80896 : i32
      %sub3A_601 = vector.broadcast %sub3A_600 : i32 to vector<16xi32>
      %sub3A_602 = arith.subi %get3A_599, %sub3A_601 : vector<16xi32>
      %ge3A_603 = arith.constant 0 : i32
      %ge3A_604 = vector.broadcast %ge3A_603 : i32 to vector<16xi32>
      %ge3A_605 = arith.cmpi sge, %sub3A_602, %ge3A_604 : vector<16xi32>
      %lt3A_606 = arith.constant 19104 : i32
      %lt3A_607 = vector.broadcast %lt3A_606 : i32 to vector<16xi32>
      %lt3A_608 = arith.cmpi slt, %sub3A_602, %lt3A_607 : vector<16xi32>
      %and3A_609 = arith.andi %ge3A_605, %lt3A_608 : vector<16xi1>
      %jit3A_610 = arith.constant 0 : i32
      %broadcast_in_dim3A_611 = vector.broadcast %jit3A_610 : i32 to vector<16xi32>
      %select_n3A_612 = arith.select %and3A_609, %sub3A_602, %broadcast_in_dim3A_611 : vector<16xi1>, vector<16xi32>
      %gather3A_613 = tpu.vector_load_idx %arg10[%select_n3A_612] : memref<40448xf32, #tpu.memory_space<vmem>>[vector<16xi32>], vector<16xf32>,
      %mul3A_614 = arith.constant 16 : i32
      %mul3A_615 = arith.muli %add3A_595, %mul3A_614 : i32
      %get3A_616 = arith.index_cast %mul3A_615 : i32 to index
      %get3A_617 = tpu.vector_load %arg8[%get3A_616] {strides = array<i32>} : memref<16384xf32, #tpu.memory_space<vmem>>, vector<16xf32>,
      %mul3A_618 = arith.constant 16 : i32
      %mul3A_619 = arith.muli %add3A_595, %mul3A_618 : i32
      %get3A_620 = arith.index_cast %mul3A_619 : i32 to index
      %get3A_621 = tpu.vector_load %arg9[%get3A_620] {strides = array<i32>} : memref<16384xf32, #tpu.memory_space<vmem>>, vector<16xf32>,
      %mul3A_622 = arith.mulf %gather3A_613, %get3A_617 : vector<16xf32>
      %jit3A_623 = arith.constant 0.000000e+00 : f32
      %broadcast_in_dim3A_624 = vector.broadcast %jit3A_623 : f32 to vector<16xf32>
      %select_n3A_625 = arith.select %and3A_609, %mul3A_622, %broadcast_in_dim3A_624 : vector<16xi1>, vector<16xf32>
      %add3A_626 = arith.addf %get3A_621, %select_n3A_625 : vector<16xf32>
      %mul3A_627 = arith.constant 16 : i32
      %mul3A_628 = arith.muli %add3A_595, %mul3A_627 : i32
      %swap3A_629 = arith.index_cast %mul3A_628 : i32 to index
      %swap3A_630 = tpu.vector_load %arg9[%swap3A_629] {strides = array<i32>} : memref<16384xf32, #tpu.memory_space<vmem>>, vector<16xf32>,
      tpu.vector_store %arg9[%swap3A_629], %add3A_626 {strides = array<i32>} : memref<16384xf32, #tpu.memory_space<vmem>>, vector<16xf32>,
    }
    %scan3A_324 = arith.constant 128 : i32
    %mul3A_325 = arith.constant 16384 : i32
    %mul3A_326 = arith.muli %add3A, %mul3A_325 : i32
    "tpu.region"() ({
      %run_scoped3A = tpu.sem_alloc : memref<!tpu.dma_semaphore, #tpu.memory_space<semaphore_mem>>
      %dma_start3A_327 = tpu.memref_slice %arg6[%mul3A_326] : memref<524288xf32, #tpu.memory_space<hbm>> -> memref<16384xf32, #tpu.memory_space<hbm>>
      %dma_start3A_328 = tpu.memref_slice %arg6[%mul3A_326] : memref<524288xf32, #tpu.memory_space<hbm>> -> memref<16384xf32, #tpu.memory_space<hbm>>
      tpu.enqueue_dma source(%arg9 : memref<16384xf32, #tpu.memory_space<vmem>>) target(%dma_start3A_328 : memref<16384xf32, #tpu.memory_space<hbm>>) target_semaphore(%run_scoped3A : memref<!tpu.dma_semaphore, #tpu.memory_space<semaphore_mem>>)
      %dma_wait3A_329 = tpu.memref_slice %arg6[%mul3A_326] : memref<524288xf32, #tpu.memory_space<hbm>> -> memref<16384xf32, #tpu.memory_space<hbm>>
      %dma_wait3A_330 = tpu.memref_slice %arg6[%mul3A_326] : memref<524288xf32, #tpu.memory_space<hbm>> -> memref<16384xf32, #tpu.memory_space<hbm>>
      tpu.wait_dma2 semaphore(%run_scoped3A : memref<!tpu.dma_semaphore, #tpu.memory_space<semaphore_mem>>) src(%arg9 : memref<16384xf32, #tpu.memory_space<vmem>>) dst(%dma_wait3A_330 : memref<16384xf32, #tpu.memory_space<hbm>>)
      tpu.yield
    }) : () -> ()
    return
  }
}

#map = affine_map<(d0, d1) -> (0, 0)>
#map1 = affine_map<(d0, d1) -> (0)>
module attributes {stable_mosaic.version = 14 : i64} {
  func.func @_reduce_body(%arg0: i32, %arg1: i32, %arg2: memref<32x16384xf32, #tpu.memory_space<hbm>>, %arg3: memref<16384xf32, #tpu.memory_space<hbm>>, %arg4: memref<32x512xf32, #tpu.memory_space<vmem>>, %arg5: memref<512xf32, #tpu.memory_space<vmem>>, %arg6: memref<!tpu.dma_semaphore, #tpu.memory_space<semaphore_mem>>) attributes {dimension_semantics = [#tpu.dimension_semantics<core_parallel>, #tpu.dimension_semantics<subcore_parallel>], iteration_bounds = array<i64: 2, 16>, scalar_prefetch = 0 : i64, scratch_operands = 3 : i64, tpu.core_type = #tpu.core_type<sc_vector_subcore>, window_params = [{transform_indices = #map}, {transform_indices = #map1}]} {
    %mul3A = arith.constant 2 : i32
    %mul3A_0 = arith.muli %arg1, %mul3A : i32
    %add3A = arith.addi %mul3A_0, %arg0 : i32
    %mul3A_1 = arith.constant 512 : i32
    %mul3A_2 = arith.muli %add3A, %mul3A_1 : i32
    %dma_start3A = arith.constant 0 : i32
    %dma_start3A_3 = tpu.memref_slice %arg2[%dma_start3A, %mul3A_2] : memref<32x16384xf32, #tpu.memory_space<hbm>> -> memref<32x512xf32, #tpu.memory_space<hbm>>
    %dma_start3A_4 = arith.constant 0 : i32
    %dma_start3A_5 = tpu.memref_slice %arg2[%dma_start3A_4, %mul3A_2] : memref<32x16384xf32, #tpu.memory_space<hbm>> -> memref<32x512xf32, #tpu.memory_space<hbm>>
    tpu.enqueue_dma source(%dma_start3A_5 : memref<32x512xf32, #tpu.memory_space<hbm>>) target(%arg4 : memref<32x512xf32, #tpu.memory_space<vmem>>) target_semaphore(%arg6 : memref<!tpu.dma_semaphore, #tpu.memory_space<semaphore_mem>>)
    %dma_wait3A = arith.constant 0 : i32
    %dma_wait3A_6 = tpu.memref_slice %arg2[%dma_wait3A, %mul3A_2] : memref<32x16384xf32, #tpu.memory_space<hbm>> -> memref<32x512xf32, #tpu.memory_space<hbm>>
    %dma_wait3A_7 = arith.constant 0 : i32
    %dma_wait3A_8 = tpu.memref_slice %arg2[%dma_wait3A_7, %mul3A_2] : memref<32x16384xf32, #tpu.memory_space<hbm>> -> memref<32x512xf32, #tpu.memory_space<hbm>>
    tpu.wait_dma2 semaphore(%arg6 : memref<!tpu.dma_semaphore, #tpu.memory_space<semaphore_mem>>) src(%dma_wait3A_8 : memref<32x512xf32, #tpu.memory_space<hbm>>) dst(%arg4 : memref<32x512xf32, #tpu.memory_space<vmem>>)
    %scan3A = arith.constant 0 : i32
    %scan3A_9 = arith.constant 0 : i32
    %scan3A_10 = arith.constant 32 : i32
    %scan3A_11 = arith.addi %scan3A_9, %scan3A_10 : i32
    %scan3A_12 = arith.constant 1 : i32
    scf.for %scan3A_14 = %scan3A_9 to %scan3A_11 step %scan3A_12  : i32 {
      %broadcast_in_dim3A = arith.constant 0.000000e+00 : f32
      %broadcast_in_dim3A_15 = vector.broadcast %broadcast_in_dim3A : f32 to vector<16xf32>
      %mul3A_16 = arith.constant 16 : i32
      %mul3A_17 = arith.muli %scan3A_14, %mul3A_16 : i32
      %get3A = arith.constant 0 : i32
      %get3A_18 = arith.index_cast %get3A : i32 to index
      %get3A_19 = arith.index_cast %mul3A_17 : i32 to index
      %get3A_20 = tpu.vector_load %arg4[%get3A_18, %get3A_19] {strides = array<i32>} : memref<32x512xf32, #tpu.memory_space<vmem>>, vector<16xf32>,
      %add3A_21 = arith.addf %broadcast_in_dim3A_15, %get3A_20 : vector<16xf32>
      %mul3A_22 = arith.constant 16 : i32
      %mul3A_23 = arith.muli %scan3A_14, %mul3A_22 : i32
      %get3A_24 = arith.constant 1 : i32
      %get3A_25 = arith.index_cast %get3A_24 : i32 to index
      %get3A_26 = arith.index_cast %mul3A_23 : i32 to index
      %get3A_27 = tpu.vector_load %arg4[%get3A_25, %get3A_26] {strides = array<i32>} : memref<32x512xf32, #tpu.memory_space<vmem>>, vector<16xf32>,
      %add3A_28 = arith.addf %add3A_21, %get3A_27 : vector<16xf32>
      %mul3A_29 = arith.constant 16 : i32
      %mul3A_30 = arith.muli %scan3A_14, %mul3A_29 : i32
      %get3A_31 = arith.constant 2 : i32
      %get3A_32 = arith.index_cast %get3A_31 : i32 to index
      %get3A_33 = arith.index_cast %mul3A_30 : i32 to index
      %get3A_34 = tpu.vector_load %arg4[%get3A_32, %get3A_33] {strides = array<i32>} : memref<32x512xf32, #tpu.memory_space<vmem>>, vector<16xf32>,
      %add3A_35 = arith.addf %add3A_28, %get3A_34 : vector<16xf32>
      %mul3A_36 = arith.constant 16 : i32
      %mul3A_37 = arith.muli %scan3A_14, %mul3A_36 : i32
      %get3A_38 = arith.constant 3 : i32
      %get3A_39 = arith.index_cast %get3A_38 : i32 to index
      %get3A_40 = arith.index_cast %mul3A_37 : i32 to index
      %get3A_41 = tpu.vector_load %arg4[%get3A_39, %get3A_40] {strides = array<i32>} : memref<32x512xf32, #tpu.memory_space<vmem>>, vector<16xf32>,
      %add3A_42 = arith.addf %add3A_35, %get3A_41 : vector<16xf32>
      %mul3A_43 = arith.constant 16 : i32
      %mul3A_44 = arith.muli %scan3A_14, %mul3A_43 : i32
      %get3A_45 = arith.constant 4 : i32
      %get3A_46 = arith.index_cast %get3A_45 : i32 to index
      %get3A_47 = arith.index_cast %mul3A_44 : i32 to index
      %get3A_48 = tpu.vector_load %arg4[%get3A_46, %get3A_47] {strides = array<i32>} : memref<32x512xf32, #tpu.memory_space<vmem>>, vector<16xf32>,
      %add3A_49 = arith.addf %add3A_42, %get3A_48 : vector<16xf32>
      %mul3A_50 = arith.constant 16 : i32
      %mul3A_51 = arith.muli %scan3A_14, %mul3A_50 : i32
      %get3A_52 = arith.constant 5 : i32
      %get3A_53 = arith.index_cast %get3A_52 : i32 to index
      %get3A_54 = arith.index_cast %mul3A_51 : i32 to index
      %get3A_55 = tpu.vector_load %arg4[%get3A_53, %get3A_54] {strides = array<i32>} : memref<32x512xf32, #tpu.memory_space<vmem>>, vector<16xf32>,
      %add3A_56 = arith.addf %add3A_49, %get3A_55 : vector<16xf32>
      %mul3A_57 = arith.constant 16 : i32
      %mul3A_58 = arith.muli %scan3A_14, %mul3A_57 : i32
      %get3A_59 = arith.constant 6 : i32
      %get3A_60 = arith.index_cast %get3A_59 : i32 to index
      %get3A_61 = arith.index_cast %mul3A_58 : i32 to index
      %get3A_62 = tpu.vector_load %arg4[%get3A_60, %get3A_61] {strides = array<i32>} : memref<32x512xf32, #tpu.memory_space<vmem>>, vector<16xf32>,
      %add3A_63 = arith.addf %add3A_56, %get3A_62 : vector<16xf32>
      %mul3A_64 = arith.constant 16 : i32
      %mul3A_65 = arith.muli %scan3A_14, %mul3A_64 : i32
      %get3A_66 = arith.constant 7 : i32
      %get3A_67 = arith.index_cast %get3A_66 : i32 to index
      %get3A_68 = arith.index_cast %mul3A_65 : i32 to index
      %get3A_69 = tpu.vector_load %arg4[%get3A_67, %get3A_68] {strides = array<i32>} : memref<32x512xf32, #tpu.memory_space<vmem>>, vector<16xf32>,
      %add3A_70 = arith.addf %add3A_63, %get3A_69 : vector<16xf32>
      %mul3A_71 = arith.constant 16 : i32
      %mul3A_72 = arith.muli %scan3A_14, %mul3A_71 : i32
      %get3A_73 = arith.constant 8 : i32
      %get3A_74 = arith.index_cast %get3A_73 : i32 to index
      %get3A_75 = arith.index_cast %mul3A_72 : i32 to index
      %get3A_76 = tpu.vector_load %arg4[%get3A_74, %get3A_75] {strides = array<i32>} : memref<32x512xf32, #tpu.memory_space<vmem>>, vector<16xf32>,
      %add3A_77 = arith.addf %add3A_70, %get3A_76 : vector<16xf32>
      %mul3A_78 = arith.constant 16 : i32
      %mul3A_79 = arith.muli %scan3A_14, %mul3A_78 : i32
      %get3A_80 = arith.constant 9 : i32
      %get3A_81 = arith.index_cast %get3A_80 : i32 to index
      %get3A_82 = arith.index_cast %mul3A_79 : i32 to index
      %get3A_83 = tpu.vector_load %arg4[%get3A_81, %get3A_82] {strides = array<i32>} : memref<32x512xf32, #tpu.memory_space<vmem>>, vector<16xf32>,
      %add3A_84 = arith.addf %add3A_77, %get3A_83 : vector<16xf32>
      %mul3A_85 = arith.constant 16 : i32
      %mul3A_86 = arith.muli %scan3A_14, %mul3A_85 : i32
      %get3A_87 = arith.constant 10 : i32
      %get3A_88 = arith.index_cast %get3A_87 : i32 to index
      %get3A_89 = arith.index_cast %mul3A_86 : i32 to index
      %get3A_90 = tpu.vector_load %arg4[%get3A_88, %get3A_89] {strides = array<i32>} : memref<32x512xf32, #tpu.memory_space<vmem>>, vector<16xf32>,
      %add3A_91 = arith.addf %add3A_84, %get3A_90 : vector<16xf32>
      %mul3A_92 = arith.constant 16 : i32
      %mul3A_93 = arith.muli %scan3A_14, %mul3A_92 : i32
      %get3A_94 = arith.constant 11 : i32
      %get3A_95 = arith.index_cast %get3A_94 : i32 to index
      %get3A_96 = arith.index_cast %mul3A_93 : i32 to index
      %get3A_97 = tpu.vector_load %arg4[%get3A_95, %get3A_96] {strides = array<i32>} : memref<32x512xf32, #tpu.memory_space<vmem>>, vector<16xf32>,
      %add3A_98 = arith.addf %add3A_91, %get3A_97 : vector<16xf32>
      %mul3A_99 = arith.constant 16 : i32
      %mul3A_100 = arith.muli %scan3A_14, %mul3A_99 : i32
      %get3A_101 = arith.constant 12 : i32
      %get3A_102 = arith.index_cast %get3A_101 : i32 to index
      %get3A_103 = arith.index_cast %mul3A_100 : i32 to index
      %get3A_104 = tpu.vector_load %arg4[%get3A_102, %get3A_103] {strides = array<i32>} : memref<32x512xf32, #tpu.memory_space<vmem>>, vector<16xf32>,
      %add3A_105 = arith.addf %add3A_98, %get3A_104 : vector<16xf32>
      %mul3A_106 = arith.constant 16 : i32
      %mul3A_107 = arith.muli %scan3A_14, %mul3A_106 : i32
      %get3A_108 = arith.constant 13 : i32
      %get3A_109 = arith.index_cast %get3A_108 : i32 to index
      %get3A_110 = arith.index_cast %mul3A_107 : i32 to index
      %get3A_111 = tpu.vector_load %arg4[%get3A_109, %get3A_110] {strides = array<i32>} : memref<32x512xf32, #tpu.memory_space<vmem>>, vector<16xf32>,
      %add3A_112 = arith.addf %add3A_105, %get3A_111 : vector<16xf32>
      %mul3A_113 = arith.constant 16 : i32
      %mul3A_114 = arith.muli %scan3A_14, %mul3A_113 : i32
      %get3A_115 = arith.constant 14 : i32
      %get3A_116 = arith.index_cast %get3A_115 : i32 to index
      %get3A_117 = arith.index_cast %mul3A_114 : i32 to index
      %get3A_118 = tpu.vector_load %arg4[%get3A_116, %get3A_117] {strides = array<i32>} : memref<32x512xf32, #tpu.memory_space<vmem>>, vector<16xf32>,
      %add3A_119 = arith.addf %add3A_112, %get3A_118 : vector<16xf32>
      %mul3A_120 = arith.constant 16 : i32
      %mul3A_121 = arith.muli %scan3A_14, %mul3A_120 : i32
      %get3A_122 = arith.constant 15 : i32
      %get3A_123 = arith.index_cast %get3A_122 : i32 to index
      %get3A_124 = arith.index_cast %mul3A_121 : i32 to index
      %get3A_125 = tpu.vector_load %arg4[%get3A_123, %get3A_124] {strides = array<i32>} : memref<32x512xf32, #tpu.memory_space<vmem>>, vector<16xf32>,
      %add3A_126 = arith.addf %add3A_119, %get3A_125 : vector<16xf32>
      %mul3A_127 = arith.constant 16 : i32
      %mul3A_128 = arith.muli %scan3A_14, %mul3A_127 : i32
      %get3A_129 = arith.constant 16 : i32
      %get3A_130 = arith.index_cast %get3A_129 : i32 to index
      %get3A_131 = arith.index_cast %mul3A_128 : i32 to index
      %get3A_132 = tpu.vector_load %arg4[%get3A_130, %get3A_131] {strides = array<i32>} : memref<32x512xf32, #tpu.memory_space<vmem>>, vector<16xf32>,
      %add3A_133 = arith.addf %add3A_126, %get3A_132 : vector<16xf32>
      %mul3A_134 = arith.constant 16 : i32
      %mul3A_135 = arith.muli %scan3A_14, %mul3A_134 : i32
      %get3A_136 = arith.constant 17 : i32
      %get3A_137 = arith.index_cast %get3A_136 : i32 to index
      %get3A_138 = arith.index_cast %mul3A_135 : i32 to index
      %get3A_139 = tpu.vector_load %arg4[%get3A_137, %get3A_138] {strides = array<i32>} : memref<32x512xf32, #tpu.memory_space<vmem>>, vector<16xf32>,
      %add3A_140 = arith.addf %add3A_133, %get3A_139 : vector<16xf32>
      %mul3A_141 = arith.constant 16 : i32
      %mul3A_142 = arith.muli %scan3A_14, %mul3A_141 : i32
      %get3A_143 = arith.constant 18 : i32
      %get3A_144 = arith.index_cast %get3A_143 : i32 to index
      %get3A_145 = arith.index_cast %mul3A_142 : i32 to index
      %get3A_146 = tpu.vector_load %arg4[%get3A_144, %get3A_145] {strides = array<i32>} : memref<32x512xf32, #tpu.memory_space<vmem>>, vector<16xf32>,
      %add3A_147 = arith.addf %add3A_140, %get3A_146 : vector<16xf32>
      %mul3A_148 = arith.constant 16 : i32
      %mul3A_149 = arith.muli %scan3A_14, %mul3A_148 : i32
      %get3A_150 = arith.constant 19 : i32
      %get3A_151 = arith.index_cast %get3A_150 : i32 to index
      %get3A_152 = arith.index_cast %mul3A_149 : i32 to index
      %get3A_153 = tpu.vector_load %arg4[%get3A_151, %get3A_152] {strides = array<i32>} : memref<32x512xf32, #tpu.memory_space<vmem>>, vector<16xf32>,
      %add3A_154 = arith.addf %add3A_147, %get3A_153 : vector<16xf32>
      %mul3A_155 = arith.constant 16 : i32
      %mul3A_156 = arith.muli %scan3A_14, %mul3A_155 : i32
      %get3A_157 = arith.constant 20 : i32
      %get3A_158 = arith.index_cast %get3A_157 : i32 to index
      %get3A_159 = arith.index_cast %mul3A_156 : i32 to index
      %get3A_160 = tpu.vector_load %arg4[%get3A_158, %get3A_159] {strides = array<i32>} : memref<32x512xf32, #tpu.memory_space<vmem>>, vector<16xf32>,
      %add3A_161 = arith.addf %add3A_154, %get3A_160 : vector<16xf32>
      %mul3A_162 = arith.constant 16 : i32
      %mul3A_163 = arith.muli %scan3A_14, %mul3A_162 : i32
      %get3A_164 = arith.constant 21 : i32
      %get3A_165 = arith.index_cast %get3A_164 : i32 to index
      %get3A_166 = arith.index_cast %mul3A_163 : i32 to index
      %get3A_167 = tpu.vector_load %arg4[%get3A_165, %get3A_166] {strides = array<i32>} : memref<32x512xf32, #tpu.memory_space<vmem>>, vector<16xf32>,
      %add3A_168 = arith.addf %add3A_161, %get3A_167 : vector<16xf32>
      %mul3A_169 = arith.constant 16 : i32
      %mul3A_170 = arith.muli %scan3A_14, %mul3A_169 : i32
      %get3A_171 = arith.constant 22 : i32
      %get3A_172 = arith.index_cast %get3A_171 : i32 to index
      %get3A_173 = arith.index_cast %mul3A_170 : i32 to index
      %get3A_174 = tpu.vector_load %arg4[%get3A_172, %get3A_173] {strides = array<i32>} : memref<32x512xf32, #tpu.memory_space<vmem>>, vector<16xf32>,
      %add3A_175 = arith.addf %add3A_168, %get3A_174 : vector<16xf32>
      %mul3A_176 = arith.constant 16 : i32
      %mul3A_177 = arith.muli %scan3A_14, %mul3A_176 : i32
      %get3A_178 = arith.constant 23 : i32
      %get3A_179 = arith.index_cast %get3A_178 : i32 to index
      %get3A_180 = arith.index_cast %mul3A_177 : i32 to index
      %get3A_181 = tpu.vector_load %arg4[%get3A_179, %get3A_180] {strides = array<i32>} : memref<32x512xf32, #tpu.memory_space<vmem>>, vector<16xf32>,
      %add3A_182 = arith.addf %add3A_175, %get3A_181 : vector<16xf32>
      %mul3A_183 = arith.constant 16 : i32
      %mul3A_184 = arith.muli %scan3A_14, %mul3A_183 : i32
      %get3A_185 = arith.constant 24 : i32
      %get3A_186 = arith.index_cast %get3A_185 : i32 to index
      %get3A_187 = arith.index_cast %mul3A_184 : i32 to index
      %get3A_188 = tpu.vector_load %arg4[%get3A_186, %get3A_187] {strides = array<i32>} : memref<32x512xf32, #tpu.memory_space<vmem>>, vector<16xf32>,
      %add3A_189 = arith.addf %add3A_182, %get3A_188 : vector<16xf32>
      %mul3A_190 = arith.constant 16 : i32
      %mul3A_191 = arith.muli %scan3A_14, %mul3A_190 : i32
      %get3A_192 = arith.constant 25 : i32
      %get3A_193 = arith.index_cast %get3A_192 : i32 to index
      %get3A_194 = arith.index_cast %mul3A_191 : i32 to index
      %get3A_195 = tpu.vector_load %arg4[%get3A_193, %get3A_194] {strides = array<i32>} : memref<32x512xf32, #tpu.memory_space<vmem>>, vector<16xf32>,
      %add3A_196 = arith.addf %add3A_189, %get3A_195 : vector<16xf32>
      %mul3A_197 = arith.constant 16 : i32
      %mul3A_198 = arith.muli %scan3A_14, %mul3A_197 : i32
      %get3A_199 = arith.constant 26 : i32
      %get3A_200 = arith.index_cast %get3A_199 : i32 to index
      %get3A_201 = arith.index_cast %mul3A_198 : i32 to index
      %get3A_202 = tpu.vector_load %arg4[%get3A_200, %get3A_201] {strides = array<i32>} : memref<32x512xf32, #tpu.memory_space<vmem>>, vector<16xf32>,
      %add3A_203 = arith.addf %add3A_196, %get3A_202 : vector<16xf32>
      %mul3A_204 = arith.constant 16 : i32
      %mul3A_205 = arith.muli %scan3A_14, %mul3A_204 : i32
      %get3A_206 = arith.constant 27 : i32
      %get3A_207 = arith.index_cast %get3A_206 : i32 to index
      %get3A_208 = arith.index_cast %mul3A_205 : i32 to index
      %get3A_209 = tpu.vector_load %arg4[%get3A_207, %get3A_208] {strides = array<i32>} : memref<32x512xf32, #tpu.memory_space<vmem>>, vector<16xf32>,
      %add3A_210 = arith.addf %add3A_203, %get3A_209 : vector<16xf32>
      %mul3A_211 = arith.constant 16 : i32
      %mul3A_212 = arith.muli %scan3A_14, %mul3A_211 : i32
      %get3A_213 = arith.constant 28 : i32
      %get3A_214 = arith.index_cast %get3A_213 : i32 to index
      %get3A_215 = arith.index_cast %mul3A_212 : i32 to index
      %get3A_216 = tpu.vector_load %arg4[%get3A_214, %get3A_215] {strides = array<i32>} : memref<32x512xf32, #tpu.memory_space<vmem>>, vector<16xf32>,
      %add3A_217 = arith.addf %add3A_210, %get3A_216 : vector<16xf32>
      %mul3A_218 = arith.constant 16 : i32
      %mul3A_219 = arith.muli %scan3A_14, %mul3A_218 : i32
      %get3A_220 = arith.constant 29 : i32
      %get3A_221 = arith.index_cast %get3A_220 : i32 to index
      %get3A_222 = arith.index_cast %mul3A_219 : i32 to index
      %get3A_223 = tpu.vector_load %arg4[%get3A_221, %get3A_222] {strides = array<i32>} : memref<32x512xf32, #tpu.memory_space<vmem>>, vector<16xf32>,
      %add3A_224 = arith.addf %add3A_217, %get3A_223 : vector<16xf32>
      %mul3A_225 = arith.constant 16 : i32
      %mul3A_226 = arith.muli %scan3A_14, %mul3A_225 : i32
      %get3A_227 = arith.constant 30 : i32
      %get3A_228 = arith.index_cast %get3A_227 : i32 to index
      %get3A_229 = arith.index_cast %mul3A_226 : i32 to index
      %get3A_230 = tpu.vector_load %arg4[%get3A_228, %get3A_229] {strides = array<i32>} : memref<32x512xf32, #tpu.memory_space<vmem>>, vector<16xf32>,
      %add3A_231 = arith.addf %add3A_224, %get3A_230 : vector<16xf32>
      %mul3A_232 = arith.constant 16 : i32
      %mul3A_233 = arith.muli %scan3A_14, %mul3A_232 : i32
      %get3A_234 = arith.constant 31 : i32
      %get3A_235 = arith.index_cast %get3A_234 : i32 to index
      %get3A_236 = arith.index_cast %mul3A_233 : i32 to index
      %get3A_237 = tpu.vector_load %arg4[%get3A_235, %get3A_236] {strides = array<i32>} : memref<32x512xf32, #tpu.memory_space<vmem>>, vector<16xf32>,
      %add3A_238 = arith.addf %add3A_231, %get3A_237 : vector<16xf32>
      %mul3A_239 = arith.constant 16 : i32
      %mul3A_240 = arith.muli %scan3A_14, %mul3A_239 : i32
      %swap3A = arith.index_cast %mul3A_240 : i32 to index
      %swap3A_241 = tpu.vector_load %arg5[%swap3A] {strides = array<i32>} : memref<512xf32, #tpu.memory_space<vmem>>, vector<16xf32>,
      tpu.vector_store %arg5[%swap3A], %add3A_238 {strides = array<i32>} : memref<512xf32, #tpu.memory_space<vmem>>, vector<16xf32>,
    }
    %scan3A_13 = arith.constant 32 : i32
    "tpu.region"() ({
      %run_scoped3A = tpu.sem_alloc : memref<!tpu.dma_semaphore, #tpu.memory_space<semaphore_mem>>
      %dma_start3A_14 = tpu.memref_slice %arg3[%mul3A_2] : memref<16384xf32, #tpu.memory_space<hbm>> -> memref<512xf32, #tpu.memory_space<hbm>>
      %dma_start3A_15 = tpu.memref_slice %arg3[%mul3A_2] : memref<16384xf32, #tpu.memory_space<hbm>> -> memref<512xf32, #tpu.memory_space<hbm>>
      tpu.enqueue_dma source(%arg5 : memref<512xf32, #tpu.memory_space<vmem>>) target(%dma_start3A_15 : memref<512xf32, #tpu.memory_space<hbm>>) target_semaphore(%run_scoped3A : memref<!tpu.dma_semaphore, #tpu.memory_space<semaphore_mem>>)
      %dma_wait3A_16 = tpu.memref_slice %arg3[%mul3A_2] : memref<16384xf32, #tpu.memory_space<hbm>> -> memref<512xf32, #tpu.memory_space<hbm>>
      %dma_wait3A_17 = tpu.memref_slice %arg3[%mul3A_2] : memref<16384xf32, #tpu.memory_space<hbm>> -> memref<512xf32, #tpu.memory_space<hbm>>
      tpu.wait_dma2 semaphore(%run_scoped3A : memref<!tpu.dma_semaphore, #tpu.memory_space<semaphore_mem>>) src(%arg5 : memref<512xf32, #tpu.memory_space<vmem>>) dst(%dma_wait3A_17 : memref<512xf32, #tpu.memory_space<hbm>>)
      tpu.yield
    }) : () -> ()
    return
  }
}

</mosaic_0001>

<sc_bundles>
// kernel: kernel.4.cloned.1.call-start
scs
__scs_entry_jumppad:
0x0: {  	(pc) =	sbr.rel $0x88, $3  }
0x1: {  	(tag) =	ssettag $0x0;
	lr =	simm.s32 $0x1  }
0x2: {  	[smem:$0x3F9D] =	sst lr;
	_ =	strace $0xD0000000  }
0x3: {  	_ = 	snop  }
0x4: {  	_ = 	snop  }
0x5: {  	_ = 	snop  }
0x6: {  	_ = 	snop  }
0x7: {  	_ = 	snop  }
__scs_overlays_trampoline_lowered:
0x8: {  	[smem:$0x3FAC] =	sst s0  }
0x9: {  	[smem:$0x3FAD] =	sst s1  }
0xa: {  	[smem:$0x3FAE] =	sst s2  }
0xb: {  	[smem:$0x3FAF] =	sst s3  }
0xc: {  	[smem:$0x3FB0] =	sst s4  }
0xd: {  	[smem:$0x3FB1] =	sst s5  }
0xe: {  	[smem:$0x3FB2] =	sst s6  }
0xf: {  	[smem:$0x3FB3] =	sst s7  }
0x10: {  	[smem:$0x3FB4] =	sst s8  }
0x11: {  	[smem:$0x3FB5] =	sst s9;
	s0 =	simm.s32 @!p0 $0x0  }
0x12: {  	s1 =	sld [smem:$0x3F9B];
	s0 =	simm.s32 @p0 $0x1  }
0x13: {  	[smem:$0x3FB6] =	sst s0;
	s0 =	simm.s32 @!p1 $0x0  }
0x14: {  	s2 =	sld [smem:$0x3F9A];
	s0 =	simm.s32 @p1 $0x1  }
0x15: {  	[smem:$0x3FB7] =	sst s0;
	s0 =	simm.s32 @!p2 $0x0  }
0x16: {  	s3 =	sld [smem:$0x3FDB];
	s0 =	simm.s32 @p2 $0x1  }
0x17: {  	s4 =	simm.s32 $0x1BF5;
	[smem:$0x3FB9] =	sst s0  }
0x18: {  	s0 =	sld [smem:$0x3F9C];
	_ =	swait.ge [sflag:s4], $0x0  }
0x19: {  	s7 =	sld [smem:$0x3F9D]  }
0x1a: {  	s8 =	sadd.s32 $0xFFFFE003, lr  }
0x1b: {  	s9 =	sadd.s32 $0xFFFFFEF7, lr;
	s5 =	simm.s32 $0xFFFFFFFF;
	p2 =	slt.u32 s8, $0xFFFFF086  }
0x1c: {  	p1 =	slt.u32 s9, $0xF7A;
	s5 =	simm.s32 @!p2 $0x0  }
0x1d: {  	s5 =	simm.s32 @p1 $0x1;
	p0 =	seq.s32 s7, s2  }
0x1e: {  	s7 =	smul.u32 @!p0 $0xF7A, s2;
	p2 =	seq.s32 @!p0 s5, $0x0  }
0x1f: {  	s9 =	smul.u32 $0xF7A, s1;
	s8 =	simm.s32 @!p0 $0x1BF5;
	p2 =	por !p2, p0  }
0x20: {  	[sflag:s8] =	ssyncset.s32 @!p0 $0xFFFFF086;
	s6 =	sadd.s32 @!p0 s3, s7;
	s7 =	simm.s32 @!p0 $0x108  }
0x21: {  	s3 =	sadd.s32 s3, s9;
	s6 =	sadd.s32 @!p0 $0x88, s6;
	s7 =	simm.s32 @p2 $0x1082  }
0x22: {  	[simem:s7], [sflag:s8] =	dma.local @!p0 [hbm:s6], $0xF7A  }
0x23: {  	s9 =	sor.u32 $0xD0000000, s2;
	s6 =	simm.s32 $0x108;
	_ =	swait.ge @!p0 [sflag:s8], $0x0  }
0x24: {  	s3 =	sadd.s32 $0x88, s3;
	s6 =	simm.s32 @!p1 $0x1082;
	[sflag:s4] =	ssyncset.s32 $0xFFFFF086  }
0x25: {  	[simem:s6], [sflag:s4] =	dma.local [hbm:s3], $0xF7A  }
0x26: {  	[smem:$0x3F9D] =	sst s1;
	(tag) =	ssettag s2;
	_ =	strace s9  }
0x27: {  	s1 =	sld [smem:$0x3FAD]  }
0x28: {  	s2 =	sld [smem:$0x3FAE]  }
0x29: {  	s4 =	sld [smem:$0x3FB0]  }
0x2a: {  	p0 =	seq.s32 s5, $0x0;
	s5 =	sld [smem:$0x3FB1]  }
0x2b: {  	s6 =	sld [smem:$0x3FB2]  }
0x2c: {  	s7 =	sld [smem:$0x3FB3]  }
0x2d: {  	s3 =	simm.s32 $0x108;
	s8 =	sld [smem:$0x3FB4]  }
0x2e: {  	s3 =	simm.s32 @!p0 $0x1082;
	s9 =	sld [smem:$0x3FB5]  }
0x2f: {  	lr =	sadd.s32 s0, s3;
	s0 =	sld [smem:$0x3FAC]  }
0x30: {  	s3 =	sld [smem:$0x3FAF]  }
0x31: {  	[smem:$0x3FB8] =	sst s10  }
0x32: {  	s10 =	sld [smem:$0x3FB6];
	_ =	sdelay $0x3  }
0x33: {  	p0 =	seq.s32 s10, $0x1;
	s10 =	sld [smem:$0x3FB8];
	_ =	sdelay $0x3  }
0x34: {  	[smem:$0x3FB8] =	sst s10  }
0x35: {  	s10 =	sld [smem:$0x3FB7];
	_ =	sdelay $0x3  }
0x36: {  	p1 =	seq.s32 s10, $0x1;
	s10 =	sld [smem:$0x3FB8];
	_ =	sdelay $0x3  }
0x37: {  	[smem:$0x3FB8] =	sst s10  }
0x38: {  	s10 =	sld [smem:$0x3FB9]  }
0x39: {  	_ = 	snop;
	(pc) =	sbr.ind lr, $3  }
0x3a: {  	_ = 	snop  }
0x3b: {  	_ = 	snop  }
0x3c: {  	p2 =	seq.s32 s10, $0x1;
	s10 =	sld [smem:$0x3FB8]  }
0x3d: {  	_ =	shalt  }
0x3e: {  	_ =	shalt  }
0x3f: {  	_ =	shalt  }
0x40: {  	_ =	shalt  }
0x41: {  	_ =	shalt  }
0x42: {  	_ =	shalt  }
0x43: {  	_ =	shalt  }
0x44: {  	_ =	shalt  }
0x45: {  	_ =	shalt  }
0x46: {  	_ =	shalt  }
0x47: {  	_ =	shalt  }
0x48: {  	_ =	shalt  }
0x49: {  	_ =	shalt  }
0x4a: {  	_ =	shalt  }
0x4b: {  	_ =	shalt  }
0x4c: {  	_ =	shalt  }
0x4d: {  	_ =	shalt  }
0x4e: {  	_ =	shalt  }
0x4f: {  	_ =	shalt  }
0x50: {  	_ =	shalt  }
0x51: {  	_ =	shalt  }
0x52: {  	_ =	shalt  }
0x53: {  	_ =	shalt  }
0x54: {  	_ =	shalt  }
0x55: {  	_ =	shalt  }
0x56: {  	_ =	shalt  }
0x57: {  	_ =	shalt  }
0x58: {  	_ =	shalt  }
0x59: {  	_ =	shalt  }
0x5a: {  	_ =	shalt  }
0x5b: {  	_ =	shalt  }
0x5c: {  	_ =	shalt  }
0x5d: {  	_ =	shalt  }
0x5e: {  	_ =	shalt  }
0x5f: {  	_ =	shalt  }
0x60: {  	_ =	shalt  }
0x61: {  	_ =	shalt  }
0x62: {  	_ =	shalt  }
0x63: {  	_ =	shalt  }
0x64: {  	_ =	shalt  }
0x65: {  	_ =	shalt  }
0x66: {  	_ =	shalt  }
0x67: {  	_ =	shalt  }
0x68: {  	_ =	shalt  }
0x69: {  	_ =	shalt  }
0x6a: {  	_ =	shalt  }
0x6b: {  	_ =	shalt  }
0x6c: {  	_ =	shalt  }
0x6d: {  	_ =	shalt  }
0x6e: {  	_ =	shalt  }
0x6f: {  	_ =	shalt  }
0x70: {  	_ =	shalt  }
0x71: {  	_ =	shalt  }
0x72: {  	_ =	shalt  }
0x73: {  	_ =	shalt  }
0x74: {  	_ =	shalt  }
0x75: {  	_ =	shalt  }
0x76: {  	_ =	shalt  }
0x77: {  	_ =	shalt  }
0x78: {  	_ =	shalt  }
0x79: {  	_ =	shalt  }
0x7a: {  	_ =	shalt  }
0x7b: {  	_ =	shalt  }
0x7c: {  	_ =	shalt  }
0x7d: {  	_ =	shalt  }
0x7e: {  	_ =	shalt  }
0x7f: {  	_ =	shalt  }
0x80: {  	_ =	shalt  }
0x81: {  	_ =	shalt  }
0x82: {  	_ =	shalt  }
0x83: {  	_ =	shalt  }
0x84: {  	_ =	shalt  }
0x85: {  	_ =	shalt  }
0x86: {  	_ =	shalt  }
0x87: {  	_ =	shalt  }
.Lfunc_end0:
.L_simem_size_0:
called_computation_lowered:
.L_overlay_start_0:
0x88: {  	s2 =	sld [smem:$0x3FD9]  }
0x89: {  	s3 =	sld [smem:$0x3FFE];
	_ =	sdelay $0x1  }
0x8a: {  	s1 =	srdreg.scid  }
0x8b: {  	s0 =	sand.u32 $0x1, s1  }
0x8c: {  	s17 =	sshll.u32 s0, $0xA;
	s2 =	sadd.s32 s3, s2  }
0x8d: {  	s2 =	sadd.s32 s2, s17  }
0x8e: {  	[smem:$0x3FC4] =	sst s2  }
0x8f: {  	_ = 	snop  }
0x90: {  	s2 =	sld [smem:$0x3FC9]  }
0x91: {  	s18 =	sld [smem:$0x3FC8];
	(tm) =	ssettm $0x1  }
0x92: {  	s4 =	sld [smem:$0x3FFB];
	_ =	sdelay $0x3  }
0x93: {  	_ =	strace s4  }
0x94: {  	s4 =	sld [smem:$0x3FFC];
	_ =	sdelay $0x3  }
0x95: {  	_ =	strace s4  }
0x96: {  	s4 =	sld [smem:$0x3FFD];
	_ =	sdelay $0x3  }
0x97: {  	_ =	strace s4  }
0x98: {  	_ =	strace $0x8FFFFFFF  }
0x99: {  	s19 =	sld [smem:$0x3FDB];
	_ =	sdelay $0x1  }
0x9a: {  	s5 =	simm.s32 $_scs_section_size  }
0x9b: {  	s6 =	simm.s32 $_size__tile_overlayer_lowered;
	s7 =	simm.s32 $_tile_overlayer_lowered  }
0x9c: {  	s22 =	simm.s32 $0x1BFF;
	s21 =	sshll.u32 s7, $0x1;
	s4 =	sadd.s32 s5, s19  }
0x9d: {  	s8 =	simm.s32 $0x0;
	s20 =	sshll.u32 s6, $0x1;
	s6 =	sadd.s32 s21, s4  }
0x9e: {  	[timem:s8], [sflag:s22] =	dma.local [hbm:s6], s20  }
0x9f: {  	_ =	swait.ge [sflag:s22], s20  }
0xa0: {  	s5 =	ssub.s32 $0x0, s20;
	[sflag:s22] =	ssyncset.done $0x0  }
0xa1: {  	[sflag:s22] =	ssyncadd.s32 s5;
	_ =	sdelay $0x1  }
0xa2: {  	s23 =	simm.s32 $0x1B8B  }
0xa3: {  	_ =	swait.ge [sflag:s23], $0x1  }
0xa4: {  	[sflag:s23] =	ssyncset.done $0x0  }
0xa5: {  	s25 =	simm.s32 $0x1B8E;
	s24 =	sld [smem:$0x3FFE];
	[sflag:s23] =	ssyncadd.s32 $0xFFFFFFFF  }
0xa6: {  	s26 =	simm.s32 $execute0_lowered;
	[smem:$0x3FD2] =	sst s25  }
0xa7: {  	s6 =	sshll.u32 s26, $0x1;
	_ =	strace $0x80000046;
	[dreg:$0x1] =	wrdreg $0xFFFFFFFF  }
0xa8: {  	s28 =	simm.s32 $_size_execute0_lowered;
	s4 =	sadd.s32 s4, s6;
	[dreg:$0x0] =	wrdreg $0x0  }
0xa9: {  	s6 =	sshll.u32 s28, $0x1;
	[dreg:$0x2] =	wrdreg s4  }
0xaa: {  	[dreg:$0x3] =	wrdreg s6  }
0xab: {  	[dreg:$0x4] =	wrdreg $0xC0  }
0xac: {  	_ =	task [dreg:s8], $0x5FFFF  }
0xad: {  	[dreg:$0x1] =	wrdreg $0xFFFFFFFF  }
0xae: {  	[dreg:$0x0] =	wrdreg $0x60  }
0xaf: {  	[dreg:$0x2] =	wrdreg s2  }
0xb0: {  	[dreg:$0x3] =	wrdreg s18  }
0xb1: {  	[dreg:$0x4] =	wrdreg s24  }
0xb2: {  	[dreg:$0x5] =	wrdreg $0x9  }
0xb3: {  	_ =	task.clear_ibuf [dreg:s8], $0x6FFFF;
	_ =	strace $0x90000046  }
0xb4: {  	s29 =	simm.s32 $0x9;
	_ =	strace $0x80000048  }
0xb5: {  	_ =	swait.ge [sflag:s29], $0x1  }
0xb6: {  	[sflag:s29] =	ssyncadd.s32 $0xFFFFFFFF  }
0xb7: {  	_ =	strace $0x90000048  }
0xb8: {  	_ =	sfence  }
0xb9: {  	s30 =	sld [smem:$0x0];
	_ =	sdelay $0x2  }
0xba: {  	s31 =	sshll.u32 s1, $0xD;
	s1 =	sshrl.u32 s1, $0x2  }
0xbb: {  	s3 =	sand.u32 $0x4000, s31;
	s1 =	sadd.s32 s1, s30  }
0xbc: {  	s0 =	sor.u32 s3, s0;
	s1 =	sshll.u32 s1, $0x11  }
0xbd: {  	s0 =	sor.u32 s1, s0  }
0xbe: {  	s0 =	sadd.s32 $0x8F2B, s0  }
0xbf: {  	[sflag:s0] =	ssyncadd.remote.s32 $0x1  }
0xc0: {  	_ =	sfence.sel $0xFFFF  }
0xc1: {  	[dreg:$0x0] =	wrdreg $0xFFFFFFFF;
	(pc) =	sbr.abs _section_cstart, $3  }
0xc2: {  	[dreg:$0x1] =	wrdreg $0xFFFFFFFF  }
0xc3: {  	_ =	task.clear_ibuf [dreg:s8], $0x2FFFF;
	_ =	strace $0x9FFFFFFF  }
0xc4: {  	(tm) =	ssettm $0x7FFFFFFF  }
0xc5: {  	_ =	shalt  }
tec
execute0_lowered:
.L_overlay_start_1:
0x0: {  	(tag) =	ssettag $0x1  }
0x1: {  	s1 =	rddreg [dreg:$0x0]  }
0x2: {  	s3 =	rddreg [dreg:$0x1]  }
0x3: {  	s5 =	rddreg [dreg:$0x2]  }
0x4: {  	s0 =	rddreg [dreg:$0x3];
	s6 =	srdreg.scid  }
0x5: {  	s2 =	stileid.u32;
	s4 =	simm.s32 $0x0;
	s20 =	simm.s32 $0xC000  }
0x6: {  	s21 =	simm.s32 $0x1;
	s22 =	simm.s32 $0x15E00;
	s23 =	simm.s32 $0x2  }
0x7: {  	s24 =	simm.s32 $0x8000;
	s25 =	simm.s32 $0x0;
	s6 =	sand.u32 $0x1, s6  }
0x8: {  	s7 =	sshll.u32 s2, $0x1;
	[smem:$0x7FF] =	sst s4;
	s13 =	sadd.s32 $0xA00, s5  }
0x9: {  	s16 =	sadd.s32 $0xC4000, s5;
	s7 =	sor.u32 s6, s7;
	s6 =	ssub.s32 $0x2, s6  }
0xa: {  	s8 =	smul.u32 $0x30D40, s7;
	s7 =	sshll.u32 s7, $0xB;
	s31 =	sshrl.u32 s6, $0x1  }
0xb: {  	_ =	strace $0x80000047;
	s17 =	sadd.s32 s7, s5;
	s18 =	ssub.s32 s6, s31  }
0xc: {  	s11 =	sshrl.u32 s8, $0x3;
	s17 =	sadd.s32 $0x187600, s17;
	s18 =	smax.u32 s18, $0x1  }
0xd: {  	s9 =	sadd.s32 $0x13C0, s11;
	s10 =	sadd.s32 $0x2780, s11;
	s5 =	sadd.s32 s13, s11  }
0xe: {  	s8 =	sadd.s32 s16, s11;
	s14 =	sadd.s32 $0x30D4, s11;
	s15 =	sadd.s32 $0x4494, s11  }
0xf: {  	s19 =	sadd.s32 $0x5854, s11;
	s6 =	sadd.s32 s13, s9;
	s7 =	sadd.s32 s13, s10  }
0x10: {  	s9 =	sadd.s32 s16, s9;
	s10 =	sadd.s32 s16, s10;
	s11 =	sadd.s32 s13, s14  }
0x11: {  	s12 =	sadd.s32 s13, s15;
	s13 =	sadd.s32 s13, s19;
	s14 =	sadd.s32 s16, s14  }
0x12: {  	v0 =	vimm.f32 $0.0e+00;
	s15 =	sadd.s32 s16, s15;
	s16 =	sadd.s32 s16, s19;
	s19 =	simm.s32 $0x3  }
.LBB2_1:
0x13: {  	s26 =	simm.s32 $0x0;
	s28 =	simm.s32 $0x200  }
.LBB2_2:
0x14: {  	p0 =	sne.s32 s28, $0xFE00;
	[tilespmem:s26+$0x8070] =	vst v0  }
0x15: {  	[tilespmem:s26+$0x8000] =	vst v0  }
0x16: {  	[tilespmem:s26+$0x8010] =	vst v0  }
.Ltmp0:
0x17: {  	[tilespmem:s26+$0x8020] =	vst v0;
	(pc) =	sbr.rel @p0 .LBB2_2-.Ltmp0, $4  }
0x18: {  	[tilespmem:s26+$0x8030] =	vst v0  }
0x19: {  	[tilespmem:s26+$0x8040] =	vst v0  }
0x1a: {  	[tilespmem:s26+$0x8050] =	vst v0  }
0x1b: {  	[tilespmem:s26+$0x8060] =	vst v0;
	s26 =	sshra.s32 s28, $0x2;
	s28 =	sadd.s32 $0x200, s28  }
0x1c: {  	[tilespmem:s26+$0x8070] =	vst v0  }
0x1d: {  	[tilespmem:s26+$0x8000] =	vst v0  }
0x1e: {  	[tilespmem:s26+$0x8010] =	vst v0  }
0x1f: {  	[tilespmem:s26+$0x8020] =	vst v0  }
0x20: {  	[tilespmem:s26+$0x8030] =	vst v0  }
0x21: {  	[tilespmem:s26+$0x8040] =	vst v0  }
0x22: {  	[tilespmem:s26+$0x8050] =	vst v0  }
0x23: {  	[tilespmem:s26+$0x8060] =	vst v0;
	s31 =	simm.s32 $0x0  }
0x24: {  	[tilespmem:s31], [sflag:$0x3] =	stream.linear.gather [hbm4b:s1+s31], $0x4000, $0x38;
	[tilespmem:$0x1FC00] =	vst v63  }
0x25: {  	_ =	swait.ge [sflag:s19], $0x4000  }
0x26: {  	[sflag:s19] =	ssyncset.done $0x0  }
0x27: {  	[sflag:s19] =	ssyncadd.s32 $0xFFFFC000  }
0x28: {  	[tilespmem:s20], [sflag:$0x1] =	stream.linear.gather [hbm4b:s5+s31], $0x9E00, $0x38;
	[tilespmem:$0x1FC00] =	vst v63  }
0x29: {  	_ =	swait.ge [sflag:s21], $0x9E00  }
0x2a: {  	[sflag:s21] =	ssyncset.done $0x0  }
0x2b: {  	s26 =	simm.s32 $0x0;
	[sflag:s21] =	ssyncadd.s32 $0xFFFF6200  }
0x2c: {  	[tilespmem:s22], [sflag:$0x2] =	stream.linear.gather [hbm4b:s6+s31], $0x9E00, $0x38;
	[tilespmem:$0x1FC00] =	vst v63  }
0x2d: {  	v1 =	vld [tilespmem:s26+$0x0];
	_ =	sdelay $0x4  }
0x2e: {  	vm0 =	vlt.u32 v1, $0x9E00  }
0x2f: {  	v1 =	vnsel vm0, $0x0, v1  }
0x30: {  	v2 =	vld [tilespmem:s26+$0x10];
	_ =	sdelay $0x2  }
0x31: {  	v3 =	vld [tilespmem:s26+$0x4000]  }
0x32: {  	v1 =	vld.idx.msk [tilespmem:v1+s20+$0x0], $0xffff  }
0x33: {  	vm1 =	vlt.u32 v2, $0x9E00  }
0x34: {  	v2 =	vnsel vm1, $0x0, v2;
	_ =	sdelay $0x1  }
0x35: {  	v4 =	vld [tilespmem:s26+$0x20]  }
0x36: {  	v1 =	vsel vm0, v1, v3  }
0x37: {  	[tilespmem:s26+$0x4000] =	vst v1  }
0x38: {  	v1 =	vld.idx.msk [tilespmem:v2+s20+$0x0], $0xffff  }
0x39: {  	v2 =	vld [tilespmem:s26+$0x4010]  }
0x3a: {  	vm0 =	vlt.u32 v4, $0x9E00  }
0x3b: {  	v3 =	vnsel vm0, $0x0, v4  }
0x3c: {  	v4 =	vld [tilespmem:s26+$0x30];
	_ =	sdelay $0x1  }
0x3d: {  	v1 =	vsel vm1, v1, v2  }
0x3e: {  	v2 =	vld [tilespmem:s26+$0x4020];
	[tilespmem:s26+$0x4010] =	vst v1  }
0x3f: {  	v1 =	vld.idx.msk [tilespmem:v3+s20+$0x0], $0xffff  }
0x40: {  	vm1 =	vlt.u32 v4, $0x9E00  }
0x41: {  	v3 =	vnsel vm1, $0x0, v4  }
0x42: {  	v4 =	vld [tilespmem:s26+$0x40];
	_ =	sdelay $0x1  }
0x43: {  	v1 =	vsel vm0, v1, v2  }
0x44: {  	v2 =	vld [tilespmem:s26+$0x4030];
	[tilespmem:s26+$0x4020] =	vst v1  }
0x45: {  	v1 =	vld.idx.msk [tilespmem:v3+s20+$0x0], $0xffff  }
0x46: {  	vm0 =	vlt.u32 v4, $0x9E00  }
0x47: {  	v3 =	vnsel vm0, $0x0, v4  }
0x48: {  	v4 =	vld [tilespmem:s26+$0x50];
	_ =	sdelay $0x1  }
0x49: {  	v1 =	vsel vm1, v1, v2  }
0x4a: {  	v2 =	vld [tilespmem:s26+$0x4040];
	[tilespmem:s26+$0x4030] =	vst v1  }
0x4b: {  	v1 =	vld.idx.msk [tilespmem:v3+s20+$0x0], $0xffff  }
0x4c: {  	vm2 =	vlt.u32 v4, $0x9E00  }
0x4d: {  	v3 =	vnsel vm2, $0x0, v4  }
0x4e: {  	v4 =	vld [tilespmem:s26+$0x60];
	_ =	sdelay $0x1  }
0x4f: {  	v1 =	vsel vm0, v1, v2  }
0x50: {  	v2 =	vld [tilespmem:s26+$0x4050];
	[tilespmem:s26+$0x4040] =	vst v1  }
0x51: {  	v1 =	vld.idx.msk [tilespmem:v3+s20+$0x0], $0xffff  }
0x52: {  	vm1 =	vlt.u32 v4, $0x9E00  }
0x53: {  	v3 =	vnsel vm1, $0x0, v4;
	_ =	sdelay $0x1  }
0x54: {  	v4 =	vld [tilespmem:s26+$0x70]  }
0x55: {  	v1 =	vsel vm2, v1, v2  }
0x56: {  	[tilespmem:s26+$0x4050] =	vst v1  }
0x57: {  	v1 =	vld.idx.msk [tilespmem:v3+s20+$0x0], $0xffff  }
0x58: {  	v3 =	vld [tilespmem:s26+$0x4060]  }
0x59: {  	vm0 =	vlt.u32 v4, $0x9E00  }
0x5a: {  	v2 =	vnsel vm0, $0x0, v4  }
0x5b: {  	s29 =	simm.s32 $0x80;
	s28 =	simm.s32 $0x400  }
.LBB2_4:
0x5c: {  	p0 =	sne.s32 s28, $0xFE00;
	v4 =	vld [tilespmem:s29+$0x0]  }
0x5d: {  	v1 =	vsel vm1, v1, v3  }
0x5e: {  	[tilespmem:s26+$0x4060] =	vst v1  }
0x5f: {  	v1 =	vld.idx.msk [tilespmem:v2+s20+$0x0], $0xffff  }
0x60: {  	v2 =	vld [tilespmem:s26+$0x4070]  }
0x61: {  	vm1 =	vlt.u32 v4, $0x9E00  }
0x62: {  	v3 =	vnsel vm1, $0x0, v4;
	_ =	sdelay $0x1  }
0x63: {  	v4 =	vld [tilespmem:s29+$0x10]  }
0x64: {  	v1 =	vsel vm0, v1, v2  }
0x65: {  	[tilespmem:s26+$0x4070] =	vst v1;
	s26 =	smov.u32 s29  }
0x66: {  	v1 =	vld.idx.msk [tilespmem:v3+s20+$0x0], $0xffff  }
0x67: {  	v2 =	vld [tilespmem:s26+$0x4000]  }
0x68: {  	vm0 =	vlt.u32 v4, $0x9E00  }
0x69: {  	v3 =	vnsel vm0, $0x0, v4;
	_ =	sdelay $0x1  }
0x6a: {  	v4 =	vld [tilespmem:s26+$0x20]  }
0x6b: {  	v1 =	vsel vm1, v1, v2  }
0x6c: {  	[tilespmem:s26+$0x4000] =	vst v1  }
0x6d: {  	v1 =	vld.idx.msk [tilespmem:v3+s20+$0x0], $0xffff  }
0x6e: {  	v2 =	vld [tilespmem:s26+$0x4010]  }
0x6f: {  	vm1 =	vlt.u32 v4, $0x9E00  }
0x70: {  	v3 =	vnsel vm1, $0x0, v4;
	_ =	sdelay $0x1  }
0x71: {  	v4 =	vld [tilespmem:s26+$0x30]  }
0x72: {  	v1 =	vsel vm0, v1, v2  }
0x73: {  	[tilespmem:s26+$0x4010] =	vst v1  }
0x74: {  	v1 =	vld.idx.msk [tilespmem:v3+s20+$0x0], $0xffff  }
0x75: {  	v2 =	vld [tilespmem:s26+$0x4020]  }
0x76: {  	vm0 =	vlt.u32 v4, $0x9E00  }
0x77: {  	v3 =	vnsel vm0, $0x0, v4;
	_ =	sdelay $0x1  }
0x78: {  	v4 =	vld [tilespmem:s26+$0x40]  }
0x79: {  	v1 =	vsel vm1, v1, v2  }
0x7a: {  	[tilespmem:s26+$0x4020] =	vst v1  }
0x7b: {  	v1 =	vld.idx.msk [tilespmem:v3+s20+$0x0], $0xffff  }
0x7c: {  	v2 =	vld [tilespmem:s26+$0x4030]  }
0x7d: {  	vm1 =	vlt.u32 v4, $0x9E00  }
0x7e: {  	v3 =	vnsel vm1, $0x0, v4;
	_ =	sdelay $0x1  }
0x7f: {  	v4 =	vld [tilespmem:s26+$0x50]  }
0x80: {  	v1 =	vsel vm0, v1, v2  }
0x81: {  	[tilespmem:s26+$0x4030] =	vst v1  }
0x82: {  	v1 =	vld.idx.msk [tilespmem:v3+s20+$0x0], $0xffff  }
0x83: {  	v2 =	vld [tilespmem:s26+$0x4040]  }
0x84: {  	vm0 =	vlt.u32 v4, $0x9E00  }
0x85: {  	v3 =	vnsel vm0, $0x0, v4;
	_ =	sdelay $0x1  }
0x86: {  	v4 =	vld [tilespmem:s26+$0x60]  }
0x87: {  	v1 =	vsel vm1, v1, v2  }
0x88: {  	[tilespmem:s26+$0x4040] =	vst v1  }
0x89: {  	v1 =	vld.idx.msk [tilespmem:v3+s20+$0x0], $0xffff  }
0x8a: {  	v2 =	vld [tilespmem:s26+$0x4050]  }
0x8b: {  	vm1 =	vlt.u32 v4, $0x9E00  }
0x8c: {  	v3 =	vnsel vm1, $0x0, v4;
	_ =	sdelay $0x1  }
0x8d: {  	v4 =	vld [tilespmem:s26+$0x70]  }
0x8e: {  	v1 =	vsel vm0, v1, v2  }
0x8f: {  	[tilespmem:s26+$0x4050] =	vst v1  }
.Ltmp1:
0x90: {  	v1 =	vld.idx.msk [tilespmem:v3+s20+$0x0], $0xffff;
	(pc) =	sbr.rel @p0 .LBB2_4-.Ltmp1, $4  }
0x91: {  	v3 =	vld [tilespmem:s26+$0x4060]  }
0x92: {  	vm0 =	vlt.u32 v4, $0x9E00  }
0x93: {  	v2 =	vnsel vm0, $0x0, v4  }
0x94: {  	s29 =	sshra.s32 s28, $0x2;
	s28 =	sadd.s32 $0x200, s28  }
0x95: {  	_ =	sdelay $0x1  }
0x96: {  	v4 =	vld [tilespmem:s29+$0x0];
	v1 =	vsel vm1, v1, v3  }
0x97: {  	[tilespmem:s26+$0x4060] =	vst v1  }
0x98: {  	v1 =	vld.idx.msk [tilespmem:v2+s20+$0x0], $0xffff  }
0x99: {  	v2 =	vld [tilespmem:s26+$0x4070];
	_ =	sdelay $0x1  }
0x9a: {  	vm1 =	vlt.u32 v4, $0x9E00  }
0x9b: {  	v3 =	vnsel vm1, $0x0, v4  }
0x9c: {  	v4 =	vld [tilespmem:s29+$0x10]  }
0x9d: {  	v1 =	vsel vm0, v1, v2  }
0x9e: {  	[tilespmem:s26+$0x4070] =	vst v1  }
0x9f: {  	v2 =	vld [tilespmem:s29+$0x4000]  }
0xa0: {  	v1 =	vld.idx.msk [tilespmem:v3+s20+$0x0], $0xffff  }
0xa1: {  	vm0 =	vlt.u32 v4, $0x9E00  }
0xa2: {  	v3 =	vnsel vm0, $0x0, v4  }
0xa3: {  	v4 =	vld [tilespmem:s29+$0x20];
	_ =	sdelay $0x1  }
0xa4: {  	v1 =	vsel vm1, v1, v2  }
0xa5: {  	v2 =	vld [tilespmem:s29+$0x4010];
	[tilespmem:s29+$0x4000] =	vst v1  }
0xa6: {  	v1 =	vld.idx.msk [tilespmem:v3+s20+$0x0], $0xffff  }
0xa7: {  	vm1 =	vlt.u32 v4, $0x9E00  }
0xa8: {  	v3 =	vnsel vm1, $0x0, v4  }
0xa9: {  	v4 =	vld [tilespmem:s29+$0x30];
	_ =	sdelay $0x1  }
0xaa: {  	v1 =	vsel vm0, v1, v2  }
0xab: {  	v2 =	vld [tilespmem:s29+$0x4020];
	[tilespmem:s29+$0x4010] =	vst v1  }
0xac: {  	v1 =	vld.idx.msk [tilespmem:v3+s20+$0x0], $0xffff  }
0xad: {  	vm0 =	vlt.u32 v4, $0x9E00  }
0xae: {  	v3 =	vnsel vm0, $0x0, v4  }
0xaf: {  	v4 =	vld [tilespmem:s29+$0x40];
	_ =	sdelay $0x1  }
0xb0: {  	v1 =	vsel vm1, v1, v2  }
0xb1: {  	v2 =	vld [tilespmem:s29+$0x4030];
	[tilespmem:s29+$0x4020] =	vst v1  }
0xb2: {  	v1 =	vld.idx.msk [tilespmem:v3+s20+$0x0], $0xffff  }
0xb3: {  	vm1 =	vlt.u32 v4, $0x9E00  }
0xb4: {  	v3 =	vnsel vm1, $0x0, v4  }
0xb5: {  	v4 =	vld [tilespmem:s29+$0x50];
	_ =	sdelay $0x1  }
0xb6: {  	v1 =	vsel vm0, v1, v2  }
0xb7: {  	v2 =	vld [tilespmem:s29+$0x4040];
	[tilespmem:s29+$0x4030] =	vst v1  }
0xb8: {  	v1 =	vld.idx.msk [tilespmem:v3+s20+$0x0], $0xffff  }
0xb9: {  	vm0 =	vlt.u32 v4, $0x9E00  }
0xba: {  	v3 =	vnsel vm0, $0x0, v4  }
0xbb: {  	v4 =	vld [tilespmem:s29+$0x60];
	_ =	sdelay $0x1  }
0xbc: {  	v1 =	vsel vm1, v1, v2  }
0xbd: {  	v2 =	vld [tilespmem:s29+$0x4050];
	[tilespmem:s29+$0x4040] =	vst v1  }
0xbe: {  	v1 =	vld.idx.msk [tilespmem:v3+s20+$0x0], $0xffff  }
0xbf: {  	vm1 =	vlt.u32 v4, $0x9E00  }
0xc0: {  	v3 =	vnsel vm1, $0x0, v4  }
0xc1: {  	v4 =	vld [tilespmem:s29+$0x70];
	_ =	sdelay $0x1  }
0xc2: {  	v1 =	vsel vm0, v1, v2  }
0xc3: {  	v2 =	vld [tilespmem:s29+$0x4060];
	[tilespmem:s29+$0x4050] =	vst v1  }
0xc4: {  	v1 =	vld.idx.msk [tilespmem:v3+s20+$0x0], $0xffff  }
0xc5: {  	vm0 =	vlt.u32 v4, $0x9E00  }
0xc6: {  	v3 =	vnsel vm0, $0x0, v4;
	_ =	sdelay $0x2  }
0xc7: {  	v1 =	vsel vm1, v1, v2  }
0xc8: {  	v2 =	vld [tilespmem:s29+$0x4070];
	[tilespmem:s29+$0x4060] =	vst v1  }
0xc9: {  	v1 =	vld.idx.msk [tilespmem:v3+s20+$0x0], $0xffff;
	_ =	sdelay $0x4  }
0xca: {  	v1 =	vsel vm0, v1, v2  }
0xcb: {  	[tilespmem:s29+$0x4070] =	vst v1  }
0xcc: {  	_ =	swait.ge [sflag:s23], $0x9E00  }
0xcd: {  	[sflag:s23] =	ssyncset.done $0x0  }
0xce: {  	s31 =	simm.s32 $0x0;
	s26 =	simm.s32 $0x0;
	[sflag:s23] =	ssyncadd.s32 $0xFFFF6200  }
0xcf: {  	[tilespmem:s20], [sflag:$0x1] =	stream.linear.gather [hbm4b:s7+s31], $0x4AA0, $0x38;
	[tilespmem:$0x1FC00] =	vst v63  }
0xd0: {  	v1 =	vld [tilespmem:s26+$0x0];
	_ =	sdelay $0x4  }
0xd1: {  	v1 =	vadd.s32 $0xFFFF6200, v1  }
0xd2: {  	vm0 =	vlt.u32 v1, $0x9E00  }
0xd3: {  	v2 =	vld [tilespmem:s26+$0x10];
	v1 =	vnsel vm0, $0x0, v1;
	_ =	sdelay $0x3  }
0xd4: {  	v3 =	vld [tilespmem:s26+$0x4000]  }
0xd5: {  	v2 =	vadd.s32 $0xFFFF6200, v2;
	v1 =	vld.idx.msk [tilespmem:v1+s22+$0x0], $0xffff  }
0xd6: {  	vm1 =	vlt.u32 v2, $0x9E00  }
0xd7: {  	v2 =	vnsel vm1, $0x0, v2  }
0xd8: {  	v4 =	vld [tilespmem:s26+$0x20];
	_ =	sdelay $0x1  }
0xd9: {  	v1 =	vsel vm0, v1, v3  }
0xda: {  	[tilespmem:s26+$0x4000] =	vst v1  }
0xdb: {  	v1 =	vld.idx.msk [tilespmem:v2+s22+$0x0], $0xffff  }
0xdc: {  	v3 =	vadd.s32 $0xFFFF6200, v4;
	v2 =	vld [tilespmem:s26+$0x4010]  }
0xdd: {  	vm0 =	vlt.u32 v3, $0x9E00  }
0xde: {  	v4 =	vld [tilespmem:s26+$0x30];
	v3 =	vnsel vm0, $0x0, v3;
	_ =	sdelay $0x2  }
0xdf: {  	v1 =	vsel vm1, v1, v2  }
0xe0: {  	v2 =	vld [tilespmem:s26+$0x4020];
	[tilespmem:s26+$0x4010] =	vst v1  }
0xe1: {  	v1 =	vld.idx.msk [tilespmem:v3+s22+$0x0], $0xffff;
	v3 =	vadd.s32 $0xFFFF6200, v4  }
0xe2: {  	vm1 =	vlt.u32 v3, $0x9E00  }
0xe3: {  	v4 =	vld [tilespmem:s26+$0x40];
	v3 =	vnsel vm1, $0x0, v3;
	_ =	sdelay $0x2  }
0xe4: {  	v1 =	vsel vm0, v1, v2  }
0xe5: {  	v2 =	vld [tilespmem:s26+$0x4030];
	[tilespmem:s26+$0x4020] =	vst v1  }
0xe6: {  	v1 =	vld.idx.msk [tilespmem:v3+s22+$0x0], $0xffff;
	v3 =	vadd.s32 $0xFFFF6200, v4  }
0xe7: {  	vm0 =	vlt.u32 v3, $0x9E00  }
0xe8: {  	v4 =	vld [tilespmem:s26+$0x50];
	v3 =	vnsel vm0, $0x0, v3;
	_ =	sdelay $0x2  }
0xe9: {  	v1 =	vsel vm1, v1, v2  }
0xea: {  	v2 =	vld [tilespmem:s26+$0x4040];
	[tilespmem:s26+$0x4030] =	vst v1  }
0xeb: {  	v1 =	vld.idx.msk [tilespmem:v3+s22+$0x0], $0xffff;
	v3 =	vadd.s32 $0xFFFF6200, v4  }
0xec: {  	vm2 =	vlt.u32 v3, $0x9E00  }
0xed: {  	v4 =	vld [tilespmem:s26+$0x60];
	v3 =	vnsel vm2, $0x0, v3;
	_ =	sdelay $0x2  }
0xee: {  	v1 =	vsel vm0, v1, v2  }
0xef: {  	v2 =	vld [tilespmem:s26+$0x4050];
	[tilespmem:s26+$0x4040] =	vst v1  }
0xf0: {  	v1 =	vld.idx.msk [tilespmem:v3+s22+$0x0], $0xffff;
	v3 =	vadd.s32 $0xFFFF6200, v4  }
0xf1: {  	vm1 =	vlt.u32 v3, $0x9E00  }
0xf2: {  	v4 =	vld [tilespmem:s26+$0x70];
	v3 =	vnsel vm1, $0x0, v3;
	_ =	sdelay $0x2  }
0xf3: {  	v1 =	vsel vm2, v1, v2  }
0xf4: {  	v2 =	vld [tilespmem:s26+$0x4060];
	[tilespmem:s26+$0x4050] =	vst v1  }
0xf5: {  	v4 =	vadd.s32 $0xFFFF6200, v4;
	v1 =	vld.idx.msk [tilespmem:v3+s22+$0x0], $0xffff  }
0xf6: {  	vm0 =	vlt.u32 v4, $0x9E00  }
0xf7: {  	s28 =	simm.s32 $0x400;
	s29 =	simm.s32 $0x80;
	v3 =	vnsel vm0, $0x0, v4  }
.LBB2_6:
0xf8: {  	p0 =	sne.s32 s28, $0xFE00;
	v4 =	vld [tilespmem:s29+$0x0];
	_ =	sdelay $0x1  }
0xf9: {  	v1 =	vsel vm1, v1, v2  }
0xfa: {  	[tilespmem:s26+$0x4060] =	vst v1  }
0xfb: {  	v1 =	vld.idx.msk [tilespmem:v3+s22+$0x0], $0xffff  }
0xfc: {  	v2 =	vadd.s32 $0xFFFF6200, v4;
	v3 =	vld [tilespmem:s26+$0x4070]  }
0xfd: {  	vm1 =	vlt.u32 v2, $0x9E00  }
0xfe: {  	v2 =	vnsel vm1, $0x0, v2  }
0xff: {  	v4 =	vld [tilespmem:s29+$0x10];
	_ =	sdelay $0x1  }
0x100: {  	v1 =	vsel vm0, v1, v3  }
0x101: {  	[tilespmem:s26+$0x4070] =	vst v1;
	s26 =	smov.u32 s29  }
0x102: {  	v1 =	vld.idx.msk [tilespmem:v2+s22+$0x0], $0xffff  }
0x103: {  	v2 =	vld [tilespmem:s26+$0x4000];
	v3 =	vadd.s32 $0xFFFF6200, v4  }
0x104: {  	vm0 =	vlt.u32 v3, $0x9E00  }
0x105: {  	v3 =	vnsel vm0, $0x0, v3  }
0x106: {  	v4 =	vld [tilespmem:s26+$0x20];
	_ =	sdelay $0x1  }
0x107: {  	v1 =	vsel vm1, v1, v2  }
0x108: {  	[tilespmem:s26+$0x4000] =	vst v1  }
0x109: {  	v1 =	vld.idx.msk [tilespmem:v3+s22+$0x0], $0xffff  }
0x10a: {  	v2 =	vld [tilespmem:s26+$0x4010];
	v3 =	vadd.s32 $0xFFFF6200, v4  }
0x10b: {  	vm1 =	vlt.u32 v3, $0x9E00  }
0x10c: {  	v3 =	vnsel vm1, $0x0, v3  }
0x10d: {  	v4 =	vld [tilespmem:s26+$0x30];
	_ =	sdelay $0x1  }
0x10e: {  	v1 =	vsel vm0, v1, v2  }
0x10f: {  	[tilespmem:s26+$0x4010] =	vst v1  }
0x110: {  	v1 =	vld.idx.msk [tilespmem:v3+s22+$0x0], $0xffff  }
0x111: {  	v2 =	vld [tilespmem:s26+$0x4020];
	v3 =	vadd.s32 $0xFFFF6200, v4  }
0x112: {  	vm0 =	vlt.u32 v3, $0x9E00  }
0x113: {  	v3 =	vnsel vm0, $0x0, v3  }
0x114: {  	v4 =	vld [tilespmem:s26+$0x40];
	_ =	sdelay $0x1  }
0x115: {  	v1 =	vsel vm1, v1, v2  }
0x116: {  	[tilespmem:s26+$0x4020] =	vst v1  }
0x117: {  	v1 =	vld.idx.msk [tilespmem:v3+s22+$0x0], $0xffff  }
0x118: {  	v2 =	vld [tilespmem:s26+$0x4030];
	v3 =	vadd.s32 $0xFFFF6200, v4  }
0x119: {  	vm1 =	vlt.u32 v3, $0x9E00  }
0x11a: {  	v3 =	vnsel vm1, $0x0, v3  }
0x11b: {  	v4 =	vld [tilespmem:s26+$0x50];
	_ =	sdelay $0x1  }
0x11c: {  	v1 =	vsel vm0, v1, v2  }
0x11d: {  	[tilespmem:s26+$0x4030] =	vst v1  }
0x11e: {  	v1 =	vld.idx.msk [tilespmem:v3+s22+$0x0], $0xffff  }
0x11f: {  	v2 =	vld [tilespmem:s26+$0x4040];
	v3 =	vadd.s32 $0xFFFF6200, v4  }
0x120: {  	vm0 =	vlt.u32 v3, $0x9E00  }
0x121: {  	v3 =	vnsel vm0, $0x0, v3  }
0x122: {  	v4 =	vld [tilespmem:s26+$0x60];
	_ =	sdelay $0x1  }
0x123: {  	v1 =	vsel vm1, v1, v2  }
0x124: {  	[tilespmem:s26+$0x4040] =	vst v1  }
0x125: {  	v1 =	vld.idx.msk [tilespmem:v3+s22+$0x0], $0xffff  }
0x126: {  	v2 =	vld [tilespmem:s26+$0x4050];
	v3 =	vadd.s32 $0xFFFF6200, v4  }
0x127: {  	vm1 =	vlt.u32 v3, $0x9E00  }
0x128: {  	v3 =	vnsel vm1, $0x0, v3  }
0x129: {  	v4 =	vld [tilespmem:s26+$0x70];
	_ =	sdelay $0x1  }
0x12a: {  	v1 =	vsel vm0, v1, v2  }
.Ltmp2:
0x12b: {  	[tilespmem:s26+$0x4050] =	vst v1;
	(pc) =	sbr.rel @p0 .LBB2_6-.Ltmp2, $4  }
0x12c: {  	v1 =	vld.idx.msk [tilespmem:v3+s22+$0x0], $0xffff  }
0x12d: {  	v2 =	vld [tilespmem:s26+$0x4060];
	v3 =	vadd.s32 $0xFFFF6200, v4  }
0x12e: {  	vm0 =	vlt.u32 v3, $0x9E00  }
0x12f: {  	s29 =	sshra.s32 s28, $0x2;
	s28 =	sadd.s32 $0x200, s28;
	v3 =	vnsel vm0, $0x0, v3  }
0x130: {  	v4 =	vld [tilespmem:s29+$0x0];
	_ =	sdelay $0x1  }
0x131: {  	v1 =	vsel vm1, v1, v2  }
0x132: {  	[tilespmem:s26+$0x4060] =	vst v1  }
0x133: {  	v1 =	vld.idx.msk [tilespmem:v3+s22+$0x0], $0xffff  }
0x134: {  	v3 =	vld [tilespmem:s26+$0x4070];
	v2 =	vadd.s32 $0xFFFF6200, v4  }
0x135: {  	vm1 =	vlt.u32 v2, $0x9E00  }
0x136: {  	v2 =	vnsel vm1, $0x0, v2  }
0x137: {  	v4 =	vld [tilespmem:s29+$0x10];
	_ =	sdelay $0x1  }
0x138: {  	v1 =	vsel vm0, v1, v3  }
0x139: {  	[tilespmem:s26+$0x4070] =	vst v1  }
0x13a: {  	v1 =	vld.idx.msk [tilespmem:v2+s22+$0x0], $0xffff  }
0x13b: {  	v3 =	vadd.s32 $0xFFFF6200, v4;
	v2 =	vld [tilespmem:s29+$0x4000]  }
0x13c: {  	vm0 =	vlt.u32 v3, $0x9E00  }
0x13d: {  	v4 =	vld [tilespmem:s29+$0x20];
	v3 =	vnsel vm0, $0x0, v3;
	_ =	sdelay $0x2  }
0x13e: {  	v1 =	vsel vm1, v1, v2  }
0x13f: {  	v2 =	vld [tilespmem:s29+$0x4010];
	[tilespmem:s29+$0x4000] =	vst v1  }
0x140: {  	v1 =	vld.idx.msk [tilespmem:v3+s22+$0x0], $0xffff;
	v3 =	vadd.s32 $0xFFFF6200, v4  }
0x141: {  	vm1 =	vlt.u32 v3, $0x9E00  }
0x142: {  	v4 =	vld [tilespmem:s29+$0x30];
	v3 =	vnsel vm1, $0x0, v3;
	_ =	sdelay $0x2  }
0x143: {  	v1 =	vsel vm0, v1, v2  }
0x144: {  	v2 =	vld [tilespmem:s29+$0x4020];
	[tilespmem:s29+$0x4010] =	vst v1  }
0x145: {  	v1 =	vld.idx.msk [tilespmem:v3+s22+$0x0], $0xffff;
	v3 =	vadd.s32 $0xFFFF6200, v4  }
0x146: {  	vm0 =	vlt.u32 v3, $0x9E00  }
0x147: {  	v4 =	vld [tilespmem:s29+$0x40];
	v3 =	vnsel vm0, $0x0, v3;
	_ =	sdelay $0x2  }
0x148: {  	v1 =	vsel vm1, v1, v2  }
0x149: {  	v2 =	vld [tilespmem:s29+$0x4030];
	[tilespmem:s29+$0x4020] =	vst v1  }
0x14a: {  	v1 =	vld.idx.msk [tilespmem:v3+s22+$0x0], $0xffff;
	v3 =	vadd.s32 $0xFFFF6200, v4  }
0x14b: {  	vm1 =	vlt.u32 v3, $0x9E00  }
0x14c: {  	v4 =	vld [tilespmem:s29+$0x50];
	v3 =	vnsel vm1, $0x0, v3;
	_ =	sdelay $0x2  }
0x14d: {  	v1 =	vsel vm0, v1, v2  }
0x14e: {  	v2 =	vld [tilespmem:s29+$0x4040];
	[tilespmem:s29+$0x4030] =	vst v1  }
0x14f: {  	v1 =	vld.idx.msk [tilespmem:v3+s22+$0x0], $0xffff;
	v3 =	vadd.s32 $0xFFFF6200, v4  }
0x150: {  	vm0 =	vlt.u32 v3, $0x9E00  }
0x151: {  	v4 =	vld [tilespmem:s29+$0x60];
	v3 =	vnsel vm0, $0x0, v3;
	_ =	sdelay $0x2  }
0x152: {  	v1 =	vsel vm1, v1, v2  }
0x153: {  	v2 =	vld [tilespmem:s29+$0x4050];
	[tilespmem:s29+$0x4040] =	vst v1  }
0x154: {  	v1 =	vld.idx.msk [tilespmem:v3+s22+$0x0], $0xffff;
	v3 =	vadd.s32 $0xFFFF6200, v4  }
0x155: {  	vm1 =	vlt.u32 v3, $0x9E00  }
0x156: {  	v4 =	vld [tilespmem:s29+$0x70];
	v3 =	vnsel vm1, $0x0, v3;
	_ =	sdelay $0x2  }
0x157: {  	v1 =	vsel vm0, v1, v2  }
0x158: {  	v2 =	vld [tilespmem:s29+$0x4060];
	[tilespmem:s29+$0x4050] =	vst v1  }
0x159: {  	v1 =	vld.idx.msk [tilespmem:v3+s22+$0x0], $0xffff;
	v3 =	vadd.s32 $0xFFFF6200, v4  }
0x15a: {  	vm0 =	vlt.u32 v3, $0x9E00  }
0x15b: {  	v3 =	vnsel vm0, $0x0, v3;
	_ =	sdelay $0x2  }
0x15c: {  	v1 =	vsel vm1, v1, v2  }
0x15d: {  	v2 =	vld [tilespmem:s29+$0x4070];
	[tilespmem:s29+$0x4060] =	vst v1  }
0x15e: {  	v1 =	vld.idx.msk [tilespmem:v3+s22+$0x0], $0xffff;
	_ =	sdelay $0x4  }
0x15f: {  	v1 =	vsel vm0, v1, v2  }
0x160: {  	[tilespmem:s29+$0x4070] =	vst v1  }
0x161: {  	_ =	swait.ge [sflag:s21], $0x4AA0  }
0x162: {  	[sflag:s21] =	ssyncset.done $0x0  }
0x163: {  	s26 =	simm.s32 $0x0;
	[sflag:s21] =	ssyncadd.s32 $0xFFFFB560  }
0x164: {  	v1 =	vld [tilespmem:s26+$0x0];
	_ =	sdelay $0x4  }
0x165: {  	v1 =	vadd.s32 $0xFFFEC400, v1  }
0x166: {  	vm0 =	vlt.u32 v1, $0x4AA0  }
0x167: {  	v2 =	vld [tilespmem:s26+$0x10];
	v1 =	vnsel vm0, $0x0, v1;
	_ =	sdelay $0x3  }
0x168: {  	v3 =	vld [tilespmem:s26+$0x4000]  }
0x169: {  	v2 =	vadd.s32 $0xFFFEC400, v2;
	v1 =	vld.idx.msk [tilespmem:v1+s20+$0x0], $0xffff  }
0x16a: {  	vm1 =	vlt.u32 v2, $0x4AA0  }
0x16b: {  	v2 =	vnsel vm1, $0x0, v2  }
0x16c: {  	v4 =	vld [tilespmem:s26+$0x20];
	_ =	sdelay $0x1  }
0x16d: {  	v1 =	vsel vm0, v1, v3  }
0x16e: {  	[tilespmem:s26+$0x4000] =	vst v1  }
0x16f: {  	v1 =	vld.idx.msk [tilespmem:v2+s20+$0x0], $0xffff  }
0x170: {  	v3 =	vadd.s32 $0xFFFEC400, v4;
	v2 =	vld [tilespmem:s26+$0x4010]  }
0x171: {  	vm0 =	vlt.u32 v3, $0x4AA0  }
0x172: {  	v4 =	vld [tilespmem:s26+$0x30];
	v3 =	vnsel vm0, $0x0, v3;
	_ =	sdelay $0x2  }
0x173: {  	v1 =	vsel vm1, v1, v2  }
0x174: {  	v2 =	vld [tilespmem:s26+$0x4020];
	[tilespmem:s26+$0x4010] =	vst v1  }
0x175: {  	v1 =	vld.idx.msk [tilespmem:v3+s20+$0x0], $0xffff;
	v3 =	vadd.s32 $0xFFFEC400, v4  }
0x176: {  	vm1 =	vlt.u32 v3, $0x4AA0  }
0x177: {  	v4 =	vld [tilespmem:s26+$0x40];
	v3 =	vnsel vm1, $0x0, v3;
	_ =	sdelay $0x2  }
0x178: {  	v1 =	vsel vm0, v1, v2  }
0x179: {  	v2 =	vld [tilespmem:s26+$0x4030];
	[tilespmem:s26+$0x4020] =	vst v1  }
0x17a: {  	v1 =	vld.idx.msk [tilespmem:v3+s20+$0x0], $0xffff;
	v3 =	vadd.s32 $0xFFFEC400, v4  }
0x17b: {  	vm0 =	vlt.u32 v3, $0x4AA0  }
0x17c: {  	v4 =	vld [tilespmem:s26+$0x50];
	v3 =	vnsel vm0, $0x0, v3;
	_ =	sdelay $0x2  }
0x17d: {  	v1 =	vsel vm1, v1, v2  }
0x17e: {  	v2 =	vld [tilespmem:s26+$0x4040];
	[tilespmem:s26+$0x4030] =	vst v1  }
0x17f: {  	v1 =	vld.idx.msk [tilespmem:v3+s20+$0x0], $0xffff;
	v3 =	vadd.s32 $0xFFFEC400, v4  }
0x180: {  	vm2 =	vlt.u32 v3, $0x4AA0  }
0x181: {  	v4 =	vld [tilespmem:s26+$0x60];
	v3 =	vnsel vm2, $0x0, v3;
	_ =	sdelay $0x2  }
0x182: {  	v1 =	vsel vm0, v1, v2  }
0x183: {  	v2 =	vld [tilespmem:s26+$0x4050];
	[tilespmem:s26+$0x4040] =	vst v1  }
0x184: {  	v1 =	vld.idx.msk [tilespmem:v3+s20+$0x0], $0xffff;
	v3 =	vadd.s32 $0xFFFEC400, v4  }
0x185: {  	vm1 =	vlt.u32 v3, $0x4AA0  }
0x186: {  	v4 =	vld [tilespmem:s26+$0x70];
	v3 =	vnsel vm1, $0x0, v3;
	_ =	sdelay $0x2  }
0x187: {  	v1 =	vsel vm2, v1, v2  }
0x188: {  	v2 =	vld [tilespmem:s26+$0x4060];
	[tilespmem:s26+$0x4050] =	vst v1  }
0x189: {  	v4 =	vadd.s32 $0xFFFEC400, v4;
	v1 =	vld.idx.msk [tilespmem:v3+s20+$0x0], $0xffff  }
0x18a: {  	vm0 =	vlt.u32 v4, $0x4AA0  }
0x18b: {  	s28 =	simm.s32 $0x400;
	s29 =	simm.s32 $0x80;
	v3 =	vnsel vm0, $0x0, v4  }
.LBB2_8:
0x18c: {  	p0 =	sne.s32 s28, $0xFE00;
	v4 =	vld [tilespmem:s29+$0x0];
	_ =	sdelay $0x1  }
0x18d: {  	v1 =	vsel vm1, v1, v2  }
0x18e: {  	[tilespmem:s26+$0x4060] =	vst v1  }
0x18f: {  	v1 =	vld.idx.msk [tilespmem:v3+s20+$0x0], $0xffff  }
0x190: {  	v2 =	vadd.s32 $0xFFFEC400, v4;
	v3 =	vld [tilespmem:s26+$0x4070]  }
0x191: {  	vm1 =	vlt.u32 v2, $0x4AA0  }
0x192: {  	v2 =	vnsel vm1, $0x0, v2  }
0x193: {  	v4 =	vld [tilespmem:s29+$0x10];
	_ =	sdelay $0x1  }
0x194: {  	v1 =	vsel vm0, v1, v3  }
0x195: {  	[tilespmem:s26+$0x4070] =	vst v1;
	s26 =	smov.u32 s29  }
0x196: {  	v1 =	vld.idx.msk [tilespmem:v2+s20+$0x0], $0xffff  }
0x197: {  	v2 =	vld [tilespmem:s26+$0x4000];
	v3 =	vadd.s32 $0xFFFEC400, v4  }
0x198: {  	vm0 =	vlt.u32 v3, $0x4AA0  }
0x199: {  	v3 =	vnsel vm0, $0x0, v3  }
0x19a: {  	v4 =	vld [tilespmem:s26+$0x20];
	_ =	sdelay $0x1  }
0x19b: {  	v1 =	vsel vm1, v1, v2  }
0x19c: {  	[tilespmem:s26+$0x4000] =	vst v1  }
0x19d: {  	v1 =	vld.idx.msk [tilespmem:v3+s20+$0x0], $0xffff  }
0x19e: {  	v2 =	vld [tilespmem:s26+$0x4010];
	v3 =	vadd.s32 $0xFFFEC400, v4  }
0x19f: {  	vm1 =	vlt.u32 v3, $0x4AA0  }
0x1a0: {  	v3 =	vnsel vm1, $0x0, v3  }
0x1a1: {  	v4 =	vld [tilespmem:s26+$0x30];
	_ =	sdelay $0x1  }
0x1a2: {  	v1 =	vsel vm0, v1, v2  }
0x1a3: {  	[tilespmem:s26+$0x4010] =	vst v1  }
0x1a4: {  	v1 =	vld.idx.msk [tilespmem:v3+s20+$0x0], $0xffff  }
0x1a5: {  	v2 =	vld [tilespmem:s26+$0x4020];
	v3 =	vadd.s32 $0xFFFEC400, v4  }
0x1a6: {  	vm0 =	vlt.u32 v3, $0x4AA0  }
0x1a7: {  	v3 =	vnsel vm0, $0x0, v3  }
0x1a8: {  	v4 =	vld [tilespmem:s26+$0x40];
	_ =	sdelay $0x1  }
0x1a9: {  	v1 =	vsel vm1, v1, v2  }
0x1aa: {  	[tilespmem:s26+$0x4020] =	vst v1  }
0x1ab: {  	v1 =	vld.idx.msk [tilespmem:v3+s20+$0x0], $0xffff  }
0x1ac: {  	v2 =	vld [tilespmem:s26+$0x4030];
	v3 =	vadd.s32 $0xFFFEC400, v4  }
0x1ad: {  	vm1 =	vlt.u32 v3, $0x4AA0  }
0x1ae: {  	v3 =	vnsel vm1, $0x0, v3  }
0x1af: {  	v4 =	vld [tilespmem:s26+$0x50];
	_ =	sdelay $0x1  }
0x1b0: {  	v1 =	vsel vm0, v1, v2  }
0x1b1: {  	[tilespmem:s26+$0x4030] =	vst v1  }
0x1b2: {  	v1 =	vld.idx.msk [tilespmem:v3+s20+$0x0], $0xffff  }
0x1b3: {  	v2 =	vld [tilespmem:s26+$0x4040];
	v3 =	vadd.s32 $0xFFFEC400, v4  }
0x1b4: {  	vm0 =	vlt.u32 v3, $0x4AA0  }
0x1b5: {  	v3 =	vnsel vm0, $0x0, v3  }
0x1b6: {  	v4 =	vld [tilespmem:s26+$0x60];
	_ =	sdelay $0x1  }
0x1b7: {  	v1 =	vsel vm1, v1, v2  }
0x1b8: {  	[tilespmem:s26+$0x4040] =	vst v1  }
0x1b9: {  	v1 =	vld.idx.msk [tilespmem:v3+s20+$0x0], $0xffff  }
0x1ba: {  	v2 =	vld [tilespmem:s26+$0x4050];
	v3 =	vadd.s32 $0xFFFEC400, v4  }
0x1bb: {  	vm1 =	vlt.u32 v3, $0x4AA0  }
0x1bc: {  	v3 =	vnsel vm1, $0x0, v3  }
0x1bd: {  	v4 =	vld [tilespmem:s26+$0x70];
	_ =	sdelay $0x1  }
0x1be: {  	v1 =	vsel vm0, v1, v2  }
.Ltmp3:
0x1bf: {  	[tilespmem:s26+$0x4050] =	vst v1;
	(pc) =	sbr.rel @p0 .LBB2_8-.Ltmp3, $4  }
0x1c0: {  	v1 =	vld.idx.msk [tilespmem:v3+s20+$0x0], $0xffff  }
0x1c1: {  	v2 =	vld [tilespmem:s26+$0x4060];
	v3 =	vadd.s32 $0xFFFEC400, v4  }
0x1c2: {  	vm0 =	vlt.u32 v3, $0x4AA0  }
0x1c3: {  	s29 =	sshra.s32 s28, $0x2;
	s28 =	sadd.s32 $0x200, s28;
	v3 =	vnsel vm0, $0x0, v3  }
0x1c4: {  	v4 =	vld [tilespmem:s29+$0x0];
	_ =	sdelay $0x1  }
0x1c5: {  	v1 =	vsel vm1, v1, v2  }
0x1c6: {  	[tilespmem:s26+$0x4060] =	vst v1  }
0x1c7: {  	v1 =	vld.idx.msk [tilespmem:v3+s20+$0x0], $0xffff  }
0x1c8: {  	v3 =	vld [tilespmem:s26+$0x4070];
	v2 =	vadd.s32 $0xFFFEC400, v4  }
0x1c9: {  	vm1 =	vlt.u32 v2, $0x4AA0  }
0x1ca: {  	v2 =	vnsel vm1, $0x0, v2  }
0x1cb: {  	v50 =	vld [tilespmem:s29+$0x10];
	_ =	sdelay $0x1  }
0x1cc: {  	v1 =	vsel vm0, v1, v3  }
0x1cd: {  	[tilespmem:s26+$0x4070] =	vst v1  }
0x1ce: {  	v1 =	vld.idx.msk [tilespmem:v2+s20+$0x0], $0xffff  }
0x1cf: {  	v3 =	vadd.s32 $0xFFFEC400, v50;
	v2 =	vld [tilespmem:s29+$0x4000]  }
0x1d0: {  	vm0 =	vlt.u32 v3, $0x4AA0  }
0x1d1: {  	v3 =	vnsel vm0, $0x0, v3;
	v51 =	vld [tilespmem:s29+$0x20];
	_ =	sdelay $0x2  }
0x1d2: {  	v1 =	vsel vm1, v1, v2  }
0x1d3: {  	v2 =	vld [tilespmem:s29+$0x4010];
	[tilespmem:s29+$0x4000] =	vst v1  }
0x1d4: {  	v1 =	vld.idx.msk [tilespmem:v3+s20+$0x0], $0xffff;
	v3 =	vadd.s32 $0xFFFEC400, v51  }
0x1d5: {  	vm1 =	vlt.u32 v3, $0x4AA0  }
0x1d6: {  	v52 =	vld [tilespmem:s29+$0x30];
	v3 =	vnsel vm1, $0x0, v3;
	_ =	sdelay $0x2  }
0x1d7: {  	v1 =	vsel vm0, v1, v2  }
0x1d8: {  	v2 =	vld [tilespmem:s29+$0x4020];
	[tilespmem:s29+$0x4010] =	vst v1  }
0x1d9: {  	v1 =	vld.idx.msk [tilespmem:v3+s20+$0x0], $0xffff;
	v3 =	vadd.s32 $0xFFFEC400, v52  }
0x1da: {  	vm0 =	vlt.u32 v3, $0x4AA0  }
0x1db: {  	v53 =	vld [tilespmem:s29+$0x40];
	v3 =	vnsel vm0, $0x0, v3;
	_ =	sdelay $0x2  }
0x1dc: {  	v1 =	vsel vm1, v1, v2  }
0x1dd: {  	v2 =	vld [tilespmem:s29+$0x4030];
	[tilespmem:s29+$0x4020] =	vst v1  }
0x1de: {  	v1 =	vld.idx.msk [tilespmem:v3+s20+$0x0], $0xffff;
	v3 =	vadd.s32 $0xFFFEC400, v53  }
0x1df: {  	vm1 =	vlt.u32 v3, $0x4AA0  }
0x1e0: {  	v54 =	vld [tilespmem:s29+$0x50];
	v3 =	vnsel vm1, $0x0, v3;
	_ =	sdelay $0x2  }
0x1e1: {  	v1 =	vsel vm0, v1, v2  }
0x1e2: {  	v2 =	vld [tilespmem:s29+$0x4040];
	[tilespmem:s29+$0x4030] =	vst v1  }
0x1e3: {  	v1 =	vld.idx.msk [tilespmem:v3+s20+$0x0], $0xffff;
	v3 =	vadd.s32 $0xFFFEC400, v54  }
0x1e4: {  	vm0 =	vlt.u32 v3, $0x4AA0  }
0x1e5: {  	v55 =	vld [tilespmem:s29+$0x60];
	v3 =	vnsel vm0, $0x0, v3;
	_ =	sdelay $0x2  }
0x1e6: {  	v1 =	vsel vm1, v1, v2  }
0x1e7: {  	v2 =	vld [tilespmem:s29+$0x4050];
	[tilespmem:s29+$0x4040] =	vst v1  }
0x1e8: {  	v1 =	vld.idx.msk [tilespmem:v3+s20+$0x0], $0xffff;
	v3 =	vadd.s32 $0xFFFEC400, v55  }
0x1e9: {  	vm1 =	vlt.u32 v3, $0x4AA0  }
0x1ea: {  	v56 =	vld [tilespmem:s29+$0x70];
	v3 =	vnsel vm1, $0x0, v3;
	_ =	sdelay $0x2  }
0x1eb: {  	v1 =	vsel vm0, v1, v2  }
0x1ec: {  	v2 =	vld [tilespmem:s29+$0x4060];
	[tilespmem:s29+$0x4050] =	vst v1  }
0x1ed: {  	v1 =	vld.idx.msk [tilespmem:v3+s20+$0x0], $0xffff;
	v3 =	vadd.s32 $0xFFFEC400, v56  }
0x1ee: {  	vm0 =	vlt.u32 v3, $0x4AA0  }
0x1ef: {  	v3 =	vnsel vm0, $0x0, v3;
	_ =	sdelay $0x2  }
0x1f0: {  	v1 =	vsel vm1, v1, v2  }
0x1f1: {  	v2 =	vld [tilespmem:s29+$0x4070];
	[tilespmem:s29+$0x4060] =	vst v1  }
0x1f2: {  	v1 =	vld.idx.msk [tilespmem:v3+s20+$0x0], $0xffff;
	_ =	sdelay $0x4  }
0x1f3: {  	v1 =	vsel vm0, v1, v2  }
0x1f4: {  	s31 =	simm.s32 $0x0;
	[tilespmem:s29+$0x4070] =	vst v1  }
0x1f5: {  	[tilespmem:s31], [sflag:$0x3] =	stream.linear.gather [hbm4b:s3+s31], $0x4000, $0x38;
	[tilespmem:$0x1FC00] =	vst v63  }
0x1f6: {  	_ =	swait.ge [sflag:s19], $0x4000  }
0x1f7: {  	[sflag:s19] =	ssyncset.done $0x0  }
0x1f8: {  	[sflag:s19] =	ssyncadd.s32 $0xFFFFC000  }
0x1f9: {  	[tilespmem:s20], [sflag:$0x1] =	stream.linear.gather [hbm4b:s8+s31], $0x9E00, $0x38;
	[tilespmem:$0x1FC00] =	vst v63  }
0x1fa: {  	_ =	swait.ge [sflag:s21], $0x9E00  }
0x1fb: {  	[sflag:s21] =	ssyncset.done $0x0  }
0x1fc: {  	s26 =	simm.s32 $0x0;
	[sflag:s21] =	ssyncadd.s32 $0xFFFF6200  }
0x1fd: {  	[tilespmem:s22], [sflag:$0x2] =	stream.linear.gather [hbm4b:s9+s31], $0x9E00, $0x38;
	[tilespmem:$0x1FC00] =	vst v63  }
0x1fe: {  	v1 =	vld [tilespmem:s26+$0x0];
	_ =	sdelay $0x4  }
0x1ff: {  	vm0 =	vlt.u32 v1, $0x9E00  }
0x200: {  	v1 =	vnsel vm0, $0x0, v1;
	_ =	sdelay $0x2  }
0x201: {  	v2 =	vld [tilespmem:s26+$0x4000]  }
0x202: {  	v3 =	vld [tilespmem:s26+$0x10]  }
0x203: {  	v1 =	vld.idx.msk [tilespmem:v1+s20+$0x0], $0xffff;
	_ =	sdelay $0x2  }
0x204: {  	v57 =	vld [tilespmem:s26+$0x8000];
	_ =	sdelay $0x1  }
0x205: {  	vm1 =	vlt.u32 v3, $0x9E00;
	v1 =	vmul.f32 v2, v1  }
0x206: {  	v2 =	vnsel vm1, $0x0, v3  }
0x207: {  	v1 =	vnsel vm0, $0x0, v1  }
0x208: {  	v1 =	vadd.f32 v1, v57  }
0x209: {  	v3 =	vld [tilespmem:s26+$0x20]  }
0x20a: {  	[tilespmem:s26+$0x8000] =	vst v1;
	v1 =	vld [tilespmem:s26+$0x4010]  }
0x20b: {  	v2 =	vld.idx.msk [tilespmem:v2+s20+$0x0], $0xffff;
	_ =	sdelay $0x2  }
0x20c: {  	v58 =	vld [tilespmem:s26+$0x8010];
	_ =	sdelay $0x1  }
0x20d: {  	vm0 =	vlt.u32 v3, $0x9E00;
	v1 =	vmul.f32 v1, v2  }
0x20e: {  	v2 =	vnsel vm0, $0x0, v3  }
0x20f: {  	v1 =	vnsel vm1, $0x0, v1  }
0x210: {  	v1 =	vadd.f32 v1, v58  }
0x211: {  	v3 =	vld [tilespmem:s26+$0x30]  }
0x212: {  	[tilespmem:s26+$0x8010] =	vst v1;
	v1 =	vld [tilespmem:s26+$0x4020]  }
0x213: {  	v2 =	vld.idx.msk [tilespmem:v2+s20+$0x0], $0xffff;
	_ =	sdelay $0x2  }
0x214: {  	v59 =	vld [tilespmem:s26+$0x8020];
	_ =	sdelay $0x1  }
0x215: {  	vm1 =	vlt.u32 v3, $0x9E00;
	v1 =	vmul.f32 v1, v2  }
0x216: {  	v2 =	vnsel vm1, $0x0, v3  }
0x217: {  	v1 =	vnsel vm0, $0x0, v1  }
0x218: {  	v1 =	vadd.f32 v1, v59  }
0x219: {  	v3 =	vld [tilespmem:s26+$0x40]  }
0x21a: {  	[tilespmem:s26+$0x8020] =	vst v1;
	v1 =	vld [tilespmem:s26+$0x4030]  }
0x21b: {  	v2 =	vld.idx.msk [tilespmem:v2+s20+$0x0], $0xffff;
	_ =	sdelay $0x2  }
0x21c: {  	v60 =	vld [tilespmem:s26+$0x8030];
	_ =	sdelay $0x1  }
0x21d: {  	vm0 =	vlt.u32 v3, $0x9E00;
	v1 =	vmul.f32 v1, v2  }
0x21e: {  	v2 =	vnsel vm0, $0x0, v3  }
0x21f: {  	v1 =	vnsel vm1, $0x0, v1  }
0x220: {  	v1 =	vadd.f32 v1, v60  }
0x221: {  	v3 =	vld [tilespmem:s26+$0x50]  }
0x222: {  	[tilespmem:s26+$0x8030] =	vst v1;
	v1 =	vld [tilespmem:s26+$0x4040]  }
0x223: {  	v2 =	vld.idx.msk [tilespmem:v2+s20+$0x0], $0xffff;
	_ =	sdelay $0x2  }
0x224: {  	v61 =	vld [tilespmem:s26+$0x8040];
	_ =	sdelay $0x1  }
0x225: {  	vm1 =	vlt.u32 v3, $0x9E00;
	v1 =	vmul.f32 v1, v2  }
0x226: {  	v2 =	vnsel vm1, $0x0, v3  }
0x227: {  	v1 =	vnsel vm0, $0x0, v1  }
0x228: {  	v1 =	vadd.f32 v1, v61  }
0x229: {  	v3 =	vld [tilespmem:s26+$0x60]  }
0x22a: {  	[tilespmem:s26+$0x8040] =	vst v1;
	v1 =	vld [tilespmem:s26+$0x4050]  }
0x22b: {  	v2 =	vld.idx.msk [tilespmem:v2+s20+$0x0], $0xffff;
	_ =	sdelay $0x2  }
0x22c: {  	v62 =	vld [tilespmem:s26+$0x8050];
	_ =	sdelay $0x1  }
0x22d: {  	vm2 =	vlt.u32 v3, $0x9E00;
	v1 =	vmul.f32 v1, v2  }
0x22e: {  	v2 =	vnsel vm2, $0x0, v3  }
0x22f: {  	v1 =	vnsel vm1, $0x0, v1  }
0x230: {  	v1 =	vadd.f32 v1, v62  }
0x231: {  	v3 =	vld [tilespmem:s26+$0x70]  }
0x232: {  	[tilespmem:s26+$0x8050] =	vst v1;
	v1 =	vld [tilespmem:s26+$0x4060]  }
0x233: {  	v2 =	vld.idx.msk [tilespmem:v2+s20+$0x0], $0xffff;
	_ =	sdelay $0x2  }
0x234: {  	v63 =	vld [tilespmem:s26+$0x8060];
	_ =	sdelay $0x1  }
0x235: {  	vm0 =	vlt.u32 v3, $0x9E00;
	v1 =	vmul.f32 v1, v2  }
0x236: {  	v2 =	vnsel vm0, $0x0, v3  }
0x237: {  	v1 =	vnsel vm2, $0x0, v1  }
0x238: {  	v1 =	vadd.f32 v1, v63;
	_ =	sdelay $0x1  }
0x239: {  	[tilespmem:s26+$0x8060] =	vst v1;
	v1 =	vld [tilespmem:s26+$0x4070]  }
0x23a: {  	s28 =	simm.s32 $0x400;
	s29 =	simm.s32 $0x80;
	v2 =	vld.idx.msk [tilespmem:v2+s20+$0x0], $0xffff  }
.LBB2_10:
0x23b: {  	p0 =	sne.s32 s28, $0xFE00;
	v3 =	vld [tilespmem:s29+$0x0];
	_ =	sdelay $0x2  }
0x23c: {  	v4 =	vld [tilespmem:s26+$0x8070];
	_ =	sdelay $0x1  }
0x23d: {  	v1 =	vmul.f32 v1, v2;
	vm1 =	vlt.u32 v3, $0x9E00  }
0x23e: {  	v2 =	vnsel vm1, $0x0, v3  }
0x23f: {  	v1 =	vnsel vm0, $0x0, v1  }
0x240: {  	v1 =	vadd.f32 v1, v4;
	_ =	sdelay $0x1  }
0x241: {  	v3 =	vld [tilespmem:s29+$0x4000];
	[tilespmem:s26+$0x8070] =	vst v1;
	s26 =	smov.u32 s29  }
0x242: {  	v1 =	vld.idx.msk [tilespmem:v2+s20+$0x0], $0xffff  }
0x243: {  	v2 =	vld [tilespmem:s26+$0x10];
	_ =	sdelay $0x2  }
0x244: {  	v4 =	vld [tilespmem:s26+$0x8000];
	_ =	sdelay $0x1  }
0x245: {  	v1 =	vmul.f32 v3, v1;
	vm0 =	vlt.u32 v2, $0x9E00  }
0x246: {  	v2 =	vnsel vm0, $0x0, v2  }
0x247: {  	v1 =	vnsel vm1, $0x0, v1  }
0x248: {  	v1 =	vadd.f32 v1, v4;
	_ =	sdelay $0x1  }
0x249: {  	[tilespmem:s26+$0x8000] =	vst v1;
	v1 =	vld [tilespmem:s26+$0x4010]  }
0x24a: {  	v2 =	vld.idx.msk [tilespmem:v2+s20+$0x0], $0xffff  }
0x24b: {  	v3 =	vld [tilespmem:s26+$0x20];
	_ =	sdelay $0x2  }
0x24c: {  	v4 =	vld [tilespmem:s26+$0x8010];
	_ =	sdelay $0x1  }
0x24d: {  	v1 =	vmul.f32 v1, v2;
	vm1 =	vlt.u32 v3, $0x9E00  }
0x24e: {  	v2 =	vnsel vm1, $0x0, v3  }
0x24f: {  	v1 =	vnsel vm0, $0x0, v1  }
0x250: {  	v1 =	vadd.f32 v1, v4;
	_ =	sdelay $0x1  }
0x251: {  	[tilespmem:s26+$0x8010] =	vst v1;
	v1 =	vld [tilespmem:s26+$0x4020]  }
0x252: {  	v2 =	vld.idx.msk [tilespmem:v2+s20+$0x0], $0xffff  }
0x253: {  	v3 =	vld [tilespmem:s26+$0x30];
	_ =	sdelay $0x2  }
0x254: {  	v4 =	vld [tilespmem:s26+$0x8020];
	_ =	sdelay $0x1  }
0x255: {  	v1 =	vmul.f32 v1, v2;
	vm0 =	vlt.u32 v3, $0x9E00  }
0x256: {  	v2 =	vnsel vm0, $0x0, v3  }
0x257: {  	v1 =	vnsel vm1, $0x0, v1  }
0x258: {  	v1 =	vadd.f32 v1, v4;
	_ =	sdelay $0x1  }
0x259: {  	[tilespmem:s26+$0x8020] =	vst v1;
	v1 =	vld [tilespmem:s26+$0x4030]  }
0x25a: {  	v2 =	vld.idx.msk [tilespmem:v2+s20+$0x0], $0xffff  }
0x25b: {  	v3 =	vld [tilespmem:s26+$0x40];
	_ =	sdelay $0x2  }
0x25c: {  	v4 =	vld [tilespmem:s26+$0x8030];
	_ =	sdelay $0x1  }
0x25d: {  	v1 =	vmul.f32 v1, v2;
	vm1 =	vlt.u32 v3, $0x9E00  }
0x25e: {  	v2 =	vnsel vm1, $0x0, v3  }
0x25f: {  	v1 =	vnsel vm0, $0x0, v1  }
0x260: {  	v1 =	vadd.f32 v1, v4;
	_ =	sdelay $0x1  }
0x261: {  	[tilespmem:s26+$0x8030] =	vst v1;
	v1 =	vld [tilespmem:s26+$0x4040]  }
0x262: {  	v2 =	vld.idx.msk [tilespmem:v2+s20+$0x0], $0xffff  }
0x263: {  	v3 =	vld [tilespmem:s26+$0x50];
	_ =	sdelay $0x2  }
0x264: {  	v4 =	vld [tilespmem:s26+$0x8040];
	_ =	sdelay $0x1  }
0x265: {  	v1 =	vmul.f32 v1, v2;
	vm0 =	vlt.u32 v3, $0x9E00  }
0x266: {  	v2 =	vnsel vm0, $0x0, v3  }
0x267: {  	v1 =	vnsel vm1, $0x0, v1  }
0x268: {  	v1 =	vadd.f32 v1, v4;
	_ =	sdelay $0x1  }
0x269: {  	[tilespmem:s26+$0x8040] =	vst v1;
	v1 =	vld [tilespmem:s26+$0x4050]  }
0x26a: {  	v2 =	vld.idx.msk [tilespmem:v2+s20+$0x0], $0xffff  }
0x26b: {  	v3 =	vld [tilespmem:s26+$0x60];
	_ =	sdelay $0x2  }
0x26c: {  	v4 =	vld [tilespmem:s26+$0x8050];
	_ =	sdelay $0x1  }
0x26d: {  	v1 =	vmul.f32 v1, v2;
	vm1 =	vlt.u32 v3, $0x9E00  }
0x26e: {  	v2 =	vnsel vm1, $0x0, v3  }
0x26f: {  	v1 =	vnsel vm0, $0x0, v1  }
0x270: {  	v1 =	vadd.f32 v1, v4;
	_ =	sdelay $0x1  }
0x271: {  	[tilespmem:s26+$0x8050] =	vst v1;
	v1 =	vld [tilespmem:s26+$0x4060]  }
0x272: {  	v2 =	vld.idx.msk [tilespmem:v2+s20+$0x0], $0xffff  }
0x273: {  	v3 =	vld [tilespmem:s26+$0x70];
	_ =	sdelay $0x2  }
0x274: {  	v4 =	vld [tilespmem:s26+$0x8060];
	_ =	sdelay $0x1  }
0x275: {  	v1 =	vmul.f32 v1, v2;
	vm0 =	vlt.u32 v3, $0x9E00  }
0x276: {  	v2 =	vnsel vm0, $0x0, v3  }
.Ltmp4:
0x277: {  	v1 =	vnsel vm1, $0x0, v1;
	(pc) =	sbr.rel @p0 .LBB2_10-.Ltmp4, $3  }
0x278: {  	v1 =	vadd.f32 v1, v4;
	_ =	sdelay $0x1  }
0x279: {  	[tilespmem:s26+$0x8060] =	vst v1;
	v1 =	vld [tilespmem:s26+$0x4070]  }
0x27a: {  	s29 =	sshra.s32 s28, $0x2;
	s28 =	sadd.s32 $0x200, s28;
	v2 =	vld.idx.msk [tilespmem:v2+s20+$0x0], $0xffff  }
0x27b: {  	v3 =	vld [tilespmem:s29+$0x0];
	_ =	sdelay $0x2  }
0x27c: {  	v4 =	vld [tilespmem:s26+$0x8070];
	_ =	sdelay $0x1  }
0x27d: {  	v1 =	vmul.f32 v1, v2;
	vm1 =	vlt.u32 v3, $0x9E00  }
0x27e: {  	v2 =	vnsel vm1, $0x0, v3  }
0x27f: {  	v1 =	vnsel vm0, $0x0, v1  }
0x280: {  	v1 =	vadd.f32 v1, v4;
	_ =	sdelay $0x1  }
0x281: {  	v3 =	vld [tilespmem:s29+$0x4000];
	[tilespmem:s26+$0x8070] =	vst v1  }
0x282: {  	v1 =	vld.idx.msk [tilespmem:v2+s20+$0x0], $0xffff  }
0x283: {  	v2 =	vld [tilespmem:s29+$0x10];
	_ =	sdelay $0x2  }
0x284: {  	v50 =	vld [tilespmem:s29+$0x8000];
	_ =	sdelay $0x1  }
0x285: {  	v1 =	vmul.f32 v3, v1;
	vm0 =	vlt.u32 v2, $0x9E00  }
0x286: {  	v2 =	vnsel vm0, $0x0, v2  }
0x287: {  	v1 =	vnsel vm1, $0x0, v1  }
0x288: {  	v1 =	vadd.f32 v1, v50  }
0x289: {  	v3 =	vld [tilespmem:s29+$0x20]  }
0x28a: {  	[tilespmem:s29+$0x8000] =	vst v1;
	v1 =	vld [tilespmem:s29+$0x4010]  }
0x28b: {  	v2 =	vld.idx.msk [tilespmem:v2+s20+$0x0], $0xffff;
	_ =	sdelay $0x2  }
0x28c: {  	v51 =	vld [tilespmem:s29+$0x8010];
	_ =	sdelay $0x1  }
0x28d: {  	vm1 =	vlt.u32 v3, $0x9E00;
	v1 =	vmul.f32 v1, v2  }
0x28e: {  	v2 =	vnsel vm1, $0x0, v3  }
0x28f: {  	v1 =	vnsel vm0, $0x0, v1  }
0x290: {  	v1 =	vadd.f32 v1, v51  }
0x291: {  	v3 =	vld [tilespmem:s29+$0x30]  }
0x292: {  	[tilespmem:s29+$0x8010] =	vst v1;
	v1 =	vld [tilespmem:s29+$0x4020]  }
0x293: {  	v2 =	vld.idx.msk [tilespmem:v2+s20+$0x0], $0xffff;
	_ =	sdelay $0x2  }
0x294: {  	v52 =	vld [tilespmem:s29+$0x8020];
	_ =	sdelay $0x1  }
0x295: {  	vm0 =	vlt.u32 v3, $0x9E00;
	v1 =	vmul.f32 v1, v2  }
0x296: {  	v2 =	vnsel vm0, $0x0, v3  }
0x297: {  	v1 =	vnsel vm1, $0x0, v1  }
0x298: {  	v1 =	vadd.f32 v1, v52  }
0x299: {  	v3 =	vld [tilespmem:s29+$0x40]  }
0x29a: {  	[tilespmem:s29+$0x8020] =	vst v1;
	v1 =	vld [tilespmem:s29+$0x4030]  }
0x29b: {  	v2 =	vld.idx.msk [tilespmem:v2+s20+$0x0], $0xffff;
	_ =	sdelay $0x2  }
0x29c: {  	v53 =	vld [tilespmem:s29+$0x8030];
	_ =	sdelay $0x1  }
0x29d: {  	vm1 =	vlt.u32 v3, $0x9E00;
	v1 =	vmul.f32 v1, v2  }
0x29e: {  	v2 =	vnsel vm1, $0x0, v3  }
0x29f: {  	v1 =	vnsel vm0, $0x0, v1  }
0x2a0: {  	v1 =	vadd.f32 v1, v53  }
0x2a1: {  	v3 =	vld [tilespmem:s29+$0x50]  }
0x2a2: {  	[tilespmem:s29+$0x8030] =	vst v1;
	v1 =	vld [tilespmem:s29+$0x4040]  }
0x2a3: {  	v2 =	vld.idx.msk [tilespmem:v2+s20+$0x0], $0xffff;
	_ =	sdelay $0x2  }
0x2a4: {  	v54 =	vld [tilespmem:s29+$0x8040];
	_ =	sdelay $0x1  }
0x2a5: {  	vm0 =	vlt.u32 v3, $0x9E00;
	v1 =	vmul.f32 v1, v2  }
0x2a6: {  	v2 =	vnsel vm0, $0x0, v3  }
0x2a7: {  	v1 =	vnsel vm1, $0x0, v1  }
0x2a8: {  	v1 =	vadd.f32 v1, v54  }
0x2a9: {  	v3 =	vld [tilespmem:s29+$0x60]  }
0x2aa: {  	[tilespmem:s29+$0x8040] =	vst v1;
	v1 =	vld [tilespmem:s29+$0x4050]  }
0x2ab: {  	v2 =	vld.idx.msk [tilespmem:v2+s20+$0x0], $0xffff;
	_ =	sdelay $0x2  }
0x2ac: {  	v55 =	vld [tilespmem:s29+$0x8050];
	_ =	sdelay $0x1  }
0x2ad: {  	vm1 =	vlt.u32 v3, $0x9E00;
	v1 =	vmul.f32 v1, v2  }
0x2ae: {  	v2 =	vnsel vm1, $0x0, v3  }
0x2af: {  	v1 =	vnsel vm0, $0x0, v1  }
0x2b0: {  	v1 =	vadd.f32 v1, v55  }
0x2b1: {  	v3 =	vld [tilespmem:s29+$0x70]  }
0x2b2: {  	[tilespmem:s29+$0x8050] =	vst v1;
	v1 =	vld [tilespmem:s29+$0x4060]  }
0x2b3: {  	v2 =	vld.idx.msk [tilespmem:v2+s20+$0x0], $0xffff;
	_ =	sdelay $0x2  }
0x2b4: {  	v56 =	vld [tilespmem:s29+$0x8060];
	_ =	sdelay $0x1  }
0x2b5: {  	vm0 =	vlt.u32 v3, $0x9E00;
	v1 =	vmul.f32 v1, v2  }
0x2b6: {  	v2 =	vnsel vm0, $0x0, v3  }
0x2b7: {  	v1 =	vnsel vm1, $0x0, v1  }
0x2b8: {  	v1 =	vadd.f32 v1, v56;
	_ =	sdelay $0x1  }
0x2b9: {  	[tilespmem:s29+$0x8060] =	vst v1;
	v1 =	vld [tilespmem:s29+$0x4070]  }
0x2ba: {  	v2 =	vld.idx.msk [tilespmem:v2+s20+$0x0], $0xffff;
	_ =	sdelay $0x2  }
0x2bb: {  	v3 =	vld [tilespmem:s29+$0x8070];
	_ =	sdelay $0x1  }
0x2bc: {  	v1 =	vmul.f32 v1, v2;
	_ =	sdelay $0x1  }
0x2bd: {  	v1 =	vnsel vm0, $0x0, v1  }
0x2be: {  	v1 =	vadd.f32 v1, v3;
	_ =	sdelay $0x1  }
0x2bf: {  	[tilespmem:s29+$0x8070] =	vst v1  }
0x2c0: {  	_ =	swait.ge [sflag:s23], $0x9E00  }
0x2c1: {  	[sflag:s23] =	ssyncset.done $0x0  }
0x2c2: {  	s31 =	simm.s32 $0x0;
	s26 =	simm.s32 $0x0;
	[sflag:s23] =	ssyncadd.s32 $0xFFFF6200  }
0x2c3: {  	[tilespmem:s20], [sflag:$0x1] =	stream.linear.gather [hbm4b:s10+s31], $0x4AA0, $0x38;
	[tilespmem:$0x1FC00] =	vst v63  }
0x2c4: {  	v1 =	vld [tilespmem:s26+$0x0];
	_ =	sdelay $0x4  }
0x2c5: {  	v1 =	vadd.s32 $0xFFFF6200, v1  }
0x2c6: {  	vm0 =	vlt.u32 v1, $0x9E00  }
0x2c7: {  	v1 =	vnsel vm0, $0x0, v1;
	_ =	sdelay $0x2  }
0x2c8: {  	v2 =	vld [tilespmem:s26+$0x10]  }
0x2c9: {  	v3 =	vld [tilespmem:s26+$0x4000]  }
0x2ca: {  	v1 =	vld.idx.msk [tilespmem:v1+s22+$0x0], $0xffff;
	_ =	sdelay $0x2  }
0x2cb: {  	v57 =	vld [tilespmem:s26+$0x8000]  }
0x2cc: {  	v2 =	vadd.s32 $0xFFFF6200, v2  }
0x2cd: {  	vm1 =	vlt.u32 v2, $0x9E00;
	v1 =	vmul.f32 v3, v1  }
0x2ce: {  	v2 =	vnsel vm1, $0x0, v2  }
0x2cf: {  	v1 =	vnsel vm0, $0x0, v1  }
0x2d0: {  	v1 =	vadd.f32 v1, v57  }
0x2d1: {  	v3 =	vld [tilespmem:s26+$0x4010]  }
0x2d2: {  	[tilespmem:s26+$0x8000] =	vst v1;
	v1 =	vld [tilespmem:s26+$0x20]  }
0x2d3: {  	v2 =	vld.idx.msk [tilespmem:v2+s22+$0x0], $0xffff;
	_ =	sdelay $0x2  }
0x2d4: {  	v58 =	vld [tilespmem:s26+$0x8010]  }
0x2d5: {  	v1 =	vadd.s32 $0xFFFF6200, v1  }
0x2d6: {  	v2 =	vmul.f32 v3, v2;
	vm0 =	vlt.u32 v1, $0x9E00  }
0x2d7: {  	v1 =	vnsel vm0, $0x0, v1  }
0x2d8: {  	v2 =	vnsel vm1, $0x0, v2  }
0x2d9: {  	v2 =	vadd.f32 v2, v58  }
0x2da: {  	v3 =	vld [tilespmem:s26+$0x4020]  }
0x2db: {  	[tilespmem:s26+$0x8010] =	vst v2;
	v2 =	vld [tilespmem:s26+$0x30]  }
0x2dc: {  	v1 =	vld.idx.msk [tilespmem:v1+s22+$0x0], $0xffff;
	_ =	sdelay $0x2  }
0x2dd: {  	v59 =	vld [tilespmem:s26+$0x8020]  }
0x2de: {  	v2 =	vadd.s32 $0xFFFF6200, v2  }
0x2df: {  	v1 =	vmul.f32 v3, v1;
	vm1 =	vlt.u32 v2, $0x9E00  }
0x2e0: {  	v2 =	vnsel vm1, $0x0, v2  }
0x2e1: {  	v1 =	vnsel vm0, $0x0, v1  }
0x2e2: {  	v1 =	vadd.f32 v1, v59  }
0x2e3: {  	v3 =	vld [tilespmem:s26+$0x4030]  }
0x2e4: {  	[tilespmem:s26+$0x8020] =	vst v1;
	v1 =	vld [tilespmem:s26+$0x40]  }
0x2e5: {  	v2 =	vld.idx.msk [tilespmem:v2+s22+$0x0], $0xffff;
	_ =	sdelay $0x2  }
0x2e6: {  	v60 =	vld [tilespmem:s26+$0x8030]  }
0x2e7: {  	v1 =	vadd.s32 $0xFFFF6200, v1  }
0x2e8: {  	v2 =	vmul.f32 v3, v2;
	vm0 =	vlt.u32 v1, $0x9E00  }
0x2e9: {  	v1 =	vnsel vm0, $0x0, v1  }
0x2ea: {  	v2 =	vnsel vm1, $0x0, v2  }
0x2eb: {  	v2 =	vadd.f32 v2, v60  }
0x2ec: {  	v3 =	vld [tilespmem:s26+$0x4040]  }
0x2ed: {  	[tilespmem:s26+$0x8030] =	vst v2;
	v2 =	vld [tilespmem:s26+$0x50]  }
0x2ee: {  	v1 =	vld.idx.msk [tilespmem:v1+s22+$0x0], $0xffff;
	_ =	sdelay $0x2  }
0x2ef: {  	v61 =	vld [tilespmem:s26+$0x8040]  }
0x2f0: {  	v2 =	vadd.s32 $0xFFFF6200, v2  }
0x2f1: {  	v1 =	vmul.f32 v3, v1;
	vm1 =	vlt.u32 v2, $0x9E00  }
0x2f2: {  	v2 =	vnsel vm1, $0x0, v2  }
0x2f3: {  	v1 =	vnsel vm0, $0x0, v1  }
0x2f4: {  	v1 =	vadd.f32 v1, v61  }
0x2f5: {  	v3 =	vld [tilespmem:s26+$0x4050]  }
0x2f6: {  	[tilespmem:s26+$0x8040] =	vst v1;
	v1 =	vld [tilespmem:s26+$0x60]  }
0x2f7: {  	v2 =	vld.idx.msk [tilespmem:v2+s22+$0x0], $0xffff;
	_ =	sdelay $0x2  }
0x2f8: {  	v62 =	vld [tilespmem:s26+$0x8050]  }
0x2f9: {  	v1 =	vadd.s32 $0xFFFF6200, v1  }
0x2fa: {  	v2 =	vmul.f32 v3, v2;
	vm0 =	vlt.u32 v1, $0x9E00  }
0x2fb: {  	v1 =	vnsel vm0, $0x0, v1  }
0x2fc: {  	v2 =	vnsel vm1, $0x0, v2  }
0x2fd: {  	v2 =	vadd.f32 v2, v62;
	_ =	sdelay $0x1  }
0x2fe: {  	[tilespmem:s26+$0x8050] =	vst v2;
	v2 =	vld [tilespmem:s26+$0x4060]  }
0x2ff: {  	v1 =	vld.idx.msk [tilespmem:v1+s22+$0x0], $0xffff  }
0x300: {  	v3 =	vld [tilespmem:s26+$0x70];
	_ =	sdelay $0x3  }
0x301: {  	v63 =	vld [tilespmem:s26+$0x8060];
	v1 =	vmul.f32 v2, v1  }
0x302: {  	v2 =	vadd.s32 $0xFFFF6200, v3  }
0x303: {  	v1 =	vnsel vm0, $0x0, v1;
	vm0 =	vlt.u32 v2, $0x9E00  }
0x304: {  	v2 =	vnsel vm0, $0x0, v2;
	_ =	sdelay $0x1  }
0x305: {  	v3 =	vadd.f32 v1, v63  }
0x306: {  	s29 =	simm.s32 $0x80  }
0x307: {  	s28 =	simm.s32 $0x400;
	v1 =	vld [tilespmem:s29+$0x0];
	[tilespmem:s26+$0x8060] =	vst v3  }
.LBB2_12:
0x308: {  	p0 =	sne.s32 s28, $0xFE00;
	v2 =	vld.idx.msk [tilespmem:v2+s22+$0x0], $0xffff  }
0x309: {  	v3 =	vld [tilespmem:s26+$0x4070];
	_ =	sdelay $0x2  }
0x30a: {  	v4 =	vld [tilespmem:s26+$0x8070]  }
0x30b: {  	v1 =	vadd.s32 $0xFFFF6200, v1  }
0x30c: {  	vm1 =	vlt.u32 v1, $0x9E00;
	v2 =	vmul.f32 v3, v2  }
0x30d: {  	v1 =	vnsel vm1, $0x0, v1  }
0x30e: {  	v2 =	vnsel vm0, $0x0, v2  }
0x30f: {  	v2 =	vadd.f32 v2, v4;
	_ =	sdelay $0x1  }
0x310: {  	v3 =	vld [tilespmem:s29+$0x10];
	[tilespmem:s26+$0x8070] =	vst v2;
	s26 =	smov.u32 s29  }
0x311: {  	v1 =	vld.idx.msk [tilespmem:v1+s22+$0x0], $0xffff  }
0x312: {  	v2 =	vld [tilespmem:s26+$0x4000];
	_ =	sdelay $0x2  }
0x313: {  	v4 =	vld [tilespmem:s26+$0x8000]  }
0x314: {  	v3 =	vadd.s32 $0xFFFF6200, v3  }
0x315: {  	vm0 =	vlt.u32 v3, $0x9E00;
	v1 =	vmul.f32 v2, v1  }
0x316: {  	v2 =	vnsel vm0, $0x0, v3  }
0x317: {  	v1 =	vnsel vm1, $0x0, v1  }
0x318: {  	v1 =	vadd.f32 v1, v4;
	_ =	sdelay $0x1  }
0x319: {  	[tilespmem:s26+$0x8000] =	vst v1;
	v1 =	vld [tilespmem:s26+$0x20]  }
0x31a: {  	v2 =	vld.idx.msk [tilespmem:v2+s22+$0x0], $0xffff  }
0x31b: {  	v3 =	vld [tilespmem:s26+$0x4010];
	_ =	sdelay $0x2  }
0x31c: {  	v4 =	vld [tilespmem:s26+$0x8010]  }
0x31d: {  	v1 =	vadd.s32 $0xFFFF6200, v1  }
0x31e: {  	vm1 =	vlt.u32 v1, $0x9E00;
	v2 =	vmul.f32 v3, v2  }
0x31f: {  	v1 =	vnsel vm1, $0x0, v1  }
0x320: {  	v2 =	vnsel vm0, $0x0, v2  }
0x321: {  	v2 =	vadd.f32 v2, v4;
	_ =	sdelay $0x1  }
0x322: {  	[tilespmem:s26+$0x8010] =	vst v2;
	v2 =	vld [tilespmem:s26+$0x30]  }
0x323: {  	v1 =	vld.idx.msk [tilespmem:v1+s22+$0x0], $0xffff  }
0x324: {  	v3 =	vld [tilespmem:s26+$0x4020];
	_ =	sdelay $0x2  }
0x325: {  	v4 =	vld [tilespmem:s26+$0x8020]  }
0x326: {  	v2 =	vadd.s32 $0xFFFF6200, v2  }
0x327: {  	vm0 =	vlt.u32 v2, $0x9E00;
	v1 =	vmul.f32 v3, v1  }
0x328: {  	v2 =	vnsel vm0, $0x0, v2  }
0x329: {  	v1 =	vnsel vm1, $0x0, v1  }
0x32a: {  	v1 =	vadd.f32 v1, v4;
	_ =	sdelay $0x1  }
0x32b: {  	[tilespmem:s26+$0x8020] =	vst v1;
	v1 =	vld [tilespmem:s26+$0x40]  }
0x32c: {  	v2 =	vld.idx.msk [tilespmem:v2+s22+$0x0], $0xffff  }
0x32d: {  	v3 =	vld [tilespmem:s26+$0x4030];
	_ =	sdelay $0x2  }
0x32e: {  	v4 =	vld [tilespmem:s26+$0x8030]  }
0x32f: {  	v1 =	vadd.s32 $0xFFFF6200, v1  }
0x330: {  	vm1 =	vlt.u32 v1, $0x9E00;
	v2 =	vmul.f32 v3, v2  }
0x331: {  	v1 =	vnsel vm1, $0x0, v1  }
0x332: {  	v2 =	vnsel vm0, $0x0, v2  }
0x333: {  	v2 =	vadd.f32 v2, v4;
	_ =	sdelay $0x1  }
0x334: {  	[tilespmem:s26+$0x8030] =	vst v2;
	v2 =	vld [tilespmem:s26+$0x50]  }
0x335: {  	v1 =	vld.idx.msk [tilespmem:v1+s22+$0x0], $0xffff  }
0x336: {  	v3 =	vld [tilespmem:s26+$0x4040];
	_ =	sdelay $0x2  }
0x337: {  	v4 =	vld [tilespmem:s26+$0x8040]  }
0x338: {  	v2 =	vadd.s32 $0xFFFF6200, v2  }
0x339: {  	vm0 =	vlt.u32 v2, $0x9E00;
	v1 =	vmul.f32 v3, v1  }
0x33a: {  	v2 =	vnsel vm0, $0x0, v2  }
0x33b: {  	v1 =	vnsel vm1, $0x0, v1  }
0x33c: {  	v1 =	vadd.f32 v1, v4;
	_ =	sdelay $0x1  }
0x33d: {  	[tilespmem:s26+$0x8040] =	vst v1;
	v1 =	vld [tilespmem:s26+$0x60]  }
0x33e: {  	v2 =	vld.idx.msk [tilespmem:v2+s22+$0x0], $0xffff  }
0x33f: {  	v3 =	vld [tilespmem:s26+$0x4050];
	_ =	sdelay $0x2  }
0x340: {  	v4 =	vld [tilespmem:s26+$0x8050]  }
0x341: {  	v1 =	vadd.s32 $0xFFFF6200, v1  }
0x342: {  	vm1 =	vlt.u32 v1, $0x9E00;
	v2 =	vmul.f32 v3, v2  }
0x343: {  	v1 =	vnsel vm1, $0x0, v1  }
0x344: {  	v2 =	vnsel vm0, $0x0, v2  }
0x345: {  	v2 =	vadd.f32 v2, v4;
	_ =	sdelay $0x1  }
0x346: {  	[tilespmem:s26+$0x8050] =	vst v2;
	v2 =	vld [tilespmem:s26+$0x70]  }
0x347: {  	v1 =	vld.idx.msk [tilespmem:v1+s22+$0x0], $0xffff  }
0x348: {  	v3 =	vld [tilespmem:s26+$0x4060];
	_ =	sdelay $0x2  }
0x349: {  	v4 =	vld [tilespmem:s26+$0x8060]  }
0x34a: {  	v2 =	vadd.s32 $0xFFFF6200, v2  }
0x34b: {  	vm0 =	vlt.u32 v2, $0x9E00;
	v1 =	vmul.f32 v3, v1  }
.Ltmp5:
0x34c: {  	v2 =	vnsel vm0, $0x0, v2;
	(pc) =	sbr.rel @p0 .LBB2_12-.Ltmp5, $4  }
0x34d: {  	v1 =	vnsel vm1, $0x0, v1  }
0x34e: {  	v3 =	vadd.f32 v1, v4  }
0x34f: {  	s29 =	sshra.s32 s28, $0x2  }
0x350: {  	s28 =	sadd.s32 $0x200, s28;
	v1 =	vld [tilespmem:s29+$0x0];
	[tilespmem:s26+$0x8060] =	vst v3  }
0x351: {  	_ =	sdelay $0x3  }
0x352: {  	v2 =	vld.idx.msk [tilespmem:v2+s22+$0x0], $0xffff  }
0x353: {  	v3 =	vld [tilespmem:s26+$0x4070];
	_ =	sdelay $0x2  }
0x354: {  	v4 =	vld [tilespmem:s26+$0x8070]  }
0x355: {  	v1 =	vadd.s32 $0xFFFF6200, v1  }
0x356: {  	vm1 =	vlt.u32 v1, $0x9E00;
	v2 =	vmul.f32 v3, v2  }
0x357: {  	v1 =	vnsel vm1, $0x0, v1  }
0x358: {  	v2 =	vnsel vm0, $0x0, v2  }
0x359: {  	v2 =	vadd.f32 v2, v4;
	_ =	sdelay $0x1  }
0x35a: {  	v3 =	vld [tilespmem:s29+$0x10];
	[tilespmem:s26+$0x8070] =	vst v2  }
0x35b: {  	v1 =	vld.idx.msk [tilespmem:v1+s22+$0x0], $0xffff  }
0x35c: {  	v2 =	vld [tilespmem:s29+$0x4000];
	_ =	sdelay $0x2  }
0x35d: {  	v50 =	vld [tilespmem:s29+$0x8000]  }
0x35e: {  	v3 =	vadd.s32 $0xFFFF6200, v3  }
0x35f: {  	vm0 =	vlt.u32 v3, $0x9E00;
	v1 =	vmul.f32 v2, v1  }
0x360: {  	v2 =	vnsel vm0, $0x0, v3  }
0x361: {  	v1 =	vnsel vm1, $0x0, v1  }
0x362: {  	v1 =	vadd.f32 v1, v50  }
0x363: {  	v3 =	vld [tilespmem:s29+$0x4010]  }
0x364: {  	[tilespmem:s29+$0x8000] =	vst v1;
	v1 =	vld [tilespmem:s29+$0x20]  }
0x365: {  	v2 =	vld.idx.msk [tilespmem:v2+s22+$0x0], $0xffff;
	_ =	sdelay $0x2  }
0x366: {  	v51 =	vld [tilespmem:s29+$0x8010]  }
0x367: {  	v1 =	vadd.s32 $0xFFFF6200, v1  }
0x368: {  	v2 =	vmul.f32 v3, v2;
	vm1 =	vlt.u32 v1, $0x9E00  }
0x369: {  	v1 =	vnsel vm1, $0x0, v1  }
0x36a: {  	v2 =	vnsel vm0, $0x0, v2  }
0x36b: {  	v2 =	vadd.f32 v2, v51  }
0x36c: {  	v3 =	vld [tilespmem:s29+$0x4020]  }
0x36d: {  	[tilespmem:s29+$0x8010] =	vst v2;
	v2 =	vld [tilespmem:s29+$0x30]  }
0x36e: {  	v1 =	vld.idx.msk [tilespmem:v1+s22+$0x0], $0xffff;
	_ =	sdelay $0x2  }
0x36f: {  	v52 =	vld [tilespmem:s29+$0x8020]  }
0x370: {  	v2 =	vadd.s32 $0xFFFF6200, v2  }
0x371: {  	v1 =	vmul.f32 v3, v1;
	vm0 =	vlt.u32 v2, $0x9E00  }
0x372: {  	v2 =	vnsel vm0, $0x0, v2  }
0x373: {  	v1 =	vnsel vm1, $0x0, v1  }
0x374: {  	v1 =	vadd.f32 v1, v52  }
0x375: {  	v3 =	vld [tilespmem:s29+$0x4030]  }
0x376: {  	[tilespmem:s29+$0x8020] =	vst v1;
	v1 =	vld [tilespmem:s29+$0x40]  }
0x377: {  	v2 =	vld.idx.msk [tilespmem:v2+s22+$0x0], $0xffff;
	_ =	sdelay $0x2  }
0x378: {  	v53 =	vld [tilespmem:s29+$0x8030]  }
0x379: {  	v1 =	vadd.s32 $0xFFFF6200, v1  }
0x37a: {  	v2 =	vmul.f32 v3, v2;
	vm1 =	vlt.u32 v1, $0x9E00  }
0x37b: {  	v1 =	vnsel vm1, $0x0, v1  }
0x37c: {  	v2 =	vnsel vm0, $0x0, v2  }
0x37d: {  	v2 =	vadd.f32 v2, v53  }
0x37e: {  	v3 =	vld [tilespmem:s29+$0x4040]  }
0x37f: {  	[tilespmem:s29+$0x8030] =	vst v2;
	v2 =	vld [tilespmem:s29+$0x50]  }
0x380: {  	v1 =	vld.idx.msk [tilespmem:v1+s22+$0x0], $0xffff;
	_ =	sdelay $0x2  }
0x381: {  	v54 =	vld [tilespmem:s29+$0x8040]  }
0x382: {  	v2 =	vadd.s32 $0xFFFF6200, v2  }
0x383: {  	v1 =	vmul.f32 v3, v1;
	vm0 =	vlt.u32 v2, $0x9E00  }
0x384: {  	v2 =	vnsel vm0, $0x0, v2  }
0x385: {  	v1 =	vnsel vm1, $0x0, v1  }
0x386: {  	v1 =	vadd.f32 v1, v54  }
0x387: {  	v3 =	vld [tilespmem:s29+$0x4050]  }
0x388: {  	[tilespmem:s29+$0x8040] =	vst v1;
	v1 =	vld [tilespmem:s29+$0x60]  }
0x389: {  	v2 =	vld.idx.msk [tilespmem:v2+s22+$0x0], $0xffff;
	_ =	sdelay $0x2  }
0x38a: {  	v55 =	vld [tilespmem:s29+$0x8050]  }
0x38b: {  	v1 =	vadd.s32 $0xFFFF6200, v1  }
0x38c: {  	v2 =	vmul.f32 v3, v2;
	vm1 =	vlt.u32 v1, $0x9E00  }
0x38d: {  	v1 =	vnsel vm1, $0x0, v1  }
0x38e: {  	v2 =	vnsel vm0, $0x0, v2  }
0x38f: {  	v2 =	vadd.f32 v2, v55  }
0x390: {  	v3 =	vld [tilespmem:s29+$0x4060]  }
0x391: {  	[tilespmem:s29+$0x8050] =	vst v2;
	v2 =	vld [tilespmem:s29+$0x70]  }
0x392: {  	v1 =	vld.idx.msk [tilespmem:v1+s22+$0x0], $0xffff;
	_ =	sdelay $0x2  }
0x393: {  	v56 =	vld [tilespmem:s29+$0x8060]  }
0x394: {  	v2 =	vadd.s32 $0xFFFF6200, v2  }
0x395: {  	v1 =	vmul.f32 v3, v1;
	vm0 =	vlt.u32 v2, $0x9E00  }
0x396: {  	v2 =	vnsel vm0, $0x0, v2  }
0x397: {  	v1 =	vnsel vm1, $0x0, v1  }
0x398: {  	v1 =	vadd.f32 v1, v56;
	_ =	sdelay $0x1  }
0x399: {  	[tilespmem:s29+$0x8060] =	vst v1  }
0x39a: {  	v1 =	vld.idx.msk [tilespmem:v2+s22+$0x0], $0xffff  }
0x39b: {  	v2 =	vld [tilespmem:s29+$0x4070];
	_ =	sdelay $0x2  }
0x39c: {  	v3 =	vld [tilespmem:s29+$0x8070];
	_ =	sdelay $0x1  }
0x39d: {  	v1 =	vmul.f32 v2, v1;
	_ =	sdelay $0x1  }
0x39e: {  	v1 =	vnsel vm0, $0x0, v1  }
0x39f: {  	v1 =	vadd.f32 v1, v3;
	_ =	sdelay $0x1  }
0x3a0: {  	[tilespmem:s29+$0x8070] =	vst v1  }
0x3a1: {  	_ =	swait.ge [sflag:s21], $0x4AA0  }
0x3a2: {  	[sflag:s21] =	ssyncset.done $0x0  }
0x3a3: {  	s26 =	simm.s32 $0x0;
	[sflag:s21] =	ssyncadd.s32 $0xFFFFB560  }
0x3a4: {  	v1 =	vld [tilespmem:s26+$0x0];
	_ =	sdelay $0x4  }
0x3a5: {  	v1 =	vadd.s32 $0xFFFEC400, v1  }
0x3a6: {  	vm0 =	vlt.u32 v1, $0x4AA0  }
0x3a7: {  	v1 =	vnsel vm0, $0x0, v1;
	_ =	sdelay $0x2  }
0x3a8: {  	v2 =	vld [tilespmem:s26+$0x10]  }
0x3a9: {  	v3 =	vld [tilespmem:s26+$0x4000]  }
0x3aa: {  	v1 =	vld.idx.msk [tilespmem:v1+s20+$0x0], $0xffff;
	_ =	sdelay $0x2  }
0x3ab: {  	v57 =	vld [tilespmem:s26+$0x8000]  }
0x3ac: {  	v2 =	vadd.s32 $0xFFFEC400, v2  }
0x3ad: {  	vm1 =	vlt.u32 v2, $0x4AA0;
	v1 =	vmul.f32 v3, v1  }
0x3ae: {  	v2 =	vnsel vm1, $0x0, v2  }
0x3af: {  	v1 =	vnsel vm0, $0x0, v1  }
0x3b0: {  	v1 =	vadd.f32 v1, v57  }
0x3b1: {  	v3 =	vld [tilespmem:s26+$0x4010]  }
0x3b2: {  	[tilespmem:s26+$0x8000] =	vst v1;
	v1 =	vld [tilespmem:s26+$0x20]  }
0x3b3: {  	v2 =	vld.idx.msk [tilespmem:v2+s20+$0x0], $0xffff;
	_ =	sdelay $0x2  }
0x3b4: {  	v58 =	vld [tilespmem:s26+$0x8010]  }
0x3b5: {  	v1 =	vadd.s32 $0xFFFEC400, v1  }
0x3b6: {  	v2 =	vmul.f32 v3, v2;
	vm0 =	vlt.u32 v1, $0x4AA0  }
0x3b7: {  	v1 =	vnsel vm0, $0x0, v1  }
0x3b8: {  	v2 =	vnsel vm1, $0x0, v2  }
0x3b9: {  	v2 =	vadd.f32 v2, v58  }
0x3ba: {  	v3 =	vld [tilespmem:s26+$0x4020]  }
0x3bb: {  	[tilespmem:s26+$0x8010] =	vst v2;
	v2 =	vld [tilespmem:s26+$0x30]  }
0x3bc: {  	v1 =	vld.idx.msk [tilespmem:v1+s20+$0x0], $0xffff;
	_ =	sdelay $0x2  }
0x3bd: {  	v59 =	vld [tilespmem:s26+$0x8020]  }
0x3be: {  	v2 =	vadd.s32 $0xFFFEC400, v2  }
0x3bf: {  	v1 =	vmul.f32 v3, v1;
	vm1 =	vlt.u32 v2, $0x4AA0  }
0x3c0: {  	v2 =	vnsel vm1, $0x0, v2  }
0x3c1: {  	v1 =	vnsel vm0, $0x0, v1  }
0x3c2: {  	v1 =	vadd.f32 v1, v59  }
0x3c3: {  	v3 =	vld [tilespmem:s26+$0x4030]  }
0x3c4: {  	[tilespmem:s26+$0x8020] =	vst v1;
	v1 =	vld [tilespmem:s26+$0x40]  }
0x3c5: {  	v2 =	vld.idx.msk [tilespmem:v2+s20+$0x0], $0xffff;
	_ =	sdelay $0x2  }
0x3c6: {  	v60 =	vld [tilespmem:s26+$0x8030]  }
0x3c7: {  	v1 =	vadd.s32 $0xFFFEC400, v1  }
0x3c8: {  	v2 =	vmul.f32 v3, v2;
	vm0 =	vlt.u32 v1, $0x4AA0  }
0x3c9: {  	v1 =	vnsel vm0, $0x0, v1  }
0x3ca: {  	v2 =	vnsel vm1, $0x0, v2  }
0x3cb: {  	v2 =	vadd.f32 v2, v60  }
0x3cc: {  	v3 =	vld [tilespmem:s26+$0x4040]  }
0x3cd: {  	[tilespmem:s26+$0x8030] =	vst v2;
	v2 =	vld [tilespmem:s26+$0x50]  }
0x3ce: {  	v1 =	vld.idx.msk [tilespmem:v1+s20+$0x0], $0xffff;
	_ =	sdelay $0x2  }
0x3cf: {  	v61 =	vld [tilespmem:s26+$0x8040]  }
0x3d0: {  	v2 =	vadd.s32 $0xFFFEC400, v2  }
0x3d1: {  	v1 =	vmul.f32 v3, v1;
	vm1 =	vlt.u32 v2, $0x4AA0  }
0x3d2: {  	v2 =	vnsel vm1, $0x0, v2  }
0x3d3: {  	v1 =	vnsel vm0, $0x0, v1  }
0x3d4: {  	v1 =	vadd.f32 v1, v61  }
0x3d5: {  	v3 =	vld [tilespmem:s26+$0x4050]  }
0x3d6: {  	[tilespmem:s26+$0x8040] =	vst v1;
	v1 =	vld [tilespmem:s26+$0x60]  }
0x3d7: {  	v2 =	vld.idx.msk [tilespmem:v2+s20+$0x0], $0xffff;
	_ =	sdelay $0x2  }
0x3d8: {  	v62 =	vld [tilespmem:s26+$0x8050]  }
0x3d9: {  	v1 =	vadd.s32 $0xFFFEC400, v1  }
0x3da: {  	v2 =	vmul.f32 v3, v2;
	vm0 =	vlt.u32 v1, $0x4AA0  }
0x3db: {  	v1 =	vnsel vm0, $0x0, v1  }
0x3dc: {  	v2 =	vnsel vm1, $0x0, v2  }
0x3dd: {  	v2 =	vadd.f32 v2, v62;
	_ =	sdelay $0x1  }
0x3de: {  	[tilespmem:s26+$0x8050] =	vst v2;
	v2 =	vld [tilespmem:s26+$0x4060]  }
0x3df: {  	v1 =	vld.idx.msk [tilespmem:v1+s20+$0x0], $0xffff  }
0x3e0: {  	v3 =	vld [tilespmem:s26+$0x70];
	_ =	sdelay $0x3  }
0x3e1: {  	v63 =	vld [tilespmem:s26+$0x8060];
	v1 =	vmul.f32 v2, v1  }
0x3e2: {  	v2 =	vadd.s32 $0xFFFEC400, v3  }
0x3e3: {  	v1 =	vnsel vm0, $0x0, v1;
	vm0 =	vlt.u32 v2, $0x4AA0  }
0x3e4: {  	v2 =	vnsel vm0, $0x0, v2;
	_ =	sdelay $0x1  }
0x3e5: {  	v3 =	vadd.f32 v1, v63  }
0x3e6: {  	s29 =	simm.s32 $0x80  }
0x3e7: {  	s28 =	simm.s32 $0x400;
	v1 =	vld [tilespmem:s29+$0x0];
	[tilespmem:s26+$0x8060] =	vst v3  }
.LBB2_14:
0x3e8: {  	p0 =	sne.s32 s28, $0xFE00;
	v2 =	vld.idx.msk [tilespmem:v2+s20+$0x0], $0xffff  }
0x3e9: {  	v3 =	vld [tilespmem:s26+$0x4070];
	_ =	sdelay $0x2  }
0x3ea: {  	v4 =	vld [tilespmem:s26+$0x8070]  }
0x3eb: {  	v1 =	vadd.s32 $0xFFFEC400, v1  }
0x3ec: {  	vm1 =	vlt.u32 v1, $0x4AA0;
	v2 =	vmul.f32 v3, v2  }
0x3ed: {  	v1 =	vnsel vm1, $0x0, v1  }
0x3ee: {  	v2 =	vnsel vm0, $0x0, v2  }
0x3ef: {  	v2 =	vadd.f32 v2, v4;
	_ =	sdelay $0x1  }
0x3f0: {  	v3 =	vld [tilespmem:s29+$0x10];
	[tilespmem:s26+$0x8070] =	vst v2;
	s26 =	smov.u32 s29  }
0x3f1: {  	v1 =	vld.idx.msk [tilespmem:v1+s20+$0x0], $0xffff  }
0x3f2: {  	v2 =	vld [tilespmem:s26+$0x4000];
	_ =	sdelay $0x2  }
0x3f3: {  	v4 =	vld [tilespmem:s26+$0x8000]  }
0x3f4: {  	v3 =	vadd.s32 $0xFFFEC400, v3  }
0x3f5: {  	vm0 =	vlt.u32 v3, $0x4AA0;
	v1 =	vmul.f32 v2, v1  }
0x3f6: {  	v2 =	vnsel vm0, $0x0, v3  }
0x3f7: {  	v1 =	vnsel vm1, $0x0, v1  }
0x3f8: {  	v1 =	vadd.f32 v1, v4;
	_ =	sdelay $0x1  }
0x3f9: {  	[tilespmem:s26+$0x8000] =	vst v1;
	v1 =	vld [tilespmem:s26+$0x20]  }
0x3fa: {  	v2 =	vld.idx.msk [tilespmem:v2+s20+$0x0], $0xffff  }
0x3fb: {  	v3 =	vld [tilespmem:s26+$0x4010];
	_ =	sdelay $0x2  }
0x3fc: {  	v4 =	vld [tilespmem:s26+$0x8010]  }
0x3fd: {  	v1 =	vadd.s32 $0xFFFEC400, v1  }
0x3fe: {  	vm1 =	vlt.u32 v1, $0x4AA0;
	v2 =	vmul.f32 v3, v2  }
0x3ff: {  	v1 =	vnsel vm1, $0x0, v1  }
0x400: {  	v2 =	vnsel vm0, $0x0, v2  }
0x401: {  	v2 =	vadd.f32 v2, v4;
	_ =	sdelay $0x1  }
0x402: {  	[tilespmem:s26+$0x8010] =	vst v2;
	v2 =	vld [tilespmem:s26+$0x30]  }
0x403: {  	v1 =	vld.idx.msk [tilespmem:v1+s20+$0x0], $0xffff  }
0x404: {  	v3 =	vld [tilespmem:s26+$0x4020];
	_ =	sdelay $0x2  }
0x405: {  	v4 =	vld [tilespmem:s26+$0x8020]  }
0x406: {  	v2 =	vadd.s32 $0xFFFEC400, v2  }
0x407: {  	vm0 =	vlt.u32 v2, $0x4AA0;
	v1 =	vmul.f32 v3, v1  }
0x408: {  	v2 =	vnsel vm0, $0x0, v2  }
0x409: {  	v1 =	vnsel vm1, $0x0, v1  }
0x40a: {  	v1 =	vadd.f32 v1, v4;
	_ =	sdelay $0x1  }
0x40b: {  	[tilespmem:s26+$0x8020] =	vst v1;
	v1 =	vld [tilespmem:s26+$0x40]  }
0x40c: {  	v2 =	vld.idx.msk [tilespmem:v2+s20+$0x0], $0xffff  }
0x40d: {  	v3 =	vld [tilespmem:s26+$0x4030];
	_ =	sdelay $0x2  }
0x40e: {  	v4 =	vld [tilespmem:s26+$0x8030]  }
0x40f: {  	v1 =	vadd.s32 $0xFFFEC400, v1  }
0x410: {  	vm1 =	vlt.u32 v1, $0x4AA0;
	v2 =	vmul.f32 v3, v2  }
0x411: {  	v1 =	vnsel vm1, $0x0, v1  }
0x412: {  	v2 =	vnsel vm0, $0x0, v2  }
0x413: {  	v2 =	vadd.f32 v2, v4;
	_ =	sdelay $0x1  }
0x414: {  	[tilespmem:s26+$0x8030] =	vst v2;
	v2 =	vld [tilespmem:s26+$0x50]  }
0x415: {  	v1 =	vld.idx.msk [tilespmem:v1+s20+$0x0], $0xffff  }
0x416: {  	v3 =	vld [tilespmem:s26+$0x4040];
	_ =	sdelay $0x2  }
0x417: {  	v4 =	vld [tilespmem:s26+$0x8040]  }
0x418: {  	v2 =	vadd.s32 $0xFFFEC400, v2  }
0x419: {  	vm0 =	vlt.u32 v2, $0x4AA0;
	v1 =	vmul.f32 v3, v1  }
0x41a: {  	v2 =	vnsel vm0, $0x0, v2  }
0x41b: {  	v1 =	vnsel vm1, $0x0, v1  }
0x41c: {  	v1 =	vadd.f32 v1, v4;
	_ =	sdelay $0x1  }
0x41d: {  	[tilespmem:s26+$0x8040] =	vst v1;
	v1 =	vld [tilespmem:s26+$0x60]  }
0x41e: {  	v2 =	vld.idx.msk [tilespmem:v2+s20+$0x0], $0xffff  }
0x41f: {  	v3 =	vld [tilespmem:s26+$0x4050];
	_ =	sdelay $0x2  }
0x420: {  	v4 =	vld [tilespmem:s26+$0x8050]  }
0x421: {  	v1 =	vadd.s32 $0xFFFEC400, v1  }
0x422: {  	vm1 =	vlt.u32 v1, $0x4AA0;
	v2 =	vmul.f32 v3, v2  }
0x423: {  	v1 =	vnsel vm1, $0x0, v1  }
0x424: {  	v2 =	vnsel vm0, $0x0, v2  }
0x425: {  	v2 =	vadd.f32 v2, v4;
	_ =	sdelay $0x1  }
0x426: {  	[tilespmem:s26+$0x8050] =	vst v2;
	v2 =	vld [tilespmem:s26+$0x70]  }
0x427: {  	v1 =	vld.idx.msk [tilespmem:v1+s20+$0x0], $0xffff  }
0x428: {  	v3 =	vld [tilespmem:s26+$0x4060];
	_ =	sdelay $0x2  }
0x429: {  	v4 =	vld [tilespmem:s26+$0x8060]  }
0x42a: {  	v2 =	vadd.s32 $0xFFFEC400, v2  }
0x42b: {  	vm0 =	vlt.u32 v2, $0x4AA0;
	v1 =	vmul.f32 v3, v1  }
.Ltmp6:
0x42c: {  	v2 =	vnsel vm0, $0x0, v2;
	(pc) =	sbr.rel @p0 .LBB2_14-.Ltmp6, $4  }
0x42d: {  	v1 =	vnsel vm1, $0x0, v1  }
0x42e: {  	v3 =	vadd.f32 v1, v4  }
0x42f: {  	s29 =	sshra.s32 s28, $0x2  }
0x430: {  	s28 =	sadd.s32 $0x200, s28;
	v1 =	vld [tilespmem:s29+$0x0];
	[tilespmem:s26+$0x8060] =	vst v3  }
0x431: {  	_ =	sdelay $0x3  }
0x432: {  	v2 =	vld.idx.msk [tilespmem:v2+s20+$0x0], $0xffff  }
0x433: {  	v3 =	vld [tilespmem:s26+$0x4070];
	_ =	sdelay $0x2  }
0x434: {  	v4 =	vld [tilespmem:s26+$0x8070]  }
0x435: {  	v1 =	vadd.s32 $0xFFFEC400, v1  }
0x436: {  	vm1 =	vlt.u32 v1, $0x4AA0;
	v2 =	vmul.f32 v3, v2  }
0x437: {  	v1 =	vnsel vm1, $0x0, v1  }
0x438: {  	v2 =	vnsel vm0, $0x0, v2  }
0x439: {  	v2 =	vadd.f32 v2, v4;
	_ =	sdelay $0x1  }
0x43a: {  	v3 =	vld [tilespmem:s29+$0x10];
	[tilespmem:s26+$0x8070] =	vst v2  }
0x43b: {  	v1 =	vld.idx.msk [tilespmem:v1+s20+$0x0], $0xffff  }
0x43c: {  	v2 =	vld [tilespmem:s29+$0x4000];
	_ =	sdelay $0x2  }
0x43d: {  	v4 =	vld [tilespmem:s29+$0x8000]  }
0x43e: {  	v3 =	vadd.s32 $0xFFFEC400, v3  }
0x43f: {  	vm0 =	vlt.u32 v3, $0x4AA0;
	v1 =	vmul.f32 v2, v1  }
0x440: {  	v2 =	vnsel vm0, $0x0, v3  }
0x441: {  	v1 =	vnsel vm1, $0x0, v1  }
0x442: {  	v1 =	vadd.f32 v1, v4  }
0x443: {  	v3 =	vld [tilespmem:s29+$0x4010]  }
0x444: {  	[tilespmem:s29+$0x8000] =	vst v1;
	v1 =	vld [tilespmem:s29+$0x20]  }
0x445: {  	v2 =	vld.idx.msk [tilespmem:v2+s20+$0x0], $0xffff;
	_ =	sdelay $0x2  }
0x446: {  	v4 =	vld [tilespmem:s29+$0x8010]  }
0x447: {  	v1 =	vadd.s32 $0xFFFEC400, v1  }
0x448: {  	v2 =	vmul.f32 v3, v2;
	vm1 =	vlt.u32 v1, $0x4AA0  }
0x449: {  	v1 =	vnsel vm1, $0x0, v1  }
0x44a: {  	v2 =	vnsel vm0, $0x0, v2  }
0x44b: {  	v2 =	vadd.f32 v2, v4  }
0x44c: {  	v3 =	vld [tilespmem:s29+$0x4020]  }
0x44d: {  	[tilespmem:s29+$0x8010] =	vst v2;
	v2 =	vld [tilespmem:s29+$0x30]  }
0x44e: {  	v1 =	vld.idx.msk [tilespmem:v1+s20+$0x0], $0xffff;
	_ =	sdelay $0x2  }
0x44f: {  	v4 =	vld [tilespmem:s29+$0x8020]  }
0x450: {  	v2 =	vadd.s32 $0xFFFEC400, v2  }
0x451: {  	v1 =	vmul.f32 v3, v1;
	vm0 =	vlt.u32 v2, $0x4AA0  }
0x452: {  	v2 =	vnsel vm0, $0x0, v2  }
0x453: {  	v1 =	vnsel vm1, $0x0, v1  }
0x454: {  	v1 =	vadd.f32 v1, v4  }
0x455: {  	v3 =	vld [tilespmem:s29+$0x4030]  }
0x456: {  	[tilespmem:s29+$0x8020] =	vst v1;
	v1 =	vld [tilespmem:s29+$0x40]  }
0x457: {  	v2 =	vld.idx.msk [tilespmem:v2+s20+$0x0], $0xffff;
	_ =	sdelay $0x2  }
0x458: {  	v4 =	vld [tilespmem:s29+$0x8030]  }
0x459: {  	v1 =	vadd.s32 $0xFFFEC400, v1  }
0x45a: {  	v2 =	vmul.f32 v3, v2;
	vm1 =	vlt.u32 v1, $0x4AA0  }
0x45b: {  	v1 =	vnsel vm1, $0x0, v1  }
0x45c: {  	v2 =	vnsel vm0, $0x0, v2  }
0x45d: {  	v2 =	vadd.f32 v2, v4  }
0x45e: {  	v3 =	vld [tilespmem:s29+$0x4040]  }
0x45f: {  	[tilespmem:s29+$0x8030] =	vst v2;
	v2 =	vld [tilespmem:s29+$0x50]  }
0x460: {  	v1 =	vld.idx.msk [tilespmem:v1+s20+$0x0], $0xffff;
	_ =	sdelay $0x2  }
0x461: {  	v4 =	vld [tilespmem:s29+$0x8040]  }
0x462: {  	v2 =	vadd.s32 $0xFFFEC400, v2  }
0x463: {  	v1 =	vmul.f32 v3, v1;
	vm0 =	vlt.u32 v2, $0x4AA0  }
0x464: {  	v2 =	vnsel vm0, $0x0, v2  }
0x465: {  	v1 =	vnsel vm1, $0x0, v1  }
0x466: {  	v1 =	vadd.f32 v1, v4  }
0x467: {  	v3 =	vld [tilespmem:s29+$0x4050]  }
0x468: {  	[tilespmem:s29+$0x8040] =	vst v1;
	v1 =	vld [tilespmem:s29+$0x60]  }
0x469: {  	v2 =	vld.idx.msk [tilespmem:v2+s20+$0x0], $0xffff;
	_ =	sdelay $0x2  }
0x46a: {  	v4 =	vld [tilespmem:s29+$0x8050]  }
0x46b: {  	v1 =	vadd.s32 $0xFFFEC400, v1  }
0x46c: {  	v2 =	vmul.f32 v3, v2;
	vm1 =	vlt.u32 v1, $0x4AA0  }
0x46d: {  	v1 =	vnsel vm1, $0x0, v1  }
0x46e: {  	v2 =	vnsel vm0, $0x0, v2  }
0x46f: {  	v2 =	vadd.f32 v2, v4  }
0x470: {  	v3 =	vld [tilespmem:s29+$0x4060]  }
0x471: {  	[tilespmem:s29+$0x8050] =	vst v2;
	v2 =	vld [tilespmem:s29+$0x70]  }
0x472: {  	v1 =	vld.idx.msk [tilespmem:v1+s20+$0x0], $0xffff;
	_ =	sdelay $0x2  }
0x473: {  	v4 =	vld [tilespmem:s29+$0x8060]  }
0x474: {  	v2 =	vadd.s32 $0xFFFEC400, v2  }
0x475: {  	v1 =	vmul.f32 v3, v1;
	vm0 =	vlt.u32 v2, $0x4AA0  }
0x476: {  	v2 =	vnsel vm0, $0x0, v2  }
0x477: {  	v1 =	vnsel vm1, $0x0, v1  }
0x478: {  	v1 =	vadd.f32 v1, v4;
	_ =	sdelay $0x1  }
0x479: {  	[tilespmem:s29+$0x8060] =	vst v1  }
0x47a: {  	v1 =	vld.idx.msk [tilespmem:v2+s20+$0x0], $0xffff  }
0x47b: {  	v2 =	vld [tilespmem:s29+$0x4070];
	_ =	sdelay $0x2  }
0x47c: {  	v3 =	vld [tilespmem:s29+$0x8070];
	_ =	sdelay $0x1  }
0x47d: {  	v1 =	vmul.f32 v2, v1;
	_ =	sdelay $0x1  }
0x47e: {  	v1 =	vnsel vm0, $0x0, v1  }
0x47f: {  	v1 =	vadd.f32 v1, v3;
	_ =	sdelay $0x1  }
0x480: {  	s31 =	simm.s32 $0x0;
	[tilespmem:s29+$0x8070] =	vst v1  }
0x481: {  	[tilespmem:s31], [sflag:$0x3] =	stream.linear.gather [hbm4b:s1+s31], $0x4000, $0x38;
	[tilespmem:$0x1FC00] =	vst v63  }
0x482: {  	_ =	swait.ge [sflag:s19], $0x4000  }
0x483: {  	[sflag:s19] =	ssyncset.done $0x0  }
0x484: {  	[sflag:s19] =	ssyncadd.s32 $0xFFFFC000  }
0x485: {  	[tilespmem:s20], [sflag:$0x1] =	stream.linear.gather [hbm4b:s11+s31], $0x9E00, $0x38;
	[tilespmem:$0x1FC00] =	vst v63  }
0x486: {  	_ =	swait.ge [sflag:s21], $0x9E00  }
0x487: {  	[sflag:s21] =	ssyncset.done $0x0  }
0x488: {  	s26 =	simm.s32 $0x0;
	[sflag:s21] =	ssyncadd.s32 $0xFFFF6200  }
0x489: {  	[tilespmem:s22], [sflag:$0x2] =	stream.linear.gather [hbm4b:s12+s31], $0x9E00, $0x38;
	[tilespmem:$0x1FC00] =	vst v63  }
0x48a: {  	v1 =	vld [tilespmem:s26+$0x0];
	_ =	sdelay $0x4  }
0x48b: {  	vm0 =	vlt.u32 v1, $0x9E00  }
0x48c: {  	v1 =	vnsel vm0, $0x0, v1  }
0x48d: {  	v2 =	vld [tilespmem:s26+$0x10];
	_ =	sdelay $0x2  }
0x48e: {  	v3 =	vld [tilespmem:s26+$0x4000]  }
0x48f: {  	v1 =	vld.idx.msk [tilespmem:v1+s20+$0x0], $0xffff  }
0x490: {  	vm1 =	vlt.u32 v2, $0x9E00  }
0x491: {  	v2 =	vnsel vm1, $0x0, v2;
	_ =	sdelay $0x1  }
0x492: {  	v4 =	vld [tilespmem:s26+$0x20]  }
0x493: {  	v1 =	vsel vm0, v1, v3  }
0x494: {  	[tilespmem:s26+$0x4000] =	vst v1  }
0x495: {  	v1 =	vld.idx.msk [tilespmem:v2+s20+$0x0], $0xffff  }
0x496: {  	v2 =	vld [tilespmem:s26+$0x4010]  }
0x497: {  	vm0 =	vlt.u32 v4, $0x9E00  }
0x498: {  	v3 =	vnsel vm0, $0x0, v4  }
0x499: {  	v4 =	vld [tilespmem:s26+$0x30];
	_ =	sdelay $0x1  }
0x49a: {  	v1 =	vsel vm1, v1, v2  }
0x49b: {  	v2 =	vld [tilespmem:s26+$0x4020];
	[tilespmem:s26+$0x4010] =	vst v1  }
0x49c: {  	v1 =	vld.idx.msk [tilespmem:v3+s20+$0x0], $0xffff  }
0x49d: {  	vm1 =	vlt.u32 v4, $0x9E00  }
0x49e: {  	v3 =	vnsel vm1, $0x0, v4  }
0x49f: {  	v4 =	vld [tilespmem:s26+$0x40];
	_ =	sdelay $0x1  }
0x4a0: {  	v1 =	vsel vm0, v1, v2  }
0x4a1: {  	v2 =	vld [tilespmem:s26+$0x4030];
	[tilespmem:s26+$0x4020] =	vst v1  }
0x4a2: {  	v1 =	vld.idx.msk [tilespmem:v3+s20+$0x0], $0xffff  }
0x4a3: {  	vm0 =	vlt.u32 v4, $0x9E00  }
0x4a4: {  	v3 =	vnsel vm0, $0x0, v4  }
0x4a5: {  	v4 =	vld [tilespmem:s26+$0x50];
	_ =	sdelay $0x1  }
0x4a6: {  	v1 =	vsel vm1, v1, v2  }
0x4a7: {  	v2 =	vld [tilespmem:s26+$0x4040];
	[tilespmem:s26+$0x4030] =	vst v1  }
0x4a8: {  	v1 =	vld.idx.msk [tilespmem:v3+s20+$0x0], $0xffff  }
0x4a9: {  	vm2 =	vlt.u32 v4, $0x9E00  }
0x4aa: {  	v3 =	vnsel vm2, $0x0, v4  }
0x4ab: {  	v4 =	vld [tilespmem:s26+$0x60];
	_ =	sdelay $0x1  }
0x4ac: {  	v1 =	vsel vm0, v1, v2  }
0x4ad: {  	v2 =	vld [tilespmem:s26+$0x4050];
	[tilespmem:s26+$0x4040] =	vst v1  }
0x4ae: {  	v1 =	vld.idx.msk [tilespmem:v3+s20+$0x0], $0xffff  }
0x4af: {  	vm1 =	vlt.u32 v4, $0x9E00  }
0x4b0: {  	v3 =	vnsel vm1, $0x0, v4;
	_ =	sdelay $0x1  }
0x4b1: {  	v4 =	vld [tilespmem:s26+$0x70]  }
0x4b2: {  	v1 =	vsel vm2, v1, v2  }
0x4b3: {  	[tilespmem:s26+$0x4050] =	vst v1  }
0x4b4: {  	v1 =	vld.idx.msk [tilespmem:v3+s20+$0x0], $0xffff  }
0x4b5: {  	v3 =	vld [tilespmem:s26+$0x4060]  }
0x4b6: {  	vm0 =	vlt.u32 v4, $0x9E00  }
0x4b7: {  	v2 =	vnsel vm0, $0x0, v4  }
0x4b8: {  	s28 =	simm.s32 $0x400;
	s29 =	simm.s32 $0x80  }
.LBB2_16:
0x4b9: {  	p0 =	sne.s32 s28, $0xFE00;
	v4 =	vld [tilespmem:s29+$0x0]  }
0x4ba: {  	v1 =	vsel vm1, v1, v3  }
0x4bb: {  	[tilespmem:s26+$0x4060] =	vst v1  }
0x4bc: {  	v1 =	vld.idx.msk [tilespmem:v2+s20+$0x0], $0xffff  }
0x4bd: {  	v2 =	vld [tilespmem:s26+$0x4070]  }
0x4be: {  	vm1 =	vlt.u32 v4, $0x9E00  }
0x4bf: {  	v3 =	vnsel vm1, $0x0, v4;
	_ =	sdelay $0x1  }
0x4c0: {  	v4 =	vld [tilespmem:s29+$0x10]  }
0x4c1: {  	v1 =	vsel vm0, v1, v2  }
0x4c2: {  	[tilespmem:s26+$0x4070] =	vst v1;
	s26 =	smov.u32 s29  }
0x4c3: {  	v1 =	vld.idx.msk [tilespmem:v3+s20+$0x0], $0xffff  }
0x4c4: {  	v2 =	vld [tilespmem:s26+$0x4000]  }
0x4c5: {  	vm0 =	vlt.u32 v4, $0x9E00  }
0x4c6: {  	v3 =	vnsel vm0, $0x0, v4;
	_ =	sdelay $0x1  }
0x4c7: {  	v4 =	vld [tilespmem:s26+$0x20]  }
0x4c8: {  	v1 =	vsel vm1, v1, v2  }
0x4c9: {  	[tilespmem:s26+$0x4000] =	vst v1  }
0x4ca: {  	v1 =	vld.idx.msk [tilespmem:v3+s20+$0x0], $0xffff  }
0x4cb: {  	v2 =	vld [tilespmem:s26+$0x4010]  }
0x4cc: {  	vm1 =	vlt.u32 v4, $0x9E00  }
0x4cd: {  	v3 =	vnsel vm1, $0x0, v4;
	_ =	sdelay $0x1  }
0x4ce: {  	v4 =	vld [tilespmem:s26+$0x30]  }
0x4cf: {  	v1 =	vsel vm0, v1, v2  }
0x4d0: {  	[tilespmem:s26+$0x4010] =	vst v1  }
0x4d1: {  	v1 =	vld.idx.msk [tilespmem:v3+s20+$0x0], $0xffff  }
0x4d2: {  	v2 =	vld [tilespmem:s26+$0x4020]  }
0x4d3: {  	vm0 =	vlt.u32 v4, $0x9E00  }
0x4d4: {  	v3 =	vnsel vm0, $0x0, v4;
	_ =	sdelay $0x1  }
0x4d5: {  	v4 =	vld [tilespmem:s26+$0x40]  }
0x4d6: {  	v1 =	vsel vm1, v1, v2  }
0x4d7: {  	[tilespmem:s26+$0x4020] =	vst v1  }
0x4d8: {  	v1 =	vld.idx.msk [tilespmem:v3+s20+$0x0], $0xffff  }
0x4d9: {  	v2 =	vld [tilespmem:s26+$0x4030]  }
0x4da: {  	vm1 =	vlt.u32 v4, $0x9E00  }
0x4db: {  	v3 =	vnsel vm1, $0x0, v4;
	_ =	sdelay $0x1  }
0x4dc: {  	v4 =	vld [tilespmem:s26+$0x50]  }
0x4dd: {  	v1 =	vsel vm0, v1, v2  }
0x4de: {  	[tilespmem:s26+$0x4030] =	vst v1  }
0x4df: {  	v1 =	vld.idx.msk [tilespmem:v3+s20+$0x0], $0xffff  }
0x4e0: {  	v2 =	vld [tilespmem:s26+$0x4040]  }
0x4e1: {  	vm0 =	vlt.u32 v4, $0x9E00  }
0x4e2: {  	v3 =	vnsel vm0, $0x0, v4;
	_ =	sdelay $0x1  }
0x4e3: {  	v4 =	vld [tilespmem:s26+$0x60]  }
0x4e4: {  	v1 =	vsel vm1, v1, v2  }
0x4e5: {  	[tilespmem:s26+$0x4040] =	vst v1  }
0x4e6: {  	v1 =	vld.idx.msk [tilespmem:v3+s20+$0x0], $0xffff  }
0x4e7: {  	v2 =	vld [tilespmem:s26+$0x4050]  }
0x4e8: {  	vm1 =	vlt.u32 v4, $0x9E00  }
0x4e9: {  	v3 =	vnsel vm1, $0x0, v4;
	_ =	sdelay $0x1  }
0x4ea: {  	v4 =	vld [tilespmem:s26+$0x70]  }
0x4eb: {  	v1 =	vsel vm0, v1, v2  }
0x4ec: {  	[tilespmem:s26+$0x4050] =	vst v1  }
.Ltmp7:
0x4ed: {  	v1 =	vld.idx.msk [tilespmem:v3+s20+$0x0], $0xffff;
	(pc) =	sbr.rel @p0 .LBB2_16-.Ltmp7, $4  }
0x4ee: {  	v3 =	vld [tilespmem:s26+$0x4060]  }
0x4ef: {  	vm0 =	vlt.u32 v4, $0x9E00  }
0x4f0: {  	v2 =	vnsel vm0, $0x0, v4  }
0x4f1: {  	s29 =	sshra.s32 s28, $0x2;
	s28 =	sadd.s32 $0x200, s28  }
0x4f2: {  	_ =	sdelay $0x1  }
0x4f3: {  	v4 =	vld [tilespmem:s29+$0x0];
	v1 =	vsel vm1, v1, v3  }
0x4f4: {  	[tilespmem:s26+$0x4060] =	vst v1  }
0x4f5: {  	v1 =	vld.idx.msk [tilespmem:v2+s20+$0x0], $0xffff  }
0x4f6: {  	v2 =	vld [tilespmem:s26+$0x4070];
	_ =	sdelay $0x1  }
0x4f7: {  	vm1 =	vlt.u32 v4, $0x9E00  }
0x4f8: {  	v3 =	vnsel vm1, $0x0, v4  }
0x4f9: {  	v4 =	vld [tilespmem:s29+$0x10]  }
0x4fa: {  	v1 =	vsel vm0, v1, v2  }
0x4fb: {  	[tilespmem:s26+$0x4070] =	vst v1  }
0x4fc: {  	v2 =	vld [tilespmem:s29+$0x4000]  }
0x4fd: {  	v1 =	vld.idx.msk [tilespmem:v3+s20+$0x0], $0xffff  }
0x4fe: {  	vm0 =	vlt.u32 v4, $0x9E00  }
0x4ff: {  	v3 =	vnsel vm0, $0x0, v4  }
0x500: {  	v4 =	vld [tilespmem:s29+$0x20];
	_ =	sdelay $0x1  }
0x501: {  	v1 =	vsel vm1, v1, v2  }
0x502: {  	v2 =	vld [tilespmem:s29+$0x4010];
	[tilespmem:s29+$0x4000] =	vst v1  }
0x503: {  	v1 =	vld.idx.msk [tilespmem:v3+s20+$0x0], $0xffff  }
0x504: {  	vm1 =	vlt.u32 v4, $0x9E00  }
0x505: {  	v3 =	vnsel vm1, $0x0, v4  }
0x506: {  	v4 =	vld [tilespmem:s29+$0x30];
	_ =	sdelay $0x1  }
0x507: {  	v1 =	vsel vm0, v1, v2  }
0x508: {  	v2 =	vld [tilespmem:s29+$0x4020];
	[tilespmem:s29+$0x4010] =	vst v1  }
0x509: {  	v1 =	vld.idx.msk [tilespmem:v3+s20+$0x0], $0xffff  }
0x50a: {  	vm0 =	vlt.u32 v4, $0x9E00  }
0x50b: {  	v3 =	vnsel vm0, $0x0, v4  }
0x50c: {  	v4 =	vld [tilespmem:s29+$0x40];
	_ =	sdelay $0x1  }
0x50d: {  	v1 =	vsel vm1, v1, v2  }
0x50e: {  	v2 =	vld [tilespmem:s29+$0x4030];
	[tilespmem:s29+$0x4020] =	vst v1  }
0x50f: {  	v1 =	vld.idx.msk [tilespmem:v3+s20+$0x0], $0xffff  }
0x510: {  	vm1 =	vlt.u32 v4, $0x9E00  }
0x511: {  	v3 =	vnsel vm1, $0x0, v4  }
0x512: {  	v4 =	vld [tilespmem:s29+$0x50];
	_ =	sdelay $0x1  }
0x513: {  	v1 =	vsel vm0, v1, v2  }
0x514: {  	v2 =	vld [tilespmem:s29+$0x4040];
	[tilespmem:s29+$0x4030] =	vst v1  }
0x515: {  	v1 =	vld.idx.msk [tilespmem:v3+s20+$0x0], $0xffff  }
0x516: {  	vm0 =	vlt.u32 v4, $0x9E00  }
0x517: {  	v3 =	vnsel vm0, $0x0, v4  }
0x518: {  	v4 =	vld [tilespmem:s29+$0x60];
	_ =	sdelay $0x1  }
0x519: {  	v1 =	vsel vm1, v1, v2  }
0x51a: {  	v2 =	vld [tilespmem:s29+$0x4050];
	[tilespmem:s29+$0x4040] =	vst v1  }
0x51b: {  	v1 =	vld.idx.msk [tilespmem:v3+s20+$0x0], $0xffff  }
0x51c: {  	vm1 =	vlt.u32 v4, $0x9E00  }
0x51d: {  	v3 =	vnsel vm1, $0x0, v4  }
0x51e: {  	v4 =	vld [tilespmem:s29+$0x70];
	_ =	sdelay $0x1  }
0x51f: {  	v1 =	vsel vm0, v1, v2  }
0x520: {  	v2 =	vld [tilespmem:s29+$0x4060];
	[tilespmem:s29+$0x4050] =	vst v1  }
0x521: {  	v1 =	vld.idx.msk [tilespmem:v3+s20+$0x0], $0xffff  }
0x522: {  	vm0 =	vlt.u32 v4, $0x9E00  }
0x523: {  	v3 =	vnsel vm0, $0x0, v4;
	_ =	sdelay $0x2  }
0x524: {  	v1 =	vsel vm1, v1, v2  }
0x525: {  	v2 =	vld [tilespmem:s29+$0x4070];
	[tilespmem:s29+$0x4060] =	vst v1  }
0x526: {  	v1 =	vld.idx.msk [tilespmem:v3+s20+$0x0], $0xffff;
	_ =	sdelay $0x4  }
0x527: {  	v1 =	vsel vm0, v1, v2  }
0x528: {  	[tilespmem:s29+$0x4070] =	vst v1  }
0x529: {  	_ =	swait.ge [sflag:s23], $0x9E00  }
0x52a: {  	[sflag:s23] =	ssyncset.done $0x0  }
0x52b: {  	s31 =	simm.s32 $0x0;
	s26 =	simm.s32 $0x0;
	[sflag:s23] =	ssyncadd.s32 $0xFFFF6200  }
0x52c: {  	[tilespmem:s20], [sflag:$0x1] =	stream.linear.gather [hbm4b:s13+s31], $0x4AA0, $0x38;
	[tilespmem:$0x1FC00] =	vst v63  }
0x52d: {  	v1 =	vld [tilespmem:s26+$0x0];
	_ =	sdelay $0x4  }
0x52e: {  	v1 =	vadd.s32 $0xFFFF6200, v1  }
0x52f: {  	vm0 =	vlt.u32 v1, $0x9E00  }
0x530: {  	v2 =	vld [tilespmem:s26+$0x10];
	v1 =	vnsel vm0, $0x0, v1;
	_ =	sdelay $0x3  }
0x531: {  	v3 =	vld [tilespmem:s26+$0x4000]  }
0x532: {  	v2 =	vadd.s32 $0xFFFF6200, v2;
	v1 =	vld.idx.msk [tilespmem:v1+s22+$0x0], $0xffff  }
0x533: {  	vm1 =	vlt.u32 v2, $0x9E00  }
0x534: {  	v2 =	vnsel vm1, $0x0, v2  }
0x535: {  	v4 =	vld [tilespmem:s26+$0x20];
	_ =	sdelay $0x1  }
0x536: {  	v1 =	vsel vm0, v1, v3  }
0x537: {  	[tilespmem:s26+$0x4000] =	vst v1  }
0x538: {  	v1 =	vld.idx.msk [tilespmem:v2+s22+$0x0], $0xffff  }
0x539: {  	v3 =	vadd.s32 $0xFFFF6200, v4;
	v2 =	vld [tilespmem:s26+$0x4010]  }
0x53a: {  	vm0 =	vlt.u32 v3, $0x9E00  }
0x53b: {  	v4 =	vld [tilespmem:s26+$0x30];
	v3 =	vnsel vm0, $0x0, v3;
	_ =	sdelay $0x2  }
0x53c: {  	v1 =	vsel vm1, v1, v2  }
0x53d: {  	v2 =	vld [tilespmem:s26+$0x4020];
	[tilespmem:s26+$0x4010] =	vst v1  }
0x53e: {  	v1 =	vld.idx.msk [tilespmem:v3+s22+$0x0], $0xffff;
	v3 =	vadd.s32 $0xFFFF6200, v4  }
0x53f: {  	vm1 =	vlt.u32 v3, $0x9E00  }
0x540: {  	v4 =	vld [tilespmem:s26+$0x40];
	v3 =	vnsel vm1, $0x0, v3;
	_ =	sdelay $0x2  }
0x541: {  	v1 =	vsel vm0, v1, v2  }
0x542: {  	v2 =	vld [tilespmem:s26+$0x4030];
	[tilespmem:s26+$0x4020] =	vst v1  }
0x543: {  	v1 =	vld.idx.msk [tilespmem:v3+s22+$0x0], $0xffff;
	v3 =	vadd.s32 $0xFFFF6200, v4  }
0x544: {  	vm0 =	vlt.u32 v3, $0x9E00  }
0x545: {  	v4 =	vld [tilespmem:s26+$0x50];
	v3 =	vnsel vm0, $0x0, v3;
	_ =	sdelay $0x2  }
0x546: {  	v1 =	vsel vm1, v1, v2  }
0x547: {  	v2 =	vld [tilespmem:s26+$0x4040];
	[tilespmem:s26+$0x4030] =	vst v1  }
0x548: {  	v1 =	vld.idx.msk [tilespmem:v3+s22+$0x0], $0xffff;
	v3 =	vadd.s32 $0xFFFF6200, v4  }
0x549: {  	vm2 =	vlt.u32 v3, $0x9E00  }
0x54a: {  	v4 =	vld [tilespmem:s26+$0x60];
	v3 =	vnsel vm2, $0x0, v3;
	_ =	sdelay $0x2  }
0x54b: {  	v1 =	vsel vm0, v1, v2  }
0x54c: {  	v2 =	vld [tilespmem:s26+$0x4050];
	[tilespmem:s26+$0x4040] =	vst v1  }
0x54d: {  	v1 =	vld.idx.msk [tilespmem:v3+s22+$0x0], $0xffff;
	v3 =	vadd.s32 $0xFFFF6200, v4  }
0x54e: {  	vm1 =	vlt.u32 v3, $0x9E00  }
0x54f: {  	v4 =	vld [tilespmem:s26+$0x70];
	v3 =	vnsel vm1, $0x0, v3;
	_ =	sdelay $0x2  }
0x550: {  	v1 =	vsel vm2, v1, v2  }
0x551: {  	v2 =	vld [tilespmem:s26+$0x4060];
	[tilespmem:s26+$0x4050] =	vst v1  }
0x552: {  	v4 =	vadd.s32 $0xFFFF6200, v4;
	v1 =	vld.idx.msk [tilespmem:v3+s22+$0x0], $0xffff  }
0x553: {  	vm0 =	vlt.u32 v4, $0x9E00  }
0x554: {  	s28 =	simm.s32 $0x400;
	s29 =	simm.s32 $0x80;
	v3 =	vnsel vm0, $0x0, v4  }
.LBB2_18:
0x555: {  	p0 =	sne.s32 s28, $0xFE00;
	v4 =	vld [tilespmem:s29+$0x0];
	_ =	sdelay $0x1  }
0x556: {  	v1 =	vsel vm1, v1, v2  }
0x557: {  	[tilespmem:s26+$0x4060] =	vst v1  }
0x558: {  	v1 =	vld.idx.msk [tilespmem:v3+s22+$0x0], $0xffff  }
0x559: {  	v2 =	vadd.s32 $0xFFFF6200, v4;
	v3 =	vld [tilespmem:s26+$0x4070]  }
0x55a: {  	vm1 =	vlt.u32 v2, $0x9E00  }
0x55b: {  	v2 =	vnsel vm1, $0x0, v2  }
0x55c: {  	v4 =	vld [tilespmem:s29+$0x10];
	_ =	sdelay $0x1  }
0x55d: {  	v1 =	vsel vm0, v1, v3  }
0x55e: {  	[tilespmem:s26+$0x4070] =	vst v1;
	s26 =	smov.u32 s29  }
0x55f: {  	v1 =	vld.idx.msk [tilespmem:v2+s22+$0x0], $0xffff  }
0x560: {  	v2 =	vld [tilespmem:s26+$0x4000];
	v3 =	vadd.s32 $0xFFFF6200, v4  }
0x561: {  	vm0 =	vlt.u32 v3, $0x9E00  }
0x562: {  	v3 =	vnsel vm0, $0x0, v3  }
0x563: {  	v4 =	vld [tilespmem:s26+$0x20];
	_ =	sdelay $0x1  }
0x564: {  	v1 =	vsel vm1, v1, v2  }
0x565: {  	[tilespmem:s26+$0x4000] =	vst v1  }
0x566: {  	v1 =	vld.idx.msk [tilespmem:v3+s22+$0x0], $0xffff  }
0x567: {  	v2 =	vld [tilespmem:s26+$0x4010];
	v3 =	vadd.s32 $0xFFFF6200, v4  }
0x568: {  	vm1 =	vlt.u32 v3, $0x9E00  }
0x569: {  	v3 =	vnsel vm1, $0x0, v3  }
0x56a: {  	v4 =	vld [tilespmem:s26+$0x30];
	_ =	sdelay $0x1  }
0x56b: {  	v1 =	vsel vm0, v1, v2  }
0x56c: {  	[tilespmem:s26+$0x4010] =	vst v1  }
0x56d: {  	v1 =	vld.idx.msk [tilespmem:v3+s22+$0x0], $0xffff  }
0x56e: {  	v2 =	vld [tilespmem:s26+$0x4020];
	v3 =	vadd.s32 $0xFFFF6200, v4  }
0x56f: {  	vm0 =	vlt.u32 v3, $0x9E00  }
0x570: {  	v3 =	vnsel vm0, $0x0, v3  }
0x571: {  	v4 =	vld [tilespmem:s26+$0x40];
	_ =	sdelay $0x1  }
0x572: {  	v1 =	vsel vm1, v1, v2  }
0x573: {  	[tilespmem:s26+$0x4020] =	vst v1  }
0x574: {  	v1 =	vld.idx.msk [tilespmem:v3+s22+$0x0], $0xffff  }
0x575: {  	v2 =	vld [tilespmem:s26+$0x4030];
	v3 =	vadd.s32 $0xFFFF6200, v4  }
0x576: {  	vm1 =	vlt.u32 v3, $0x9E00  }
0x577: {  	v3 =	vnsel vm1, $0x0, v3  }
0x578: {  	v4 =	vld [tilespmem:s26+$0x50];
	_ =	sdelay $0x1  }
0x579: {  	v1 =	vsel vm0, v1, v2  }
0x57a: {  	[tilespmem:s26+$0x4030] =	vst v1  }
0x57b: {  	v1 =	vld.idx.msk [tilespmem:v3+s22+$0x0], $0xffff  }
0x57c: {  	v2 =	vld [tilespmem:s26+$0x4040];
	v3 =	vadd.s32 $0xFFFF6200, v4  }
0x57d: {  	vm0 =	vlt.u32 v3, $0x9E00  }
0x57e: {  	v3 =	vnsel vm0, $0x0, v3  }
0x57f: {  	v4 =	vld [tilespmem:s26+$0x60];
	_ =	sdelay $0x1  }
0x580: {  	v1 =	vsel vm1, v1, v2  }
0x581: {  	[tilespmem:s26+$0x4040] =	vst v1  }
0x582: {  	v1 =	vld.idx.msk [tilespmem:v3+s22+$0x0], $0xffff  }
0x583: {  	v2 =	vld [tilespmem:s26+$0x4050];
	v3 =	vadd.s32 $0xFFFF6200, v4  }
0x584: {  	vm1 =	vlt.u32 v3, $0x9E00  }
0x585: {  	v3 =	vnsel vm1, $0x0, v3  }
0x586: {  	v4 =	vld [tilespmem:s26+$0x70];
	_ =	sdelay $0x1  }
0x587: {  	v1 =	vsel vm0, v1, v2  }
.Ltmp8:
0x588: {  	[tilespmem:s26+$0x4050] =	vst v1;
	(pc) =	sbr.rel @p0 .LBB2_18-.Ltmp8, $4  }
0x589: {  	v1 =	vld.idx.msk [tilespmem:v3+s22+$0x0], $0xffff  }
0x58a: {  	v2 =	vld [tilespmem:s26+$0x4060];
	v3 =	vadd.s32 $0xFFFF6200, v4  }
0x58b: {  	vm0 =	vlt.u32 v3, $0x9E00  }
0x58c: {  	s29 =	sshra.s32 s28, $0x2;
	s28 =	sadd.s32 $0x200, s28;
	v3 =	vnsel vm0, $0x0, v3  }
0x58d: {  	v4 =	vld [tilespmem:s29+$0x0];
	_ =	sdelay $0x1  }
0x58e: {  	v1 =	vsel vm1, v1, v2  }
0x58f: {  	[tilespmem:s26+$0x4060] =	vst v1  }
0x590: {  	v1 =	vld.idx.msk [tilespmem:v3+s22+$0x0], $0xffff  }
0x591: {  	v3 =	vld [tilespmem:s26+$0x4070];
	v2 =	vadd.s32 $0xFFFF6200, v4  }
0x592: {  	vm1 =	vlt.u32 v2, $0x9E00  }
0x593: {  	v2 =	vnsel vm1, $0x0, v2  }
0x594: {  	v4 =	vld [tilespmem:s29+$0x10];
	_ =	sdelay $0x1  }
0x595: {  	v1 =	vsel vm0, v1, v3  }
0x596: {  	[tilespmem:s26+$0x4070] =	vst v1  }
0x597: {  	v1 =	vld.idx.msk [tilespmem:v2+s22+$0x0], $0xffff  }
0x598: {  	v3 =	vadd.s32 $0xFFFF6200, v4;
	v2 =	vld [tilespmem:s29+$0x4000]  }
0x599: {  	vm0 =	vlt.u32 v3, $0x9E00  }
0x59a: {  	v4 =	vld [tilespmem:s29+$0x20];
	v3 =	vnsel vm0, $0x0, v3;
	_ =	sdelay $0x2  }
0x59b: {  	v1 =	vsel vm1, v1, v2  }
0x59c: {  	v2 =	vld [tilespmem:s29+$0x4010];
	[tilespmem:s29+$0x4000] =	vst v1  }
0x59d: {  	v1 =	vld.idx.msk [tilespmem:v3+s22+$0x0], $0xffff;
	v3 =	vadd.s32 $0xFFFF6200, v4  }
0x59e: {  	vm1 =	vlt.u32 v3, $0x9E00  }
0x59f: {  	v4 =	vld [tilespmem:s29+$0x30];
	v3 =	vnsel vm1, $0x0, v3;
	_ =	sdelay $0x2  }
0x5a0: {  	v1 =	vsel vm0, v1, v2  }
0x5a1: {  	v2 =	vld [tilespmem:s29+$0x4020];
	[tilespmem:s29+$0x4010] =	vst v1  }
0x5a2: {  	v1 =	vld.idx.msk [tilespmem:v3+s22+$0x0], $0xffff;
	v3 =	vadd.s32 $0xFFFF6200, v4  }
0x5a3: {  	vm0 =	vlt.u32 v3, $0x9E00  }
0x5a4: {  	v4 =	vld [tilespmem:s29+$0x40];
	v3 =	vnsel vm0, $0x0, v3;
	_ =	sdelay $0x2  }
0x5a5: {  	v1 =	vsel vm1, v1, v2  }
0x5a6: {  	v2 =	vld [tilespmem:s29+$0x4030];
	[tilespmem:s29+$0x4020] =	vst v1  }
0x5a7: {  	v1 =	vld.idx.msk [tilespmem:v3+s22+$0x0], $0xffff;
	v3 =	vadd.s32 $0xFFFF6200, v4  }
0x5a8: {  	vm1 =	vlt.u32 v3, $0x9E00  }
0x5a9: {  	v4 =	vld [tilespmem:s29+$0x50];
	v3 =	vnsel vm1, $0x0, v3;
	_ =	sdelay $0x2  }
0x5aa: {  	v1 =	vsel vm0, v1, v2  }
0x5ab: {  	v2 =	vld [tilespmem:s29+$0x4040];
	[tilespmem:s29+$0x4030] =	vst v1  }
0x5ac: {  	v1 =	vld.idx.msk [tilespmem:v3+s22+$0x0], $0xffff;
	v3 =	vadd.s32 $0xFFFF6200, v4  }
0x5ad: {  	vm0 =	vlt.u32 v3, $0x9E00  }
0x5ae: {  	v4 =	vld [tilespmem:s29+$0x60];
	v3 =	vnsel vm0, $0x0, v3;
	_ =	sdelay $0x2  }
0x5af: {  	v1 =	vsel vm1, v1, v2  }
0x5b0: {  	v2 =	vld [tilespmem:s29+$0x4050];
	[tilespmem:s29+$0x4040] =	vst v1  }
0x5b1: {  	v1 =	vld.idx.msk [tilespmem:v3+s22+$0x0], $0xffff;
	v3 =	vadd.s32 $0xFFFF6200, v4  }
0x5b2: {  	vm1 =	vlt.u32 v3, $0x9E00  }
0x5b3: {  	v4 =	vld [tilespmem:s29+$0x70];
	v3 =	vnsel vm1, $0x0, v3;
	_ =	sdelay $0x2  }
0x5b4: {  	v1 =	vsel vm0, v1, v2  }
0x5b5: {  	v2 =	vld [tilespmem:s29+$0x4060];
	[tilespmem:s29+$0x4050] =	vst v1  }
0x5b6: {  	v1 =	vld.idx.msk [tilespmem:v3+s22+$0x0], $0xffff;
	v3 =	vadd.s32 $0xFFFF6200, v4  }
0x5b7: {  	vm0 =	vlt.u32 v3, $0x9E00  }
0x5b8: {  	v3 =	vnsel vm0, $0x0, v3;
	_ =	sdelay $0x2  }
0x5b9: {  	v1 =	vsel vm1, v1, v2  }
0x5ba: {  	v2 =	vld [tilespmem:s29+$0x4070];
	[tilespmem:s29+$0x4060] =	vst v1  }
0x5bb: {  	v1 =	vld.idx.msk [tilespmem:v3+s22+$0x0], $0xffff;
	_ =	sdelay $0x4  }
0x5bc: {  	v1 =	vsel vm0, v1, v2  }
0x5bd: {  	[tilespmem:s29+$0x4070] =	vst v1  }
0x5be: {  	_ =	swait.ge [sflag:s21], $0x4AA0  }
0x5bf: {  	[sflag:s21] =	ssyncset.done $0x0  }
0x5c0: {  	s26 =	simm.s32 $0x0;
	[sflag:s21] =	ssyncadd.s32 $0xFFFFB560  }
0x5c1: {  	v1 =	vld [tilespmem:s26+$0x0];
	_ =	sdelay $0x4  }
0x5c2: {  	v1 =	vadd.s32 $0xFFFEC400, v1  }
0x5c3: {  	vm0 =	vlt.u32 v1, $0x4AA0  }
0x5c4: {  	v2 =	vld [tilespmem:s26+$0x10];
	v1 =	vnsel vm0, $0x0, v1;
	_ =	sdelay $0x3  }
0x5c5: {  	v3 =	vld [tilespmem:s26+$0x4000]  }
0x5c6: {  	v2 =	vadd.s32 $0xFFFEC400, v2;
	v1 =	vld.idx.msk [tilespmem:v1+s20+$0x0], $0xffff  }
0x5c7: {  	vm1 =	vlt.u32 v2, $0x4AA0  }
0x5c8: {  	v2 =	vnsel vm1, $0x0, v2  }
0x5c9: {  	v4 =	vld [tilespmem:s26+$0x20];
	_ =	sdelay $0x1  }
0x5ca: {  	v1 =	vsel vm0, v1, v3  }
0x5cb: {  	[tilespmem:s26+$0x4000] =	vst v1  }
0x5cc: {  	v1 =	vld.idx.msk [tilespmem:v2+s20+$0x0], $0xffff  }
0x5cd: {  	v3 =	vadd.s32 $0xFFFEC400, v4;
	v2 =	vld [tilespmem:s26+$0x4010]  }
0x5ce: {  	vm0 =	vlt.u32 v3, $0x4AA0  }
0x5cf: {  	v4 =	vld [tilespmem:s26+$0x30];
	v3 =	vnsel vm0, $0x0, v3;
	_ =	sdelay $0x2  }
0x5d0: {  	v1 =	vsel vm1, v1, v2  }
0x5d1: {  	v2 =	vld [tilespmem:s26+$0x4020];
	[tilespmem:s26+$0x4010] =	vst v1  }
0x5d2: {  	v1 =	vld.idx.msk [tilespmem:v3+s20+$0x0], $0xffff;
	v3 =	vadd.s32 $0xFFFEC400, v4  }
0x5d3: {  	vm1 =	vlt.u32 v3, $0x4AA0  }
0x5d4: {  	v4 =	vld [tilespmem:s26+$0x40];
	v3 =	vnsel vm1, $0x0, v3;
	_ =	sdelay $0x2  }
0x5d5: {  	v1 =	vsel vm0, v1, v2  }
0x5d6: {  	v2 =	vld [tilespmem:s26+$0x4030];
	[tilespmem:s26+$0x4020] =	vst v1  }
0x5d7: {  	v1 =	vld.idx.msk [tilespmem:v3+s20+$0x0], $0xffff;
	v3 =	vadd.s32 $0xFFFEC400, v4  }
0x5d8: {  	vm0 =	vlt.u32 v3, $0x4AA0  }
0x5d9: {  	v4 =	vld [tilespmem:s26+$0x50];
	v3 =	vnsel vm0, $0x0, v3;
	_ =	sdelay $0x2  }
0x5da: {  	v1 =	vsel vm1, v1, v2  }
0x5db: {  	v2 =	vld [tilespmem:s26+$0x4040];
	[tilespmem:s26+$0x4030] =	vst v1  }
0x5dc: {  	v1 =	vld.idx.msk [tilespmem:v3+s20+$0x0], $0xffff;
	v3 =	vadd.s32 $0xFFFEC400, v4  }
0x5dd: {  	vm2 =	vlt.u32 v3, $0x4AA0  }
0x5de: {  	v4 =	vld [tilespmem:s26+$0x60];
	v3 =	vnsel vm2, $0x0, v3;
	_ =	sdelay $0x2  }
0x5df: {  	v1 =	vsel vm0, v1, v2  }
0x5e0: {  	v2 =	vld [tilespmem:s26+$0x4050];
	[tilespmem:s26+$0x4040] =	vst v1  }
0x5e1: {  	v1 =	vld.idx.msk [tilespmem:v3+s20+$0x0], $0xffff;
	v3 =	vadd.s32 $0xFFFEC400, v4  }
0x5e2: {  	vm1 =	vlt.u32 v3, $0x4AA0  }
0x5e3: {  	v4 =	vld [tilespmem:s26+$0x70];
	v3 =	vnsel vm1, $0x0, v3;
	_ =	sdelay $0x2  }
0x5e4: {  	v1 =	vsel vm2, v1, v2  }
0x5e5: {  	v2 =	vld [tilespmem:s26+$0x4060];
	[tilespmem:s26+$0x4050] =	vst v1  }
0x5e6: {  	v4 =	vadd.s32 $0xFFFEC400, v4;
	v1 =	vld.idx.msk [tilespmem:v3+s20+$0x0], $0xffff  }
0x5e7: {  	vm0 =	vlt.u32 v4, $0x4AA0  }
0x5e8: {  	s28 =	simm.s32 $0x400;
	s29 =	simm.s32 $0x80;
	v3 =	vnsel vm0, $0x0, v4  }
.LBB2_20:
0x5e9: {  	p0 =	sne.s32 s28, $0xFE00;
	v4 =	vld [tilespmem:s29+$0x0];
	_ =	sdelay $0x1  }
0x5ea: {  	v1 =	vsel vm1, v1, v2  }
0x5eb: {  	[tilespmem:s26+$0x4060] =	vst v1  }
0x5ec: {  	v1 =	vld.idx.msk [tilespmem:v3+s20+$0x0], $0xffff  }
0x5ed: {  	v2 =	vadd.s32 $0xFFFEC400, v4;
	v3 =	vld [tilespmem:s26+$0x4070]  }
0x5ee: {  	vm1 =	vlt.u32 v2, $0x4AA0  }
0x5ef: {  	v2 =	vnsel vm1, $0x0, v2  }
0x5f0: {  	v4 =	vld [tilespmem:s29+$0x10];
	_ =	sdelay $0x1  }
0x5f1: {  	v1 =	vsel vm0, v1, v3  }
0x5f2: {  	[tilespmem:s26+$0x4070] =	vst v1;
	s26 =	smov.u32 s29  }
0x5f3: {  	v1 =	vld.idx.msk [tilespmem:v2+s20+$0x0], $0xffff  }
0x5f4: {  	v2 =	vld [tilespmem:s26+$0x4000];
	v3 =	vadd.s32 $0xFFFEC400, v4  }
0x5f5: {  	vm0 =	vlt.u32 v3, $0x4AA0  }
0x5f6: {  	v3 =	vnsel vm0, $0x0, v3  }
0x5f7: {  	v4 =	vld [tilespmem:s26+$0x20];
	_ =	sdelay $0x1  }
0x5f8: {  	v1 =	vsel vm1, v1, v2  }
0x5f9: {  	[tilespmem:s26+$0x4000] =	vst v1  }
0x5fa: {  	v1 =	vld.idx.msk [tilespmem:v3+s20+$0x0], $0xffff  }
0x5fb: {  	v2 =	vld [tilespmem:s26+$0x4010];
	v3 =	vadd.s32 $0xFFFEC400, v4  }
0x5fc: {  	vm1 =	vlt.u32 v3, $0x4AA0  }
0x5fd: {  	v3 =	vnsel vm1, $0x0, v3  }
0x5fe: {  	v4 =	vld [tilespmem:s26+$0x30];
	_ =	sdelay $0x1  }
0x5ff: {  	v1 =	vsel vm0, v1, v2  }
0x600: {  	[tilespmem:s26+$0x4010] =	vst v1  }
0x601: {  	v1 =	vld.idx.msk [tilespmem:v3+s20+$0x0], $0xffff  }
0x602: {  	v2 =	vld [tilespmem:s26+$0x4020];
	v3 =	vadd.s32 $0xFFFEC400, v4  }
0x603: {  	vm0 =	vlt.u32 v3, $0x4AA0  }
0x604: {  	v3 =	vnsel vm0, $0x0, v3  }
0x605: {  	v4 =	vld [tilespmem:s26+$0x40];
	_ =	sdelay $0x1  }
0x606: {  	v1 =	vsel vm1, v1, v2  }
0x607: {  	[tilespmem:s26+$0x4020] =	vst v1  }
0x608: {  	v1 =	vld.idx.msk [tilespmem:v3+s20+$0x0], $0xffff  }
0x609: {  	v2 =	vld [tilespmem:s26+$0x4030];
	v3 =	vadd.s32 $0xFFFEC400, v4  }
0x60a: {  	vm1 =	vlt.u32 v3, $0x4AA0  }
0x60b: {  	v3 =	vnsel vm1, $0x0, v3  }
0x60c: {  	v4 =	vld [tilespmem:s26+$0x50];
	_ =	sdelay $0x1  }
0x60d: {  	v1 =	vsel vm0, v1, v2  }
0x60e: {  	[tilespmem:s26+$0x4030] =	vst v1  }
0x60f: {  	v1 =	vld.idx.msk [tilespmem:v3+s20+$0x0], $0xffff  }
0x610: {  	v2 =	vld [tilespmem:s26+$0x4040];
	v3 =	vadd.s32 $0xFFFEC400, v4  }
0x611: {  	vm0 =	vlt.u32 v3, $0x4AA0  }
0x612: {  	v3 =	vnsel vm0, $0x0, v3  }
0x613: {  	v4 =	vld [tilespmem:s26+$0x60];
	_ =	sdelay $0x1  }
0x614: {  	v1 =	vsel vm1, v1, v2  }
0x615: {  	[tilespmem:s26+$0x4040] =	vst v1  }
0x616: {  	v1 =	vld.idx.msk [tilespmem:v3+s20+$0x0], $0xffff  }
0x617: {  	v2 =	vld [tilespmem:s26+$0x4050];
	v3 =	vadd.s32 $0xFFFEC400, v4  }
0x618: {  	vm1 =	vlt.u32 v3, $0x4AA0  }
0x619: {  	v3 =	vnsel vm1, $0x0, v3  }
0x61a: {  	v4 =	vld [tilespmem:s26+$0x70];
	_ =	sdelay $0x1  }
0x61b: {  	v1 =	vsel vm0, v1, v2  }
.Ltmp9:
0x61c: {  	[tilespmem:s26+$0x4050] =	vst v1;
	(pc) =	sbr.rel @p0 .LBB2_20-.Ltmp9, $4  }
0x61d: {  	v1 =	vld.idx.msk [tilespmem:v3+s20+$0x0], $0xffff  }
0x61e: {  	v2 =	vld [tilespmem:s26+$0x4060];
	v3 =	vadd.s32 $0xFFFEC400, v4  }
0x61f: {  	vm0 =	vlt.u32 v3, $0x4AA0  }
0x620: {  	s29 =	sshra.s32 s28, $0x2;
	s28 =	sadd.s32 $0x200, s28;
	v3 =	vnsel vm0, $0x0, v3  }
0x621: {  	v4 =	vld [tilespmem:s29+$0x0];
	_ =	sdelay $0x1  }
0x622: {  	v1 =	vsel vm1, v1, v2  }
0x623: {  	[tilespmem:s26+$0x4060] =	vst v1  }
0x624: {  	v1 =	vld.idx.msk [tilespmem:v3+s20+$0x0], $0xffff  }
0x625: {  	v3 =	vld [tilespmem:s26+$0x4070];
	v2 =	vadd.s32 $0xFFFEC400, v4  }
0x626: {  	vm1 =	vlt.u32 v2, $0x4AA0  }
0x627: {  	v2 =	vnsel vm1, $0x0, v2  }
0x628: {  	v50 =	vld [tilespmem:s29+$0x10];
	_ =	sdelay $0x1  }
0x629: {  	v1 =	vsel vm0, v1, v3  }
0x62a: {  	[tilespmem:s26+$0x4070] =	vst v1  }
0x62b: {  	v1 =	vld.idx.msk [tilespmem:v2+s20+$0x0], $0xffff  }
0x62c: {  	v3 =	vadd.s32 $0xFFFEC400, v50;
	v2 =	vld [tilespmem:s29+$0x4000]  }
0x62d: {  	vm0 =	vlt.u32 v3, $0x4AA0  }
0x62e: {  	v3 =	vnsel vm0, $0x0, v3;
	v51 =	vld [tilespmem:s29+$0x20];
	_ =	sdelay $0x2  }
0x62f: {  	v1 =	vsel vm1, v1, v2  }
0x630: {  	v2 =	vld [tilespmem:s29+$0x4010];
	[tilespmem:s29+$0x4000] =	vst v1  }
0x631: {  	v1 =	vld.idx.msk [tilespmem:v3+s20+$0x0], $0xffff;
	v3 =	vadd.s32 $0xFFFEC400, v51  }
0x632: {  	vm1 =	vlt.u32 v3, $0x4AA0  }
0x633: {  	v52 =	vld [tilespmem:s29+$0x30];
	v3 =	vnsel vm1, $0x0, v3;
	_ =	sdelay $0x2  }
0x634: {  	v1 =	vsel vm0, v1, v2  }
0x635: {  	v2 =	vld [tilespmem:s29+$0x4020];
	[tilespmem:s29+$0x4010] =	vst v1  }
0x636: {  	v1 =	vld.idx.msk [tilespmem:v3+s20+$0x0], $0xffff;
	v3 =	vadd.s32 $0xFFFEC400, v52  }
0x637: {  	vm0 =	vlt.u32 v3, $0x4AA0  }
0x638: {  	v53 =	vld [tilespmem:s29+$0x40];
	v3 =	vnsel vm0, $0x0, v3;
	_ =	sdelay $0x2  }
0x639: {  	v1 =	vsel vm1, v1, v2  }
0x63a: {  	v2 =	vld [tilespmem:s29+$0x4030];
	[tilespmem:s29+$0x4020] =	vst v1  }
0x63b: {  	v1 =	vld.idx.msk [tilespmem:v3+s20+$0x0], $0xffff;
	v3 =	vadd.s32 $0xFFFEC400, v53  }
0x63c: {  	vm1 =	vlt.u32 v3, $0x4AA0  }
0x63d: {  	v54 =	vld [tilespmem:s29+$0x50];
	v3 =	vnsel vm1, $0x0, v3;
	_ =	sdelay $0x2  }
0x63e: {  	v1 =	vsel vm0, v1, v2  }
0x63f: {  	v2 =	vld [tilespmem:s29+$0x4040];
	[tilespmem:s29+$0x4030] =	vst v1  }
0x640: {  	v1 =	vld.idx.msk [tilespmem:v3+s20+$0x0], $0xffff;
	v3 =	vadd.s32 $0xFFFEC400, v54  }
0x641: {  	vm0 =	vlt.u32 v3, $0x4AA0  }
0x642: {  	v55 =	vld [tilespmem:s29+$0x60];
	v3 =	vnsel vm0, $0x0, v3;
	_ =	sdelay $0x2  }
0x643: {  	v1 =	vsel vm1, v1, v2  }
0x644: {  	v2 =	vld [tilespmem:s29+$0x4050];
	[tilespmem:s29+$0x4040] =	vst v1  }
0x645: {  	v1 =	vld.idx.msk [tilespmem:v3+s20+$0x0], $0xffff;
	v3 =	vadd.s32 $0xFFFEC400, v55  }
0x646: {  	vm1 =	vlt.u32 v3, $0x4AA0  }
0x647: {  	v56 =	vld [tilespmem:s29+$0x70];
	v3 =	vnsel vm1, $0x0, v3;
	_ =	sdelay $0x2  }
0x648: {  	v1 =	vsel vm0, v1, v2  }
0x649: {  	v2 =	vld [tilespmem:s29+$0x4060];
	[tilespmem:s29+$0x4050] =	vst v1  }
0x64a: {  	v1 =	vld.idx.msk [tilespmem:v3+s20+$0x0], $0xffff;
	v3 =	vadd.s32 $0xFFFEC400, v56  }
0x64b: {  	vm0 =	vlt.u32 v3, $0x4AA0  }
0x64c: {  	v3 =	vnsel vm0, $0x0, v3;
	_ =	sdelay $0x2  }
0x64d: {  	v1 =	vsel vm1, v1, v2  }
0x64e: {  	v2 =	vld [tilespmem:s29+$0x4070];
	[tilespmem:s29+$0x4060] =	vst v1  }
0x64f: {  	v1 =	vld.idx.msk [tilespmem:v3+s20+$0x0], $0xffff;
	_ =	sdelay $0x4  }
0x650: {  	v1 =	vsel vm0, v1, v2  }
0x651: {  	s31 =	simm.s32 $0x0;
	[tilespmem:s29+$0x4070] =	vst v1  }
0x652: {  	[tilespmem:s31], [sflag:$0x3] =	stream.linear.gather [hbm4b:s3+s31], $0x4000, $0x38;
	[tilespmem:$0x1FC00] =	vst v63  }
0x653: {  	_ =	swait.ge [sflag:s19], $0x4000  }
0x654: {  	[sflag:s19] =	ssyncset.done $0x0  }
0x655: {  	[sflag:s19] =	ssyncadd.s32 $0xFFFFC000  }
0x656: {  	[tilespmem:s20], [sflag:$0x1] =	stream.linear.gather [hbm4b:s14+s31], $0x9E00, $0x38;
	[tilespmem:$0x1FC00] =	vst v63  }
0x657: {  	_ =	swait.ge [sflag:s21], $0x9E00  }
0x658: {  	[sflag:s21] =	ssyncset.done $0x0  }
0x659: {  	s26 =	simm.s32 $0x0;
	[sflag:s21] =	ssyncadd.s32 $0xFFFF6200  }
0x65a: {  	[tilespmem:s22], [sflag:$0x2] =	stream.linear.gather [hbm4b:s15+s31], $0x9E00, $0x38;
	[tilespmem:$0x1FC00] =	vst v63  }
0x65b: {  	v1 =	vld [tilespmem:s26+$0x0];
	_ =	sdelay $0x4  }
0x65c: {  	vm0 =	vlt.u32 v1, $0x9E00  }
0x65d: {  	v1 =	vnsel vm0, $0x0, v1;
	_ =	sdelay $0x2  }
0x65e: {  	v2 =	vld [tilespmem:s26+$0x4000]  }
0x65f: {  	v3 =	vld [tilespmem:s26+$0x10]  }
0x660: {  	v1 =	vld.idx.msk [tilespmem:v1+s20+$0x0], $0xffff;
	_ =	sdelay $0x2  }
0x661: {  	v57 =	vld [tilespmem:s26+$0x8000];
	_ =	sdelay $0x1  }
0x662: {  	vm1 =	vlt.u32 v3, $0x9E00;
	v1 =	vmul.f32 v2, v1  }
0x663: {  	v2 =	vnsel vm1, $0x0, v3  }
0x664: {  	v1 =	vnsel vm0, $0x0, v1  }
0x665: {  	v1 =	vadd.f32 v1, v57  }
0x666: {  	v3 =	vld [tilespmem:s26+$0x20]  }
0x667: {  	[tilespmem:s26+$0x8000] =	vst v1;
	v1 =	vld [tilespmem:s26+$0x4010]  }
0x668: {  	v2 =	vld.idx.msk [tilespmem:v2+s20+$0x0], $0xffff;
	_ =	sdelay $0x2  }
0x669: {  	v58 =	vld [tilespmem:s26+$0x8010];
	_ =	sdelay $0x1  }
0x66a: {  	vm0 =	vlt.u32 v3, $0x9E00;
	v1 =	vmul.f32 v1, v2  }
0x66b: {  	v2 =	vnsel vm0, $0x0, v3  }
0x66c: {  	v1 =	vnsel vm1, $0x0, v1  }
0x66d: {  	v1 =	vadd.f32 v1, v58  }
0x66e: {  	v3 =	vld [tilespmem:s26+$0x30]  }
0x66f: {  	[tilespmem:s26+$0x8010] =	vst v1;
	v1 =	vld [tilespmem:s26+$0x4020]  }
0x670: {  	v2 =	vld.idx.msk [tilespmem:v2+s20+$0x0], $0xffff;
	_ =	sdelay $0x2  }
0x671: {  	v59 =	vld [tilespmem:s26+$0x8020];
	_ =	sdelay $0x1  }
0x672: {  	vm1 =	vlt.u32 v3, $0x9E00;
	v1 =	vmul.f32 v1, v2  }
0x673: {  	v2 =	vnsel vm1, $0x0, v3  }
0x674: {  	v1 =	vnsel vm0, $0x0, v1  }
0x675: {  	v1 =	vadd.f32 v1, v59  }
0x676: {  	v3 =	vld [tilespmem:s26+$0x40]  }
0x677: {  	[tilespmem:s26+$0x8020] =	vst v1;
	v1 =	vld [tilespmem:s26+$0x4030]  }
0x678: {  	v2 =	vld.idx.msk [tilespmem:v2+s20+$0x0], $0xffff;
	_ =	sdelay $0x2  }
0x679: {  	v60 =	vld [tilespmem:s26+$0x8030];
	_ =	sdelay $0x1  }
0x67a: {  	vm0 =	vlt.u32 v3, $0x9E00;
	v1 =	vmul.f32 v1, v2  }
0x67b: {  	v2 =	vnsel vm0, $0x0, v3  }
0x67c: {  	v1 =	vnsel vm1, $0x0, v1  }
0x67d: {  	v1 =	vadd.f32 v1, v60  }
0x67e: {  	v3 =	vld [tilespmem:s26+$0x50]  }
0x67f: {  	[tilespmem:s26+$0x8030] =	vst v1;
	v1 =	vld [tilespmem:s26+$0x4040]  }
0x680: {  	v2 =	vld.idx.msk [tilespmem:v2+s20+$0x0], $0xffff;
	_ =	sdelay $0x2  }
0x681: {  	v61 =	vld [tilespmem:s26+$0x8040];
	_ =	sdelay $0x1  }
0x682: {  	vm1 =	vlt.u32 v3, $0x9E00;
	v1 =	vmul.f32 v1, v2  }
0x683: {  	v2 =	vnsel vm1, $0x0, v3  }
0x684: {  	v1 =	vnsel vm0, $0x0, v1  }
0x685: {  	v1 =	vadd.f32 v1, v61  }
0x686: {  	v3 =	vld [tilespmem:s26+$0x60]  }
0x687: {  	[tilespmem:s26+$0x8040] =	vst v1;
	v1 =	vld [tilespmem:s26+$0x4050]  }
0x688: {  	v2 =	vld.idx.msk [tilespmem:v2+s20+$0x0], $0xffff;
	_ =	sdelay $0x2  }
0x689: {  	v62 =	vld [tilespmem:s26+$0x8050];
	_ =	sdelay $0x1  }
0x68a: {  	vm2 =	vlt.u32 v3, $0x9E00;
	v1 =	vmul.f32 v1, v2  }
0x68b: {  	v2 =	vnsel vm2, $0x0, v3  }
0x68c: {  	v1 =	vnsel vm1, $0x0, v1  }
0x68d: {  	v1 =	vadd.f32 v1, v62  }
0x68e: {  	v3 =	vld [tilespmem:s26+$0x70]  }
0x68f: {  	[tilespmem:s26+$0x8050] =	vst v1;
	v1 =	vld [tilespmem:s26+$0x4060]  }
0x690: {  	v2 =	vld.idx.msk [tilespmem:v2+s20+$0x0], $0xffff;
	_ =	sdelay $0x2  }
0x691: {  	v63 =	vld [tilespmem:s26+$0x8060];
	_ =	sdelay $0x1  }
0x692: {  	vm0 =	vlt.u32 v3, $0x9E00;
	v1 =	vmul.f32 v1, v2  }
0x693: {  	v2 =	vnsel vm0, $0x0, v3  }
0x694: {  	v1 =	vnsel vm2, $0x0, v1  }
0x695: {  	v1 =	vadd.f32 v1, v63;
	_ =	sdelay $0x1  }
0x696: {  	[tilespmem:s26+$0x8060] =	vst v1;
	v1 =	vld [tilespmem:s26+$0x4070]  }
0x697: {  	s28 =	simm.s32 $0x400;
	s29 =	simm.s32 $0x80;
	v2 =	vld.idx.msk [tilespmem:v2+s20+$0x0], $0xffff  }
.LBB2_22:
0x698: {  	p0 =	sne.s32 s28, $0xFE00;
	v3 =	vld [tilespmem:s29+$0x0];
	_ =	sdelay $0x2  }
0x699: {  	v4 =	vld [tilespmem:s26+$0x8070];
	_ =	sdelay $0x1  }
0x69a: {  	v1 =	vmul.f32 v1, v2;
	vm1 =	vlt.u32 v3, $0x9E00  }
0x69b: {  	v2 =	vnsel vm1, $0x0, v3  }
0x69c: {  	v1 =	vnsel vm0, $0x0, v1  }
0x69d: {  	v1 =	vadd.f32 v1, v4;
	_ =	sdelay $0x1  }
0x69e: {  	v3 =	vld [tilespmem:s29+$0x4000];
	[tilespmem:s26+$0x8070] =	vst v1;
	s26 =	smov.u32 s29  }
0x69f: {  	v1 =	vld.idx.msk [tilespmem:v2+s20+$0x0], $0xffff  }
0x6a0: {  	v2 =	vld [tilespmem:s26+$0x10];
	_ =	sdelay $0x2  }
0x6a1: {  	v4 =	vld [tilespmem:s26+$0x8000];
	_ =	sdelay $0x1  }
0x6a2: {  	v1 =	vmul.f32 v3, v1;
	vm0 =	vlt.u32 v2, $0x9E00  }
0x6a3: {  	v2 =	vnsel vm0, $0x0, v2  }
0x6a4: {  	v1 =	vnsel vm1, $0x0, v1  }
0x6a5: {  	v1 =	vadd.f32 v1, v4;
	_ =	sdelay $0x1  }
0x6a6: {  	[tilespmem:s26+$0x8000] =	vst v1;
	v1 =	vld [tilespmem:s26+$0x4010]  }
0x6a7: {  	v2 =	vld.idx.msk [tilespmem:v2+s20+$0x0], $0xffff  }
0x6a8: {  	v3 =	vld [tilespmem:s26+$0x20];
	_ =	sdelay $0x2  }
0x6a9: {  	v4 =	vld [tilespmem:s26+$0x8010];
	_ =	sdelay $0x1  }
0x6aa: {  	v1 =	vmul.f32 v1, v2;
	vm1 =	vlt.u32 v3, $0x9E00  }
0x6ab: {  	v2 =	vnsel vm1, $0x0, v3  }
0x6ac: {  	v1 =	vnsel vm0, $0x0, v1  }
0x6ad: {  	v1 =	vadd.f32 v1, v4;
	_ =	sdelay $0x1  }
0x6ae: {  	[tilespmem:s26+$0x8010] =	vst v1;
	v1 =	vld [tilespmem:s26+$0x4020]  }
0x6af: {  	v2 =	vld.idx.msk [tilespmem:v2+s20+$0x0], $0xffff  }
0x6b0: {  	v3 =	vld [tilespmem:s26+$0x30];
	_ =	sdelay $0x2  }
0x6b1: {  	v4 =	vld [tilespmem:s26+$0x8020];
	_ =	sdelay $0x1  }
0x6b2: {  	v1 =	vmul.f32 v1, v2;
	vm0 =	vlt.u32 v3, $0x9E00  }
0x6b3: {  	v2 =	vnsel vm0, $0x0, v3  }
0x6b4: {  	v1 =	vnsel vm1, $0x0, v1  }
0x6b5: {  	v1 =	vadd.f32 v1, v4;
	_ =	sdelay $0x1  }
0x6b6: {  	[tilespmem:s26+$0x8020] =	vst v1;
	v1 =	vld [tilespmem:s26+$0x4030]  }
0x6b7: {  	v2 =	vld.idx.msk [tilespmem:v2+s20+$0x0], $0xffff  }
0x6b8: {  	v3 =	vld [tilespmem:s26+$0x40];
	_ =	sdelay $0x2  }
0x6b9: {  	v4 =	vld [tilespmem:s26+$0x8030];
	_ =	sdelay $0x1  }
0x6ba: {  	v1 =	vmul.f32 v1, v2;
	vm1 =	vlt.u32 v3, $0x9E00  }
0x6bb: {  	v2 =	vnsel vm1, $0x0, v3  }
0x6bc: {  	v1 =	vnsel vm0, $0x0, v1  }
0x6bd: {  	v1 =	vadd.f32 v1, v4;
	_ =	sdelay $0x1  }
0x6be: {  	[tilespmem:s26+$0x8030] =	vst v1;
	v1 =	vld [tilespmem:s26+$0x4040]  }
0x6bf: {  	v2 =	vld.idx.msk [tilespmem:v2+s20+$0x0], $0xffff  }
0x6c0: {  	v3 =	vld [tilespmem:s26+$0x50];
	_ =	sdelay $0x2  }
0x6c1: {  	v4 =	vld [tilespmem:s26+$0x8040];
	_ =	sdelay $0x1  }
0x6c2: {  	v1 =	vmul.f32 v1, v2;
	vm0 =	vlt.u32 v3, $0x9E00  }
0x6c3: {  	v2 =	vnsel vm0, $0x0, v3  }
0x6c4: {  	v1 =	vnsel vm1, $0x0, v1  }
0x6c5: {  	v1 =	vadd.f32 v1, v4;
	_ =	sdelay $0x1  }
0x6c6: {  	[tilespmem:s26+$0x8040] =	vst v1;
	v1 =	vld [tilespmem:s26+$0x4050]  }
0x6c7: {  	v2 =	vld.idx.msk [tilespmem:v2+s20+$0x0], $0xffff  }
0x6c8: {  	v3 =	vld [tilespmem:s26+$0x60];
	_ =	sdelay $0x2  }
0x6c9: {  	v4 =	vld [tilespmem:s26+$0x8050];
	_ =	sdelay $0x1  }
0x6ca: {  	v1 =	vmul.f32 v1, v2;
	vm1 =	vlt.u32 v3, $0x9E00  }
0x6cb: {  	v2 =	vnsel vm1, $0x0, v3  }
0x6cc: {  	v1 =	vnsel vm0, $0x0, v1  }
0x6cd: {  	v1 =	vadd.f32 v1, v4;
	_ =	sdelay $0x1  }
0x6ce: {  	[tilespmem:s26+$0x8050] =	vst v1;
	v1 =	vld [tilespmem:s26+$0x4060]  }
0x6cf: {  	v2 =	vld.idx.msk [tilespmem:v2+s20+$0x0], $0xffff  }
0x6d0: {  	v3 =	vld [tilespmem:s26+$0x70];
	_ =	sdelay $0x2  }
0x6d1: {  	v4 =	vld [tilespmem:s26+$0x8060];
	_ =	sdelay $0x1  }
0x6d2: {  	v1 =	vmul.f32 v1, v2;
	vm0 =	vlt.u32 v3, $0x9E00  }
0x6d3: {  	v2 =	vnsel vm0, $0x0, v3  }
.Ltmp10:
0x6d4: {  	v1 =	vnsel vm1, $0x0, v1;
	(pc) =	sbr.rel @p0 .LBB2_22-.Ltmp10, $3  }
0x6d5: {  	v1 =	vadd.f32 v1, v4;
	_ =	sdelay $0x1  }
0x6d6: {  	[tilespmem:s26+$0x8060] =	vst v1;
	v1 =	vld [tilespmem:s26+$0x4070]  }
0x6d7: {  	s29 =	sshra.s32 s28, $0x2;
	s28 =	sadd.s32 $0x200, s28;
	v2 =	vld.idx.msk [tilespmem:v2+s20+$0x0], $0xffff  }
0x6d8: {  	v3 =	vld [tilespmem:s29+$0x0];
	_ =	sdelay $0x2  }
0x6d9: {  	v4 =	vld [tilespmem:s26+$0x8070];
	_ =	sdelay $0x1  }
0x6da: {  	v1 =	vmul.f32 v1, v2;
	vm1 =	vlt.u32 v3, $0x9E00  }
0x6db: {  	v2 =	vnsel vm1, $0x0, v3  }
0x6dc: {  	v1 =	vnsel vm0, $0x0, v1  }
0x6dd: {  	v1 =	vadd.f32 v1, v4;
	_ =	sdelay $0x1  }
0x6de: {  	v3 =	vld [tilespmem:s29+$0x4000];
	[tilespmem:s26+$0x8070] =	vst v1  }
0x6df: {  	v1 =	vld.idx.msk [tilespmem:v2+s20+$0x0], $0xffff  }
0x6e0: {  	v2 =	vld [tilespmem:s29+$0x10];
	_ =	sdelay $0x2  }
0x6e1: {  	v50 =	vld [tilespmem:s29+$0x8000];
	_ =	sdelay $0x1  }
0x6e2: {  	v1 =	vmul.f32 v3, v1;
	vm0 =	vlt.u32 v2, $0x9E00  }
0x6e3: {  	v2 =	vnsel vm0, $0x0, v2  }
0x6e4: {  	v1 =	vnsel vm1, $0x0, v1  }
0x6e5: {  	v1 =	vadd.f32 v1, v50  }
0x6e6: {  	v3 =	vld [tilespmem:s29+$0x20]  }
0x6e7: {  	[tilespmem:s29+$0x8000] =	vst v1;
	v1 =	vld [tilespmem:s29+$0x4010]  }
0x6e8: {  	v2 =	vld.idx.msk [tilespmem:v2+s20+$0x0], $0xffff;
	_ =	sdelay $0x2  }
0x6e9: {  	v51 =	vld [tilespmem:s29+$0x8010];
	_ =	sdelay $0x1  }
0x6ea: {  	vm1 =	vlt.u32 v3, $0x9E00;
	v1 =	vmul.f32 v1, v2  }
0x6eb: {  	v2 =	vnsel vm1, $0x0, v3  }
0x6ec: {  	v1 =	vnsel vm0, $0x0, v1  }
0x6ed: {  	v1 =	vadd.f32 v1, v51  }
0x6ee: {  	v3 =	vld [tilespmem:s29+$0x30]  }
0x6ef: {  	[tilespmem:s29+$0x8010] =	vst v1;
	v1 =	vld [tilespmem:s29+$0x4020]  }
0x6f0: {  	v2 =	vld.idx.msk [tilespmem:v2+s20+$0x0], $0xffff;
	_ =	sdelay $0x2  }
0x6f1: {  	v52 =	vld [tilespmem:s29+$0x8020];
	_ =	sdelay $0x1  }
0x6f2: {  	vm0 =	vlt.u32 v3, $0x9E00;
	v1 =	vmul.f32 v1, v2  }
0x6f3: {  	v2 =	vnsel vm0, $0x0, v3  }
0x6f4: {  	v1 =	vnsel vm1, $0x0, v1  }
0x6f5: {  	v1 =	vadd.f32 v1, v52  }
0x6f6: {  	v3 =	vld [tilespmem:s29+$0x40]  }
0x6f7: {  	[tilespmem:s29+$0x8020] =	vst v1;
	v1 =	vld [tilespmem:s29+$0x4030]  }
0x6f8: {  	v2 =	vld.idx.msk [tilespmem:v2+s20+$0x0], $0xffff;
	_ =	sdelay $0x2  }
0x6f9: {  	v53 =	vld [tilespmem:s29+$0x8030];
	_ =	sdelay $0x1  }
0x6fa: {  	vm1 =	vlt.u32 v3, $0x9E00;
	v1 =	vmul.f32 v1, v2  }
0x6fb: {  	v2 =	vnsel vm1, $0x0, v3  }
0x6fc: {  	v1 =	vnsel vm0, $0x0, v1  }
0x6fd: {  	v1 =	vadd.f32 v1, v53  }
0x6fe: {  	v3 =	vld [tilespmem:s29+$0x50]  }
0x6ff: {  	[tilespmem:s29+$0x8030] =	vst v1;
	v1 =	vld [tilespmem:s29+$0x4040]  }
0x700: {  	v2 =	vld.idx.msk [tilespmem:v2+s20+$0x0], $0xffff;
	_ =	sdelay $0x2  }
0x701: {  	v54 =	vld [tilespmem:s29+$0x8040];
	_ =	sdelay $0x1  }
0x702: {  	vm0 =	vlt.u32 v3, $0x9E00;
	v1 =	vmul.f32 v1, v2  }
0x703: {  	v2 =	vnsel vm0, $0x0, v3  }
0x704: {  	v1 =	vnsel vm1, $0x0, v1  }
0x705: {  	v1 =	vadd.f32 v1, v54  }
0x706: {  	v3 =	vld [tilespmem:s29+$0x60]  }
0x707: {  	[tilespmem:s29+$0x8040] =	vst v1;
	v1 =	vld [tilespmem:s29+$0x4050]  }
0x708: {  	v2 =	vld.idx.msk [tilespmem:v2+s20+$0x0], $0xffff;
	_ =	sdelay $0x2  }
0x709: {  	v55 =	vld [tilespmem:s29+$0x8050];
	_ =	sdelay $0x1  }
0x70a: {  	vm1 =	vlt.u32 v3, $0x9E00;
	v1 =	vmul.f32 v1, v2  }
0x70b: {  	v2 =	vnsel vm1, $0x0, v3  }
0x70c: {  	v1 =	vnsel vm0, $0x0, v1  }
0x70d: {  	v1 =	vadd.f32 v1, v55  }
0x70e: {  	v3 =	vld [tilespmem:s29+$0x70]  }
0x70f: {  	[tilespmem:s29+$0x8050] =	vst v1;
	v1 =	vld [tilespmem:s29+$0x4060]  }
0x710: {  	v2 =	vld.idx.msk [tilespmem:v2+s20+$0x0], $0xffff;
	_ =	sdelay $0x2  }
0x711: {  	v56 =	vld [tilespmem:s29+$0x8060];
	_ =	sdelay $0x1  }
0x712: {  	vm0 =	vlt.u32 v3, $0x9E00;
	v1 =	vmul.f32 v1, v2  }
0x713: {  	v2 =	vnsel vm0, $0x0, v3  }
0x714: {  	v1 =	vnsel vm1, $0x0, v1  }
0x715: {  	v1 =	vadd.f32 v1, v56;
	_ =	sdelay $0x1  }
0x716: {  	[tilespmem:s29+$0x8060] =	vst v1;
	v1 =	vld [tilespmem:s29+$0x4070]  }
0x717: {  	v2 =	vld.idx.msk [tilespmem:v2+s20+$0x0], $0xffff;
	_ =	sdelay $0x2  }
0x718: {  	v3 =	vld [tilespmem:s29+$0x8070];
	_ =	sdelay $0x1  }
0x719: {  	v1 =	vmul.f32 v1, v2;
	_ =	sdelay $0x1  }
0x71a: {  	v1 =	vnsel vm0, $0x0, v1  }
0x71b: {  	v1 =	vadd.f32 v1, v3;
	_ =	sdelay $0x1  }
0x71c: {  	[tilespmem:s29+$0x8070] =	vst v1  }
0x71d: {  	_ =	swait.ge [sflag:s23], $0x9E00  }
0x71e: {  	[sflag:s23] =	ssyncset.done $0x0  }
0x71f: {  	s31 =	simm.s32 $0x0;
	s26 =	simm.s32 $0x0;
	[sflag:s23] =	ssyncadd.s32 $0xFFFF6200  }
0x720: {  	[tilespmem:s20], [sflag:$0x1] =	stream.linear.gather [hbm4b:s16+s31], $0x4AA0, $0x38;
	[tilespmem:$0x1FC00] =	vst v63  }
0x721: {  	v1 =	vld [tilespmem:s26+$0x0];
	_ =	sdelay $0x4  }
0x722: {  	v1 =	vadd.s32 $0xFFFF6200, v1  }
0x723: {  	vm0 =	vlt.u32 v1, $0x9E00  }
0x724: {  	v1 =	vnsel vm0, $0x0, v1;
	_ =	sdelay $0x2  }
0x725: {  	v2 =	vld [tilespmem:s26+$0x10]  }
0x726: {  	v3 =	vld [tilespmem:s26+$0x4000]  }
0x727: {  	v1 =	vld.idx.msk [tilespmem:v1+s22+$0x0], $0xffff;
	_ =	sdelay $0x2  }
0x728: {  	v57 =	vld [tilespmem:s26+$0x8000]  }
0x729: {  	v2 =	vadd.s32 $0xFFFF6200, v2  }
0x72a: {  	vm1 =	vlt.u32 v2, $0x9E00;
	v1 =	vmul.f32 v3, v1  }
0x72b: {  	v2 =	vnsel vm1, $0x0, v2  }
0x72c: {  	v1 =	vnsel vm0, $0x0, v1  }
0x72d: {  	v1 =	vadd.f32 v1, v57  }
0x72e: {  	v3 =	vld [tilespmem:s26+$0x4010]  }
0x72f: {  	[tilespmem:s26+$0x8000] =	vst v1;
	v1 =	vld [tilespmem:s26+$0x20]  }
0x730: {  	v2 =	vld.idx.msk [tilespmem:v2+s22+$0x0], $0xffff;
	_ =	sdelay $0x2  }
0x731: {  	v58 =	vld [tilespmem:s26+$0x8010]  }
0x732: {  	v1 =	vadd.s32 $0xFFFF6200, v1  }
0x733: {  	v2 =	vmul.f32 v3, v2;
	vm0 =	vlt.u32 v1, $0x9E00  }
0x734: {  	v1 =	vnsel vm0, $0x0, v1  }
0x735: {  	v2 =	vnsel vm1, $0x0, v2  }
0x736: {  	v2 =	vadd.f32 v2, v58  }
0x737: {  	v3 =	vld [tilespmem:s26+$0x4020]  }
0x738: {  	[tilespmem:s26+$0x8010] =	vst v2;
	v2 =	vld [tilespmem:s26+$0x30]  }
0x739: {  	v1 =	vld.idx.msk [tilespmem:v1+s22+$0x0], $0xffff;
	_ =	sdelay $0x2  }
0x73a: {  	v59 =	vld [tilespmem:s26+$0x8020]  }
0x73b: {  	v2 =	vadd.s32 $0xFFFF6200, v2  }
0x73c: {  	v1 =	vmul.f32 v3, v1;
	vm1 =	vlt.u32 v2, $0x9E00  }
0x73d: {  	v2 =	vnsel vm1, $0x0, v2  }
0x73e: {  	v1 =	vnsel vm0, $0x0, v1  }
0x73f: {  	v1 =	vadd.f32 v1, v59  }
0x740: {  	v3 =	vld [tilespmem:s26+$0x4030]  }
0x741: {  	[tilespmem:s26+$0x8020] =	vst v1;
	v1 =	vld [tilespmem:s26+$0x40]  }
0x742: {  	v2 =	vld.idx.msk [tilespmem:v2+s22+$0x0], $0xffff;
	_ =	sdelay $0x2  }
0x743: {  	v60 =	vld [tilespmem:s26+$0x8030]  }
0x744: {  	v1 =	vadd.s32 $0xFFFF6200, v1  }
0x745: {  	v2 =	vmul.f32 v3, v2;
	vm0 =	vlt.u32 v1, $0x9E00  }
0x746: {  	v1 =	vnsel vm0, $0x0, v1  }
0x747: {  	v2 =	vnsel vm1, $0x0, v2  }
0x748: {  	v2 =	vadd.f32 v2, v60  }
0x749: {  	v3 =	vld [tilespmem:s26+$0x4040]  }
0x74a: {  	[tilespmem:s26+$0x8030] =	vst v2;
	v2 =	vld [tilespmem:s26+$0x50]  }
0x74b: {  	v1 =	vld.idx.msk [tilespmem:v1+s22+$0x0], $0xffff;
	_ =	sdelay $0x2  }
0x74c: {  	v61 =	vld [tilespmem:s26+$0x8040]  }
0x74d: {  	v2 =	vadd.s32 $0xFFFF6200, v2  }
0x74e: {  	v1 =	vmul.f32 v3, v1;
	vm1 =	vlt.u32 v2, $0x9E00  }
0x74f: {  	v2 =	vnsel vm1, $0x0, v2  }
0x750: {  	v1 =	vnsel vm0, $0x0, v1  }
0x751: {  	v1 =	vadd.f32 v1, v61  }
0x752: {  	v3 =	vld [tilespmem:s26+$0x4050]  }
0x753: {  	[tilespmem:s26+$0x8040] =	vst v1;
	v1 =	vld [tilespmem:s26+$0x60]  }
0x754: {  	v2 =	vld.idx.msk [tilespmem:v2+s22+$0x0], $0xffff;
	_ =	sdelay $0x2  }
0x755: {  	v62 =	vld [tilespmem:s26+$0x8050]  }
0x756: {  	v1 =	vadd.s32 $0xFFFF6200, v1  }
0x757: {  	v2 =	vmul.f32 v3, v2;
	vm0 =	vlt.u32 v1, $0x9E00  }
0x758: {  	v1 =	vnsel vm0, $0x0, v1  }
0x759: {  	v2 =	vnsel vm1, $0x0, v2  }
0x75a: {  	v2 =	vadd.f32 v2, v62;
	_ =	sdelay $0x1  }
0x75b: {  	[tilespmem:s26+$0x8050] =	vst v2;
	v2 =	vld [tilespmem:s26+$0x4060]  }
0x75c: {  	v1 =	vld.idx.msk [tilespmem:v1+s22+$0x0], $0xffff  }
0x75d: {  	v3 =	vld [tilespmem:s26+$0x70];
	_ =	sdelay $0x3  }
0x75e: {  	v63 =	vld [tilespmem:s26+$0x8060];
	v1 =	vmul.f32 v2, v1  }
0x75f: {  	v2 =	vadd.s32 $0xFFFF6200, v3  }
0x760: {  	v1 =	vnsel vm0, $0x0, v1;
	vm0 =	vlt.u32 v2, $0x9E00  }
0x761: {  	v2 =	vnsel vm0, $0x0, v2;
	_ =	sdelay $0x1  }
0x762: {  	v3 =	vadd.f32 v1, v63  }
0x763: {  	s29 =	simm.s32 $0x80  }
0x764: {  	s28 =	simm.s32 $0x400;
	v1 =	vld [tilespmem:s29+$0x0];
	[tilespmem:s26+$0x8060] =	vst v3  }
.LBB2_24:
0x765: {  	p0 =	sne.s32 s28, $0xFE00;
	v2 =	vld.idx.msk [tilespmem:v2+s22+$0x0], $0xffff  }
0x766: {  	v3 =	vld [tilespmem:s26+$0x4070];
	_ =	sdelay $0x2  }
0x767: {  	v4 =	vld [tilespmem:s26+$0x8070]  }
0x768: {  	v1 =	vadd.s32 $0xFFFF6200, v1  }
0x769: {  	vm1 =	vlt.u32 v1, $0x9E00;
	v2 =	vmul.f32 v3, v2  }
0x76a: {  	v1 =	vnsel vm1, $0x0, v1  }
0x76b: {  	v2 =	vnsel vm0, $0x0, v2  }
0x76c: {  	v2 =	vadd.f32 v2, v4;
	_ =	sdelay $0x1  }
0x76d: {  	v3 =	vld [tilespmem:s29+$0x10];
	[tilespmem:s26+$0x8070] =	vst v2;
	s26 =	smov.u32 s29  }
0x76e: {  	v1 =	vld.idx.msk [tilespmem:v1+s22+$0x0], $0xffff  }
0x76f: {  	v2 =	vld [tilespmem:s26+$0x4000];
	_ =	sdelay $0x2  }
0x770: {  	v4 =	vld [tilespmem:s26+$0x8000]  }
0x771: {  	v3 =	vadd.s32 $0xFFFF6200, v3  }
0x772: {  	vm0 =	vlt.u32 v3, $0x9E00;
	v1 =	vmul.f32 v2, v1  }
0x773: {  	v2 =	vnsel vm0, $0x0, v3  }
0x774: {  	v1 =	vnsel vm1, $0x0, v1  }
0x775: {  	v1 =	vadd.f32 v1, v4;
	_ =	sdelay $0x1  }
0x776: {  	[tilespmem:s26+$0x8000] =	vst v1;
	v1 =	vld [tilespmem:s26+$0x20]  }
0x777: {  	v2 =	vld.idx.msk [tilespmem:v2+s22+$0x0], $0xffff  }
0x778: {  	v3 =	vld [tilespmem:s26+$0x4010];
	_ =	sdelay $0x2  }
0x779: {  	v4 =	vld [tilespmem:s26+$0x8010]  }
0x77a: {  	v1 =	vadd.s32 $0xFFFF6200, v1  }
0x77b: {  	vm1 =	vlt.u32 v1, $0x9E00;
	v2 =	vmul.f32 v3, v2  }
0x77c: {  	v1 =	vnsel vm1, $0x0, v1  }
0x77d: {  	v2 =	vnsel vm0, $0x0, v2  }
0x77e: {  	v2 =	vadd.f32 v2, v4;
	_ =	sdelay $0x1  }
0x77f: {  	[tilespmem:s26+$0x8010] =	vst v2;
	v2 =	vld [tilespmem:s26+$0x30]  }
0x780: {  	v1 =	vld.idx.msk [tilespmem:v1+s22+$0x0], $0xffff  }
0x781: {  	v3 =	vld [tilespmem:s26+$0x4020];
	_ =	sdelay $0x2  }
0x782: {  	v4 =	vld [tilespmem:s26+$0x8020]  }
0x783: {  	v2 =	vadd.s32 $0xFFFF6200, v2  }
0x784: {  	vm0 =	vlt.u32 v2, $0x9E00;
	v1 =	vmul.f32 v3, v1  }
0x785: {  	v2 =	vnsel vm0, $0x0, v2  }
0x786: {  	v1 =	vnsel vm1, $0x0, v1  }
0x787: {  	v1 =	vadd.f32 v1, v4;
	_ =	sdelay $0x1  }
0x788: {  	[tilespmem:s26+$0x8020] =	vst v1;
	v1 =	vld [tilespmem:s26+$0x40]  }
0x789: {  	v2 =	vld.idx.msk [tilespmem:v2+s22+$0x0], $0xffff  }
0x78a: {  	v3 =	vld [tilespmem:s26+$0x4030];
	_ =	sdelay $0x2  }
0x78b: {  	v4 =	vld [tilespmem:s26+$0x8030]  }
0x78c: {  	v1 =	vadd.s32 $0xFFFF6200, v1  }
0x78d: {  	vm1 =	vlt.u32 v1, $0x9E00;
	v2 =	vmul.f32 v3, v2  }
0x78e: {  	v1 =	vnsel vm1, $0x0, v1  }
0x78f: {  	v2 =	vnsel vm0, $0x0, v2  }
0x790: {  	v2 =	vadd.f32 v2, v4;
	_ =	sdelay $0x1  }
0x791: {  	[tilespmem:s26+$0x8030] =	vst v2;
	v2 =	vld [tilespmem:s26+$0x50]  }
0x792: {  	v1 =	vld.idx.msk [tilespmem:v1+s22+$0x0], $0xffff  }
0x793: {  	v3 =	vld [tilespmem:s26+$0x4040];
	_ =	sdelay $0x2  }
0x794: {  	v4 =	vld [tilespmem:s26+$0x8040]  }
0x795: {  	v2 =	vadd.s32 $0xFFFF6200, v2  }
0x796: {  	vm0 =	vlt.u32 v2, $0x9E00;
	v1 =	vmul.f32 v3, v1  }
0x797: {  	v2 =	vnsel vm0, $0x0, v2  }
0x798: {  	v1 =	vnsel vm1, $0x0, v1  }
0x799: {  	v1 =	vadd.f32 v1, v4;
	_ =	sdelay $0x1  }
0x79a: {  	[tilespmem:s26+$0x8040] =	vst v1;
	v1 =	vld [tilespmem:s26+$0x60]  }
0x79b: {  	v2 =	vld.idx.msk [tilespmem:v2+s22+$0x0], $0xffff  }
0x79c: {  	v3 =	vld [tilespmem:s26+$0x4050];
	_ =	sdelay $0x2  }
0x79d: {  	v4 =	vld [tilespmem:s26+$0x8050]  }
0x79e: {  	v1 =	vadd.s32 $0xFFFF6200, v1  }
0x79f: {  	vm1 =	vlt.u32 v1, $0x9E00;
	v2 =	vmul.f32 v3, v2  }
0x7a0: {  	v1 =	vnsel vm1, $0x0, v1  }
0x7a1: {  	v2 =	vnsel vm0, $0x0, v2  }
0x7a2: {  	v2 =	vadd.f32 v2, v4;
	_ =	sdelay $0x1  }
0x7a3: {  	[tilespmem:s26+$0x8050] =	vst v2;
	v2 =	vld [tilespmem:s26+$0x70]  }
0x7a4: {  	v1 =	vld.idx.msk [tilespmem:v1+s22+$0x0], $0xffff  }
0x7a5: {  	v3 =	vld [tilespmem:s26+$0x4060];
	_ =	sdelay $0x2  }
0x7a6: {  	v4 =	vld [tilespmem:s26+$0x8060]  }
0x7a7: {  	v2 =	vadd.s32 $0xFFFF6200, v2  }
0x7a8: {  	vm0 =	vlt.u32 v2, $0x9E00;
	v1 =	vmul.f32 v3, v1  }
.Ltmp11:
0x7a9: {  	v2 =	vnsel vm0, $0x0, v2;
	(pc) =	sbr.rel @p0 .LBB2_24-.Ltmp11, $4  }
0x7aa: {  	v1 =	vnsel vm1, $0x0, v1  }
0x7ab: {  	v3 =	vadd.f32 v1, v4  }
0x7ac: {  	s29 =	sshra.s32 s28, $0x2  }
0x7ad: {  	s28 =	sadd.s32 $0x200, s28;
	v1 =	vld [tilespmem:s29+$0x0];
	[tilespmem:s26+$0x8060] =	vst v3  }
0x7ae: {  	_ =	sdelay $0x3  }
0x7af: {  	v2 =	vld.idx.msk [tilespmem:v2+s22+$0x0], $0xffff  }
0x7b0: {  	v3 =	vld [tilespmem:s26+$0x4070];
	_ =	sdelay $0x2  }
0x7b1: {  	v4 =	vld [tilespmem:s26+$0x8070]  }
0x7b2: {  	v1 =	vadd.s32 $0xFFFF6200, v1  }
0x7b3: {  	vm1 =	vlt.u32 v1, $0x9E00;
	v2 =	vmul.f32 v3, v2  }
0x7b4: {  	v1 =	vnsel vm1, $0x0, v1  }
0x7b5: {  	v2 =	vnsel vm0, $0x0, v2  }
0x7b6: {  	v2 =	vadd.f32 v2, v4;
	_ =	sdelay $0x1  }
0x7b7: {  	v3 =	vld [tilespmem:s29+$0x10];
	[tilespmem:s26+$0x8070] =	vst v2  }
0x7b8: {  	v1 =	vld.idx.msk [tilespmem:v1+s22+$0x0], $0xffff  }
0x7b9: {  	v2 =	vld [tilespmem:s29+$0x4000];
	_ =	sdelay $0x2  }
0x7ba: {  	v50 =	vld [tilespmem:s29+$0x8000]  }
0x7bb: {  	v3 =	vadd.s32 $0xFFFF6200, v3  }
0x7bc: {  	vm0 =	vlt.u32 v3, $0x9E00;
	v1 =	vmul.f32 v2, v1  }
0x7bd: {  	v2 =	vnsel vm0, $0x0, v3  }
0x7be: {  	v1 =	vnsel vm1, $0x0, v1  }
0x7bf: {  	v1 =	vadd.f32 v1, v50  }
0x7c0: {  	v3 =	vld [tilespmem:s29+$0x4010]  }
0x7c1: {  	[tilespmem:s29+$0x8000] =	vst v1;
	v1 =	vld [tilespmem:s29+$0x20]  }
0x7c2: {  	v2 =	vld.idx.msk [tilespmem:v2+s22+$0x0], $0xffff;
	_ =	sdelay $0x2  }
0x7c3: {  	v51 =	vld [tilespmem:s29+$0x8010]  }
0x7c4: {  	v1 =	vadd.s32 $0xFFFF6200, v1  }
0x7c5: {  	v2 =	vmul.f32 v3, v2;
	vm1 =	vlt.u32 v1, $0x9E00  }
0x7c6: {  	v1 =	vnsel vm1, $0x0, v1  }
0x7c7: {  	v2 =	vnsel vm0, $0x0, v2  }
0x7c8: {  	v2 =	vadd.f32 v2, v51  }
0x7c9: {  	v3 =	vld [tilespmem:s29+$0x4020]  }
0x7ca: {  	[tilespmem:s29+$0x8010] =	vst v2;
	v2 =	vld [tilespmem:s29+$0x30]  }
0x7cb: {  	v1 =	vld.idx.msk [tilespmem:v1+s22+$0x0], $0xffff;
	_ =	sdelay $0x2  }
0x7cc: {  	v52 =	vld [tilespmem:s29+$0x8020]  }
0x7cd: {  	v2 =	vadd.s32 $0xFFFF6200, v2  }
0x7ce: {  	v1 =	vmul.f32 v3, v1;
	vm0 =	vlt.u32 v2, $0x9E00  }
0x7cf: {  	v2 =	vnsel vm0, $0x0, v2  }
0x7d0: {  	v1 =	vnsel vm1, $0x0, v1  }
0x7d1: {  	v1 =	vadd.f32 v1, v52  }
0x7d2: {  	v3 =	vld [tilespmem:s29+$0x4030]  }
0x7d3: {  	[tilespmem:s29+$0x8020] =	vst v1;
	v1 =	vld [tilespmem:s29+$0x40]  }
0x7d4: {  	v2 =	vld.idx.msk [tilespmem:v2+s22+$0x0], $0xffff;
	_ =	sdelay $0x2  }
0x7d5: {  	v53 =	vld [tilespmem:s29+$0x8030]  }
0x7d6: {  	v1 =	vadd.s32 $0xFFFF6200, v1  }
0x7d7: {  	v2 =	vmul.f32 v3, v2;
	vm1 =	vlt.u32 v1, $0x9E00  }
0x7d8: {  	v1 =	vnsel vm1, $0x0, v1  }
0x7d9: {  	v2 =	vnsel vm0, $0x0, v2  }
0x7da: {  	v2 =	vadd.f32 v2, v53  }
0x7db: {  	v3 =	vld [tilespmem:s29+$0x4040]  }
0x7dc: {  	[tilespmem:s29+$0x8030] =	vst v2;
	v2 =	vld [tilespmem:s29+$0x50]  }
0x7dd: {  	v1 =	vld.idx.msk [tilespmem:v1+s22+$0x0], $0xffff;
	_ =	sdelay $0x2  }
0x7de: {  	v54 =	vld [tilespmem:s29+$0x8040]  }
0x7df: {  	v2 =	vadd.s32 $0xFFFF6200, v2  }
0x7e0: {  	v1 =	vmul.f32 v3, v1;
	vm0 =	vlt.u32 v2, $0x9E00  }
0x7e1: {  	v2 =	vnsel vm0, $0x0, v2  }
0x7e2: {  	v1 =	vnsel vm1, $0x0, v1  }
0x7e3: {  	v1 =	vadd.f32 v1, v54  }
0x7e4: {  	v3 =	vld [tilespmem:s29+$0x4050]  }
0x7e5: {  	[tilespmem:s29+$0x8040] =	vst v1;
	v1 =	vld [tilespmem:s29+$0x60]  }
0x7e6: {  	v2 =	vld.idx.msk [tilespmem:v2+s22+$0x0], $0xffff;
	_ =	sdelay $0x2  }
0x7e7: {  	v55 =	vld [tilespmem:s29+$0x8050]  }
0x7e8: {  	v1 =	vadd.s32 $0xFFFF6200, v1  }
0x7e9: {  	v2 =	vmul.f32 v3, v2;
	vm1 =	vlt.u32 v1, $0x9E00  }
0x7ea: {  	v1 =	vnsel vm1, $0x0, v1  }
0x7eb: {  	v2 =	vnsel vm0, $0x0, v2  }
0x7ec: {  	v2 =	vadd.f32 v2, v55  }
0x7ed: {  	v3 =	vld [tilespmem:s29+$0x4060]  }
0x7ee: {  	[tilespmem:s29+$0x8050] =	vst v2;
	v2 =	vld [tilespmem:s29+$0x70]  }
0x7ef: {  	v1 =	vld.idx.msk [tilespmem:v1+s22+$0x0], $0xffff;
	_ =	sdelay $0x2  }
0x7f0: {  	v56 =	vld [tilespmem:s29+$0x8060]  }
0x7f1: {  	v2 =	vadd.s32 $0xFFFF6200, v2  }
0x7f2: {  	v1 =	vmul.f32 v3, v1;
	vm0 =	vlt.u32 v2, $0x9E00  }
0x7f3: {  	v2 =	vnsel vm0, $0x0, v2  }
0x7f4: {  	v1 =	vnsel vm1, $0x0, v1  }
0x7f5: {  	v1 =	vadd.f32 v1, v56;
	_ =	sdelay $0x1  }
0x7f6: {  	[tilespmem:s29+$0x8060] =	vst v1  }
0x7f7: {  	v1 =	vld.idx.msk [tilespmem:v2+s22+$0x0], $0xffff  }
0x7f8: {  	v2 =	vld [tilespmem:s29+$0x4070];
	_ =	sdelay $0x2  }
0x7f9: {  	v3 =	vld [tilespmem:s29+$0x8070];
	_ =	sdelay $0x1  }
0x7fa: {  	v1 =	vmul.f32 v2, v1;
	_ =	sdelay $0x1  }
0x7fb: {  	v1 =	vnsel vm0, $0x0, v1  }
0x7fc: {  	v1 =	vadd.f32 v1, v3;
	_ =	sdelay $0x1  }
0x7fd: {  	[tilespmem:s29+$0x8070] =	vst v1  }
0x7fe: {  	_ =	swait.ge [sflag:s21], $0x4AA0  }
0x7ff: {  	[sflag:s21] =	ssyncset.done $0x0  }
0x800: {  	s26 =	simm.s32 $0x0;
	[sflag:s21] =	ssyncadd.s32 $0xFFFFB560  }
0x801: {  	v1 =	vld [tilespmem:s26+$0x0];
	_ =	sdelay $0x4  }
0x802: {  	v1 =	vadd.s32 $0xFFFEC400, v1  }
0x803: {  	vm0 =	vlt.u32 v1, $0x4AA0  }
0x804: {  	v1 =	vnsel vm0, $0x0, v1;
	_ =	sdelay $0x2  }
0x805: {  	v2 =	vld [tilespmem:s26+$0x10]  }
0x806: {  	v3 =	vld [tilespmem:s26+$0x4000]  }
0x807: {  	v1 =	vld.idx.msk [tilespmem:v1+s20+$0x0], $0xffff;
	_ =	sdelay $0x2  }
0x808: {  	v57 =	vld [tilespmem:s26+$0x8000]  }
0x809: {  	v2 =	vadd.s32 $0xFFFEC400, v2  }
0x80a: {  	vm1 =	vlt.u32 v2, $0x4AA0;
	v1 =	vmul.f32 v3, v1  }
0x80b: {  	v2 =	vnsel vm1, $0x0, v2  }
0x80c: {  	v1 =	vnsel vm0, $0x0, v1  }
0x80d: {  	v1 =	vadd.f32 v1, v57  }
0x80e: {  	v3 =	vld [tilespmem:s26+$0x4010]  }
0x80f: {  	[tilespmem:s26+$0x8000] =	vst v1;
	v1 =	vld [tilespmem:s26+$0x20]  }
0x810: {  	v2 =	vld.idx.msk [tilespmem:v2+s20+$0x0], $0xffff;
	_ =	sdelay $0x2  }
0x811: {  	v58 =	vld [tilespmem:s26+$0x8010]  }
0x812: {  	v1 =	vadd.s32 $0xFFFEC400, v1  }
0x813: {  	v2 =	vmul.f32 v3, v2;
	vm0 =	vlt.u32 v1, $0x4AA0  }
0x814: {  	v1 =	vnsel vm0, $0x0, v1  }
0x815: {  	v2 =	vnsel vm1, $0x0, v2  }
0x816: {  	v2 =	vadd.f32 v2, v58  }
0x817: {  	v3 =	vld [tilespmem:s26+$0x4020]  }
0x818: {  	[tilespmem:s26+$0x8010] =	vst v2;
	v2 =	vld [tilespmem:s26+$0x30]  }
0x819: {  	v1 =	vld.idx.msk [tilespmem:v1+s20+$0x0], $0xffff;
	_ =	sdelay $0x2  }
0x81a: {  	v59 =	vld [tilespmem:s26+$0x8020]  }
0x81b: {  	v2 =	vadd.s32 $0xFFFEC400, v2  }
0x81c: {  	v1 =	vmul.f32 v3, v1;
	vm1 =	vlt.u32 v2, $0x4AA0  }
0x81d: {  	v2 =	vnsel vm1, $0x0, v2  }
0x81e: {  	v1 =	vnsel vm0, $0x0, v1  }
0x81f: {  	v1 =	vadd.f32 v1, v59  }
0x820: {  	v3 =	vld [tilespmem:s26+$0x4030]  }
0x821: {  	[tilespmem:s26+$0x8020] =	vst v1;
	v1 =	vld [tilespmem:s26+$0x40]  }
0x822: {  	v2 =	vld.idx.msk [tilespmem:v2+s20+$0x0], $0xffff;
	_ =	sdelay $0x2  }
0x823: {  	v60 =	vld [tilespmem:s26+$0x8030]  }
0x824: {  	v1 =	vadd.s32 $0xFFFEC400, v1  }
0x825: {  	v2 =	vmul.f32 v3, v2;
	vm0 =	vlt.u32 v1, $0x4AA0  }
0x826: {  	v1 =	vnsel vm0, $0x0, v1  }
0x827: {  	v2 =	vnsel vm1, $0x0, v2  }
0x828: {  	v2 =	vadd.f32 v2, v60  }
0x829: {  	v3 =	vld [tilespmem:s26+$0x4040]  }
0x82a: {  	[tilespmem:s26+$0x8030] =	vst v2;
	v2 =	vld [tilespmem:s26+$0x50]  }
0x82b: {  	v1 =	vld.idx.msk [tilespmem:v1+s20+$0x0], $0xffff;
	_ =	sdelay $0x2  }
0x82c: {  	v61 =	vld [tilespmem:s26+$0x8040]  }
0x82d: {  	v2 =	vadd.s32 $0xFFFEC400, v2  }
0x82e: {  	v1 =	vmul.f32 v3, v1;
	vm1 =	vlt.u32 v2, $0x4AA0  }
0x82f: {  	v2 =	vnsel vm1, $0x0, v2  }
0x830: {  	v1 =	vnsel vm0, $0x0, v1  }
0x831: {  	v1 =	vadd.f32 v1, v61  }
0x832: {  	v3 =	vld [tilespmem:s26+$0x4050]  }
0x833: {  	[tilespmem:s26+$0x8040] =	vst v1;
	v1 =	vld [tilespmem:s26+$0x60]  }
0x834: {  	v2 =	vld.idx.msk [tilespmem:v2+s20+$0x0], $0xffff;
	_ =	sdelay $0x2  }
0x835: {  	v62 =	vld [tilespmem:s26+$0x8050]  }
0x836: {  	v1 =	vadd.s32 $0xFFFEC400, v1  }
0x837: {  	v2 =	vmul.f32 v3, v2;
	vm0 =	vlt.u32 v1, $0x4AA0  }
0x838: {  	v1 =	vnsel vm0, $0x0, v1  }
0x839: {  	v2 =	vnsel vm1, $0x0, v2  }
0x83a: {  	v2 =	vadd.f32 v2, v62;
	_ =	sdelay $0x1  }
0x83b: {  	[tilespmem:s26+$0x8050] =	vst v2;
	v2 =	vld [tilespmem:s26+$0x4060]  }
0x83c: {  	v1 =	vld.idx.msk [tilespmem:v1+s20+$0x0], $0xffff  }
0x83d: {  	v3 =	vld [tilespmem:s26+$0x70];
	_ =	sdelay $0x3  }
0x83e: {  	v63 =	vld [tilespmem:s26+$0x8060];
	v1 =	vmul.f32 v2, v1  }
0x83f: {  	v2 =	vadd.s32 $0xFFFEC400, v3  }
0x840: {  	v1 =	vnsel vm0, $0x0, v1;
	vm0 =	vlt.u32 v2, $0x4AA0  }
0x841: {  	v2 =	vnsel vm0, $0x0, v2;
	_ =	sdelay $0x1  }
0x842: {  	v3 =	vadd.f32 v1, v63  }
0x843: {  	s29 =	simm.s32 $0x80  }
0x844: {  	s28 =	simm.s32 $0x400;
	v1 =	vld [tilespmem:s29+$0x0];
	[tilespmem:s26+$0x8060] =	vst v3  }
.LBB2_26:
0x845: {  	p0 =	sne.s32 s28, $0xFE00;
	v2 =	vld.idx.msk [tilespmem:v2+s20+$0x0], $0xffff  }
0x846: {  	v3 =	vld [tilespmem:s26+$0x4070];
	_ =	sdelay $0x2  }
0x847: {  	v4 =	vld [tilespmem:s26+$0x8070]  }
0x848: {  	v1 =	vadd.s32 $0xFFFEC400, v1  }
0x849: {  	vm1 =	vlt.u32 v1, $0x4AA0;
	v2 =	vmul.f32 v3, v2  }
0x84a: {  	v1 =	vnsel vm1, $0x0, v1  }
0x84b: {  	v2 =	vnsel vm0, $0x0, v2  }
0x84c: {  	v2 =	vadd.f32 v2, v4;
	_ =	sdelay $0x1  }
0x84d: {  	v3 =	vld [tilespmem:s29+$0x10];
	[tilespmem:s26+$0x8070] =	vst v2;
	s26 =	smov.u32 s29  }
0x84e: {  	v1 =	vld.idx.msk [tilespmem:v1+s20+$0x0], $0xffff  }
0x84f: {  	v2 =	vld [tilespmem:s26+$0x4000];
	_ =	sdelay $0x2  }
0x850: {  	v4 =	vld [tilespmem:s26+$0x8000]  }
0x851: {  	v3 =	vadd.s32 $0xFFFEC400, v3  }
0x852: {  	vm0 =	vlt.u32 v3, $0x4AA0;
	v1 =	vmul.f32 v2, v1  }
0x853: {  	v2 =	vnsel vm0, $0x0, v3  }
0x854: {  	v1 =	vnsel vm1, $0x0, v1  }
0x855: {  	v1 =	vadd.f32 v1, v4;
	_ =	sdelay $0x1  }
0x856: {  	[tilespmem:s26+$0x8000] =	vst v1;
	v1 =	vld [tilespmem:s26+$0x20]  }
0x857: {  	v2 =	vld.idx.msk [tilespmem:v2+s20+$0x0], $0xffff  }
0x858: {  	v3 =	vld [tilespmem:s26+$0x4010];
	_ =	sdelay $0x2  }
0x859: {  	v4 =	vld [tilespmem:s26+$0x8010]  }
0x85a: {  	v1 =	vadd.s32 $0xFFFEC400, v1  }
0x85b: {  	vm1 =	vlt.u32 v1, $0x4AA0;
	v2 =	vmul.f32 v3, v2  }
0x85c: {  	v1 =	vnsel vm1, $0x0, v1  }
0x85d: {  	v2 =	vnsel vm0, $0x0, v2  }
0x85e: {  	v2 =	vadd.f32 v2, v4;
	_ =	sdelay $0x1  }
0x85f: {  	[tilespmem:s26+$0x8010] =	vst v2;
	v2 =	vld [tilespmem:s26+$0x30]  }
0x860: {  	v1 =	vld.idx.msk [tilespmem:v1+s20+$0x0], $0xffff  }
0x861: {  	v3 =	vld [tilespmem:s26+$0x4020];
	_ =	sdelay $0x2  }
0x862: {  	v4 =	vld [tilespmem:s26+$0x8020]  }
0x863: {  	v2 =	vadd.s32 $0xFFFEC400, v2  }
0x864: {  	vm0 =	vlt.u32 v2, $0x4AA0;
	v1 =	vmul.f32 v3, v1  }
0x865: {  	v2 =	vnsel vm0, $0x0, v2  }
0x866: {  	v1 =	vnsel vm1, $0x0, v1  }
0x867: {  	v1 =	vadd.f32 v1, v4;
	_ =	sdelay $0x1  }
0x868: {  	[tilespmem:s26+$0x8020] =	vst v1;
	v1 =	vld [tilespmem:s26+$0x40]  }
0x869: {  	v2 =	vld.idx.msk [tilespmem:v2+s20+$0x0], $0xffff  }
0x86a: {  	v3 =	vld [tilespmem:s26+$0x4030];
	_ =	sdelay $0x2  }
0x86b: {  	v4 =	vld [tilespmem:s26+$0x8030]  }
0x86c: {  	v1 =	vadd.s32 $0xFFFEC400, v1  }
0x86d: {  	vm1 =	vlt.u32 v1, $0x4AA0;
	v2 =	vmul.f32 v3, v2  }
0x86e: {  	v1 =	vnsel vm1, $0x0, v1  }
0x86f: {  	v2 =	vnsel vm0, $0x0, v2  }
0x870: {  	v2 =	vadd.f32 v2, v4;
	_ =	sdelay $0x1  }
0x871: {  	[tilespmem:s26+$0x8030] =	vst v2;
	v2 =	vld [tilespmem:s26+$0x50]  }
0x872: {  	v1 =	vld.idx.msk [tilespmem:v1+s20+$0x0], $0xffff  }
0x873: {  	v3 =	vld [tilespmem:s26+$0x4040];
	_ =	sdelay $0x2  }
0x874: {  	v4 =	vld [tilespmem:s26+$0x8040]  }
0x875: {  	v2 =	vadd.s32 $0xFFFEC400, v2  }
0x876: {  	vm0 =	vlt.u32 v2, $0x4AA0;
	v1 =	vmul.f32 v3, v1  }
0x877: {  	v2 =	vnsel vm0, $0x0, v2  }
0x878: {  	v1 =	vnsel vm1, $0x0, v1  }
0x879: {  	v1 =	vadd.f32 v1, v4;
	_ =	sdelay $0x1  }
0x87a: {  	[tilespmem:s26+$0x8040] =	vst v1;
	v1 =	vld [tilespmem:s26+$0x60]  }
0x87b: {  	v2 =	vld.idx.msk [tilespmem:v2+s20+$0x0], $0xffff  }
0x87c: {  	v3 =	vld [tilespmem:s26+$0x4050];
	_ =	sdelay $0x2  }
0x87d: {  	v4 =	vld [tilespmem:s26+$0x8050]  }
0x87e: {  	v1 =	vadd.s32 $0xFFFEC400, v1  }
0x87f: {  	vm1 =	vlt.u32 v1, $0x4AA0;
	v2 =	vmul.f32 v3, v2  }
0x880: {  	v1 =	vnsel vm1, $0x0, v1  }
0x881: {  	v2 =	vnsel vm0, $0x0, v2  }
0x882: {  	v2 =	vadd.f32 v2, v4;
	_ =	sdelay $0x1  }
0x883: {  	[tilespmem:s26+$0x8050] =	vst v2;
	v2 =	vld [tilespmem:s26+$0x70]  }
0x884: {  	v1 =	vld.idx.msk [tilespmem:v1+s20+$0x0], $0xffff  }
0x885: {  	v3 =	vld [tilespmem:s26+$0x4060];
	_ =	sdelay $0x2  }
0x886: {  	v4 =	vld [tilespmem:s26+$0x8060]  }
0x887: {  	v2 =	vadd.s32 $0xFFFEC400, v2  }
0x888: {  	vm0 =	vlt.u32 v2, $0x4AA0;
	v1 =	vmul.f32 v3, v1  }
.Ltmp12:
0x889: {  	v2 =	vnsel vm0, $0x0, v2;
	(pc) =	sbr.rel @p0 .LBB2_26-.Ltmp12, $4  }
0x88a: {  	v1 =	vnsel vm1, $0x0, v1  }
0x88b: {  	v3 =	vadd.f32 v1, v4  }
0x88c: {  	s29 =	sshra.s32 s28, $0x2  }
0x88d: {  	s28 =	sadd.s32 $0x200, s28;
	v1 =	vld [tilespmem:s29+$0x0];
	[tilespmem:s26+$0x8060] =	vst v3  }
0x88e: {  	_ =	sdelay $0x3  }
0x88f: {  	v2 =	vld.idx.msk [tilespmem:v2+s20+$0x0], $0xffff  }
0x890: {  	v3 =	vld [tilespmem:s26+$0x4070];
	_ =	sdelay $0x2  }
0x891: {  	v4 =	vld [tilespmem:s26+$0x8070]  }
0x892: {  	v1 =	vadd.s32 $0xFFFEC400, v1  }
0x893: {  	vm1 =	vlt.u32 v1, $0x4AA0;
	v2 =	vmul.f32 v3, v2  }
0x894: {  	v1 =	vnsel vm1, $0x0, v1  }
0x895: {  	v2 =	vnsel vm0, $0x0, v2  }
0x896: {  	v2 =	vadd.f32 v2, v4;
	_ =	sdelay $0x1  }
0x897: {  	v3 =	vld [tilespmem:s29+$0x10];
	[tilespmem:s26+$0x8070] =	vst v2  }
0x898: {  	v1 =	vld.idx.msk [tilespmem:v1+s20+$0x0], $0xffff  }
0x899: {  	v2 =	vld [tilespmem:s29+$0x4000];
	_ =	sdelay $0x2  }
0x89a: {  	v57 =	vld [tilespmem:s29+$0x8000]  }
0x89b: {  	v3 =	vadd.s32 $0xFFFEC400, v3  }
0x89c: {  	vm9 =	vlt.u32 v3, $0x4AA0;
	v1 =	vmul.f32 v2, v1  }
0x89d: {  	v2 =	vnsel vm9, $0x0, v3  }
0x89e: {  	v1 =	vnsel vm1, $0x0, v1  }
0x89f: {  	v1 =	vadd.f32 v1, v57  }
0x8a0: {  	v3 =	vld [tilespmem:s29+$0x4010]  }
0x8a1: {  	[tilespmem:s29+$0x8000] =	vst v1;
	v1 =	vld [tilespmem:s29+$0x20]  }
0x8a2: {  	v2 =	vld.idx.msk [tilespmem:v2+s20+$0x0], $0xffff;
	_ =	sdelay $0x2  }
0x8a3: {  	v58 =	vld [tilespmem:s29+$0x8010]  }
0x8a4: {  	v1 =	vadd.s32 $0xFFFEC400, v1  }
0x8a5: {  	v2 =	vmul.f32 v3, v2;
	vm10 =	vlt.u32 v1, $0x4AA0  }
0x8a6: {  	v1 =	vnsel vm10, $0x0, v1  }
0x8a7: {  	v2 =	vnsel vm9, $0x0, v2  }
0x8a8: {  	v2 =	vadd.f32 v2, v58  }
0x8a9: {  	v3 =	vld [tilespmem:s29+$0x4020]  }
0x8aa: {  	[tilespmem:s29+$0x8010] =	vst v2;
	v2 =	vld [tilespmem:s29+$0x30]  }
0x8ab: {  	v1 =	vld.idx.msk [tilespmem:v1+s20+$0x0], $0xffff;
	_ =	sdelay $0x2  }
0x8ac: {  	v59 =	vld [tilespmem:s29+$0x8020]  }
0x8ad: {  	v2 =	vadd.s32 $0xFFFEC400, v2  }
0x8ae: {  	v1 =	vmul.f32 v3, v1;
	vm11 =	vlt.u32 v2, $0x4AA0  }
0x8af: {  	v2 =	vnsel vm11, $0x0, v2  }
0x8b0: {  	v1 =	vnsel vm10, $0x0, v1  }
0x8b1: {  	v1 =	vadd.f32 v1, v59  }
0x8b2: {  	v3 =	vld [tilespmem:s29+$0x4030]  }
0x8b3: {  	[tilespmem:s29+$0x8020] =	vst v1;
	v1 =	vld [tilespmem:s29+$0x40]  }
0x8b4: {  	v2 =	vld.idx.msk [tilespmem:v2+s20+$0x0], $0xffff;
	_ =	sdelay $0x2  }
0x8b5: {  	v60 =	vld [tilespmem:s29+$0x8030]  }
0x8b6: {  	v1 =	vadd.s32 $0xFFFEC400, v1  }
0x8b7: {  	v2 =	vmul.f32 v3, v2;
	vm12 =	vlt.u32 v1, $0x4AA0  }
0x8b8: {  	v1 =	vnsel vm12, $0x0, v1  }
0x8b9: {  	v2 =	vnsel vm11, $0x0, v2  }
0x8ba: {  	v2 =	vadd.f32 v2, v60  }
0x8bb: {  	v3 =	vld [tilespmem:s29+$0x4040]  }
0x8bc: {  	[tilespmem:s29+$0x8030] =	vst v2;
	v2 =	vld [tilespmem:s29+$0x50]  }
0x8bd: {  	v1 =	vld.idx.msk [tilespmem:v1+s20+$0x0], $0xffff;
	_ =	sdelay $0x2  }
0x8be: {  	v61 =	vld [tilespmem:s29+$0x8040]  }
0x8bf: {  	v2 =	vadd.s32 $0xFFFEC400, v2  }
0x8c0: {  	v1 =	vmul.f32 v3, v1;
	vm13 =	vlt.u32 v2, $0x4AA0  }
0x8c1: {  	v2 =	vnsel vm13, $0x0, v2  }
0x8c2: {  	v1 =	vnsel vm12, $0x0, v1  }
0x8c3: {  	v1 =	vadd.f32 v1, v61  }
0x8c4: {  	v3 =	vld [tilespmem:s29+$0x4050]  }
0x8c5: {  	[tilespmem:s29+$0x8040] =	vst v1;
	v1 =	vld [tilespmem:s29+$0x60]  }
0x8c6: {  	v2 =	vld.idx.msk [tilespmem:v2+s20+$0x0], $0xffff;
	_ =	sdelay $0x2  }
0x8c7: {  	v62 =	vld [tilespmem:s29+$0x8050]  }
0x8c8: {  	v1 =	vadd.s32 $0xFFFEC400, v1  }
0x8c9: {  	v2 =	vmul.f32 v3, v2;
	vm14 =	vlt.u32 v1, $0x4AA0  }
0x8ca: {  	v1 =	vnsel vm14, $0x0, v1  }
0x8cb: {  	v2 =	vnsel vm13, $0x0, v2  }
0x8cc: {  	v2 =	vadd.f32 v2, v62  }
0x8cd: {  	v3 =	vld [tilespmem:s29+$0x4060]  }
0x8ce: {  	[tilespmem:s29+$0x8050] =	vst v2;
	v2 =	vld [tilespmem:s29+$0x70]  }
0x8cf: {  	v1 =	vld.idx.msk [tilespmem:v1+s20+$0x0], $0xffff;
	_ =	sdelay $0x2  }
0x8d0: {  	v63 =	vld [tilespmem:s29+$0x8060]  }
0x8d1: {  	v2 =	vadd.s32 $0xFFFEC400, v2  }
0x8d2: {  	v1 =	vmul.f32 v3, v1;
	vm15 =	vlt.u32 v2, $0x4AA0  }
0x8d3: {  	v2 =	vnsel vm15, $0x0, v2  }
0x8d4: {  	v1 =	vnsel vm14, $0x0, v1  }
0x8d5: {  	v1 =	vadd.f32 v1, v63;
	_ =	sdelay $0x1  }
0x8d6: {  	[tilespmem:s29+$0x8060] =	vst v1  }
0x8d7: {  	v1 =	vld.idx.msk [tilespmem:v2+s20+$0x0], $0xffff  }
0x8d8: {  	v2 =	vld [tilespmem:s29+$0x4070];
	_ =	sdelay $0x2  }
0x8d9: {  	v3 =	vld [tilespmem:s29+$0x8070];
	_ =	sdelay $0x1  }
0x8da: {  	v1 =	vmul.f32 v2, v1;
	_ =	sdelay $0x1  }
0x8db: {  	v1 =	vnsel vm15, $0x0, v1  }
0x8dc: {  	s25 =	sadd.s32 $0x1, s25;
	v1 =	vadd.f32 v1, v3  }
0x8dd: {  	p0 =	sne.s32 s25, s18  }
.Ltmp13:
0x8de: {  	[tilespmem:s29+$0x8070] =	vst v1;
	(pc) =	sbr.rel @p0 .LBB2_1-.Ltmp13, $4  }
0x8df: {  	[hbm4b:s17+s4] =	stream.linear.scatter [tilespmem:s24], [sflag:$0x3], $0x4000, $0x38;
	[tilespmem:$0x1FC00] =	vst v63  }
0x8e0: {  	_ =	swait.ge [sflag:s19], $0x4000  }
0x8e1: {  	[sflag:s19] =	ssyncset.done $0x0  }
0x8e2: {  	[sflag:s19] =	ssyncadd.s32 $0xFFFFC000  }
0x8e3: {  	_ =	sfence.sel $0x180000  }
0x8e4: {  	[bflag:$0x0] =	sbarrier.arrive $0xFFFF  }
0x8e5: {  	p0 =	sne.s32 s2, $0x0;
	_ =	strace $0x90000047  }
0x8e6: {  	s0 =	sadd.s32 @!p0 $0x100000, s0;
	[bflag:$0x2] =	sbarrier.arrive $0xFFFF  }
0x8e7: {  	[sflag:s0] =	ssyncadd.tile.s32 @!p0 $0x1;
	_ =	shalt  }
.Lfunc_end2:
_tile_overlayer_lowered:
.L_overlay_start_2:
0x8e8: {  	(tag) =	ssettag $0x2  }
0x8e9: {  	s0 =	rddreg [dreg:$0x0];
	s2 =	stileid.u32  }
0x8ea: {  	s1 =	rddreg [dreg:$0x1];
	p0 =	sne.s32 s2, $0x0  }
0x8eb: {  	s3 =	rddreg [dreg:$0x2];
	[bflag:$0x3] =	sbarrier.arrive $0xFFFF;
	s2 =	simm.s32 @!p0 $0x1C03  }
0x8ec: {  	[timem:s3], [sflag:s2] =	dma.local @!p0 [hbm:s0], s1  }
0x8ed: {  	s0 =	simm.s32 @!p0 $0x3  }
0x8ee: {  	_ =	swait.ge @!p0 [sflag:s0], s1  }
0x8ef: {  	s1 =	ssub.s32 @!p0 $0x0, s1;
	[sflag:s0] =	ssyncset.done @!p0 $0x0  }
0x8f0: {  	[sflag:s0] =	ssyncadd.s32 @!p0 s1  }
0x8f1: {  	[bflag:$0x3] =	sbarrier.arrive $0xFFFF  }
0x8f2: {  	_ =	shalt  }

// kernel: kernel.7.cloned.1.call-start
scs
__scs_entry_jumppad:
0x0: {  	(pc) =	sbr.rel $0x88, $3  }
0x1: {  	(tag) =	ssettag $0x0;
	lr =	simm.s32 $0x1  }
0x2: {  	[smem:$0x3F9D] =	sst lr;
	_ =	strace $0xD0000000  }
0x3: {  	_ = 	snop  }
0x4: {  	_ = 	snop  }
0x5: {  	_ = 	snop  }
0x6: {  	_ = 	snop  }
0x7: {  	_ = 	snop  }
__scs_overlays_trampoline_lowered:
0x8: {  	[smem:$0x3FAC] =	sst s0  }
0x9: {  	[smem:$0x3FAD] =	sst s1  }
0xa: {  	[smem:$0x3FAE] =	sst s2  }
0xb: {  	[smem:$0x3FAF] =	sst s3  }
0xc: {  	[smem:$0x3FB0] =	sst s4  }
0xd: {  	[smem:$0x3FB1] =	sst s5  }
0xe: {  	[smem:$0x3FB2] =	sst s6  }
0xf: {  	[smem:$0x3FB3] =	sst s7  }
0x10: {  	[smem:$0x3FB4] =	sst s8  }
0x11: {  	[smem:$0x3FB5] =	sst s9;
	s0 =	simm.s32 @!p0 $0x0  }
0x12: {  	s1 =	sld [smem:$0x3F9B];
	s0 =	simm.s32 @p0 $0x1  }
0x13: {  	[smem:$0x3FB6] =	sst s0;
	s0 =	simm.s32 @!p1 $0x0  }
0x14: {  	s2 =	sld [smem:$0x3F9A];
	s0 =	simm.s32 @p1 $0x1  }
0x15: {  	[smem:$0x3FB7] =	sst s0;
	s0 =	simm.s32 @!p2 $0x0  }
0x16: {  	s3 =	sld [smem:$0x3FDB];
	s0 =	simm.s32 @p2 $0x1  }
0x17: {  	s4 =	simm.s32 $0x1BF5;
	[smem:$0x3FB9] =	sst s0  }
0x18: {  	s0 =	sld [smem:$0x3F9C];
	_ =	swait.ge [sflag:s4], $0x0  }
0x19: {  	s7 =	sld [smem:$0x3F9D]  }
0x1a: {  	s8 =	sadd.s32 $0xFFFFE003, lr  }
0x1b: {  	s9 =	sadd.s32 $0xFFFFFEF7, lr;
	s5 =	simm.s32 $0xFFFFFFFF;
	p2 =	slt.u32 s8, $0xFFFFF086  }
0x1c: {  	p1 =	slt.u32 s9, $0xF7A;
	s5 =	simm.s32 @!p2 $0x0  }
0x1d: {  	s5 =	simm.s32 @p1 $0x1;
	p0 =	seq.s32 s7, s2  }
0x1e: {  	s7 =	smul.u32 @!p0 $0xF7A, s2;
	p2 =	seq.s32 @!p0 s5, $0x0  }
0x1f: {  	s9 =	smul.u32 $0xF7A, s1;
	s8 =	simm.s32 @!p0 $0x1BF5;
	p2 =	por !p2, p0  }
0x20: {  	[sflag:s8] =	ssyncset.s32 @!p0 $0xFFFFF086;
	s6 =	sadd.s32 @!p0 s3, s7;
	s7 =	simm.s32 @!p0 $0x108  }
0x21: {  	s3 =	sadd.s32 s3, s9;
	s6 =	sadd.s32 @!p0 $0x88, s6;
	s7 =	simm.s32 @p2 $0x1082  }
0x22: {  	[simem:s7], [sflag:s8] =	dma.local @!p0 [hbm:s6], $0xF7A  }
0x23: {  	s9 =	sor.u32 $0xD0000000, s2;
	s6 =	simm.s32 $0x108;
	_ =	swait.ge @!p0 [sflag:s8], $0x0  }
0x24: {  	s3 =	sadd.s32 $0x88, s3;
	s6 =	simm.s32 @!p1 $0x1082;
	[sflag:s4] =	ssyncset.s32 $0xFFFFF086  }
0x25: {  	[simem:s6], [sflag:s4] =	dma.local [hbm:s3], $0xF7A  }
0x26: {  	[smem:$0x3F9D] =	sst s1;
	(tag) =	ssettag s2;
	_ =	strace s9  }
0x27: {  	s1 =	sld [smem:$0x3FAD]  }
0x28: {  	s2 =	sld [smem:$0x3FAE]  }
0x29: {  	s4 =	sld [smem:$0x3FB0]  }
0x2a: {  	p0 =	seq.s32 s5, $0x0;
	s5 =	sld [smem:$0x3FB1]  }
0x2b: {  	s6 =	sld [smem:$0x3FB2]  }
0x2c: {  	s7 =	sld [smem:$0x3FB3]  }
0x2d: {  	s3 =	simm.s32 $0x108;
	s8 =	sld [smem:$0x3FB4]  }
0x2e: {  	s3 =	simm.s32 @!p0 $0x1082;
	s9 =	sld [smem:$0x3FB5]  }
0x2f: {  	lr =	sadd.s32 s0, s3;
	s0 =	sld [smem:$0x3FAC]  }
0x30: {  	s3 =	sld [smem:$0x3FAF]  }
0x31: {  	[smem:$0x3FB8] =	sst s10  }
0x32: {  	s10 =	sld [smem:$0x3FB6];
	_ =	sdelay $0x3  }
0x33: {  	p0 =	seq.s32 s10, $0x1;
	s10 =	sld [smem:$0x3FB8];
	_ =	sdelay $0x3  }
0x34: {  	[smem:$0x3FB8] =	sst s10  }
0x35: {  	s10 =	sld [smem:$0x3FB7];
	_ =	sdelay $0x3  }
0x36: {  	p1 =	seq.s32 s10, $0x1;
	s10 =	sld [smem:$0x3FB8];
	_ =	sdelay $0x3  }
0x37: {  	[smem:$0x3FB8] =	sst s10  }
0x38: {  	s10 =	sld [smem:$0x3FB9]  }
0x39: {  	_ = 	snop;
	(pc) =	sbr.ind lr, $3  }
0x3a: {  	_ = 	snop  }
0x3b: {  	_ = 	snop  }
0x3c: {  	p2 =	seq.s32 s10, $0x1;
	s10 =	sld [smem:$0x3FB8]  }
0x3d: {  	_ =	shalt  }
0x3e: {  	_ =	shalt  }
0x3f: {  	_ =	shalt  }
0x40: {  	_ =	shalt  }
0x41: {  	_ =	shalt  }
0x42: {  	_ =	shalt  }
0x43: {  	_ =	shalt  }
0x44: {  	_ =	shalt  }
0x45: {  	_ =	shalt  }
0x46: {  	_ =	shalt  }
0x47: {  	_ =	shalt  }
0x48: {  	_ =	shalt  }
0x49: {  	_ =	shalt  }
0x4a: {  	_ =	shalt  }
0x4b: {  	_ =	shalt  }
0x4c: {  	_ =	shalt  }
0x4d: {  	_ =	shalt  }
0x4e: {  	_ =	shalt  }
0x4f: {  	_ =	shalt  }
0x50: {  	_ =	shalt  }
0x51: {  	_ =	shalt  }
0x52: {  	_ =	shalt  }
0x53: {  	_ =	shalt  }
0x54: {  	_ =	shalt  }
0x55: {  	_ =	shalt  }
0x56: {  	_ =	shalt  }
0x57: {  	_ =	shalt  }
0x58: {  	_ =	shalt  }
0x59: {  	_ =	shalt  }
0x5a: {  	_ =	shalt  }
0x5b: {  	_ =	shalt  }
0x5c: {  	_ =	shalt  }
0x5d: {  	_ =	shalt  }
0x5e: {  	_ =	shalt  }
0x5f: {  	_ =	shalt  }
0x60: {  	_ =	shalt  }
0x61: {  	_ =	shalt  }
0x62: {  	_ =	shalt  }
0x63: {  	_ =	shalt  }
0x64: {  	_ =	shalt  }
0x65: {  	_ =	shalt  }
0x66: {  	_ =	shalt  }
0x67: {  	_ =	shalt  }
0x68: {  	_ =	shalt  }
0x69: {  	_ =	shalt  }
0x6a: {  	_ =	shalt  }
0x6b: {  	_ =	shalt  }
0x6c: {  	_ =	shalt  }
0x6d: {  	_ =	shalt  }
0x6e: {  	_ =	shalt  }
0x6f: {  	_ =	shalt  }
0x70: {  	_ =	shalt  }
0x71: {  	_ =	shalt  }
0x72: {  	_ =	shalt  }
0x73: {  	_ =	shalt  }
0x74: {  	_ =	shalt  }
0x75: {  	_ =	shalt  }
0x76: {  	_ =	shalt  }
0x77: {  	_ =	shalt  }
0x78: {  	_ =	shalt  }
0x79: {  	_ =	shalt  }
0x7a: {  	_ =	shalt  }
0x7b: {  	_ =	shalt  }
0x7c: {  	_ =	shalt  }
0x7d: {  	_ =	shalt  }
0x7e: {  	_ =	shalt  }
0x7f: {  	_ =	shalt  }
0x80: {  	_ =	shalt  }
0x81: {  	_ =	shalt  }
0x82: {  	_ =	shalt  }
0x83: {  	_ =	shalt  }
0x84: {  	_ =	shalt  }
0x85: {  	_ =	shalt  }
0x86: {  	_ =	shalt  }
0x87: {  	_ =	shalt  }
.Lfunc_end0:
.L_simem_size_0:
called_computation.1_lowered:
.L_overlay_start_0:
0x88: {  	s2 =	sld [smem:$0x3FD9]  }
0x89: {  	s3 =	sld [smem:$0x3FFE];
	_ =	sdelay $0x1  }
0x8a: {  	s1 =	srdreg.scid  }
0x8b: {  	s0 =	sand.u32 $0x1, s1  }
0x8c: {  	s17 =	sshll.u32 s0, $0xA;
	s2 =	sadd.s32 s3, s2  }
0x8d: {  	s2 =	sadd.s32 s2, s17  }
0x8e: {  	[smem:$0x3FC4] =	sst s2  }
0x8f: {  	_ = 	snop  }
0x90: {  	s2 =	sld [smem:$0x3FD0];
	(tm) =	ssettm $0x1  }
0x91: {  	s18 =	sld [smem:$0x3FFB];
	_ =	sdelay $0x3  }
0x92: {  	_ =	strace s18  }
0x93: {  	s3 =	sld [smem:$0x3FFC];
	_ =	sdelay $0x3  }
0x94: {  	_ =	strace s3  }
0x95: {  	s3 =	sld [smem:$0x3FFD];
	_ =	sdelay $0x3  }
0x96: {  	_ =	strace s3  }
0x97: {  	_ =	strace $0x8FFFFFFF  }
0x98: {  	s19 =	sld [smem:$0x3FDB];
	_ =	sdelay $0x1  }
0x99: {  	s4 =	simm.s32 $_scs_section_size  }
0x9a: {  	s5 =	simm.s32 $_size__tile_overlayer_lowered;
	s6 =	simm.s32 $_tile_overlayer_lowered  }
0x9b: {  	s22 =	simm.s32 $0x1BFF;
	s21 =	sshll.u32 s6, $0x1;
	s3 =	sadd.s32 s4, s19  }
0x9c: {  	s7 =	simm.s32 $0x0;
	s20 =	sshll.u32 s5, $0x1;
	s5 =	sadd.s32 s21, s3  }
0x9d: {  	[timem:s7], [sflag:s22] =	dma.local [hbm:s5], s20  }
0x9e: {  	_ =	swait.ge [sflag:s22], s20  }
0x9f: {  	s4 =	ssub.s32 $0x0, s20;
	[sflag:s22] =	ssyncset.done $0x0  }
0xa0: {  	[sflag:s22] =	ssyncadd.s32 s4;
	_ =	sdelay $0x1  }
0xa1: {  	s23 =	simm.s32 $0x1B8B  }
0xa2: {  	_ =	swait.ge [sflag:s23], $0x1  }
0xa3: {  	[sflag:s23] =	ssyncset.done $0x0  }
0xa4: {  	s25 =	simm.s32 $0x1B8E;
	s24 =	sld [smem:$0x3FFE];
	[sflag:s23] =	ssyncadd.s32 $0xFFFFFFFF  }
0xa5: {  	s26 =	simm.s32 $execute0_lowered;
	[smem:$0x3FD2] =	sst s25  }
0xa6: {  	s5 =	sshll.u32 s26, $0x1;
	_ =	strace $0x80000049;
	[dreg:$0x1] =	wrdreg $0xFFFFFFFF  }
0xa7: {  	s28 =	simm.s32 $_size_execute0_lowered;
	s3 =	sadd.s32 s3, s5;
	[dreg:$0x0] =	wrdreg $0x0  }
0xa8: {  	s5 =	sshll.u32 s28, $0x1;
	[dreg:$0x2] =	wrdreg s3  }
0xa9: {  	[dreg:$0x3] =	wrdreg s5  }
0xaa: {  	[dreg:$0x4] =	wrdreg $0xC0  }
0xab: {  	_ =	task [dreg:s7], $0x5FFFF  }
0xac: {  	[dreg:$0x1] =	wrdreg $0xFFFFFFFF  }
0xad: {  	[dreg:$0x0] =	wrdreg $0x60  }
0xae: {  	[dreg:$0x2] =	wrdreg s24  }
0xaf: {  	[dreg:$0x3] =	wrdreg s2  }
0xb0: {  	[dreg:$0x4] =	wrdreg $0x9  }
0xb1: {  	_ =	task.clear_ibuf [dreg:s7], $0x5FFFF;
	_ =	strace $0x90000049  }
0xb2: {  	s29 =	simm.s32 $0x9;
	_ =	strace $0x8000004B  }
0xb3: {  	_ =	swait.ge [sflag:s29], $0x1  }
0xb4: {  	[sflag:s29] =	ssyncadd.s32 $0xFFFFFFFF  }
0xb5: {  	_ =	strace $0x9000004B  }
0xb6: {  	_ =	sfence  }
0xb7: {  	s30 =	sld [smem:$0x0];
	_ =	sdelay $0x2  }
0xb8: {  	s31 =	sshll.u32 s1, $0xD;
	s1 =	sshrl.u32 s1, $0x2  }
0xb9: {  	s3 =	sand.u32 $0x4000, s31;
	s1 =	sadd.s32 s1, s30  }
0xba: {  	s0 =	sor.u32 s3, s0;
	s1 =	sshll.u32 s1, $0x11  }
0xbb: {  	s0 =	sor.u32 s1, s0  }
0xbc: {  	s0 =	sadd.s32 $0x8F2B, s0  }
0xbd: {  	[sflag:s0] =	ssyncadd.remote.s32 $0x1  }
0xbe: {  	_ =	sfence.sel $0xFFFF  }
0xbf: {  	[dreg:$0x0] =	wrdreg $0xFFFFFFFF;
	(pc) =	sbr.abs _section_cstart, $3  }
0xc0: {  	[dreg:$0x1] =	wrdreg $0xFFFFFFFF  }
0xc1: {  	_ =	task.clear_ibuf [dreg:s7], $0x2FFFF;
	_ =	strace $0x9FFFFFFF  }
0xc2: {  	(tm) =	ssettm $0x7FFFFFFF  }
0xc3: {  	_ =	shalt  }
tec
execute0_lowered:
.L_overlay_start_1:
0x0: {  	(tag) =	ssettag $0x1  }
0x1: {  	s3 =	rddreg [dreg:$0x0]  }
0x2: {  	s4 =	rddreg [dreg:$0x1];
	s2 =	srdreg.scid  }
0x3: {  	s0 =	rddreg [dreg:$0x2];
	s1 =	stileid.u32;
	s8 =	simm.s32 $0x1  }
0x4: {  	s9 =	simm.s32 $0x2;
	s10 =	simm.s32 $0x0;
	s5 =	sand.u32 $0x1, s2  }
0x5: {  	s2 =	simm.s32 $0x0;
	s6 =	sshll.u32 s1, $0x7;
	s7 =	sshll.u32 s5, $0x6  }
0x6: {  	[smem:$0x7FF] =	sst s2;
	s5 =	ssub.s32 $0x2, s5;
	s6 =	sor.u32 s7, s6  }
0x7: {  	_ =	strace $0x8000004A;
	s31 =	sshrl.u32 s5, $0x1;
	s7 =	simm.s32 $0x4000  }
0x8: {  	s3 =	sadd.s32 s6, s3;
	s5 =	ssub.s32 s5, s31;
	s4 =	sadd.s32 s4, s6  }
0x9: {  	s6 =	simm.s32 $0x200;
	s3 =	sadd.s32 $0x187600, s3;
	s5 =	smax.u32 s5, $0x1  }
.LBB2_1:
0xa: {  	[tilespmem:s2], [sflag:$0x1] =	stream.strided.gather [hbm4b:s3+s6], $0x4000, s7, s6, $0x38;
	[tilespmem:$0x4200] =	vst v63  }
0xb: {  	_ =	swait.ge [sflag:s8], $0x4000  }
0xc: {  	[sflag:s8] =	ssyncset.done $0x0  }
0xd: {  	s12 =	simm.s32 $0x0;
	[sflag:s8] =	ssyncadd.s32 $0xFFFFC000  }
0xe: {  	v0 =	vld [tilespmem:s12+$0x0];
	_ =	sdelay $0x1  }
0xf: {  	v1 =	vld [tilespmem:s12+$0x200];
	_ =	sdelay $0x1  }
0x10: {  	v2 =	vld [tilespmem:s12+$0x400]  }
0x11: {  	v0 =	vadd.f32 $0.0e+00, v0  }
0x12: {  	v3 =	vld [tilespmem:s12+$0x600]  }
0x13: {  	v0 =	vadd.f32 v1, v0  }
0x14: {  	v1 =	vld [tilespmem:s12+$0x800]  }
0x15: {  	v0 =	vadd.f32 v2, v0  }
0x16: {  	v2 =	vld [tilespmem:s12+$0xA00]  }
0x17: {  	v0 =	vadd.f32 v3, v0  }
0x18: {  	v3 =	vld [tilespmem:s12+$0xC00]  }
0x19: {  	v0 =	vadd.f32 v1, v0  }
0x1a: {  	v1 =	vld [tilespmem:s12+$0xE00]  }
0x1b: {  	v0 =	vadd.f32 v2, v0  }
0x1c: {  	v2 =	vld [tilespmem:s12+$0x1000]  }
0x1d: {  	v0 =	vadd.f32 v3, v0  }
0x1e: {  	v3 =	vld [tilespmem:s12+$0x1200]  }
0x1f: {  	v0 =	vadd.f32 v1, v0  }
0x20: {  	v1 =	vld [tilespmem:s12+$0x1400]  }
0x21: {  	v0 =	vadd.f32 v2, v0  }
0x22: {  	v2 =	vld [tilespmem:s12+$0x1600]  }
0x23: {  	v0 =	vadd.f32 v3, v0  }
0x24: {  	v3 =	vld [tilespmem:s12+$0x1800]  }
0x25: {  	v0 =	vadd.f32 v1, v0  }
0x26: {  	v1 =	vld [tilespmem:s12+$0x1A00]  }
0x27: {  	v0 =	vadd.f32 v2, v0  }
0x28: {  	v2 =	vld [tilespmem:s12+$0x1C00]  }
0x29: {  	v0 =	vadd.f32 v3, v0  }
0x2a: {  	s11 =	simm.s32 $0x10;
	v3 =	vld [tilespmem:s12+$0x1E00]  }
0x2b: {  	v4 =	vld [tilespmem:s11+$0x0];
	v0 =	vadd.f32 v1, v0  }
0x2c: {  	v1 =	vld [tilespmem:s12+$0x2000]  }
0x2d: {  	v5 =	vld [tilespmem:s11+$0x200];
	v0 =	vadd.f32 v2, v0  }
0x2e: {  	v2 =	vld [tilespmem:s12+$0x2200]  }
0x2f: {  	v6 =	vld [tilespmem:s11+$0x400];
	v0 =	vadd.f32 v3, v0  }
0x30: {  	v3 =	vld [tilespmem:s12+$0x2400]  }
0x31: {  	v7 =	vld [tilespmem:s11+$0x600];
	v4 =	vadd.f32 $0.0e+00, v4;
	v0 =	vadd.f32 v1, v0  }
0x32: {  	v1 =	vld [tilespmem:s12+$0x2600]  }
0x33: {  	v4 =	vadd.f32 v5, v4;
	v5 =	vld [tilespmem:s11+$0x800];
	v0 =	vadd.f32 v2, v0  }
0x34: {  	v2 =	vld [tilespmem:s12+$0x2800]  }
0x35: {  	v4 =	vadd.f32 v6, v4;
	v6 =	vld [tilespmem:s11+$0xA00];
	v0 =	vadd.f32 v3, v0  }
0x36: {  	v3 =	vld [tilespmem:s12+$0x2A00]  }
0x37: {  	v4 =	vadd.f32 v7, v4;
	v7 =	vld [tilespmem:s11+$0xC00];
	v0 =	vadd.f32 v1, v0  }
0x38: {  	v1 =	vld [tilespmem:s12+$0x2C00]  }
0x39: {  	v4 =	vadd.f32 v5, v4;
	v5 =	vld [tilespmem:s11+$0xE00];
	v0 =	vadd.f32 v2, v0  }
0x3a: {  	v2 =	vld [tilespmem:s12+$0x2E00]  }
0x3b: {  	v4 =	vadd.f32 v6, v4;
	v6 =	vld [tilespmem:s11+$0x1000];
	v0 =	vadd.f32 v3, v0  }
0x3c: {  	v3 =	vld [tilespmem:s12+$0x3000]  }
0x3d: {  	v4 =	vadd.f32 v7, v4;
	v7 =	vld [tilespmem:s11+$0x1200];
	v0 =	vadd.f32 v1, v0  }
0x3e: {  	v1 =	vld [tilespmem:s12+$0x3200]  }
0x3f: {  	v4 =	vadd.f32 v5, v4;
	v5 =	vld [tilespmem:s11+$0x1400];
	v0 =	vadd.f32 v2, v0  }
0x40: {  	v2 =	vld [tilespmem:s12+$0x3400]  }
0x41: {  	v4 =	vadd.f32 v6, v4;
	v6 =	vld [tilespmem:s11+$0x1600];
	v0 =	vadd.f32 v3, v0  }
0x42: {  	v3 =	vld [tilespmem:s12+$0x3600]  }
0x43: {  	v4 =	vadd.f32 v7, v4;
	v7 =	vld [tilespmem:s11+$0x1800];
	v0 =	vadd.f32 v1, v0  }
0x44: {  	v1 =	vld [tilespmem:s12+$0x3800]  }
0x45: {  	v8 =	vld [tilespmem:s12+$0x3A00];
	v4 =	vadd.f32 v5, v4;
	v0 =	vadd.f32 v2, v0  }
0x46: {  	v2 =	vld [tilespmem:s11+$0x1A00]  }
0x47: {  	v4 =	vadd.f32 v6, v4;
	v5 =	vadd.f32 v3, v0;
	v0 =	vld [tilespmem:s12+$0x3C00]  }
0x48: {  	v3 =	vld [tilespmem:s11+$0x1C00]  }
0x49: {  	v6 =	vadd.f32 v7, v4;
	v4 =	vld [tilespmem:s11+$0x1E00];
	v7 =	vadd.f32 v1, v5  }
0x4a: {  	v1 =	vld [tilespmem:s12+$0x3E00]  }
0x4b: {  	s13 =	simm.s32 $0x20;
	s14 =	simm.s32 $0xC0;
	v5 =	vadd.f32 v2, v6;
	v2 =	vld [tilespmem:s11+$0x2000];
	v6 =	vadd.f32 v8, v7  }
.LBB2_2:
0x4c: {  	p0 =	sne.s32 s14, $0x7C0;
	v7 =	vld [tilespmem:s13+$0x0]  }
0x4d: {  	v3 =	vadd.f32 v3, v5;
	v5 =	vld [tilespmem:s11+$0x2200];
	v0 =	vadd.f32 v0, v6  }
0x4e: {  	v6 =	vld [tilespmem:s13+$0x200]  }
0x4f: {  	v3 =	vadd.f32 v4, v3;
	v4 =	vld [tilespmem:s11+$0x2400];
	v0 =	vadd.f32 v1, v0  }
0x50: {  	v1 =	vld [tilespmem:s13+$0x400]  }
0x51: {  	v7 =	vadd.f32 $0.0e+00, v7;
	v2 =	vadd.f32 v2, v3;
	v3 =	vld [tilespmem:s11+$0x2600];
	[tilespmem:s12+$0x4000] =	vst v0;
	s12 =	smov.u32 s11;
	s11 =	smov.u32 s13  }
0x52: {  	v0 =	vld [tilespmem:s11+$0x600]  }
0x53: {  	v6 =	vadd.f32 v6, v7;
	v2 =	vadd.f32 v5, v2;
	v5 =	vld [tilespmem:s12+$0x2800]  }
0x54: {  	v7 =	vld [tilespmem:s11+$0x800]  }
0x55: {  	v1 =	vadd.f32 v1, v6;
	v2 =	vadd.f32 v4, v2;
	v4 =	vld [tilespmem:s12+$0x2A00]  }
0x56: {  	v6 =	vld [tilespmem:s11+$0xA00]  }
0x57: {  	v0 =	vadd.f32 v0, v1;
	v1 =	vadd.f32 v3, v2;
	v2 =	vld [tilespmem:s12+$0x2C00]  }
0x58: {  	v3 =	vld [tilespmem:s11+$0xC00]  }
0x59: {  	v0 =	vadd.f32 v7, v0;
	v1 =	vadd.f32 v5, v1;
	v5 =	vld [tilespmem:s12+$0x2E00]  }
0x5a: {  	v7 =	vld [tilespmem:s11+$0xE00]  }
0x5b: {  	v0 =	vadd.f32 v6, v0;
	v1 =	vadd.f32 v4, v1;
	v4 =	vld [tilespmem:s12+$0x3000]  }
0x5c: {  	v6 =	vld [tilespmem:s11+$0x1000]  }
0x5d: {  	v0 =	vadd.f32 v3, v0;
	v1 =	vadd.f32 v2, v1;
	v2 =	vld [tilespmem:s12+$0x3200]  }
0x5e: {  	v3 =	vld [tilespmem:s11+$0x1200]  }
0x5f: {  	v0 =	vadd.f32 v7, v0;
	v1 =	vadd.f32 v5, v1;
	v5 =	vld [tilespmem:s12+$0x3400]  }
0x60: {  	v7 =	vld [tilespmem:s11+$0x1400]  }
0x61: {  	v0 =	vadd.f32 v6, v0;
	v1 =	vadd.f32 v4, v1;
	v4 =	vld [tilespmem:s12+$0x3600]  }
0x62: {  	v6 =	vld [tilespmem:s11+$0x1600]  }
0x63: {  	v0 =	vadd.f32 v3, v0;
	v1 =	vadd.f32 v2, v1;
	v2 =	vld [tilespmem:s12+$0x3800]  }
0x64: {  	v8 =	vld [tilespmem:s11+$0x1800]  }
0x65: {  	v0 =	vadd.f32 v7, v0;
	v1 =	vadd.f32 v5, v1;
	v7 =	vld [tilespmem:s12+$0x3A00]  }
0x66: {  	v5 =	vld [tilespmem:s11+$0x1A00]  }
.Ltmp0:
0x67: {  	v6 =	vadd.f32 v6, v0;
	v1 =	vadd.f32 v4, v1;
	v0 =	vld [tilespmem:s12+$0x3C00];
	(pc) =	sbr.rel @p0 .LBB2_2-.Ltmp0, $4  }
0x68: {  	v3 =	vld [tilespmem:s11+$0x1C00]  }
0x69: {  	v6 =	vadd.f32 v8, v6;
	v8 =	vadd.f32 v2, v1;
	v1 =	vld [tilespmem:s12+$0x3E00]  }
0x6a: {  	v4 =	vld [tilespmem:s11+$0x1E00]  }
0x6b: {  	s13 =	sshra.s32 s14, $0x2;
	s14 =	sadd.s32 $0x40, s14;
	v5 =	vadd.f32 v5, v6;
	v2 =	vld [tilespmem:s11+$0x2000];
	v6 =	vadd.f32 v7, v8  }
0x6c: {  	v7 =	vld [tilespmem:s13+$0x0]  }
0x6d: {  	v8 =	vld [tilespmem:s11+$0x2200];
	v0 =	vadd.f32 v0, v6  }
0x6e: {  	v20 =	vld [tilespmem:s13+$0x200]  }
0x6f: {  	v9 =	vld [tilespmem:s11+$0x2400];
	v3 =	vadd.f32 v3, v5;
	v0 =	vadd.f32 v1, v0  }
0x70: {  	v21 =	vld [tilespmem:s13+$0x400]  }
0x71: {  	v22 =	vld [tilespmem:s11+$0x2600];
	v3 =	vadd.f32 v4, v3;
	v23 =	vadd.f32 $0.0e+00, v7;
	[tilespmem:s12+$0x4000] =	vst v0  }
0x72: {  	v0 =	vld [tilespmem:s13+$0x600]  }
0x73: {  	v2 =	vadd.f32 v2, v3;
	v24 =	vadd.f32 v20, v23  }
0x74: {  	v25 =	vld [tilespmem:s13+$0x800]  }
0x75: {  	v26 =	vld [tilespmem:s11+$0x2800];
	v2 =	vadd.f32 v8, v2;
	v1 =	vadd.f32 v21, v24  }
0x76: {  	v27 =	vld [tilespmem:s13+$0xA00]  }
0x77: {  	v28 =	vld [tilespmem:s11+$0x2A00];
	v2 =	vadd.f32 v9, v2;
	v0 =	vadd.f32 v0, v1  }
0x78: {  	v29 =	vld [tilespmem:s13+$0xC00]  }
0x79: {  	v30 =	vld [tilespmem:s11+$0x2C00];
	v2 =	vadd.f32 v22, v2;
	v0 =	vadd.f32 v25, v0  }
0x7a: {  	v31 =	vld [tilespmem:s13+$0xE00]  }
0x7b: {  	v32 =	vld [tilespmem:s11+$0x2E00];
	v2 =	vadd.f32 v26, v2;
	v0 =	vadd.f32 v27, v0  }
0x7c: {  	v33 =	vld [tilespmem:s13+$0x1000]  }
0x7d: {  	v34 =	vld [tilespmem:s11+$0x3000];
	v2 =	vadd.f32 v28, v2;
	v0 =	vadd.f32 v29, v0  }
0x7e: {  	v35 =	vld [tilespmem:s13+$0x1200]  }
0x7f: {  	v36 =	vld [tilespmem:s11+$0x3200];
	v2 =	vadd.f32 v30, v2;
	v0 =	vadd.f32 v31, v0  }
0x80: {  	v37 =	vld [tilespmem:s13+$0x1400]  }
0x81: {  	v38 =	vld [tilespmem:s11+$0x3400];
	v2 =	vadd.f32 v32, v2;
	v0 =	vadd.f32 v33, v0  }
0x82: {  	v39 =	vld [tilespmem:s13+$0x1600]  }
0x83: {  	v40 =	vld [tilespmem:s11+$0x3600];
	v2 =	vadd.f32 v34, v2;
	v0 =	vadd.f32 v35, v0  }
0x84: {  	v41 =	vld [tilespmem:s13+$0x1800]  }
0x85: {  	v42 =	vld [tilespmem:s11+$0x3800];
	v2 =	vadd.f32 v36, v2;
	v0 =	vadd.f32 v37, v0  }
0x86: {  	v43 =	vld [tilespmem:s13+$0x1A00]  }
0x87: {  	v44 =	vld [tilespmem:s11+$0x3A00];
	v2 =	vadd.f32 v38, v2;
	v0 =	vadd.f32 v39, v0  }
0x88: {  	v45 =	vld [tilespmem:s13+$0x1C00]  }
0x89: {  	v46 =	vld [tilespmem:s11+$0x3C00];
	v2 =	vadd.f32 v40, v2;
	v0 =	vadd.f32 v41, v0  }
0x8a: {  	v47 =	vld [tilespmem:s13+$0x1E00]  }
0x8b: {  	v48 =	vld [tilespmem:s11+$0x3E00];
	v2 =	vadd.f32 v42, v2;
	v0 =	vadd.f32 v43, v0  }
0x8c: {  	v49 =	vld [tilespmem:s13+$0x2000]  }
0x8d: {  	v2 =	vadd.f32 v44, v2;
	v0 =	vadd.f32 v45, v0  }
0x8e: {  	v50 =	vld [tilespmem:s13+$0x2200]  }
0x8f: {  	v2 =	vadd.f32 v46, v2;
	v0 =	vadd.f32 v47, v0  }
0x90: {  	v51 =	vld [tilespmem:s13+$0x2400]  }
0x91: {  	v2 =	vadd.f32 v48, v2;
	v0 =	vadd.f32 v49, v0  }
0x92: {  	v52 =	vld [tilespmem:s13+$0x2600]  }
0x93: {  	[tilespmem:s11+$0x4000] =	vst v2;
	v0 =	vadd.f32 v50, v0  }
0x94: {  	v2 =	vld [tilespmem:s13+$0x2800]  }
0x95: {  	v0 =	vadd.f32 v51, v0  }
0x96: {  	v53 =	vld [tilespmem:s13+$0x2A00]  }
0x97: {  	v0 =	vadd.f32 v52, v0  }
0x98: {  	v54 =	vld [tilespmem:s13+$0x2C00]  }
0x99: {  	v0 =	vadd.f32 v2, v0  }
0x9a: {  	v55 =	vld [tilespmem:s13+$0x2E00]  }
0x9b: {  	v0 =	vadd.f32 v53, v0  }
0x9c: {  	v56 =	vld [tilespmem:s13+$0x3000]  }
0x9d: {  	v0 =	vadd.f32 v54, v0  }
0x9e: {  	v57 =	vld [tilespmem:s13+$0x3200]  }
0x9f: {  	v0 =	vadd.f32 v55, v0  }
0xa0: {  	v58 =	vld [tilespmem:s13+$0x3400]  }
0xa1: {  	v0 =	vadd.f32 v56, v0  }
0xa2: {  	v59 =	vld [tilespmem:s13+$0x3600]  }
0xa3: {  	v0 =	vadd.f32 v57, v0  }
0xa4: {  	v60 =	vld [tilespmem:s13+$0x3800]  }
0xa5: {  	v0 =	vadd.f32 v58, v0  }
0xa6: {  	v61 =	vld [tilespmem:s13+$0x3A00]  }
0xa7: {  	v0 =	vadd.f32 v59, v0  }
0xa8: {  	v62 =	vld [tilespmem:s13+$0x3C00]  }
0xa9: {  	v0 =	vadd.f32 v60, v0  }
0xaa: {  	v63 =	vld [tilespmem:s13+$0x3E00]  }
0xab: {  	v0 =	vadd.f32 v61, v0;
	_ =	sdelay $0x1  }
0xac: {  	v0 =	vadd.f32 v62, v0;
	_ =	sdelay $0x1  }
0xad: {  	s10 =	sadd.s32 $0x1, s10;
	v0 =	vadd.f32 v63, v0  }
0xae: {  	p0 =	sne.s32 s10, s5  }
.Ltmp1:
0xaf: {  	[tilespmem:s13+$0x4000] =	vst v0;
	(pc) =	sbr.rel @p0 .LBB2_1-.Ltmp1, $4  }
0xb0: {  	[hbm4b:s4+s2] =	stream.linear.scatter [tilespmem:s7], [sflag:$0x2], $0x200, $0x38;
	[tilespmem:$0x4200] =	vst v63  }
0xb1: {  	_ =	swait.ge [sflag:s9], $0x200  }
0xb2: {  	[sflag:s9] =	ssyncset.done $0x0  }
0xb3: {  	[sflag:s9] =	ssyncadd.s32 $0xFFFFFE00  }
0xb4: {  	_ =	sfence.sel $0x180000  }
0xb5: {  	[bflag:$0x0] =	sbarrier.arrive $0xFFFF  }
0xb6: {  	p0 =	sne.s32 s1, $0x0;
	_ =	strace $0x9000004A  }
0xb7: {  	s0 =	sadd.s32 @!p0 $0x100000, s0;
	[bflag:$0x2] =	sbarrier.arrive $0xFFFF  }
0xb8: {  	[sflag:s0] =	ssyncadd.tile.s32 @!p0 $0x1;
	_ =	shalt  }
.Lfunc_end2:
_tile_overlayer_lowered:
.L_overlay_start_2:
0xb9: {  	(tag) =	ssettag $0x2  }
0xba: {  	s0 =	rddreg [dreg:$0x0];
	s2 =	stileid.u32  }
0xbb: {  	s1 =	rddreg [dreg:$0x1];
	p0 =	sne.s32 s2, $0x0  }
0xbc: {  	s3 =	rddreg [dreg:$0x2];
	[bflag:$0x3] =	sbarrier.arrive $0xFFFF;
	s2 =	simm.s32 @!p0 $0x1C02  }
0xbd: {  	[timem:s3], [sflag:s2] =	dma.local @!p0 [hbm:s0], s1  }
0xbe: {  	s0 =	simm.s32 @!p0 $0x2  }
0xbf: {  	_ =	swait.ge @!p0 [sflag:s0], s1  }
0xc0: {  	s1 =	ssub.s32 @!p0 $0x0, s1;
	[sflag:s0] =	ssyncset.done @!p0 $0x0  }
0xc1: {  	[sflag:s0] =	ssyncadd.s32 @!p0 s1  }
0xc2: {  	[bflag:$0x3] =	sbarrier.arrive $0xFFFF  }
0xc3: {  	_ =	shalt  }

</sc_bundles>
